<compile_context>
chip_gen: v7x
topology: tpu7x:2x2x1
jax: 0.10.2.dev20260603
libtpu: 0.0.44.dev20260713+nightly
codegen_flags: <defaults>
</compile_context>

<pallas_src>
import functools

import jax
import jax.numpy as jnp
from jax import lax
from jax.experimental import pallas as pl
from jax.experimental.pallas import tpu as pltpu
from jax.experimental.pallas import tpu_sc as plsc

BATCH = 16384
DIM = 64
VOCAB = 1000000

_info = plsc.get_sparse_core_info()
_NC, _NS, _NL = _info.num_cores, _info.num_subcores, _info.num_lanes
_NW = _NC * _NS
_RANGE = 245 * 128
_FULL = (VOCAB // 128) * 128
_WIN = 512
_RING = 16

_mesh = plsc.VectorSubcoreMesh(core_axis_name="c", subcore_axis_name="s")


@functools.partial(
    pl.kernel,
    mesh=_mesh,
    out_type=jax.ShapeDtypeStruct((BATCH // 8, 8, DIM), jnp.float32),
    scratch_types=[
        pltpu.VMEM((4096,), jnp.int32),
        pltpu.VMEM((BATCH + _NL,), jnp.int32),
        pltpu.VMEM((BATCH + _NL,), jnp.int32),
        pltpu.VMEM((BATCH + _NL,), jnp.int32),
        pltpu.VMEM((2, DIM, _WIN), jnp.float32),
        pltpu.VMEM((DIM, DIM), jnp.float32),
        pltpu.VMEM((_RING, DIM), jnp.float32),
        pltpu.VMEM((_NL,), jnp.int32),
        pltpu.VMEM((_NL,), jnp.int32),
        pltpu.SemaphoreType.DMA,
        pltpu.SemaphoreType.DMA,
        pltpu.SemaphoreType.DMA,
    ],
    compiler_params=pltpu.CompilerParams(needs_layout_passes=False),
)
def _gather_kernel(idx_hbm, tab_hbm, tail_hbm, out_hbm, gidx_v, oidx_v,
                   opos_v, owin_v, win_v, tail_v, rows_v, tmpi_v, tmpp_v,
                   wsem0, wsem1, rsem):
    wid = lax.axis_index("s") * _NC + lax.axis_index("c")
    lo = wid * _RANGE
    hi_fb = jnp.minimum(lo + _RANGE, _FULL)
    nwin = (hi_fb - lo + _WIN - 1) // _WIN
    lane = lax.iota(jnp.int32, _NL)
    wsems = (wsem0, wsem1)

    pltpu.sync_copy(tail_hbm, tail_v)

    def chunk_body(c, off):
        pltpu.sync_copy(idx_hbm.at[pl.ds(c * 4096, 4096)], gidx_v)

        def scan_body(k, off):
            vec = gidx_v[pl.ds(k * _NL, _NL)]
            m = (vec // _RANGE) == wid
            plsc.store_compressed(oidx_v.at[pl.ds(off, _NL)], vec, mask=m)
            plsc.store_compressed(
                opos_v.at[pl.ds(off, _NL)],
                lane + (c * 4096 // _NL + k) * _NL,
                mask=m,
            )
            return off + jnp.sum(jnp.where(m, 1, 0))

        return lax.fori_loop(0, 4096 // _NL, scan_body, off)

    count = lax.fori_loop(0, BATCH // 4096, chunk_body, 0)
    nvreg = (count + _NL - 1) // _NL

    def wtag_body(k, carry):
        vec = oidx_v[pl.ds(k * _NL, _NL)]
        wv = jnp.minimum((vec - lo) // _WIN, nwin - 1)
        wv = jnp.where(vec >= _FULL, nwin, wv)
        valid = (lane + k * _NL) < count
        owin_v[pl.ds(k * _NL, _NL)] = jnp.where(valid, wv, -1)
        return carry

    lax.fori_loop(0, nvreg, wtag_body, 0)

    def fire_win(w, slot):
        off = pl.multiple_of(jnp.minimum(lo + w * _WIN, hi_fb - _WIN), 128)
        pltpu.async_copy(
            tab_hbm.at[pl.ds(0, DIM), pl.ds(off, _WIN)],
            win_v.at[slot],
            wsems[slot],
        )

    def extract(kctr, pos_e, col_vec, src_ref):
        @pl.when(kctr >= _RING)
        def _():
            pltpu.make_async_copy(
                tail_hbm.at[0], rows_v.at[0], rsem
            ).wait()

        slot_r = kctr & (_RING - 1)
        for g in range(DIM // _NL):
            v = plsc.load_gather(src_ref, [lane + g * _NL, col_vec])
            rows_v[slot_r, pl.ds(g * _NL, _NL)] = v
        pltpu.async_copy(
            rows_v.at[slot_r],
            out_hbm.at[pos_e >> 3, pos_e & 7],
            rsem,
        )
        return kctr + 1

    def process_win(w, slot, kctr):
        off = jnp.minimum(lo + w * _WIN, hi_fb - _WIN)

        def vreg_body(k, kctr):
            ovec = oidx_v[pl.ds(k * _NL, _NL)]
            wv = owin_v[pl.ds(k * _NL, _NL)]
            m = wv == w
            cnt = jnp.sum(jnp.where(m, 1, 0))

            def entry_body(j, kctr):
                sel = lane == j
                idx_e = jnp.sum(jnp.where(sel, tmpi_v[...], 0))
                pos_e = jnp.sum(jnp.where(sel, tmpp_v[...], 0))
                col = jnp.broadcast_to(idx_e - off, (_NL,))
                return extract(kctr, pos_e, col, win_v.at[slot])

            @pl.when(cnt > 0)
            def _():
                plsc.store_compressed(tmpi_v.at[pl.ds(0, _NL)], ovec, mask=m)
                plsc.store_compressed(
                    tmpp_v.at[pl.ds(0, _NL)],
                    opos_v[pl.ds(k * _NL, _NL)],
                    mask=m,
                )

            return lax.fori_loop(0, cnt, entry_body, kctr)

        return lax.fori_loop(0, nvreg, vreg_body, kctr)

    fire_win(0, 0)

    def win_pair_body(g, kctr):
        for s in range(2):
            w = g * 2 + s

            def do(kctr=kctr, w=w, s=s):
                pltpu.make_async_copy(
                    tab_hbm.at[pl.ds(0, DIM), pl.ds(0, _WIN)],
                    win_v.at[s],
                    wsems[s],
                ).wait()

                @pl.when(w + 1 < nwin)
                def _():
                    fire_win(w + 1, 1 - s)

                return process_win(w, s, kctr)

            kctr = lax.cond(w < nwin, do, lambda kctr=kctr: kctr)
        return kctr

    kctr = lax.fori_loop(0, (nwin + 1) // 2, win_pair_body, 0)

    def tail_vreg_body(k, kctr):
        ovec = oidx_v[pl.ds(k * _NL, _NL)]
        wv = owin_v[pl.ds(k * _NL, _NL)]
        m = wv == nwin
        cnt = jnp.sum(jnp.where(m, 1, 0))

        def entry_body(j, kctr):
            sel = lane == j
            idx_e = jnp.sum(jnp.where(sel, tmpi_v[...], 0))
            pos_e = jnp.sum(jnp.where(sel, tmpp_v[...], 0))

            @pl.when(kctr >= _RING)
            def _():
                pltpu.make_async_copy(
                    tail_hbm.at[0], rows_v.at[0], rsem
                ).wait()

            slot_r = kctr & (_RING - 1)
            rv = jnp.broadcast_to(idx_e - _FULL, (_NL,))
            for g in range(DIM // _NL):
                rows_v[slot_r, pl.ds(g * _NL, _NL)] = plsc.load_gather(
                    tail_v, [rv, lane + g * _NL]
                )
            pltpu.async_copy(
                rows_v.at[slot_r],
                out_hbm.at[pos_e >> 3, pos_e & 7],
                rsem,
            )
            return kctr + 1

        @pl.when(cnt > 0)
        def _():
            plsc.store_compressed(tmpi_v.at[pl.ds(0, _NL)], ovec, mask=m)
            plsc.store_compressed(
                tmpp_v.at[pl.ds(0, _NL)], opos_v[pl.ds(k * _NL, _NL)], mask=m
            )

        return lax.fori_loop(0, cnt, entry_body, kctr)

    kctr = lax.fori_loop(0, nvreg, tail_vreg_body, kctr)

    def drain_body(d, carry):
        pltpu.make_async_copy(tail_hbm.at[0], rows_v.at[0], rsem).wait()
        return carry

    lax.fori_loop(0, jnp.minimum(kctr, _RING), drain_body, 0)


def kernel(sample_ids, codebook):
    idx = sample_ids.astype(jnp.int32)
    tail = codebook[_FULL:]
    out3 = _gather_kernel(idx, codebook.T, tail)
    return out3.reshape(BATCH, DIM)

# --- scband reference (transcript-rebuilt; emitter-appended) ---
"""Pipeline reference for scband-codebook-img-encoder-11416023072842 (READ-ONLY COPY).

The authoritative reference and input builder live on the scoring server;
editing this copy changes nothing except your own understanding.
"""

import jax, jax.numpy as jnp
import numpy as np

NUM_IMAGES = 1000000
OUTPUT_SIZE = 64
BATCH = 16384


def setup_inputs(seed: int = 0) -> dict:
    key = jax.random.key(seed)
    k_idx, k_tab = jax.random.split(key)
    sample_ids = jax.random.randint(k_idx, (BATCH,), 0, NUM_IMAGES, dtype=jnp.int64 if jax.config.jax_enable_x64 else jnp.int32)
    codebook = jax.random.normal(k_tab, (NUM_IMAGES, OUTPUT_SIZE), dtype=jnp.float32)
    return {"sample_ids": sample_ids, "codebook": codebook}


def reference(sample_ids, codebook):
    # nn.Embedding lookup with max_norm=None -> plain gather on rows
    return jnp.take(codebook, sample_ids, axis=0)

if __name__ == "__main__":
    import jax
    _d = setup_inputs()
    print(jax.jit(kernel)(*tuple(_d.values())))

</pallas_src>

<mosaic_0001>
#map = affine_map<(d0, d1) -> (0)>
#map1 = affine_map<(d0, d1) -> (0, 0)>
#map2 = affine_map<(d0, d1) -> (0, 0, 0)>
module attributes {stable_mosaic.version = 14 : i64} {
  func.func @_gather_kernel(%arg0: i32, %arg1: i32, %arg2: memref<16384xi32, #tpu.memory_space<hbm>>, %arg3: memref<64x1000000xf32, #tpu.memory_space<hbm>>, %arg4: memref<64x64xf32, #tpu.memory_space<hbm>>, %arg5: memref<2048x8x64xf32, #tpu.memory_space<hbm>>, %arg6: memref<4096xi32, #tpu.memory_space<vmem>>, %arg7: memref<16400xi32, #tpu.memory_space<vmem>>, %arg8: memref<16400xi32, #tpu.memory_space<vmem>>, %arg9: memref<16400xi32, #tpu.memory_space<vmem>>, %arg10: memref<2x64x512xf32, #tpu.memory_space<vmem>>, %arg11: memref<64x64xf32, #tpu.memory_space<vmem>>, %arg12: memref<16x64xf32, #tpu.memory_space<vmem>>, %arg13: memref<16xi32, #tpu.memory_space<vmem>>, %arg14: memref<16xi32, #tpu.memory_space<vmem>>, %arg15: memref<!tpu.dma_semaphore, #tpu.memory_space<semaphore_mem>>, %arg16: memref<!tpu.dma_semaphore, #tpu.memory_space<semaphore_mem>>, %arg17: memref<!tpu.dma_semaphore, #tpu.memory_space<semaphore_mem>>) attributes {dimension_semantics = [#tpu.dimension_semantics<core_parallel>, #tpu.dimension_semantics<subcore_parallel>], iteration_bounds = array<i64: 2, 16>, scalar_prefetch = 0 : i64, scratch_operands = 12 : i64, tpu.core_type = #tpu.core_type<sc_vector_subcore>, window_params = [{transform_indices = #map}, {transform_indices = #map1}, {transform_indices = #map1}, {transform_indices = #map2}]} {
    %mul3A = arith.constant 2 : i32
    %mul3A_0 = arith.muli %arg1, %mul3A : i32
    %add3A = arith.addi %mul3A_0, %arg0 : i32
    %mul3A_1 = arith.constant 31360 : i32
    %mul3A_2 = arith.muli %add3A, %mul3A_1 : i32
    %add3A_3 = arith.constant 31360 : i32
    %add3A_4 = arith.addi %mul3A_2, %add3A_3 : i32
    %min3A = arith.constant 999936 : i32
    %min3A_5 = arith.minsi %add3A_4, %min3A : i32
    %sub3A = arith.subi %min3A_5, %mul3A_2 : i32
    %add3A_6 = arith.constant 512 : i32
    %add3A_7 = arith.addi %sub3A, %add3A_6 : i32
    %sub3A_8 = arith.constant 1 : i32
    %sub3A_9 = arith.subi %add3A_7, %sub3A_8 : i32
    %jit3A = arith.constant 512 : i32
    %div3A = arith.divsi %sub3A_9, %jit3A : i32
    %sign3A = arith.constant 0 : i32
    %sign3A_10 = arith.cmpi sgt, %sub3A_9, %sign3A : i32
    %sign3A_11 = arith.extui %sign3A_10 : i1 to i32
    %sign3A_12 = arith.constant 0 : i32
    %sign3A_13 = arith.cmpi slt, %sub3A_9, %sign3A_12 : i32
    %sign3A_14 = arith.extui %sign3A_13 : i1 to i32
    %sign3A_15 = arith.subi %sign3A_11, %sign3A_14 : i32
    %sign3A_16 = arith.constant 0 : i32
    %sign3A_17 = arith.cmpi sgt, %jit3A, %sign3A_16 : i32
    %sign3A_18 = arith.extui %sign3A_17 : i1 to i32
    %sign3A_19 = arith.constant 0 : i32
    %sign3A_20 = arith.cmpi slt, %jit3A, %sign3A_19 : i32
    %sign3A_21 = arith.extui %sign3A_20 : i1 to i32
    %sign3A_22 = arith.subi %sign3A_18, %sign3A_21 : i32
    %ne3A = arith.cmpi ne, %sign3A_15, %sign3A_22 : i32
    %rem3A = arith.remsi %sub3A_9, %jit3A : i32
    %ne3A_23 = arith.constant 0 : i32
    %ne3A_24 = arith.cmpi ne, %rem3A, %ne3A_23 : i32
    %and3A = arith.andi %ne3A, %ne3A_24 : i1
    %sub3A_25 = arith.constant 1 : i32
    %sub3A_26 = arith.subi %div3A, %sub3A_25 : i32
    %select_n3A = arith.select %and3A, %sub3A_26, %div3A : i32
    %iota3A = tpu.iota {dimensions = array<i32: 0>} : vector<16xi32>
    "tpu.region"() ({
      %run_scoped3A = tpu.sem_alloc : memref<!tpu.dma_semaphore, #tpu.memory_space<semaphore_mem>>
      tpu.enqueue_dma source(%arg4 : memref<64x64xf32, #tpu.memory_space<hbm>>) target(%arg11 : memref<64x64xf32, #tpu.memory_space<vmem>>) target_semaphore(%run_scoped3A : memref<!tpu.dma_semaphore, #tpu.memory_space<semaphore_mem>>)
      tpu.wait_dma2 semaphore(%run_scoped3A : memref<!tpu.dma_semaphore, #tpu.memory_space<semaphore_mem>>) src(%arg4 : memref<64x64xf32, #tpu.memory_space<hbm>>) dst(%arg11 : memref<64x64xf32, #tpu.memory_space<vmem>>)
      tpu.yield
    }) : () -> ()
    %scan3A = arith.constant 0 : i32
    %scan3A_27 = arith.constant 0 : i32
    %scan3A_28 = arith.constant 4 : i32
    %scan3A_29 = arith.addi %scan3A_27, %scan3A_28 : i32
    %scan3A_30 = arith.constant 1 : i32
    %scan3A_31 = scf.for %scan3A_148 = %scan3A_27 to %scan3A_29 step %scan3A_30 iter_args(%scan3A_149 = %scan3A) -> (i32)  : i32 {
      %mul3A_150 = arith.constant 4096 : i32
      %mul3A_151 = arith.muli %scan3A_148, %mul3A_150 : i32
      "tpu.region"() ({
        %run_scoped3A = tpu.sem_alloc : memref<!tpu.dma_semaphore, #tpu.memory_space<semaphore_mem>>
        %dma_start3A_158 = tpu.memref_slice %arg2[%mul3A_151] : memref<16384xi32, #tpu.memory_space<hbm>> -> memref<4096xi32, #tpu.memory_space<hbm>>
        %dma_start3A_159 = tpu.memref_slice %arg2[%mul3A_151] : memref<16384xi32, #tpu.memory_space<hbm>> -> memref<4096xi32, #tpu.memory_space<hbm>>
        tpu.enqueue_dma source(%dma_start3A_159 : memref<4096xi32, #tpu.memory_space<hbm>>) target(%arg6 : memref<4096xi32, #tpu.memory_space<vmem>>) target_semaphore(%run_scoped3A : memref<!tpu.dma_semaphore, #tpu.memory_space<semaphore_mem>>)
        %dma_wait3A = tpu.memref_slice %arg2[%mul3A_151] : memref<16384xi32, #tpu.memory_space<hbm>> -> memref<4096xi32, #tpu.memory_space<hbm>>
        %dma_wait3A_160 = tpu.memref_slice %arg2[%mul3A_151] : memref<16384xi32, #tpu.memory_space<hbm>> -> memref<4096xi32, #tpu.memory_space<hbm>>
        tpu.wait_dma2 semaphore(%run_scoped3A : memref<!tpu.dma_semaphore, #tpu.memory_space<semaphore_mem>>) src(%dma_wait3A_160 : memref<4096xi32, #tpu.memory_space<hbm>>) dst(%arg6 : memref<4096xi32, #tpu.memory_space<vmem>>)
        tpu.yield
      }) : () -> ()
      %scan3A_152 = arith.constant 0 : i32
      %scan3A_153 = arith.constant 256 : i32
      %scan3A_154 = arith.addi %scan3A_152, %scan3A_153 : i32
      %scan3A_155 = arith.constant 1 : i32
      %scan3A_156 = scf.for %scan3A_158 = %scan3A_152 to %scan3A_154 step %scan3A_155 iter_args(%scan3A_159 = %scan3A_149) -> (i32)  : i32 {
        %mul3A_160 = arith.constant 16 : i32
        %mul3A_161 = arith.muli %scan3A_158, %mul3A_160 : i32
        %get3A = arith.index_cast %mul3A_161 : i32 to index
        %get3A_162 = tpu.vector_load %arg6[%get3A] {strides = array<i32>} : memref<4096xi32, #tpu.memory_space<vmem>>, vector<16xi32>,
        %jit3A_163 = arith.constant 31360 : i32
        %div3A_164 = vector.broadcast %jit3A_163 : i32 to vector<16xi32>
        %div3A_165 = arith.divsi %get3A_162, %div3A_164 : vector<16xi32>
        %sign3A_166 = arith.constant 0 : i32
        %sign3A_167 = vector.broadcast %sign3A_166 : i32 to vector<16xi32>
        %sign3A_168 = arith.cmpi sgt, %get3A_162, %sign3A_167 : vector<16xi32>
        %sign3A_169 = arith.extui %sign3A_168 : vector<16xi1> to vector<16xi32>
        %sign3A_170 = arith.constant 0 : i32
        %sign3A_171 = vector.broadcast %sign3A_170 : i32 to vector<16xi32>
        %sign3A_172 = arith.cmpi slt, %get3A_162, %sign3A_171 : vector<16xi32>
        %sign3A_173 = arith.extui %sign3A_172 : vector<16xi1> to vector<16xi32>
        %sign3A_174 = arith.subi %sign3A_169, %sign3A_173 : vector<16xi32>
        %sign3A_175 = arith.constant 0 : i32
        %sign3A_176 = arith.cmpi sgt, %jit3A_163, %sign3A_175 : i32
        %sign3A_177 = arith.extui %sign3A_176 : i1 to i32
        %sign3A_178 = arith.constant 0 : i32
        %sign3A_179 = arith.cmpi slt, %jit3A_163, %sign3A_178 : i32
        %sign3A_180 = arith.extui %sign3A_179 : i1 to i32
        %sign3A_181 = arith.subi %sign3A_177, %sign3A_180 : i32
        %ne3A_182 = vector.broadcast %sign3A_181 : i32 to vector<16xi32>
        %ne3A_183 = arith.cmpi ne, %sign3A_174, %ne3A_182 : vector<16xi32>
        %rem3A_184 = vector.broadcast %jit3A_163 : i32 to vector<16xi32>
        %rem3A_185 = arith.remsi %get3A_162, %rem3A_184 : vector<16xi32>
        %ne3A_186 = arith.constant 0 : i32
        %ne3A_187 = vector.broadcast %ne3A_186 : i32 to vector<16xi32>
        %ne3A_188 = arith.cmpi ne, %rem3A_185, %ne3A_187 : vector<16xi32>
        %and3A_189 = arith.andi %ne3A_183, %ne3A_188 : vector<16xi1>
        %sub3A_190 = arith.constant 1 : i32
        %sub3A_191 = vector.broadcast %sub3A_190 : i32 to vector<16xi32>
        %sub3A_192 = arith.subi %div3A_165, %sub3A_191 : vector<16xi32>
        %select_n3A_193 = arith.select %and3A_189, %sub3A_192, %div3A_165 : vector<16xi1>, vector<16xi32>
        %eq3A = vector.broadcast %add3A : i32 to vector<16xi32>
        %eq3A_194 = arith.cmpi eq, %select_n3A_193, %eq3A : vector<16xi32>
        %swap3A = arith.index_cast %scan3A_159 : i32 to index
        %swap3A_195 = tpu.vector_load %arg7[%swap3A] masked %eq3A_194 {strides = array<i32>} : memref<16400xi32, #tpu.memory_space<vmem>>, vector<16xi32>, vector<16xi1>
        tpu.vector_store %arg7[%swap3A], %get3A_162 masked %eq3A_194 {strides = array<i32>} : memref<16400xi32, #tpu.memory_space<vmem>>, vector<16xi32>, vector<16xi1>
        %mul3A_196 = arith.constant 4096 : i32
        %mul3A_197 = arith.muli %scan3A_148, %mul3A_196 : i32
        %jit3A_198 = arith.constant 16 : i32
        %div3A_199 = arith.divsi %mul3A_197, %jit3A_198 : i32
        %sign3A_200 = arith.constant 0 : i32
        %sign3A_201 = arith.cmpi sgt, %mul3A_197, %sign3A_200 : i32
        %sign3A_202 = arith.extui %sign3A_201 : i1 to i32
        %sign3A_203 = arith.constant 0 : i32
        %sign3A_204 = arith.cmpi slt, %mul3A_197, %sign3A_203 : i32
        %sign3A_205 = arith.extui %sign3A_204 : i1 to i32
        %sign3A_206 = arith.subi %sign3A_202, %sign3A_205 : i32
        %sign3A_207 = arith.constant 0 : i32
        %sign3A_208 = arith.cmpi sgt, %jit3A_198, %sign3A_207 : i32
        %sign3A_209 = arith.extui %sign3A_208 : i1 to i32
        %sign3A_210 = arith.constant 0 : i32
        %sign3A_211 = arith.cmpi slt, %jit3A_198, %sign3A_210 : i32
        %sign3A_212 = arith.extui %sign3A_211 : i1 to i32
        %sign3A_213 = arith.subi %sign3A_209, %sign3A_212 : i32
        %ne3A_214 = arith.cmpi ne, %sign3A_206, %sign3A_213 : i32
        %rem3A_215 = arith.remsi %mul3A_197, %jit3A_198 : i32
        %ne3A_216 = arith.constant 0 : i32
        %ne3A_217 = arith.cmpi ne, %rem3A_215, %ne3A_216 : i32
        %and3A_218 = arith.andi %ne3A_214, %ne3A_217 : i1
        %sub3A_219 = arith.constant 1 : i32
        %sub3A_220 = arith.subi %div3A_199, %sub3A_219 : i32
        %select_n3A_221 = arith.select %and3A_218, %sub3A_220, %div3A_199 : i32
        %add3A_222 = arith.addi %select_n3A_221, %scan3A_158 : i32
        %mul3A_223 = arith.constant 16 : i32
        %mul3A_224 = arith.muli %add3A_222, %mul3A_223 : i32
        %add3A_225 = vector.broadcast %mul3A_224 : i32 to vector<16xi32>
        %add3A_226 = arith.addi %iota3A, %add3A_225 : vector<16xi32>
        %swap3A_227 = arith.index_cast %scan3A_159 : i32 to index
        %swap3A_228 = tpu.vector_load %arg8[%swap3A_227] masked %eq3A_194 {strides = array<i32>} : memref<16400xi32, #tpu.memory_space<vmem>>, vector<16xi32>, vector<16xi1>
        tpu.vector_store %arg8[%swap3A_227], %add3A_226 masked %eq3A_194 {strides = array<i32>} : memref<16400xi32, #tpu.memory_space<vmem>>, vector<16xi32>, vector<16xi1>
        %jit3A_229 = arith.constant 1 : i32
        %jit3A_230 = arith.constant 0 : i32
        %broadcast_in_dim3A = vector.broadcast %jit3A_229 : i32 to vector<16xi32>
        %broadcast_in_dim3A_231 = vector.broadcast %jit3A_230 : i32 to vector<16xi32>
        %select_n3A_232 = arith.select %eq3A_194, %broadcast_in_dim3A, %broadcast_in_dim3A_231 : vector<16xi1>, vector<16xi32>
        %reduce_sum3A = arith.constant true
        %reduce_sum3A_233 = vector.broadcast %reduce_sum3A : i1 to vector<16xi1>
        %reduce_sum3A_234 = tpu.scan <sum>, %select_n3A_232 masked %reduce_sum3A_233 : vector<16xi32>, vector<16xi1> -> vector<16xi32>
        %reduce_sum3A_235 = vector.extract %reduce_sum3A_234[15] : i32 from vector<16xi32>
        %add3A_236 = arith.addi %scan3A_159, %reduce_sum3A_235 : i32
        scf.yield %add3A_236 : i32
      }
      %scan3A_157 = arith.constant 256 : i32
      scf.yield %scan3A_156 : i32
    }
    %scan3A_32 = arith.constant 4 : i32
    %add3A_33 = arith.constant 16 : i32
    %add3A_34 = arith.addi %scan3A_31, %add3A_33 : i32
    %sub3A_35 = arith.constant 1 : i32
    %sub3A_36 = arith.subi %add3A_34, %sub3A_35 : i32
    %jit3A_37 = arith.constant 16 : i32
    %div3A_38 = arith.divsi %sub3A_36, %jit3A_37 : i32
    %sign3A_39 = arith.constant 0 : i32
    %sign3A_40 = arith.cmpi sgt, %sub3A_36, %sign3A_39 : i32
    %sign3A_41 = arith.extui %sign3A_40 : i1 to i32
    %sign3A_42 = arith.constant 0 : i32
    %sign3A_43 = arith.cmpi slt, %sub3A_36, %sign3A_42 : i32
    %sign3A_44 = arith.extui %sign3A_43 : i1 to i32
    %sign3A_45 = arith.subi %sign3A_41, %sign3A_44 : i32
    %sign3A_46 = arith.constant 0 : i32
    %sign3A_47 = arith.cmpi sgt, %jit3A_37, %sign3A_46 : i32
    %sign3A_48 = arith.extui %sign3A_47 : i1 to i32
    %sign3A_49 = arith.constant 0 : i32
    %sign3A_50 = arith.cmpi slt, %jit3A_37, %sign3A_49 : i32
    %sign3A_51 = arith.extui %sign3A_50 : i1 to i32
    %sign3A_52 = arith.subi %sign3A_48, %sign3A_51 : i32
    %ne3A_53 = arith.cmpi ne, %sign3A_45, %sign3A_52 : i32
    %rem3A_54 = arith.remsi %sub3A_36, %jit3A_37 : i32
    %ne3A_55 = arith.constant 0 : i32
    %ne3A_56 = arith.cmpi ne, %rem3A_54, %ne3A_55 : i32
    %and3A_57 = arith.andi %ne3A_53, %ne3A_56 : i1
    %sub3A_58 = arith.constant 1 : i32
    %sub3A_59 = arith.subi %div3A_38, %sub3A_58 : i32
    %select_n3A_60 = arith.select %and3A_57, %sub3A_59, %div3A_38 : i32
    %while3A = arith.constant 0 : i32
    %while3A_61 = arith.constant 0 : i32
    %while3A_62 = arith.subi %select_n3A_60, %while3A_61 : i32
    %while3A_63 = arith.addi %while3A_61, %while3A_62 : i32
    %while3A_64 = arith.constant 1 : i32
    %while3A_65 = arith.divsi %while3A_62, %while3A_64 : i32
    %while3A_66 = arith.muli %while3A_65, %while3A_64 : i32
    %while3A_67 = arith.addi %while3A_61, %while3A_66 : i32
    %while3A_68 = arith.constant 1 : i32
    scf.for %while3A_148 = %while3A_61 to %while3A_67 step %while3A_68  : i32 {
      %mul3A_149 = arith.constant 16 : i32
      %mul3A_150 = arith.muli %while3A_148, %mul3A_149 : i32
      %get3A = arith.index_cast %mul3A_150 : i32 to index
      %get3A_151 = tpu.vector_load %arg7[%get3A] {strides = array<i32>} : memref<16400xi32, #tpu.memory_space<vmem>>, vector<16xi32>,
      %sub3A_152 = vector.broadcast %mul3A_2 : i32 to vector<16xi32>
      %sub3A_153 = arith.subi %get3A_151, %sub3A_152 : vector<16xi32>
      %jit3A_154 = arith.constant 512 : i32
      %div3A_155 = vector.broadcast %jit3A_154 : i32 to vector<16xi32>
      %div3A_156 = arith.divsi %sub3A_153, %div3A_155 : vector<16xi32>
      %sign3A_157 = arith.constant 0 : i32
      %sign3A_158 = vector.broadcast %sign3A_157 : i32 to vector<16xi32>
      %sign3A_159 = arith.cmpi sgt, %sub3A_153, %sign3A_158 : vector<16xi32>
      %sign3A_160 = arith.extui %sign3A_159 : vector<16xi1> to vector<16xi32>
      %sign3A_161 = arith.constant 0 : i32
      %sign3A_162 = vector.broadcast %sign3A_161 : i32 to vector<16xi32>
      %sign3A_163 = arith.cmpi slt, %sub3A_153, %sign3A_162 : vector<16xi32>
      %sign3A_164 = arith.extui %sign3A_163 : vector<16xi1> to vector<16xi32>
      %sign3A_165 = arith.subi %sign3A_160, %sign3A_164 : vector<16xi32>
      %sign3A_166 = arith.constant 0 : i32
      %sign3A_167 = arith.cmpi sgt, %jit3A_154, %sign3A_166 : i32
      %sign3A_168 = arith.extui %sign3A_167 : i1 to i32
      %sign3A_169 = arith.constant 0 : i32
      %sign3A_170 = arith.cmpi slt, %jit3A_154, %sign3A_169 : i32
      %sign3A_171 = arith.extui %sign3A_170 : i1 to i32
      %sign3A_172 = arith.subi %sign3A_168, %sign3A_171 : i32
      %ne3A_173 = vector.broadcast %sign3A_172 : i32 to vector<16xi32>
      %ne3A_174 = arith.cmpi ne, %sign3A_165, %ne3A_173 : vector<16xi32>
      %rem3A_175 = vector.broadcast %jit3A_154 : i32 to vector<16xi32>
      %rem3A_176 = arith.remsi %sub3A_153, %rem3A_175 : vector<16xi32>
      %ne3A_177 = arith.constant 0 : i32
      %ne3A_178 = vector.broadcast %ne3A_177 : i32 to vector<16xi32>
      %ne3A_179 = arith.cmpi ne, %rem3A_176, %ne3A_178 : vector<16xi32>
      %and3A_180 = arith.andi %ne3A_174, %ne3A_179 : vector<16xi1>
      %sub3A_181 = arith.constant 1 : i32
      %sub3A_182 = vector.broadcast %sub3A_181 : i32 to vector<16xi32>
      %sub3A_183 = arith.subi %div3A_156, %sub3A_182 : vector<16xi32>
      %select_n3A_184 = arith.select %and3A_180, %sub3A_183, %div3A_156 : vector<16xi1>, vector<16xi32>
      %sub3A_185 = arith.constant 1 : i32
      %sub3A_186 = arith.subi %select_n3A, %sub3A_185 : i32
      %min3A_187 = vector.broadcast %sub3A_186 : i32 to vector<16xi32>
      %min3A_188 = arith.minsi %select_n3A_184, %min3A_187 : vector<16xi32>
      %ge3A = arith.constant 999936 : i32
      %ge3A_189 = vector.broadcast %ge3A : i32 to vector<16xi32>
      %ge3A_190 = arith.cmpi sge, %get3A_151, %ge3A_189 : vector<16xi32>
      %broadcast_in_dim3A = vector.broadcast %select_n3A : i32 to vector<16xi32>
      %select_n3A_191 = arith.select %ge3A_190, %broadcast_in_dim3A, %min3A_188 : vector<16xi1>, vector<16xi32>
      %mul3A_192 = arith.constant 16 : i32
      %mul3A_193 = arith.muli %while3A_148, %mul3A_192 : i32
      %add3A_194 = vector.broadcast %mul3A_193 : i32 to vector<16xi32>
      %add3A_195 = arith.addi %iota3A, %add3A_194 : vector<16xi32>
      %lt3A = vector.broadcast %scan3A_31 : i32 to vector<16xi32>
      %lt3A_196 = arith.cmpi slt, %add3A_195, %lt3A : vector<16xi32>
      %jit3A_197 = arith.constant -1 : i32
      %broadcast_in_dim3A_198 = vector.broadcast %jit3A_197 : i32 to vector<16xi32>
      %select_n3A_199 = arith.select %lt3A_196, %select_n3A_191, %broadcast_in_dim3A_198 : vector<16xi1>, vector<16xi32>
      %mul3A_200 = arith.constant 16 : i32
      %mul3A_201 = arith.muli %while3A_148, %mul3A_200 : i32
      %swap3A = arith.index_cast %mul3A_201 : i32 to index
      %swap3A_202 = tpu.vector_load %arg9[%swap3A] {strides = array<i32>} : memref<16400xi32, #tpu.memory_space<vmem>>, vector<16xi32>,
      tpu.vector_store %arg9[%swap3A], %select_n3A_199 {strides = array<i32>} : memref<16400xi32, #tpu.memory_space<vmem>>, vector<16xi32>,
    }
    %while3A_69 = arith.constant 1 : i32
    scf.for %while3A_148 = %while3A_67 to %while3A_63 step %while3A_69  : i32 {
      %mul3A_149 = arith.constant 16 : i32
      %mul3A_150 = arith.muli %while3A_148, %mul3A_149 : i32
      %get3A = arith.index_cast %mul3A_150 : i32 to index
      %get3A_151 = tpu.vector_load %arg7[%get3A] {strides = array<i32>} : memref<16400xi32, #tpu.memory_space<vmem>>, vector<16xi32>,
      %sub3A_152 = vector.broadcast %mul3A_2 : i32 to vector<16xi32>
      %sub3A_153 = arith.subi %get3A_151, %sub3A_152 : vector<16xi32>
      %jit3A_154 = arith.constant 512 : i32
      %div3A_155 = vector.broadcast %jit3A_154 : i32 to vector<16xi32>
      %div3A_156 = arith.divsi %sub3A_153, %div3A_155 : vector<16xi32>
      %sign3A_157 = arith.constant 0 : i32
      %sign3A_158 = vector.broadcast %sign3A_157 : i32 to vector<16xi32>
      %sign3A_159 = arith.cmpi sgt, %sub3A_153, %sign3A_158 : vector<16xi32>
      %sign3A_160 = arith.extui %sign3A_159 : vector<16xi1> to vector<16xi32>
      %sign3A_161 = arith.constant 0 : i32
      %sign3A_162 = vector.broadcast %sign3A_161 : i32 to vector<16xi32>
      %sign3A_163 = arith.cmpi slt, %sub3A_153, %sign3A_162 : vector<16xi32>
      %sign3A_164 = arith.extui %sign3A_163 : vector<16xi1> to vector<16xi32>
      %sign3A_165 = arith.subi %sign3A_160, %sign3A_164 : vector<16xi32>
      %sign3A_166 = arith.constant 0 : i32
      %sign3A_167 = arith.cmpi sgt, %jit3A_154, %sign3A_166 : i32
      %sign3A_168 = arith.extui %sign3A_167 : i1 to i32
      %sign3A_169 = arith.constant 0 : i32
      %sign3A_170 = arith.cmpi slt, %jit3A_154, %sign3A_169 : i32
      %sign3A_171 = arith.extui %sign3A_170 : i1 to i32
      %sign3A_172 = arith.subi %sign3A_168, %sign3A_171 : i32
      %ne3A_173 = vector.broadcast %sign3A_172 : i32 to vector<16xi32>
      %ne3A_174 = arith.cmpi ne, %sign3A_165, %ne3A_173 : vector<16xi32>
      %rem3A_175 = vector.broadcast %jit3A_154 : i32 to vector<16xi32>
      %rem3A_176 = arith.remsi %sub3A_153, %rem3A_175 : vector<16xi32>
      %ne3A_177 = arith.constant 0 : i32
      %ne3A_178 = vector.broadcast %ne3A_177 : i32 to vector<16xi32>
      %ne3A_179 = arith.cmpi ne, %rem3A_176, %ne3A_178 : vector<16xi32>
      %and3A_180 = arith.andi %ne3A_174, %ne3A_179 : vector<16xi1>
      %sub3A_181 = arith.constant 1 : i32
      %sub3A_182 = vector.broadcast %sub3A_181 : i32 to vector<16xi32>
      %sub3A_183 = arith.subi %div3A_156, %sub3A_182 : vector<16xi32>
      %select_n3A_184 = arith.select %and3A_180, %sub3A_183, %div3A_156 : vector<16xi1>, vector<16xi32>
      %sub3A_185 = arith.constant 1 : i32
      %sub3A_186 = arith.subi %select_n3A, %sub3A_185 : i32
      %min3A_187 = vector.broadcast %sub3A_186 : i32 to vector<16xi32>
      %min3A_188 = arith.minsi %select_n3A_184, %min3A_187 : vector<16xi32>
      %ge3A = arith.constant 999936 : i32
      %ge3A_189 = vector.broadcast %ge3A : i32 to vector<16xi32>
      %ge3A_190 = arith.cmpi sge, %get3A_151, %ge3A_189 : vector<16xi32>
      %broadcast_in_dim3A = vector.broadcast %select_n3A : i32 to vector<16xi32>
      %select_n3A_191 = arith.select %ge3A_190, %broadcast_in_dim3A, %min3A_188 : vector<16xi1>, vector<16xi32>
      %mul3A_192 = arith.constant 16 : i32
      %mul3A_193 = arith.muli %while3A_148, %mul3A_192 : i32
      %add3A_194 = vector.broadcast %mul3A_193 : i32 to vector<16xi32>
      %add3A_195 = arith.addi %iota3A, %add3A_194 : vector<16xi32>
      %lt3A = vector.broadcast %scan3A_31 : i32 to vector<16xi32>
      %lt3A_196 = arith.cmpi slt, %add3A_195, %lt3A : vector<16xi32>
      %jit3A_197 = arith.constant -1 : i32
      %broadcast_in_dim3A_198 = vector.broadcast %jit3A_197 : i32 to vector<16xi32>
      %select_n3A_199 = arith.select %lt3A_196, %select_n3A_191, %broadcast_in_dim3A_198 : vector<16xi1>, vector<16xi32>
      %mul3A_200 = arith.constant 16 : i32
      %mul3A_201 = arith.muli %while3A_148, %mul3A_200 : i32
      %swap3A = arith.index_cast %mul3A_201 : i32 to index
      %swap3A_202 = tpu.vector_load %arg9[%swap3A] {strides = array<i32>} : memref<16400xi32, #tpu.memory_space<vmem>>, vector<16xi32>,
      tpu.vector_store %arg9[%swap3A], %select_n3A_199 {strides = array<i32>} : memref<16400xi32, #tpu.memory_space<vmem>>, vector<16xi32>,
    }
    %add3A_70 = arith.constant 0 : i32
    %add3A_71 = arith.addi %mul3A_2, %add3A_70 : i32
    %sub3A_72 = arith.constant 512 : i32
    %sub3A_73 = arith.subi %min3A_5, %sub3A_72 : i32
    %min3A_74 = arith.minsi %add3A_71, %sub3A_73 : i32
    %multiple_of3A = tpu.assume_multiple %min3A_74, 128 : i32
    %dma_start3A = arith.constant 0 : i32
    %dma_start3A_75 = arith.constant 0 : i32
    %dma_start3A_76 = arith.constant 0 : i32
    %dma_start3A_77 = tpu.memref_slice %arg10[%dma_start3A, %dma_start3A_75, %dma_start3A_76] : memref<2x64x512xf32, #tpu.memory_space<vmem>> -> memref<1x64x512xf32, #tpu.memory_space<vmem>>
    %dma_start3A_78 = tpu.memref_squeeze %dma_start3A_77 : memref<1x64x512xf32, #tpu.memory_space<vmem>> -> memref<64x512xf32, #tpu.memory_space<vmem>>
    %dma_start3A_79 = arith.constant 0 : i32
    %dma_start3A_80 = tpu.memref_slice %arg3[%dma_start3A_79, %multiple_of3A] : memref<64x1000000xf32, #tpu.memory_space<hbm>> -> memref<64x512xf32, #tpu.memory_space<hbm>>
    %dma_start3A_81 = arith.constant 0 : i32
    %dma_start3A_82 = arith.constant 0 : i32
    %dma_start3A_83 = tpu.memref_slice %arg10[%dma_start3A, %dma_start3A_81, %dma_start3A_82] : memref<2x64x512xf32, #tpu.memory_space<vmem>> -> memref<1x64x512xf32, #tpu.memory_space<vmem>>
    %dma_start3A_84 = tpu.memref_squeeze %dma_start3A_83 : memref<1x64x512xf32, #tpu.memory_space<vmem>> -> memref<64x512xf32, #tpu.memory_space<vmem>>
    %dma_start3A_85 = arith.constant 0 : i32
    %dma_start3A_86 = tpu.memref_slice %arg3[%dma_start3A_85, %multiple_of3A] : memref<64x1000000xf32, #tpu.memory_space<hbm>> -> memref<64x512xf32, #tpu.memory_space<hbm>>
    tpu.enqueue_dma source(%dma_start3A_86 : memref<64x512xf32, #tpu.memory_space<hbm>>) target(%dma_start3A_84 : memref<64x512xf32, #tpu.memory_space<vmem>>) target_semaphore(%arg15 : memref<!tpu.dma_semaphore, #tpu.memory_space<semaphore_mem>>)
    %add3A_87 = arith.constant 1 : i32
    %add3A_88 = arith.addi %select_n3A, %add3A_87 : i32
    %jit3A_89 = arith.constant 2 : i32
    %div3A_90 = arith.divsi %add3A_88, %jit3A_89 : i32
    %sign3A_91 = arith.constant 0 : i32
    %sign3A_92 = arith.cmpi sgt, %add3A_88, %sign3A_91 : i32
    %sign3A_93 = arith.extui %sign3A_92 : i1 to i32
    %sign3A_94 = arith.constant 0 : i32
    %sign3A_95 = arith.cmpi slt, %add3A_88, %sign3A_94 : i32
    %sign3A_96 = arith.extui %sign3A_95 : i1 to i32
    %sign3A_97 = arith.subi %sign3A_93, %sign3A_96 : i32
    %sign3A_98 = arith.constant 0 : i32
    %sign3A_99 = arith.cmpi sgt, %jit3A_89, %sign3A_98 : i32
    %sign3A_100 = arith.extui %sign3A_99 : i1 to i32
    %sign3A_101 = arith.constant 0 : i32
    %sign3A_102 = arith.cmpi slt, %jit3A_89, %sign3A_101 : i32
    %sign3A_103 = arith.extui %sign3A_102 : i1 to i32
    %sign3A_104 = arith.subi %sign3A_100, %sign3A_103 : i32
    %ne3A_105 = arith.cmpi ne, %sign3A_97, %sign3A_104 : i32
    %rem3A_106 = arith.remsi %add3A_88, %jit3A_89 : i32
    %ne3A_107 = arith.constant 0 : i32
    %ne3A_108 = arith.cmpi ne, %rem3A_106, %ne3A_107 : i32
    %and3A_109 = arith.andi %ne3A_105, %ne3A_108 : i1
    %sub3A_110 = arith.constant 1 : i32
    %sub3A_111 = arith.subi %div3A_90, %sub3A_110 : i32
    %select_n3A_112 = arith.select %and3A_109, %sub3A_111, %div3A_90 : i32
    %while3A_113 = arith.constant 0 : i32
    %while3A_114 = arith.constant 0 : i32
    %while3A_115 = arith.subi %select_n3A_112, %while3A_113 : i32
    %while3A_116 = arith.addi %while3A_113, %while3A_115 : i32
    %while3A_117 = arith.constant 1 : i32
    %while3A_118 = arith.divsi %while3A_115, %while3A_117 : i32
    %while3A_119 = arith.muli %while3A_118, %while3A_117 : i32
    %while3A_120 = arith.addi %while3A_113, %while3A_119 : i32
    %while3A_121 = arith.constant 1 : i32
    %while3A_122 = scf.for %while3A_148 = %while3A_113 to %while3A_120 step %while3A_121 iter_args(%while3A_149 = %while3A_114) -> (i32)  : i32 {
      %mul3A_150 = arith.constant 2 : i32
      %mul3A_151 = arith.muli %while3A_148, %mul3A_150 : i32
      %add3A_152 = arith.constant 0 : i32
      %add3A_153 = arith.addi %mul3A_151, %add3A_152 : i32
      %lt3A = arith.cmpi slt, %add3A_153, %select_n3A : i32
      %convert_element_type3A = arith.extui %lt3A : i1 to i32
      %cond3A = arith.constant 0 : i32
      %cond3A_154 = arith.cmpi ne, %convert_element_type3A, %cond3A : i32
      %cond3A_155 = scf.if %cond3A_154 -> (i32) {
        %dma_wait3A = arith.constant 0 : i32
        %dma_wait3A_165 = arith.constant 0 : i32
        %dma_wait3A_166 = arith.constant 0 : i32
        %dma_wait3A_167 = tpu.memref_slice %arg10[%dma_wait3A, %dma_wait3A_165, %dma_wait3A_166] : memref<2x64x512xf32, #tpu.memory_space<vmem>> -> memref<1x64x512xf32, #tpu.memory_space<vmem>>
        %dma_wait3A_168 = tpu.memref_squeeze %dma_wait3A_167 : memref<1x64x512xf32, #tpu.memory_space<vmem>> -> memref<64x512xf32, #tpu.memory_space<vmem>>
        %dma_wait3A_169 = arith.constant 0 : i32
        %dma_wait3A_170 = arith.constant 0 : i32
        %dma_wait3A_171 = tpu.memref_slice %arg3[%dma_wait3A_169, %dma_wait3A_170] : memref<64x1000000xf32, #tpu.memory_space<hbm>> -> memref<64x512xf32, #tpu.memory_space<hbm>>
        %dma_wait3A_172 = arith.constant 0 : i32
        %dma_wait3A_173 = arith.constant 0 : i32
        %dma_wait3A_174 = tpu.memref_slice %arg10[%dma_wait3A, %dma_wait3A_172, %dma_wait3A_173] : memref<2x64x512xf32, #tpu.memory_space<vmem>> -> memref<1x64x512xf32, #tpu.memory_space<vmem>>
        %dma_wait3A_175 = tpu.memref_squeeze %dma_wait3A_174 : memref<1x64x512xf32, #tpu.memory_space<vmem>> -> memref<64x512xf32, #tpu.memory_space<vmem>>
        %dma_wait3A_176 = arith.constant 0 : i32
        %dma_wait3A_177 = arith.constant 0 : i32
        %dma_wait3A_178 = tpu.memref_slice %arg3[%dma_wait3A_176, %dma_wait3A_177] : memref<64x1000000xf32, #tpu.memory_space<hbm>> -> memref<64x512xf32, #tpu.memory_space<hbm>>
        tpu.wait_dma2 semaphore(%arg15 : memref<!tpu.dma_semaphore, #tpu.memory_space<semaphore_mem>>) src(%dma_wait3A_178 : memref<64x512xf32, #tpu.memory_space<hbm>>) dst(%dma_wait3A_175 : memref<64x512xf32, #tpu.memory_space<vmem>>)
        %add3A_179 = arith.constant 1 : i32
        %add3A_180 = arith.addi %add3A_153, %add3A_179 : i32
        %lt3A_181 = arith.cmpi slt, %add3A_180, %select_n3A : i32
        %convert_element_type3A_182 = arith.extui %lt3A_181 : i1 to i32
        %cond3A_183 = arith.constant 0 : i32
        %cond3A_184 = arith.cmpi ne, %convert_element_type3A_182, %cond3A_183 : i32
        scf.if %cond3A_184 {
          %add3A_202 = arith.constant 1 : i32
          %add3A_203 = arith.addi %add3A_153, %add3A_202 : i32
          %mul3A_204 = arith.constant 512 : i32
          %mul3A_205 = arith.muli %add3A_203, %mul3A_204 : i32
          %add3A_206 = arith.addi %mul3A_2, %mul3A_205 : i32
          %sub3A_207 = arith.constant 512 : i32
          %sub3A_208 = arith.subi %min3A_5, %sub3A_207 : i32
          %min3A_209 = arith.minsi %add3A_206, %sub3A_208 : i32
          %multiple_of3A_210 = tpu.assume_multiple %min3A_209, 128 : i32
          %dma_start3A_211 = arith.constant 1 : i32
          %dma_start3A_212 = arith.constant 0 : i32
          %dma_start3A_213 = arith.constant 0 : i32
          %dma_start3A_214 = tpu.memref_slice %arg10[%dma_start3A_211, %dma_start3A_212, %dma_start3A_213] : memref<2x64x512xf32, #tpu.memory_space<vmem>> -> memref<1x64x512xf32, #tpu.memory_space<vmem>>
          %dma_start3A_215 = tpu.memref_squeeze %dma_start3A_214 : memref<1x64x512xf32, #tpu.memory_space<vmem>> -> memref<64x512xf32, #tpu.memory_space<vmem>>
          %dma_start3A_216 = arith.constant 0 : i32
          %dma_start3A_217 = tpu.memref_slice %arg3[%dma_start3A_216, %multiple_of3A_210] : memref<64x1000000xf32, #tpu.memory_space<hbm>> -> memref<64x512xf32, #tpu.memory_space<hbm>>
          %dma_start3A_218 = arith.constant 0 : i32
          %dma_start3A_219 = arith.constant 0 : i32
          %dma_start3A_220 = tpu.memref_slice %arg10[%dma_start3A_211, %dma_start3A_218, %dma_start3A_219] : memref<2x64x512xf32, #tpu.memory_space<vmem>> -> memref<1x64x512xf32, #tpu.memory_space<vmem>>
          %dma_start3A_221 = tpu.memref_squeeze %dma_start3A_220 : memref<1x64x512xf32, #tpu.memory_space<vmem>> -> memref<64x512xf32, #tpu.memory_space<vmem>>
          %dma_start3A_222 = arith.constant 0 : i32
          %dma_start3A_223 = tpu.memref_slice %arg3[%dma_start3A_222, %multiple_of3A_210] : memref<64x1000000xf32, #tpu.memory_space<hbm>> -> memref<64x512xf32, #tpu.memory_space<hbm>>
          tpu.enqueue_dma source(%dma_start3A_223 : memref<64x512xf32, #tpu.memory_space<hbm>>) target(%dma_start3A_221 : memref<64x512xf32, #tpu.memory_space<vmem>>) target_semaphore(%arg16 : memref<!tpu.dma_semaphore, #tpu.memory_space<semaphore_mem>>)
        } else {
        }
        %mul3A_185 = arith.constant 512 : i32
        %mul3A_186 = arith.muli %add3A_153, %mul3A_185 : i32
        %add3A_187 = arith.addi %mul3A_2, %mul3A_186 : i32
        %sub3A_188 = arith.constant 512 : i32
        %sub3A_189 = arith.subi %min3A_5, %sub3A_188 : i32
        %min3A_190 = arith.minsi %add3A_187, %sub3A_189 : i32
        %while3A_191 = arith.constant 0 : i32
        %while3A_192 = arith.subi %select_n3A_60, %while3A_191 : i32
        %while3A_193 = arith.addi %while3A_191, %while3A_192 : i32
        %while3A_194 = arith.constant 1 : i32
        %while3A_195 = arith.divsi %while3A_192, %while3A_194 : i32
        %while3A_196 = arith.muli %while3A_195, %while3A_194 : i32
        %while3A_197 = arith.addi %while3A_191, %while3A_196 : i32
        %while3A_198 = arith.constant 1 : i32
        %while3A_199 = scf.for %while3A_202 = %while3A_191 to %while3A_197 step %while3A_198 iter_args(%while3A_203 = %while3A_149) -> (i32)  : i32 {
          %mul3A_204 = arith.constant 16 : i32
          %mul3A_205 = arith.muli %while3A_202, %mul3A_204 : i32
          %get3A = arith.index_cast %mul3A_205 : i32 to index
          %get3A_206 = tpu.vector_load %arg7[%get3A] {strides = array<i32>} : memref<16400xi32, #tpu.memory_space<vmem>>, vector<16xi32>,
          %mul3A_207 = arith.constant 16 : i32
          %mul3A_208 = arith.muli %while3A_202, %mul3A_207 : i32
          %get3A_209 = arith.index_cast %mul3A_208 : i32 to index
          %get3A_210 = tpu.vector_load %arg9[%get3A_209] {strides = array<i32>} : memref<16400xi32, #tpu.memory_space<vmem>>, vector<16xi32>,
          %eq3A = vector.broadcast %add3A_153 : i32 to vector<16xi32>
          %eq3A_211 = arith.cmpi eq, %get3A_210, %eq3A : vector<16xi32>
          %jit3A_212 = arith.constant 1 : i32
          %jit3A_213 = arith.constant 0 : i32
          %broadcast_in_dim3A = vector.broadcast %jit3A_212 : i32 to vector<16xi32>
          %broadcast_in_dim3A_214 = vector.broadcast %jit3A_213 : i32 to vector<16xi32>
          %select_n3A_215 = arith.select %eq3A_211, %broadcast_in_dim3A, %broadcast_in_dim3A_214 : vector<16xi1>, vector<16xi32>
          %reduce_sum3A = arith.constant true
          %reduce_sum3A_216 = vector.broadcast %reduce_sum3A : i1 to vector<16xi1>
          %reduce_sum3A_217 = tpu.scan <sum>, %select_n3A_215 masked %reduce_sum3A_216 : vector<16xi32>, vector<16xi1> -> vector<16xi32>
          %reduce_sum3A_218 = vector.extract %reduce_sum3A_217[15] : i32 from vector<16xi32>
          %gt3A = arith.constant 0 : i32
          %gt3A_219 = arith.cmpi sgt, %reduce_sum3A_218, %gt3A : i32
          %convert_element_type3A_220 = arith.extui %gt3A_219 : i1 to i32
          %cond3A_221 = arith.constant 0 : i32
          %cond3A_222 = arith.cmpi ne, %convert_element_type3A_220, %cond3A_221 : i32
          scf.if %cond3A_222 {
            %swap3A = arith.constant 0 : index
            %swap3A_234 = tpu.vector_load %arg13[%swap3A] masked %eq3A_211 {strides = array<i32>} : memref<16xi32, #tpu.memory_space<vmem>>, vector<16xi32>, vector<16xi1>
            tpu.vector_store %arg13[%swap3A], %get3A_206 masked %eq3A_211 {strides = array<i32>} : memref<16xi32, #tpu.memory_space<vmem>>, vector<16xi32>, vector<16xi1>
            %mul3A_235 = arith.constant 16 : i32
            %mul3A_236 = arith.muli %while3A_202, %mul3A_235 : i32
            %get3A_237 = arith.index_cast %mul3A_236 : i32 to index
            %get3A_238 = tpu.vector_load %arg8[%get3A_237] {strides = array<i32>} : memref<16400xi32, #tpu.memory_space<vmem>>, vector<16xi32>,
            %swap3A_239 = arith.constant 0 : index
            %swap3A_240 = tpu.vector_load %arg14[%swap3A_239] masked %eq3A_211 {strides = array<i32>} : memref<16xi32, #tpu.memory_space<vmem>>, vector<16xi32>, vector<16xi1>
            tpu.vector_store %arg14[%swap3A_239], %get3A_238 masked %eq3A_211 {strides = array<i32>} : memref<16xi32, #tpu.memory_space<vmem>>, vector<16xi32>, vector<16xi1>
          } else {
          }
          %while3A_223 = arith.constant 0 : i32
          %while3A_224 = arith.subi %reduce_sum3A_218, %while3A_223 : i32
          %while3A_225 = arith.addi %while3A_223, %while3A_224 : i32
          %while3A_226 = arith.constant 1 : i32
          %while3A_227 = arith.divsi %while3A_224, %while3A_226 : i32
          %while3A_228 = arith.muli %while3A_227, %while3A_226 : i32
          %while3A_229 = arith.addi %while3A_223, %while3A_228 : i32
          %while3A_230 = arith.constant 1 : i32
          %while3A_231 = scf.for %while3A_234 = %while3A_223 to %while3A_229 step %while3A_230 iter_args(%while3A_235 = %while3A_203) -> (i32)  : i32 {
            %eq3A_236 = vector.broadcast %while3A_234 : i32 to vector<16xi32>
            %eq3A_237 = arith.cmpi eq, %iota3A, %eq3A_236 : vector<16xi32>
            %get3A_238 = arith.constant 0 : index
            %get3A_239 = tpu.vector_load %arg13[%get3A_238] {strides = array<i32>} : memref<16xi32, #tpu.memory_space<vmem>>, vector<16xi32>,
            %jit3A_240 = arith.constant 0 : i32
            %broadcast_in_dim3A_241 = vector.broadcast %jit3A_240 : i32 to vector<16xi32>
            %select_n3A_242 = arith.select %eq3A_237, %get3A_239, %broadcast_in_dim3A_241 : vector<16xi1>, vector<16xi32>
            %reduce_sum3A_243 = arith.constant true
            %reduce_sum3A_244 = vector.broadcast %reduce_sum3A_243 : i1 to vector<16xi1>
            %reduce_sum3A_245 = tpu.scan <sum>, %select_n3A_242 masked %reduce_sum3A_244 : vector<16xi32>, vector<16xi1> -> vector<16xi32>
            %reduce_sum3A_246 = vector.extract %reduce_sum3A_245[15] : i32 from vector<16xi32>
            %get3A_247 = arith.constant 0 : index
            %get3A_248 = tpu.vector_load %arg14[%get3A_247] {strides = array<i32>} : memref<16xi32, #tpu.memory_space<vmem>>, vector<16xi32>,
            %jit3A_249 = arith.constant 0 : i32
            %broadcast_in_dim3A_250 = vector.broadcast %jit3A_249 : i32 to vector<16xi32>
            %select_n3A_251 = arith.select %eq3A_237, %get3A_248, %broadcast_in_dim3A_250 : vector<16xi1>, vector<16xi32>
            %reduce_sum3A_252 = arith.constant true
            %reduce_sum3A_253 = vector.broadcast %reduce_sum3A_252 : i1 to vector<16xi1>
            %reduce_sum3A_254 = tpu.scan <sum>, %select_n3A_251 masked %reduce_sum3A_253 : vector<16xi32>, vector<16xi1> -> vector<16xi32>
            %reduce_sum3A_255 = vector.extract %reduce_sum3A_254[15] : i32 from vector<16xi32>
            %sub3A_256 = arith.subi %reduce_sum3A_246, %min3A_190 : i32
            %broadcast_in_dim3A_257 = vector.broadcast %sub3A_256 : i32 to vector<16xi32>
            %ge3A = arith.constant 16 : i32
            %ge3A_258 = arith.cmpi sge, %while3A_235, %ge3A : i32
            %convert_element_type3A_259 = arith.extui %ge3A_258 : i1 to i32
            %cond3A_260 = arith.constant 0 : i32
            %cond3A_261 = arith.cmpi ne, %convert_element_type3A_259, %cond3A_260 : i32
            scf.if %cond3A_261 {
              %dma_wait3A_327 = arith.constant 0 : i32
              %dma_wait3A_328 = arith.constant 0 : i32
              %dma_wait3A_329 = arith.constant 0 : i32
              %dma_wait3A_330 = tpu.memref_slice %arg12[%dma_wait3A_328, %dma_wait3A_329] : memref<16x64xf32, #tpu.memory_space<vmem>> -> memref<1x64xf32, #tpu.memory_space<vmem>>
              %dma_wait3A_331 = tpu.memref_squeeze %dma_wait3A_330 : memref<1x64xf32, #tpu.memory_space<vmem>> -> memref<64xf32, #tpu.memory_space<vmem>>
              %dma_wait3A_332 = arith.constant 0 : i32
              %dma_wait3A_333 = tpu.memref_slice %arg4[%dma_wait3A_327, %dma_wait3A_332] : memref<64x64xf32, #tpu.memory_space<hbm>> -> memref<1x64xf32, #tpu.memory_space<hbm>>
              %dma_wait3A_334 = tpu.memref_squeeze %dma_wait3A_333 : memref<1x64xf32, #tpu.memory_space<hbm>> -> memref<64xf32, #tpu.memory_space<hbm>>
              %dma_wait3A_335 = arith.constant 0 : i32
              %dma_wait3A_336 = tpu.memref_slice %arg12[%dma_wait3A_328, %dma_wait3A_335] : memref<16x64xf32, #tpu.memory_space<vmem>> -> memref<1x64xf32, #tpu.memory_space<vmem>>
              %dma_wait3A_337 = tpu.memref_squeeze %dma_wait3A_336 : memref<1x64xf32, #tpu.memory_space<vmem>> -> memref<64xf32, #tpu.memory_space<vmem>>
              %dma_wait3A_338 = arith.constant 0 : i32
              %dma_wait3A_339 = tpu.memref_slice %arg4[%dma_wait3A_327, %dma_wait3A_338] : memref<64x64xf32, #tpu.memory_space<hbm>> -> memref<1x64xf32, #tpu.memory_space<hbm>>
              %dma_wait3A_340 = tpu.memref_squeeze %dma_wait3A_339 : memref<1x64xf32, #tpu.memory_space<hbm>> -> memref<64xf32, #tpu.memory_space<hbm>>
              tpu.wait_dma2 semaphore(%arg17 : memref<!tpu.dma_semaphore, #tpu.memory_space<semaphore_mem>>) src(%dma_wait3A_340 : memref<64xf32, #tpu.memory_space<hbm>>) dst(%dma_wait3A_337 : memref<64xf32, #tpu.memory_space<vmem>>)
            } else {
            }
            %and3A_262 = arith.constant 15 : i32
            %and3A_263 = arith.andi %while3A_235, %and3A_262 : i32
            %add3A_264 = arith.constant 0 : i32
            %add3A_265 = vector.broadcast %add3A_264 : i32 to vector<16xi32>
            %add3A_266 = arith.addi %iota3A, %add3A_265 : vector<16xi32>
            %gather3A = arith.constant 0 : i32
            %gather3A_267 = arith.constant 0 : i32
            %gather3A_268 = arith.constant 0 : i32
            %gather3A_269 = tpu.memref_slice %arg10[%gather3A, %gather3A_267, %gather3A_268] : memref<2x64x512xf32, #tpu.memory_space<vmem>> -> memref<1x64x512xf32, #tpu.memory_space<vmem>>
            %gather3A_270 = tpu.memref_squeeze %gather3A_269 : memref<1x64x512xf32, #tpu.memory_space<vmem>> -> memref<64x512xf32, #tpu.memory_space<vmem>>
            %gather3A_271 = tpu.vector_load_idx %gather3A_270[%add3A_266, %broadcast_in_dim3A_257] : memref<64x512xf32, #tpu.memory_space<vmem>>[vector<16xi32>, vector<16xi32>], vector<16xf32>,
            %swap3A = arith.index_cast %and3A_263 : i32 to index
            %swap3A_272 = arith.constant 0 : index
            %swap3A_273 = tpu.vector_load %arg12[%swap3A, %swap3A_272] {strides = array<i32>} : memref<16x64xf32, #tpu.memory_space<vmem>>, vector<16xf32>,
            tpu.vector_store %arg12[%swap3A, %swap3A_272], %gather3A_271 {strides = array<i32>} : memref<16x64xf32, #tpu.memory_space<vmem>>, vector<16xf32>,
            %add3A_274 = arith.constant 16 : i32
            %add3A_275 = vector.broadcast %add3A_274 : i32 to vector<16xi32>
            %add3A_276 = arith.addi %iota3A, %add3A_275 : vector<16xi32>
            %gather3A_277 = arith.constant 0 : i32
            %gather3A_278 = arith.constant 0 : i32
            %gather3A_279 = arith.constant 0 : i32
            %gather3A_280 = tpu.memref_slice %arg10[%gather3A_277, %gather3A_278, %gather3A_279] : memref<2x64x512xf32, #tpu.memory_space<vmem>> -> memref<1x64x512xf32, #tpu.memory_space<vmem>>
            %gather3A_281 = tpu.memref_squeeze %gather3A_280 : memref<1x64x512xf32, #tpu.memory_space<vmem>> -> memref<64x512xf32, #tpu.memory_space<vmem>>
            %gather3A_282 = tpu.vector_load_idx %gather3A_281[%add3A_276, %broadcast_in_dim3A_257] : memref<64x512xf32, #tpu.memory_space<vmem>>[vector<16xi32>, vector<16xi32>], vector<16xf32>,
            %swap3A_283 = arith.index_cast %and3A_263 : i32 to index
            %swap3A_284 = arith.constant 16 : index
            %swap3A_285 = tpu.vector_load %arg12[%swap3A_283, %swap3A_284] {strides = array<i32>} : memref<16x64xf32, #tpu.memory_space<vmem>>, vector<16xf32>,
            tpu.vector_store %arg12[%swap3A_283, %swap3A_284], %gather3A_282 {strides = array<i32>} : memref<16x64xf32, #tpu.memory_space<vmem>>, vector<16xf32>,
            %add3A_286 = arith.constant 32 : i32
            %add3A_287 = vector.broadcast %add3A_286 : i32 to vector<16xi32>
            %add3A_288 = arith.addi %iota3A, %add3A_287 : vector<16xi32>
            %gather3A_289 = arith.constant 0 : i32
            %gather3A_290 = arith.constant 0 : i32
            %gather3A_291 = arith.constant 0 : i32
            %gather3A_292 = tpu.memref_slice %arg10[%gather3A_289, %gather3A_290, %gather3A_291] : memref<2x64x512xf32, #tpu.memory_space<vmem>> -> memref<1x64x512xf32, #tpu.memory_space<vmem>>
            %gather3A_293 = tpu.memref_squeeze %gather3A_292 : memref<1x64x512xf32, #tpu.memory_space<vmem>> -> memref<64x512xf32, #tpu.memory_space<vmem>>
            %gather3A_294 = tpu.vector_load_idx %gather3A_293[%add3A_288, %broadcast_in_dim3A_257] : memref<64x512xf32, #tpu.memory_space<vmem>>[vector<16xi32>, vector<16xi32>], vector<16xf32>,
            %swap3A_295 = arith.index_cast %and3A_263 : i32 to index
            %swap3A_296 = arith.constant 32 : index
            %swap3A_297 = tpu.vector_load %arg12[%swap3A_295, %swap3A_296] {strides = array<i32>} : memref<16x64xf32, #tpu.memory_space<vmem>>, vector<16xf32>,
            tpu.vector_store %arg12[%swap3A_295, %swap3A_296], %gather3A_294 {strides = array<i32>} : memref<16x64xf32, #tpu.memory_space<vmem>>, vector<16xf32>,
            %add3A_298 = arith.constant 48 : i32
            %add3A_299 = vector.broadcast %add3A_298 : i32 to vector<16xi32>
            %add3A_300 = arith.addi %iota3A, %add3A_299 : vector<16xi32>
            %gather3A_301 = arith.constant 0 : i32
            %gather3A_302 = arith.constant 0 : i32
            %gather3A_303 = arith.constant 0 : i32
            %gather3A_304 = tpu.memref_slice %arg10[%gather3A_301, %gather3A_302, %gather3A_303] : memref<2x64x512xf32, #tpu.memory_space<vmem>> -> memref<1x64x512xf32, #tpu.memory_space<vmem>>
            %gather3A_305 = tpu.memref_squeeze %gather3A_304 : memref<1x64x512xf32, #tpu.memory_space<vmem>> -> memref<64x512xf32, #tpu.memory_space<vmem>>
            %gather3A_306 = tpu.vector_load_idx %gather3A_305[%add3A_300, %broadcast_in_dim3A_257] : memref<64x512xf32, #tpu.memory_space<vmem>>[vector<16xi32>, vector<16xi32>], vector<16xf32>,
            %swap3A_307 = arith.index_cast %and3A_263 : i32 to index
            %swap3A_308 = arith.constant 48 : index
            %swap3A_309 = tpu.vector_load %arg12[%swap3A_307, %swap3A_308] {strides = array<i32>} : memref<16x64xf32, #tpu.memory_space<vmem>>, vector<16xf32>,
            tpu.vector_store %arg12[%swap3A_307, %swap3A_308], %gather3A_306 {strides = array<i32>} : memref<16x64xf32, #tpu.memory_space<vmem>>, vector<16xf32>,
            %shift_right_arithmetic3A = arith.constant 3 : i32
            %shift_right_arithmetic3A_310 = arith.shrsi %reduce_sum3A_255, %shift_right_arithmetic3A : i32
            %and3A_311 = arith.constant 7 : i32
            %and3A_312 = arith.andi %reduce_sum3A_255, %and3A_311 : i32
            %dma_start3A_313 = arith.constant 0 : i32
            %dma_start3A_314 = tpu.memref_slice %arg12[%and3A_263, %dma_start3A_313] : memref<16x64xf32, #tpu.memory_space<vmem>> -> memref<1x64xf32, #tpu.memory_space<vmem>>
            %dma_start3A_315 = tpu.memref_squeeze %dma_start3A_314 : memref<1x64xf32, #tpu.memory_space<vmem>> -> memref<64xf32, #tpu.memory_space<vmem>>
            %dma_start3A_316 = arith.constant 0 : i32
            %dma_start3A_317 = tpu.memref_slice %arg5[%shift_right_arithmetic3A_310, %and3A_312, %dma_start3A_316] : memref<2048x8x64xf32, #tpu.memory_space<hbm>> -> memref<1x1x64xf32, #tpu.memory_space<hbm>>
            %dma_start3A_318 = tpu.memref_squeeze %dma_start3A_317 : memref<1x1x64xf32, #tpu.memory_space<hbm>> -> memref<64xf32, #tpu.memory_space<hbm>>
            %dma_start3A_319 = arith.constant 0 : i32
            %dma_start3A_320 = tpu.memref_slice %arg5[%shift_right_arithmetic3A_310, %and3A_312, %dma_start3A_319] : memref<2048x8x64xf32, #tpu.memory_space<hbm>> -> memref<1x1x64xf32, #tpu.memory_space<hbm>>
            %dma_start3A_321 = tpu.memref_squeeze %dma_start3A_320 : memref<1x1x64xf32, #tpu.memory_space<hbm>> -> memref<64xf32, #tpu.memory_space<hbm>>
            %dma_start3A_322 = arith.constant 0 : i32
            %dma_start3A_323 = tpu.memref_slice %arg12[%and3A_263, %dma_start3A_322] : memref<16x64xf32, #tpu.memory_space<vmem>> -> memref<1x64xf32, #tpu.memory_space<vmem>>
            %dma_start3A_324 = tpu.memref_squeeze %dma_start3A_323 : memref<1x64xf32, #tpu.memory_space<vmem>> -> memref<64xf32, #tpu.memory_space<vmem>>
            tpu.enqueue_dma source(%dma_start3A_324 : memref<64xf32, #tpu.memory_space<vmem>>) target(%dma_start3A_321 : memref<64xf32, #tpu.memory_space<hbm>>) target_semaphore(%arg17 : memref<!tpu.dma_semaphore, #tpu.memory_space<semaphore_mem>>)
            %add3A_325 = arith.constant 1 : i32
            %add3A_326 = arith.addi %while3A_235, %add3A_325 : i32
            scf.yield %add3A_326 : i32
          }
          %while3A_232 = arith.constant 1 : i32
          %while3A_233 = scf.for %while3A_234 = %while3A_229 to %while3A_225 step %while3A_232 iter_args(%while3A_235 = %while3A_231) -> (i32)  : i32 {
            %eq3A_236 = vector.broadcast %while3A_234 : i32 to vector<16xi32>
            %eq3A_237 = arith.cmpi eq, %iota3A, %eq3A_236 : vector<16xi32>
            %get3A_238 = arith.constant 0 : index
            %get3A_239 = tpu.vector_load %arg13[%get3A_238] {strides = array<i32>} : memref<16xi32, #tpu.memory_space<vmem>>, vector<16xi32>,
            %jit3A_240 = arith.constant 0 : i32
            %broadcast_in_dim3A_241 = vector.broadcast %jit3A_240 : i32 to vector<16xi32>
            %select_n3A_242 = arith.select %eq3A_237, %get3A_239, %broadcast_in_dim3A_241 : vector<16xi1>, vector<16xi32>
            %reduce_sum3A_243 = arith.constant true
            %reduce_sum3A_244 = vector.broadcast %reduce_sum3A_243 : i1 to vector<16xi1>
            %reduce_sum3A_245 = tpu.scan <sum>, %select_n3A_242 masked %reduce_sum3A_244 : vector<16xi32>, vector<16xi1> -> vector<16xi32>
            %reduce_sum3A_246 = vector.extract %reduce_sum3A_245[15] : i32 from vector<16xi32>
            %get3A_247 = arith.constant 0 : index
            %get3A_248 = tpu.vector_load %arg14[%get3A_247] {strides = array<i32>} : memref<16xi32, #tpu.memory_space<vmem>>, vector<16xi32>,
            %jit3A_249 = arith.constant 0 : i32
            %broadcast_in_dim3A_250 = vector.broadcast %jit3A_249 : i32 to vector<16xi32>
            %select_n3A_251 = arith.select %eq3A_237, %get3A_248, %broadcast_in_dim3A_250 : vector<16xi1>, vector<16xi32>
            %reduce_sum3A_252 = arith.constant true
            %reduce_sum3A_253 = vector.broadcast %reduce_sum3A_252 : i1 to vector<16xi1>
            %reduce_sum3A_254 = tpu.scan <sum>, %select_n3A_251 masked %reduce_sum3A_253 : vector<16xi32>, vector<16xi1> -> vector<16xi32>
            %reduce_sum3A_255 = vector.extract %reduce_sum3A_254[15] : i32 from vector<16xi32>
            %sub3A_256 = arith.subi %reduce_sum3A_246, %min3A_190 : i32
            %broadcast_in_dim3A_257 = vector.broadcast %sub3A_256 : i32 to vector<16xi32>
            %ge3A = arith.constant 16 : i32
            %ge3A_258 = arith.cmpi sge, %while3A_235, %ge3A : i32
            %convert_element_type3A_259 = arith.extui %ge3A_258 : i1 to i32
            %cond3A_260 = arith.constant 0 : i32
            %cond3A_261 = arith.cmpi ne, %convert_element_type3A_259, %cond3A_260 : i32
            scf.if %cond3A_261 {
              %dma_wait3A_327 = arith.constant 0 : i32
              %dma_wait3A_328 = arith.constant 0 : i32
              %dma_wait3A_329 = arith.constant 0 : i32
              %dma_wait3A_330 = tpu.memref_slice %arg12[%dma_wait3A_328, %dma_wait3A_329] : memref<16x64xf32, #tpu.memory_space<vmem>> -> memref<1x64xf32, #tpu.memory_space<vmem>>
              %dma_wait3A_331 = tpu.memref_squeeze %dma_wait3A_330 : memref<1x64xf32, #tpu.memory_space<vmem>> -> memref<64xf32, #tpu.memory_space<vmem>>
              %dma_wait3A_332 = arith.constant 0 : i32
              %dma_wait3A_333 = tpu.memref_slice %arg4[%dma_wait3A_327, %dma_wait3A_332] : memref<64x64xf32, #tpu.memory_space<hbm>> -> memref<1x64xf32, #tpu.memory_space<hbm>>
              %dma_wait3A_334 = tpu.memref_squeeze %dma_wait3A_333 : memref<1x64xf32, #tpu.memory_space<hbm>> -> memref<64xf32, #tpu.memory_space<hbm>>
              %dma_wait3A_335 = arith.constant 0 : i32
              %dma_wait3A_336 = tpu.memref_slice %arg12[%dma_wait3A_328, %dma_wait3A_335] : memref<16x64xf32, #tpu.memory_space<vmem>> -> memref<1x64xf32, #tpu.memory_space<vmem>>
              %dma_wait3A_337 = tpu.memref_squeeze %dma_wait3A_336 : memref<1x64xf32, #tpu.memory_space<vmem>> -> memref<64xf32, #tpu.memory_space<vmem>>
              %dma_wait3A_338 = arith.constant 0 : i32
              %dma_wait3A_339 = tpu.memref_slice %arg4[%dma_wait3A_327, %dma_wait3A_338] : memref<64x64xf32, #tpu.memory_space<hbm>> -> memref<1x64xf32, #tpu.memory_space<hbm>>
              %dma_wait3A_340 = tpu.memref_squeeze %dma_wait3A_339 : memref<1x64xf32, #tpu.memory_space<hbm>> -> memref<64xf32, #tpu.memory_space<hbm>>
              tpu.wait_dma2 semaphore(%arg17 : memref<!tpu.dma_semaphore, #tpu.memory_space<semaphore_mem>>) src(%dma_wait3A_340 : memref<64xf32, #tpu.memory_space<hbm>>) dst(%dma_wait3A_337 : memref<64xf32, #tpu.memory_space<vmem>>)
            } else {
            }
            %and3A_262 = arith.constant 15 : i32
            %and3A_263 = arith.andi %while3A_235, %and3A_262 : i32
            %add3A_264 = arith.constant 0 : i32
            %add3A_265 = vector.broadcast %add3A_264 : i32 to vector<16xi32>
            %add3A_266 = arith.addi %iota3A, %add3A_265 : vector<16xi32>
            %gather3A = arith.constant 0 : i32
            %gather3A_267 = arith.constant 0 : i32
            %gather3A_268 = arith.constant 0 : i32
            %gather3A_269 = tpu.memref_slice %arg10[%gather3A, %gather3A_267, %gather3A_268] : memref<2x64x512xf32, #tpu.memory_space<vmem>> -> memref<1x64x512xf32, #tpu.memory_space<vmem>>
            %gather3A_270 = tpu.memref_squeeze %gather3A_269 : memref<1x64x512xf32, #tpu.memory_space<vmem>> -> memref<64x512xf32, #tpu.memory_space<vmem>>
            %gather3A_271 = tpu.vector_load_idx %gather3A_270[%add3A_266, %broadcast_in_dim3A_257] : memref<64x512xf32, #tpu.memory_space<vmem>>[vector<16xi32>, vector<16xi32>], vector<16xf32>,
            %swap3A = arith.index_cast %and3A_263 : i32 to index
            %swap3A_272 = arith.constant 0 : index
            %swap3A_273 = tpu.vector_load %arg12[%swap3A, %swap3A_272] {strides = array<i32>} : memref<16x64xf32, #tpu.memory_space<vmem>>, vector<16xf32>,
            tpu.vector_store %arg12[%swap3A, %swap3A_272], %gather3A_271 {strides = array<i32>} : memref<16x64xf32, #tpu.memory_space<vmem>>, vector<16xf32>,
            %add3A_274 = arith.constant 16 : i32
            %add3A_275 = vector.broadcast %add3A_274 : i32 to vector<16xi32>
            %add3A_276 = arith.addi %iota3A, %add3A_275 : vector<16xi32>
            %gather3A_277 = arith.constant 0 : i32
            %gather3A_278 = arith.constant 0 : i32
            %gather3A_279 = arith.constant 0 : i32
            %gather3A_280 = tpu.memref_slice %arg10[%gather3A_277, %gather3A_278, %gather3A_279] : memref<2x64x512xf32, #tpu.memory_space<vmem>> -> memref<1x64x512xf32, #tpu.memory_space<vmem>>
            %gather3A_281 = tpu.memref_squeeze %gather3A_280 : memref<1x64x512xf32, #tpu.memory_space<vmem>> -> memref<64x512xf32, #tpu.memory_space<vmem>>
            %gather3A_282 = tpu.vector_load_idx %gather3A_281[%add3A_276, %broadcast_in_dim3A_257] : memref<64x512xf32, #tpu.memory_space<vmem>>[vector<16xi32>, vector<16xi32>], vector<16xf32>,
            %swap3A_283 = arith.index_cast %and3A_263 : i32 to index
            %swap3A_284 = arith.constant 16 : index
            %swap3A_285 = tpu.vector_load %arg12[%swap3A_283, %swap3A_284] {strides = array<i32>} : memref<16x64xf32, #tpu.memory_space<vmem>>, vector<16xf32>,
            tpu.vector_store %arg12[%swap3A_283, %swap3A_284], %gather3A_282 {strides = array<i32>} : memref<16x64xf32, #tpu.memory_space<vmem>>, vector<16xf32>,
            %add3A_286 = arith.constant 32 : i32
            %add3A_287 = vector.broadcast %add3A_286 : i32 to vector<16xi32>
            %add3A_288 = arith.addi %iota3A, %add3A_287 : vector<16xi32>
            %gather3A_289 = arith.constant 0 : i32
            %gather3A_290 = arith.constant 0 : i32
            %gather3A_291 = arith.constant 0 : i32
            %gather3A_292 = tpu.memref_slice %arg10[%gather3A_289, %gather3A_290, %gather3A_291] : memref<2x64x512xf32, #tpu.memory_space<vmem>> -> memref<1x64x512xf32, #tpu.memory_space<vmem>>
            %gather3A_293 = tpu.memref_squeeze %gather3A_292 : memref<1x64x512xf32, #tpu.memory_space<vmem>> -> memref<64x512xf32, #tpu.memory_space<vmem>>
            %gather3A_294 = tpu.vector_load_idx %gather3A_293[%add3A_288, %broadcast_in_dim3A_257] : memref<64x512xf32, #tpu.memory_space<vmem>>[vector<16xi32>, vector<16xi32>], vector<16xf32>,
            %swap3A_295 = arith.index_cast %and3A_263 : i32 to index
            %swap3A_296 = arith.constant 32 : index
            %swap3A_297 = tpu.vector_load %arg12[%swap3A_295, %swap3A_296] {strides = array<i32>} : memref<16x64xf32, #tpu.memory_space<vmem>>, vector<16xf32>,
            tpu.vector_store %arg12[%swap3A_295, %swap3A_296], %gather3A_294 {strides = array<i32>} : memref<16x64xf32, #tpu.memory_space<vmem>>, vector<16xf32>,
            %add3A_298 = arith.constant 48 : i32
            %add3A_299 = vector.broadcast %add3A_298 : i32 to vector<16xi32>
            %add3A_300 = arith.addi %iota3A, %add3A_299 : vector<16xi32>
            %gather3A_301 = arith.constant 0 : i32
            %gather3A_302 = arith.constant 0 : i32
            %gather3A_303 = arith.constant 0 : i32
            %gather3A_304 = tpu.memref_slice %arg10[%gather3A_301, %gather3A_302, %gather3A_303] : memref<2x64x512xf32, #tpu.memory_space<vmem>> -> memref<1x64x512xf32, #tpu.memory_space<vmem>>
            %gather3A_305 = tpu.memref_squeeze %gather3A_304 : memref<1x64x512xf32, #tpu.memory_space<vmem>> -> memref<64x512xf32, #tpu.memory_space<vmem>>
            %gather3A_306 = tpu.vector_load_idx %gather3A_305[%add3A_300, %broadcast_in_dim3A_257] : memref<64x512xf32, #tpu.memory_space<vmem>>[vector<16xi32>, vector<16xi32>], vector<16xf32>,
            %swap3A_307 = arith.index_cast %and3A_263 : i32 to index
            %swap3A_308 = arith.constant 48 : index
            %swap3A_309 = tpu.vector_load %arg12[%swap3A_307, %swap3A_308] {strides = array<i32>} : memref<16x64xf32, #tpu.memory_space<vmem>>, vector<16xf32>,
            tpu.vector_store %arg12[%swap3A_307, %swap3A_308], %gather3A_306 {strides = array<i32>} : memref<16x64xf32, #tpu.memory_space<vmem>>, vector<16xf32>,
            %shift_right_arithmetic3A = arith.constant 3 : i32
            %shift_right_arithmetic3A_310 = arith.shrsi %reduce_sum3A_255, %shift_right_arithmetic3A : i32
            %and3A_311 = arith.constant 7 : i32
            %and3A_312 = arith.andi %reduce_sum3A_255, %and3A_311 : i32
            %dma_start3A_313 = arith.constant 0 : i32
            %dma_start3A_314 = tpu.memref_slice %arg12[%and3A_263, %dma_start3A_313] : memref<16x64xf32, #tpu.memory_space<vmem>> -> memref<1x64xf32, #tpu.memory_space<vmem>>
            %dma_start3A_315 = tpu.memref_squeeze %dma_start3A_314 : memref<1x64xf32, #tpu.memory_space<vmem>> -> memref<64xf32, #tpu.memory_space<vmem>>
            %dma_start3A_316 = arith.constant 0 : i32
            %dma_start3A_317 = tpu.memref_slice %arg5[%shift_right_arithmetic3A_310, %and3A_312, %dma_start3A_316] : memref<2048x8x64xf32, #tpu.memory_space<hbm>> -> memref<1x1x64xf32, #tpu.memory_space<hbm>>
            %dma_start3A_318 = tpu.memref_squeeze %dma_start3A_317 : memref<1x1x64xf32, #tpu.memory_space<hbm>> -> memref<64xf32, #tpu.memory_space<hbm>>
            %dma_start3A_319 = arith.constant 0 : i32
            %dma_start3A_320 = tpu.memref_slice %arg5[%shift_right_arithmetic3A_310, %and3A_312, %dma_start3A_319] : memref<2048x8x64xf32, #tpu.memory_space<hbm>> -> memref<1x1x64xf32, #tpu.memory_space<hbm>>
            %dma_start3A_321 = tpu.memref_squeeze %dma_start3A_320 : memref<1x1x64xf32, #tpu.memory_space<hbm>> -> memref<64xf32, #tpu.memory_space<hbm>>
            %dma_start3A_322 = arith.constant 0 : i32
            %dma_start3A_323 = tpu.memref_slice %arg12[%and3A_263, %dma_start3A_322] : memref<16x64xf32, #tpu.memory_space<vmem>> -> memref<1x64xf32, #tpu.memory_space<vmem>>
            %dma_start3A_324 = tpu.memref_squeeze %dma_start3A_323 : memref<1x64xf32, #tpu.memory_space<vmem>> -> memref<64xf32, #tpu.memory_space<vmem>>
            tpu.enqueue_dma source(%dma_start3A_324 : memref<64xf32, #tpu.memory_space<vmem>>) target(%dma_start3A_321 : memref<64xf32, #tpu.memory_space<hbm>>) target_semaphore(%arg17 : memref<!tpu.dma_semaphore, #tpu.memory_space<semaphore_mem>>)
            %add3A_325 = arith.constant 1 : i32
            %add3A_326 = arith.addi %while3A_235, %add3A_325 : i32
            scf.yield %add3A_326 : i32
          }
          scf.yield %while3A_233 : i32
        }
        %while3A_200 = arith.constant 1 : i32
        %while3A_201 = scf.for %while3A_202 = %while3A_197 to %while3A_193 step %while3A_200 iter_args(%while3A_203 = %while3A_199) -> (i32)  : i32 {
          %mul3A_204 = arith.constant 16 : i32
          %mul3A_205 = arith.muli %while3A_202, %mul3A_204 : i32
          %get3A = arith.index_cast %mul3A_205 : i32 to index
          %get3A_206 = tpu.vector_load %arg7[%get3A] {strides = array<i32>} : memref<16400xi32, #tpu.memory_space<vmem>>, vector<16xi32>,
          %mul3A_207 = arith.constant 16 : i32
          %mul3A_208 = arith.muli %while3A_202, %mul3A_207 : i32
          %get3A_209 = arith.index_cast %mul3A_208 : i32 to index
          %get3A_210 = tpu.vector_load %arg9[%get3A_209] {strides = array<i32>} : memref<16400xi32, #tpu.memory_space<vmem>>, vector<16xi32>,
          %eq3A = vector.broadcast %add3A_153 : i32 to vector<16xi32>
          %eq3A_211 = arith.cmpi eq, %get3A_210, %eq3A : vector<16xi32>
          %jit3A_212 = arith.constant 1 : i32
          %jit3A_213 = arith.constant 0 : i32
          %broadcast_in_dim3A = vector.broadcast %jit3A_212 : i32 to vector<16xi32>
          %broadcast_in_dim3A_214 = vector.broadcast %jit3A_213 : i32 to vector<16xi32>
          %select_n3A_215 = arith.select %eq3A_211, %broadcast_in_dim3A, %broadcast_in_dim3A_214 : vector<16xi1>, vector<16xi32>
          %reduce_sum3A = arith.constant true
          %reduce_sum3A_216 = vector.broadcast %reduce_sum3A : i1 to vector<16xi1>
          %reduce_sum3A_217 = tpu.scan <sum>, %select_n3A_215 masked %reduce_sum3A_216 : vector<16xi32>, vector<16xi1> -> vector<16xi32>
          %reduce_sum3A_218 = vector.extract %reduce_sum3A_217[15] : i32 from vector<16xi32>
          %gt3A = arith.constant 0 : i32
          %gt3A_219 = arith.cmpi sgt, %reduce_sum3A_218, %gt3A : i32
          %convert_element_type3A_220 = arith.extui %gt3A_219 : i1 to i32
          %cond3A_221 = arith.constant 0 : i32
          %cond3A_222 = arith.cmpi ne, %convert_element_type3A_220, %cond3A_221 : i32
          scf.if %cond3A_222 {
            %swap3A = arith.constant 0 : index
            %swap3A_234 = tpu.vector_load %arg13[%swap3A] masked %eq3A_211 {strides = array<i32>} : memref<16xi32, #tpu.memory_space<vmem>>, vector<16xi32>, vector<16xi1>
            tpu.vector_store %arg13[%swap3A], %get3A_206 masked %eq3A_211 {strides = array<i32>} : memref<16xi32, #tpu.memory_space<vmem>>, vector<16xi32>, vector<16xi1>
            %mul3A_235 = arith.constant 16 : i32
            %mul3A_236 = arith.muli %while3A_202, %mul3A_235 : i32
            %get3A_237 = arith.index_cast %mul3A_236 : i32 to index
            %get3A_238 = tpu.vector_load %arg8[%get3A_237] {strides = array<i32>} : memref<16400xi32, #tpu.memory_space<vmem>>, vector<16xi32>,
            %swap3A_239 = arith.constant 0 : index
            %swap3A_240 = tpu.vector_load %arg14[%swap3A_239] masked %eq3A_211 {strides = array<i32>} : memref<16xi32, #tpu.memory_space<vmem>>, vector<16xi32>, vector<16xi1>
            tpu.vector_store %arg14[%swap3A_239], %get3A_238 masked %eq3A_211 {strides = array<i32>} : memref<16xi32, #tpu.memory_space<vmem>>, vector<16xi32>, vector<16xi1>
          } else {
          }
          %while3A_223 = arith.constant 0 : i32
          %while3A_224 = arith.subi %reduce_sum3A_218, %while3A_223 : i32
          %while3A_225 = arith.addi %while3A_223, %while3A_224 : i32
          %while3A_226 = arith.constant 1 : i32
          %while3A_227 = arith.divsi %while3A_224, %while3A_226 : i32
          %while3A_228 = arith.muli %while3A_227, %while3A_226 : i32
          %while3A_229 = arith.addi %while3A_223, %while3A_228 : i32
          %while3A_230 = arith.constant 1 : i32
          %while3A_231 = scf.for %while3A_234 = %while3A_223 to %while3A_229 step %while3A_230 iter_args(%while3A_235 = %while3A_203) -> (i32)  : i32 {
            %eq3A_236 = vector.broadcast %while3A_234 : i32 to vector<16xi32>
            %eq3A_237 = arith.cmpi eq, %iota3A, %eq3A_236 : vector<16xi32>
            %get3A_238 = arith.constant 0 : index
            %get3A_239 = tpu.vector_load %arg13[%get3A_238] {strides = array<i32>} : memref<16xi32, #tpu.memory_space<vmem>>, vector<16xi32>,
            %jit3A_240 = arith.constant 0 : i32
            %broadcast_in_dim3A_241 = vector.broadcast %jit3A_240 : i32 to vector<16xi32>
            %select_n3A_242 = arith.select %eq3A_237, %get3A_239, %broadcast_in_dim3A_241 : vector<16xi1>, vector<16xi32>
            %reduce_sum3A_243 = arith.constant true
            %reduce_sum3A_244 = vector.broadcast %reduce_sum3A_243 : i1 to vector<16xi1>
            %reduce_sum3A_245 = tpu.scan <sum>, %select_n3A_242 masked %reduce_sum3A_244 : vector<16xi32>, vector<16xi1> -> vector<16xi32>
            %reduce_sum3A_246 = vector.extract %reduce_sum3A_245[15] : i32 from vector<16xi32>
            %get3A_247 = arith.constant 0 : index
            %get3A_248 = tpu.vector_load %arg14[%get3A_247] {strides = array<i32>} : memref<16xi32, #tpu.memory_space<vmem>>, vector<16xi32>,
            %jit3A_249 = arith.constant 0 : i32
            %broadcast_in_dim3A_250 = vector.broadcast %jit3A_249 : i32 to vector<16xi32>
            %select_n3A_251 = arith.select %eq3A_237, %get3A_248, %broadcast_in_dim3A_250 : vector<16xi1>, vector<16xi32>
            %reduce_sum3A_252 = arith.constant true
            %reduce_sum3A_253 = vector.broadcast %reduce_sum3A_252 : i1 to vector<16xi1>
            %reduce_sum3A_254 = tpu.scan <sum>, %select_n3A_251 masked %reduce_sum3A_253 : vector<16xi32>, vector<16xi1> -> vector<16xi32>
            %reduce_sum3A_255 = vector.extract %reduce_sum3A_254[15] : i32 from vector<16xi32>
            %sub3A_256 = arith.subi %reduce_sum3A_246, %min3A_190 : i32
            %broadcast_in_dim3A_257 = vector.broadcast %sub3A_256 : i32 to vector<16xi32>
            %ge3A = arith.constant 16 : i32
            %ge3A_258 = arith.cmpi sge, %while3A_235, %ge3A : i32
            %convert_element_type3A_259 = arith.extui %ge3A_258 : i1 to i32
            %cond3A_260 = arith.constant 0 : i32
            %cond3A_261 = arith.cmpi ne, %convert_element_type3A_259, %cond3A_260 : i32
            scf.if %cond3A_261 {
              %dma_wait3A_327 = arith.constant 0 : i32
              %dma_wait3A_328 = arith.constant 0 : i32
              %dma_wait3A_329 = arith.constant 0 : i32
              %dma_wait3A_330 = tpu.memref_slice %arg12[%dma_wait3A_328, %dma_wait3A_329] : memref<16x64xf32, #tpu.memory_space<vmem>> -> memref<1x64xf32, #tpu.memory_space<vmem>>
              %dma_wait3A_331 = tpu.memref_squeeze %dma_wait3A_330 : memref<1x64xf32, #tpu.memory_space<vmem>> -> memref<64xf32, #tpu.memory_space<vmem>>
              %dma_wait3A_332 = arith.constant 0 : i32
              %dma_wait3A_333 = tpu.memref_slice %arg4[%dma_wait3A_327, %dma_wait3A_332] : memref<64x64xf32, #tpu.memory_space<hbm>> -> memref<1x64xf32, #tpu.memory_space<hbm>>
              %dma_wait3A_334 = tpu.memref_squeeze %dma_wait3A_333 : memref<1x64xf32, #tpu.memory_space<hbm>> -> memref<64xf32, #tpu.memory_space<hbm>>
              %dma_wait3A_335 = arith.constant 0 : i32
              %dma_wait3A_336 = tpu.memref_slice %arg12[%dma_wait3A_328, %dma_wait3A_335] : memref<16x64xf32, #tpu.memory_space<vmem>> -> memref<1x64xf32, #tpu.memory_space<vmem>>
              %dma_wait3A_337 = tpu.memref_squeeze %dma_wait3A_336 : memref<1x64xf32, #tpu.memory_space<vmem>> -> memref<64xf32, #tpu.memory_space<vmem>>
              %dma_wait3A_338 = arith.constant 0 : i32
              %dma_wait3A_339 = tpu.memref_slice %arg4[%dma_wait3A_327, %dma_wait3A_338] : memref<64x64xf32, #tpu.memory_space<hbm>> -> memref<1x64xf32, #tpu.memory_space<hbm>>
              %dma_wait3A_340 = tpu.memref_squeeze %dma_wait3A_339 : memref<1x64xf32, #tpu.memory_space<hbm>> -> memref<64xf32, #tpu.memory_space<hbm>>
              tpu.wait_dma2 semaphore(%arg17 : memref<!tpu.dma_semaphore, #tpu.memory_space<semaphore_mem>>) src(%dma_wait3A_340 : memref<64xf32, #tpu.memory_space<hbm>>) dst(%dma_wait3A_337 : memref<64xf32, #tpu.memory_space<vmem>>)
            } else {
            }
            %and3A_262 = arith.constant 15 : i32
            %and3A_263 = arith.andi %while3A_235, %and3A_262 : i32
            %add3A_264 = arith.constant 0 : i32
            %add3A_265 = vector.broadcast %add3A_264 : i32 to vector<16xi32>
            %add3A_266 = arith.addi %iota3A, %add3A_265 : vector<16xi32>
            %gather3A = arith.constant 0 : i32
            %gather3A_267 = arith.constant 0 : i32
            %gather3A_268 = arith.constant 0 : i32
            %gather3A_269 = tpu.memref_slice %arg10[%gather3A, %gather3A_267, %gather3A_268] : memref<2x64x512xf32, #tpu.memory_space<vmem>> -> memref<1x64x512xf32, #tpu.memory_space<vmem>>
            %gather3A_270 = tpu.memref_squeeze %gather3A_269 : memref<1x64x512xf32, #tpu.memory_space<vmem>> -> memref<64x512xf32, #tpu.memory_space<vmem>>
            %gather3A_271 = tpu.vector_load_idx %gather3A_270[%add3A_266, %broadcast_in_dim3A_257] : memref<64x512xf32, #tpu.memory_space<vmem>>[vector<16xi32>, vector<16xi32>], vector<16xf32>,
            %swap3A = arith.index_cast %and3A_263 : i32 to index
            %swap3A_272 = arith.constant 0 : index
            %swap3A_273 = tpu.vector_load %arg12[%swap3A, %swap3A_272] {strides = array<i32>} : memref<16x64xf32, #tpu.memory_space<vmem>>, vector<16xf32>,
            tpu.vector_store %arg12[%swap3A, %swap3A_272], %gather3A_271 {strides = array<i32>} : memref<16x64xf32, #tpu.memory_space<vmem>>, vector<16xf32>,
            %add3A_274 = arith.constant 16 : i32
            %add3A_275 = vector.broadcast %add3A_274 : i32 to vector<16xi32>
            %add3A_276 = arith.addi %iota3A, %add3A_275 : vector<16xi32>
            %gather3A_277 = arith.constant 0 : i32
            %gather3A_278 = arith.constant 0 : i32
            %gather3A_279 = arith.constant 0 : i32
            %gather3A_280 = tpu.memref_slice %arg10[%gather3A_277, %gather3A_278, %gather3A_279] : memref<2x64x512xf32, #tpu.memory_space<vmem>> -> memref<1x64x512xf32, #tpu.memory_space<vmem>>
            %gather3A_281 = tpu.memref_squeeze %gather3A_280 : memref<1x64x512xf32, #tpu.memory_space<vmem>> -> memref<64x512xf32, #tpu.memory_space<vmem>>
            %gather3A_282 = tpu.vector_load_idx %gather3A_281[%add3A_276, %broadcast_in_dim3A_257] : memref<64x512xf32, #tpu.memory_space<vmem>>[vector<16xi32>, vector<16xi32>], vector<16xf32>,
            %swap3A_283 = arith.index_cast %and3A_263 : i32 to index
            %swap3A_284 = arith.constant 16 : index
            %swap3A_285 = tpu.vector_load %arg12[%swap3A_283, %swap3A_284] {strides = array<i32>} : memref<16x64xf32, #tpu.memory_space<vmem>>, vector<16xf32>,
            tpu.vector_store %arg12[%swap3A_283, %swap3A_284], %gather3A_282 {strides = array<i32>} : memref<16x64xf32, #tpu.memory_space<vmem>>, vector<16xf32>,
            %add3A_286 = arith.constant 32 : i32
            %add3A_287 = vector.broadcast %add3A_286 : i32 to vector<16xi32>
            %add3A_288 = arith.addi %iota3A, %add3A_287 : vector<16xi32>
            %gather3A_289 = arith.constant 0 : i32
            %gather3A_290 = arith.constant 0 : i32
            %gather3A_291 = arith.constant 0 : i32
            %gather3A_292 = tpu.memref_slice %arg10[%gather3A_289, %gather3A_290, %gather3A_291] : memref<2x64x512xf32, #tpu.memory_space<vmem>> -> memref<1x64x512xf32, #tpu.memory_space<vmem>>
            %gather3A_293 = tpu.memref_squeeze %gather3A_292 : memref<1x64x512xf32, #tpu.memory_space<vmem>> -> memref<64x512xf32, #tpu.memory_space<vmem>>
            %gather3A_294 = tpu.vector_load_idx %gather3A_293[%add3A_288, %broadcast_in_dim3A_257] : memref<64x512xf32, #tpu.memory_space<vmem>>[vector<16xi32>, vector<16xi32>], vector<16xf32>,
            %swap3A_295 = arith.index_cast %and3A_263 : i32 to index
            %swap3A_296 = arith.constant 32 : index
            %swap3A_297 = tpu.vector_load %arg12[%swap3A_295, %swap3A_296] {strides = array<i32>} : memref<16x64xf32, #tpu.memory_space<vmem>>, vector<16xf32>,
            tpu.vector_store %arg12[%swap3A_295, %swap3A_296], %gather3A_294 {strides = array<i32>} : memref<16x64xf32, #tpu.memory_space<vmem>>, vector<16xf32>,
            %add3A_298 = arith.constant 48 : i32
            %add3A_299 = vector.broadcast %add3A_298 : i32 to vector<16xi32>
            %add3A_300 = arith.addi %iota3A, %add3A_299 : vector<16xi32>
            %gather3A_301 = arith.constant 0 : i32
            %gather3A_302 = arith.constant 0 : i32
            %gather3A_303 = arith.constant 0 : i32
            %gather3A_304 = tpu.memref_slice %arg10[%gather3A_301, %gather3A_302, %gather3A_303] : memref<2x64x512xf32, #tpu.memory_space<vmem>> -> memref<1x64x512xf32, #tpu.memory_space<vmem>>
            %gather3A_305 = tpu.memref_squeeze %gather3A_304 : memref<1x64x512xf32, #tpu.memory_space<vmem>> -> memref<64x512xf32, #tpu.memory_space<vmem>>
            %gather3A_306 = tpu.vector_load_idx %gather3A_305[%add3A_300, %broadcast_in_dim3A_257] : memref<64x512xf32, #tpu.memory_space<vmem>>[vector<16xi32>, vector<16xi32>], vector<16xf32>,
            %swap3A_307 = arith.index_cast %and3A_263 : i32 to index
            %swap3A_308 = arith.constant 48 : index
            %swap3A_309 = tpu.vector_load %arg12[%swap3A_307, %swap3A_308] {strides = array<i32>} : memref<16x64xf32, #tpu.memory_space<vmem>>, vector<16xf32>,
            tpu.vector_store %arg12[%swap3A_307, %swap3A_308], %gather3A_306 {strides = array<i32>} : memref<16x64xf32, #tpu.memory_space<vmem>>, vector<16xf32>,
            %shift_right_arithmetic3A = arith.constant 3 : i32
            %shift_right_arithmetic3A_310 = arith.shrsi %reduce_sum3A_255, %shift_right_arithmetic3A : i32
            %and3A_311 = arith.constant 7 : i32
            %and3A_312 = arith.andi %reduce_sum3A_255, %and3A_311 : i32
            %dma_start3A_313 = arith.constant 0 : i32
            %dma_start3A_314 = tpu.memref_slice %arg12[%and3A_263, %dma_start3A_313] : memref<16x64xf32, #tpu.memory_space<vmem>> -> memref<1x64xf32, #tpu.memory_space<vmem>>
            %dma_start3A_315 = tpu.memref_squeeze %dma_start3A_314 : memref<1x64xf32, #tpu.memory_space<vmem>> -> memref<64xf32, #tpu.memory_space<vmem>>
            %dma_start3A_316 = arith.constant 0 : i32
            %dma_start3A_317 = tpu.memref_slice %arg5[%shift_right_arithmetic3A_310, %and3A_312, %dma_start3A_316] : memref<2048x8x64xf32, #tpu.memory_space<hbm>> -> memref<1x1x64xf32, #tpu.memory_space<hbm>>
            %dma_start3A_318 = tpu.memref_squeeze %dma_start3A_317 : memref<1x1x64xf32, #tpu.memory_space<hbm>> -> memref<64xf32, #tpu.memory_space<hbm>>
            %dma_start3A_319 = arith.constant 0 : i32
            %dma_start3A_320 = tpu.memref_slice %arg5[%shift_right_arithmetic3A_310, %and3A_312, %dma_start3A_319] : memref<2048x8x64xf32, #tpu.memory_space<hbm>> -> memref<1x1x64xf32, #tpu.memory_space<hbm>>
            %dma_start3A_321 = tpu.memref_squeeze %dma_start3A_320 : memref<1x1x64xf32, #tpu.memory_space<hbm>> -> memref<64xf32, #tpu.memory_space<hbm>>
            %dma_start3A_322 = arith.constant 0 : i32
            %dma_start3A_323 = tpu.memref_slice %arg12[%and3A_263, %dma_start3A_322] : memref<16x64xf32, #tpu.memory_space<vmem>> -> memref<1x64xf32, #tpu.memory_space<vmem>>
            %dma_start3A_324 = tpu.memref_squeeze %dma_start3A_323 : memref<1x64xf32, #tpu.memory_space<vmem>> -> memref<64xf32, #tpu.memory_space<vmem>>
            tpu.enqueue_dma source(%dma_start3A_324 : memref<64xf32, #tpu.memory_space<vmem>>) target(%dma_start3A_321 : memref<64xf32, #tpu.memory_space<hbm>>) target_semaphore(%arg17 : memref<!tpu.dma_semaphore, #tpu.memory_space<semaphore_mem>>)
            %add3A_325 = arith.constant 1 : i32
            %add3A_326 = arith.addi %while3A_235, %add3A_325 : i32
            scf.yield %add3A_326 : i32
          }
          %while3A_232 = arith.constant 1 : i32
          %while3A_233 = scf.for %while3A_234 = %while3A_229 to %while3A_225 step %while3A_232 iter_args(%while3A_235 = %while3A_231) -> (i32)  : i32 {
            %eq3A_236 = vector.broadcast %while3A_234 : i32 to vector<16xi32>
            %eq3A_237 = arith.cmpi eq, %iota3A, %eq3A_236 : vector<16xi32>
            %get3A_238 = arith.constant 0 : index
            %get3A_239 = tpu.vector_load %arg13[%get3A_238] {strides = array<i32>} : memref<16xi32, #tpu.memory_space<vmem>>, vector<16xi32>,
            %jit3A_240 = arith.constant 0 : i32
            %broadcast_in_dim3A_241 = vector.broadcast %jit3A_240 : i32 to vector<16xi32>
            %select_n3A_242 = arith.select %eq3A_237, %get3A_239, %broadcast_in_dim3A_241 : vector<16xi1>, vector<16xi32>
            %reduce_sum3A_243 = arith.constant true
            %reduce_sum3A_244 = vector.broadcast %reduce_sum3A_243 : i1 to vector<16xi1>
            %reduce_sum3A_245 = tpu.scan <sum>, %select_n3A_242 masked %reduce_sum3A_244 : vector<16xi32>, vector<16xi1> -> vector<16xi32>
            %reduce_sum3A_246 = vector.extract %reduce_sum3A_245[15] : i32 from vector<16xi32>
            %get3A_247 = arith.constant 0 : index
            %get3A_248 = tpu.vector_load %arg14[%get3A_247] {strides = array<i32>} : memref<16xi32, #tpu.memory_space<vmem>>, vector<16xi32>,
            %jit3A_249 = arith.constant 0 : i32
            %broadcast_in_dim3A_250 = vector.broadcast %jit3A_249 : i32 to vector<16xi32>
            %select_n3A_251 = arith.select %eq3A_237, %get3A_248, %broadcast_in_dim3A_250 : vector<16xi1>, vector<16xi32>
            %reduce_sum3A_252 = arith.constant true
            %reduce_sum3A_253 = vector.broadcast %reduce_sum3A_252 : i1 to vector<16xi1>
            %reduce_sum3A_254 = tpu.scan <sum>, %select_n3A_251 masked %reduce_sum3A_253 : vector<16xi32>, vector<16xi1> -> vector<16xi32>
            %reduce_sum3A_255 = vector.extract %reduce_sum3A_254[15] : i32 from vector<16xi32>
            %sub3A_256 = arith.subi %reduce_sum3A_246, %min3A_190 : i32
            %broadcast_in_dim3A_257 = vector.broadcast %sub3A_256 : i32 to vector<16xi32>
            %ge3A = arith.constant 16 : i32
            %ge3A_258 = arith.cmpi sge, %while3A_235, %ge3A : i32
            %convert_element_type3A_259 = arith.extui %ge3A_258 : i1 to i32
            %cond3A_260 = arith.constant 0 : i32
            %cond3A_261 = arith.cmpi ne, %convert_element_type3A_259, %cond3A_260 : i32
            scf.if %cond3A_261 {
              %dma_wait3A_327 = arith.constant 0 : i32
              %dma_wait3A_328 = arith.constant 0 : i32
              %dma_wait3A_329 = arith.constant 0 : i32
              %dma_wait3A_330 = tpu.memref_slice %arg12[%dma_wait3A_328, %dma_wait3A_329] : memref<16x64xf32, #tpu.memory_space<vmem>> -> memref<1x64xf32, #tpu.memory_space<vmem>>
              %dma_wait3A_331 = tpu.memref_squeeze %dma_wait3A_330 : memref<1x64xf32, #tpu.memory_space<vmem>> -> memref<64xf32, #tpu.memory_space<vmem>>
              %dma_wait3A_332 = arith.constant 0 : i32
              %dma_wait3A_333 = tpu.memref_slice %arg4[%dma_wait3A_327, %dma_wait3A_332] : memref<64x64xf32, #tpu.memory_space<hbm>> -> memref<1x64xf32, #tpu.memory_space<hbm>>
              %dma_wait3A_334 = tpu.memref_squeeze %dma_wait3A_333 : memref<1x64xf32, #tpu.memory_space<hbm>> -> memref<64xf32, #tpu.memory_space<hbm>>
              %dma_wait3A_335 = arith.constant 0 : i32
              %dma_wait3A_336 = tpu.memref_slice %arg12[%dma_wait3A_328, %dma_wait3A_335] : memref<16x64xf32, #tpu.memory_space<vmem>> -> memref<1x64xf32, #tpu.memory_space<vmem>>
              %dma_wait3A_337 = tpu.memref_squeeze %dma_wait3A_336 : memref<1x64xf32, #tpu.memory_space<vmem>> -> memref<64xf32, #tpu.memory_space<vmem>>
              %dma_wait3A_338 = arith.constant 0 : i32
              %dma_wait3A_339 = tpu.memref_slice %arg4[%dma_wait3A_327, %dma_wait3A_338] : memref<64x64xf32, #tpu.memory_space<hbm>> -> memref<1x64xf32, #tpu.memory_space<hbm>>
              %dma_wait3A_340 = tpu.memref_squeeze %dma_wait3A_339 : memref<1x64xf32, #tpu.memory_space<hbm>> -> memref<64xf32, #tpu.memory_space<hbm>>
              tpu.wait_dma2 semaphore(%arg17 : memref<!tpu.dma_semaphore, #tpu.memory_space<semaphore_mem>>) src(%dma_wait3A_340 : memref<64xf32, #tpu.memory_space<hbm>>) dst(%dma_wait3A_337 : memref<64xf32, #tpu.memory_space<vmem>>)
            } else {
            }
            %and3A_262 = arith.constant 15 : i32
            %and3A_263 = arith.andi %while3A_235, %and3A_262 : i32
            %add3A_264 = arith.constant 0 : i32
            %add3A_265 = vector.broadcast %add3A_264 : i32 to vector<16xi32>
            %add3A_266 = arith.addi %iota3A, %add3A_265 : vector<16xi32>
            %gather3A = arith.constant 0 : i32
            %gather3A_267 = arith.constant 0 : i32
            %gather3A_268 = arith.constant 0 : i32
            %gather3A_269 = tpu.memref_slice %arg10[%gather3A, %gather3A_267, %gather3A_268] : memref<2x64x512xf32, #tpu.memory_space<vmem>> -> memref<1x64x512xf32, #tpu.memory_space<vmem>>
            %gather3A_270 = tpu.memref_squeeze %gather3A_269 : memref<1x64x512xf32, #tpu.memory_space<vmem>> -> memref<64x512xf32, #tpu.memory_space<vmem>>
            %gather3A_271 = tpu.vector_load_idx %gather3A_270[%add3A_266, %broadcast_in_dim3A_257] : memref<64x512xf32, #tpu.memory_space<vmem>>[vector<16xi32>, vector<16xi32>], vector<16xf32>,
            %swap3A = arith.index_cast %and3A_263 : i32 to index
            %swap3A_272 = arith.constant 0 : index
            %swap3A_273 = tpu.vector_load %arg12[%swap3A, %swap3A_272] {strides = array<i32>} : memref<16x64xf32, #tpu.memory_space<vmem>>, vector<16xf32>,
            tpu.vector_store %arg12[%swap3A, %swap3A_272], %gather3A_271 {strides = array<i32>} : memref<16x64xf32, #tpu.memory_space<vmem>>, vector<16xf32>,
            %add3A_274 = arith.constant 16 : i32
            %add3A_275 = vector.broadcast %add3A_274 : i32 to vector<16xi32>
            %add3A_276 = arith.addi %iota3A, %add3A_275 : vector<16xi32>
            %gather3A_277 = arith.constant 0 : i32
            %gather3A_278 = arith.constant 0 : i32
            %gather3A_279 = arith.constant 0 : i32
            %gather3A_280 = tpu.memref_slice %arg10[%gather3A_277, %gather3A_278, %gather3A_279] : memref<2x64x512xf32, #tpu.memory_space<vmem>> -> memref<1x64x512xf32, #tpu.memory_space<vmem>>
            %gather3A_281 = tpu.memref_squeeze %gather3A_280 : memref<1x64x512xf32, #tpu.memory_space<vmem>> -> memref<64x512xf32, #tpu.memory_space<vmem>>
            %gather3A_282 = tpu.vector_load_idx %gather3A_281[%add3A_276, %broadcast_in_dim3A_257] : memref<64x512xf32, #tpu.memory_space<vmem>>[vector<16xi32>, vector<16xi32>], vector<16xf32>,
            %swap3A_283 = arith.index_cast %and3A_263 : i32 to index
            %swap3A_284 = arith.constant 16 : index
            %swap3A_285 = tpu.vector_load %arg12[%swap3A_283, %swap3A_284] {strides = array<i32>} : memref<16x64xf32, #tpu.memory_space<vmem>>, vector<16xf32>,
            tpu.vector_store %arg12[%swap3A_283, %swap3A_284], %gather3A_282 {strides = array<i32>} : memref<16x64xf32, #tpu.memory_space<vmem>>, vector<16xf32>,
            %add3A_286 = arith.constant 32 : i32
            %add3A_287 = vector.broadcast %add3A_286 : i32 to vector<16xi32>
            %add3A_288 = arith.addi %iota3A, %add3A_287 : vector<16xi32>
            %gather3A_289 = arith.constant 0 : i32
            %gather3A_290 = arith.constant 0 : i32
            %gather3A_291 = arith.constant 0 : i32
            %gather3A_292 = tpu.memref_slice %arg10[%gather3A_289, %gather3A_290, %gather3A_291] : memref<2x64x512xf32, #tpu.memory_space<vmem>> -> memref<1x64x512xf32, #tpu.memory_space<vmem>>
            %gather3A_293 = tpu.memref_squeeze %gather3A_292 : memref<1x64x512xf32, #tpu.memory_space<vmem>> -> memref<64x512xf32, #tpu.memory_space<vmem>>
            %gather3A_294 = tpu.vector_load_idx %gather3A_293[%add3A_288, %broadcast_in_dim3A_257] : memref<64x512xf32, #tpu.memory_space<vmem>>[vector<16xi32>, vector<16xi32>], vector<16xf32>,
            %swap3A_295 = arith.index_cast %and3A_263 : i32 to index
            %swap3A_296 = arith.constant 32 : index
            %swap3A_297 = tpu.vector_load %arg12[%swap3A_295, %swap3A_296] {strides = array<i32>} : memref<16x64xf32, #tpu.memory_space<vmem>>, vector<16xf32>,
            tpu.vector_store %arg12[%swap3A_295, %swap3A_296], %gather3A_294 {strides = array<i32>} : memref<16x64xf32, #tpu.memory_space<vmem>>, vector<16xf32>,
            %add3A_298 = arith.constant 48 : i32
            %add3A_299 = vector.broadcast %add3A_298 : i32 to vector<16xi32>
            %add3A_300 = arith.addi %iota3A, %add3A_299 : vector<16xi32>
            %gather3A_301 = arith.constant 0 : i32
            %gather3A_302 = arith.constant 0 : i32
            %gather3A_303 = arith.constant 0 : i32
            %gather3A_304 = tpu.memref_slice %arg10[%gather3A_301, %gather3A_302, %gather3A_303] : memref<2x64x512xf32, #tpu.memory_space<vmem>> -> memref<1x64x512xf32, #tpu.memory_space<vmem>>
            %gather3A_305 = tpu.memref_squeeze %gather3A_304 : memref<1x64x512xf32, #tpu.memory_space<vmem>> -> memref<64x512xf32, #tpu.memory_space<vmem>>
            %gather3A_306 = tpu.vector_load_idx %gather3A_305[%add3A_300, %broadcast_in_dim3A_257] : memref<64x512xf32, #tpu.memory_space<vmem>>[vector<16xi32>, vector<16xi32>], vector<16xf32>,
            %swap3A_307 = arith.index_cast %and3A_263 : i32 to index
            %swap3A_308 = arith.constant 48 : index
            %swap3A_309 = tpu.vector_load %arg12[%swap3A_307, %swap3A_308] {strides = array<i32>} : memref<16x64xf32, #tpu.memory_space<vmem>>, vector<16xf32>,
            tpu.vector_store %arg12[%swap3A_307, %swap3A_308], %gather3A_306 {strides = array<i32>} : memref<16x64xf32, #tpu.memory_space<vmem>>, vector<16xf32>,
            %shift_right_arithmetic3A = arith.constant 3 : i32
            %shift_right_arithmetic3A_310 = arith.shrsi %reduce_sum3A_255, %shift_right_arithmetic3A : i32
            %and3A_311 = arith.constant 7 : i32
            %and3A_312 = arith.andi %reduce_sum3A_255, %and3A_311 : i32
            %dma_start3A_313 = arith.constant 0 : i32
            %dma_start3A_314 = tpu.memref_slice %arg12[%and3A_263, %dma_start3A_313] : memref<16x64xf32, #tpu.memory_space<vmem>> -> memref<1x64xf32, #tpu.memory_space<vmem>>
            %dma_start3A_315 = tpu.memref_squeeze %dma_start3A_314 : memref<1x64xf32, #tpu.memory_space<vmem>> -> memref<64xf32, #tpu.memory_space<vmem>>
            %dma_start3A_316 = arith.constant 0 : i32
            %dma_start3A_317 = tpu.memref_slice %arg5[%shift_right_arithmetic3A_310, %and3A_312, %dma_start3A_316] : memref<2048x8x64xf32, #tpu.memory_space<hbm>> -> memref<1x1x64xf32, #tpu.memory_space<hbm>>
            %dma_start3A_318 = tpu.memref_squeeze %dma_start3A_317 : memref<1x1x64xf32, #tpu.memory_space<hbm>> -> memref<64xf32, #tpu.memory_space<hbm>>
            %dma_start3A_319 = arith.constant 0 : i32
            %dma_start3A_320 = tpu.memref_slice %arg5[%shift_right_arithmetic3A_310, %and3A_312, %dma_start3A_319] : memref<2048x8x64xf32, #tpu.memory_space<hbm>> -> memref<1x1x64xf32, #tpu.memory_space<hbm>>
            %dma_start3A_321 = tpu.memref_squeeze %dma_start3A_320 : memref<1x1x64xf32, #tpu.memory_space<hbm>> -> memref<64xf32, #tpu.memory_space<hbm>>
            %dma_start3A_322 = arith.constant 0 : i32
            %dma_start3A_323 = tpu.memref_slice %arg12[%and3A_263, %dma_start3A_322] : memref<16x64xf32, #tpu.memory_space<vmem>> -> memref<1x64xf32, #tpu.memory_space<vmem>>
            %dma_start3A_324 = tpu.memref_squeeze %dma_start3A_323 : memref<1x64xf32, #tpu.memory_space<vmem>> -> memref<64xf32, #tpu.memory_space<vmem>>
            tpu.enqueue_dma source(%dma_start3A_324 : memref<64xf32, #tpu.memory_space<vmem>>) target(%dma_start3A_321 : memref<64xf32, #tpu.memory_space<hbm>>) target_semaphore(%arg17 : memref<!tpu.dma_semaphore, #tpu.memory_space<semaphore_mem>>)
            %add3A_325 = arith.constant 1 : i32
            %add3A_326 = arith.addi %while3A_235, %add3A_325 : i32
            scf.yield %add3A_326 : i32
          }
          scf.yield %while3A_233 : i32
        }
        scf.yield %while3A_201 : i32
      } else {
        scf.yield %while3A_149 : i32
      }
      %mul3A_156 = arith.constant 2 : i32
      %mul3A_157 = arith.muli %while3A_148, %mul3A_156 : i32
      %add3A_158 = arith.constant 1 : i32
      %add3A_159 = arith.addi %mul3A_157, %add3A_158 : i32
      %lt3A_160 = arith.cmpi slt, %add3A_159, %select_n3A : i32
      %convert_element_type3A_161 = arith.extui %lt3A_160 : i1 to i32
      %cond3A_162 = arith.constant 0 : i32
      %cond3A_163 = arith.cmpi ne, %convert_element_type3A_161, %cond3A_162 : i32
      %cond3A_164 = scf.if %cond3A_163 -> (i32) {
        %dma_wait3A = arith.constant 1 : i32
        %dma_wait3A_165 = arith.constant 0 : i32
        %dma_wait3A_166 = arith.constant 0 : i32
        %dma_wait3A_167 = tpu.memref_slice %arg10[%dma_wait3A, %dma_wait3A_165, %dma_wait3A_166] : memref<2x64x512xf32, #tpu.memory_space<vmem>> -> memref<1x64x512xf32, #tpu.memory_space<vmem>>
        %dma_wait3A_168 = tpu.memref_squeeze %dma_wait3A_167 : memref<1x64x512xf32, #tpu.memory_space<vmem>> -> memref<64x512xf32, #tpu.memory_space<vmem>>
        %dma_wait3A_169 = arith.constant 0 : i32
        %dma_wait3A_170 = arith.constant 0 : i32
        %dma_wait3A_171 = tpu.memref_slice %arg3[%dma_wait3A_169, %dma_wait3A_170] : memref<64x1000000xf32, #tpu.memory_space<hbm>> -> memref<64x512xf32, #tpu.memory_space<hbm>>
        %dma_wait3A_172 = arith.constant 0 : i32
        %dma_wait3A_173 = arith.constant 0 : i32
        %dma_wait3A_174 = tpu.memref_slice %arg10[%dma_wait3A, %dma_wait3A_172, %dma_wait3A_173] : memref<2x64x512xf32, #tpu.memory_space<vmem>> -> memref<1x64x512xf32, #tpu.memory_space<vmem>>
        %dma_wait3A_175 = tpu.memref_squeeze %dma_wait3A_174 : memref<1x64x512xf32, #tpu.memory_space<vmem>> -> memref<64x512xf32, #tpu.memory_space<vmem>>
        %dma_wait3A_176 = arith.constant 0 : i32
        %dma_wait3A_177 = arith.constant 0 : i32
        %dma_wait3A_178 = tpu.memref_slice %arg3[%dma_wait3A_176, %dma_wait3A_177] : memref<64x1000000xf32, #tpu.memory_space<hbm>> -> memref<64x512xf32, #tpu.memory_space<hbm>>
        tpu.wait_dma2 semaphore(%arg16 : memref<!tpu.dma_semaphore, #tpu.memory_space<semaphore_mem>>) src(%dma_wait3A_178 : memref<64x512xf32, #tpu.memory_space<hbm>>) dst(%dma_wait3A_175 : memref<64x512xf32, #tpu.memory_space<vmem>>)
        %add3A_179 = arith.constant 1 : i32
        %add3A_180 = arith.addi %add3A_159, %add3A_179 : i32
        %lt3A_181 = arith.cmpi slt, %add3A_180, %select_n3A : i32
        %convert_element_type3A_182 = arith.extui %lt3A_181 : i1 to i32
        %cond3A_183 = arith.constant 0 : i32
        %cond3A_184 = arith.cmpi ne, %convert_element_type3A_182, %cond3A_183 : i32
        scf.if %cond3A_184 {
          %add3A_202 = arith.constant 1 : i32
          %add3A_203 = arith.addi %add3A_159, %add3A_202 : i32
          %mul3A_204 = arith.constant 512 : i32
          %mul3A_205 = arith.muli %add3A_203, %mul3A_204 : i32
          %add3A_206 = arith.addi %mul3A_2, %mul3A_205 : i32
          %sub3A_207 = arith.constant 512 : i32
          %sub3A_208 = arith.subi %min3A_5, %sub3A_207 : i32
          %min3A_209 = arith.minsi %add3A_206, %sub3A_208 : i32
          %multiple_of3A_210 = tpu.assume_multiple %min3A_209, 128 : i32
          %dma_start3A_211 = arith.constant 0 : i32
          %dma_start3A_212 = arith.constant 0 : i32
          %dma_start3A_213 = arith.constant 0 : i32
          %dma_start3A_214 = tpu.memref_slice %arg10[%dma_start3A_211, %dma_start3A_212, %dma_start3A_213] : memref<2x64x512xf32, #tpu.memory_space<vmem>> -> memref<1x64x512xf32, #tpu.memory_space<vmem>>
          %dma_start3A_215 = tpu.memref_squeeze %dma_start3A_214 : memref<1x64x512xf32, #tpu.memory_space<vmem>> -> memref<64x512xf32, #tpu.memory_space<vmem>>
          %dma_start3A_216 = arith.constant 0 : i32
          %dma_start3A_217 = tpu.memref_slice %arg3[%dma_start3A_216, %multiple_of3A_210] : memref<64x1000000xf32, #tpu.memory_space<hbm>> -> memref<64x512xf32, #tpu.memory_space<hbm>>
          %dma_start3A_218 = arith.constant 0 : i32
          %dma_start3A_219 = arith.constant 0 : i32
          %dma_start3A_220 = tpu.memref_slice %arg10[%dma_start3A_211, %dma_start3A_218, %dma_start3A_219] : memref<2x64x512xf32, #tpu.memory_space<vmem>> -> memref<1x64x512xf32, #tpu.memory_space<vmem>>
          %dma_start3A_221 = tpu.memref_squeeze %dma_start3A_220 : memref<1x64x512xf32, #tpu.memory_space<vmem>> -> memref<64x512xf32, #tpu.memory_space<vmem>>
          %dma_start3A_222 = arith.constant 0 : i32
          %dma_start3A_223 = tpu.memref_slice %arg3[%dma_start3A_222, %multiple_of3A_210] : memref<64x1000000xf32, #tpu.memory_space<hbm>> -> memref<64x512xf32, #tpu.memory_space<hbm>>
          tpu.enqueue_dma source(%dma_start3A_223 : memref<64x512xf32, #tpu.memory_space<hbm>>) target(%dma_start3A_221 : memref<64x512xf32, #tpu.memory_space<vmem>>) target_semaphore(%arg15 : memref<!tpu.dma_semaphore, #tpu.memory_space<semaphore_mem>>)
        } else {
        }
        %mul3A_185 = arith.constant 512 : i32
        %mul3A_186 = arith.muli %add3A_159, %mul3A_185 : i32
        %add3A_187 = arith.addi %mul3A_2, %mul3A_186 : i32
        %sub3A_188 = arith.constant 512 : i32
        %sub3A_189 = arith.subi %min3A_5, %sub3A_188 : i32
        %min3A_190 = arith.minsi %add3A_187, %sub3A_189 : i32
        %while3A_191 = arith.constant 0 : i32
        %while3A_192 = arith.subi %select_n3A_60, %while3A_191 : i32
        %while3A_193 = arith.addi %while3A_191, %while3A_192 : i32
        %while3A_194 = arith.constant 1 : i32
        %while3A_195 = arith.divsi %while3A_192, %while3A_194 : i32
        %while3A_196 = arith.muli %while3A_195, %while3A_194 : i32
        %while3A_197 = arith.addi %while3A_191, %while3A_196 : i32
        %while3A_198 = arith.constant 1 : i32
        %while3A_199 = scf.for %while3A_202 = %while3A_191 to %while3A_197 step %while3A_198 iter_args(%while3A_203 = %cond3A_155) -> (i32)  : i32 {
          %mul3A_204 = arith.constant 16 : i32
          %mul3A_205 = arith.muli %while3A_202, %mul3A_204 : i32
          %get3A = arith.index_cast %mul3A_205 : i32 to index
          %get3A_206 = tpu.vector_load %arg7[%get3A] {strides = array<i32>} : memref<16400xi32, #tpu.memory_space<vmem>>, vector<16xi32>,
          %mul3A_207 = arith.constant 16 : i32
          %mul3A_208 = arith.muli %while3A_202, %mul3A_207 : i32
          %get3A_209 = arith.index_cast %mul3A_208 : i32 to index
          %get3A_210 = tpu.vector_load %arg9[%get3A_209] {strides = array<i32>} : memref<16400xi32, #tpu.memory_space<vmem>>, vector<16xi32>,
          %eq3A = vector.broadcast %add3A_159 : i32 to vector<16xi32>
          %eq3A_211 = arith.cmpi eq, %get3A_210, %eq3A : vector<16xi32>
          %jit3A_212 = arith.constant 1 : i32
          %jit3A_213 = arith.constant 0 : i32
          %broadcast_in_dim3A = vector.broadcast %jit3A_212 : i32 to vector<16xi32>
          %broadcast_in_dim3A_214 = vector.broadcast %jit3A_213 : i32 to vector<16xi32>
          %select_n3A_215 = arith.select %eq3A_211, %broadcast_in_dim3A, %broadcast_in_dim3A_214 : vector<16xi1>, vector<16xi32>
          %reduce_sum3A = arith.constant true
          %reduce_sum3A_216 = vector.broadcast %reduce_sum3A : i1 to vector<16xi1>
          %reduce_sum3A_217 = tpu.scan <sum>, %select_n3A_215 masked %reduce_sum3A_216 : vector<16xi32>, vector<16xi1> -> vector<16xi32>
          %reduce_sum3A_218 = vector.extract %reduce_sum3A_217[15] : i32 from vector<16xi32>
          %gt3A = arith.constant 0 : i32
          %gt3A_219 = arith.cmpi sgt, %reduce_sum3A_218, %gt3A : i32
          %convert_element_type3A_220 = arith.extui %gt3A_219 : i1 to i32
          %cond3A_221 = arith.constant 0 : i32
          %cond3A_222 = arith.cmpi ne, %convert_element_type3A_220, %cond3A_221 : i32
          scf.if %cond3A_222 {
            %swap3A = arith.constant 0 : index
            %swap3A_234 = tpu.vector_load %arg13[%swap3A] masked %eq3A_211 {strides = array<i32>} : memref<16xi32, #tpu.memory_space<vmem>>, vector<16xi32>, vector<16xi1>
            tpu.vector_store %arg13[%swap3A], %get3A_206 masked %eq3A_211 {strides = array<i32>} : memref<16xi32, #tpu.memory_space<vmem>>, vector<16xi32>, vector<16xi1>
            %mul3A_235 = arith.constant 16 : i32
            %mul3A_236 = arith.muli %while3A_202, %mul3A_235 : i32
            %get3A_237 = arith.index_cast %mul3A_236 : i32 to index
            %get3A_238 = tpu.vector_load %arg8[%get3A_237] {strides = array<i32>} : memref<16400xi32, #tpu.memory_space<vmem>>, vector<16xi32>,
            %swap3A_239 = arith.constant 0 : index
            %swap3A_240 = tpu.vector_load %arg14[%swap3A_239] masked %eq3A_211 {strides = array<i32>} : memref<16xi32, #tpu.memory_space<vmem>>, vector<16xi32>, vector<16xi1>
            tpu.vector_store %arg14[%swap3A_239], %get3A_238 masked %eq3A_211 {strides = array<i32>} : memref<16xi32, #tpu.memory_space<vmem>>, vector<16xi32>, vector<16xi1>
          } else {
          }
          %while3A_223 = arith.constant 0 : i32
          %while3A_224 = arith.subi %reduce_sum3A_218, %while3A_223 : i32
          %while3A_225 = arith.addi %while3A_223, %while3A_224 : i32
          %while3A_226 = arith.constant 1 : i32
          %while3A_227 = arith.divsi %while3A_224, %while3A_226 : i32
          %while3A_228 = arith.muli %while3A_227, %while3A_226 : i32
          %while3A_229 = arith.addi %while3A_223, %while3A_228 : i32
          %while3A_230 = arith.constant 1 : i32
          %while3A_231 = scf.for %while3A_234 = %while3A_223 to %while3A_229 step %while3A_230 iter_args(%while3A_235 = %while3A_203) -> (i32)  : i32 {
            %eq3A_236 = vector.broadcast %while3A_234 : i32 to vector<16xi32>
            %eq3A_237 = arith.cmpi eq, %iota3A, %eq3A_236 : vector<16xi32>
            %get3A_238 = arith.constant 0 : index
            %get3A_239 = tpu.vector_load %arg13[%get3A_238] {strides = array<i32>} : memref<16xi32, #tpu.memory_space<vmem>>, vector<16xi32>,
            %jit3A_240 = arith.constant 0 : i32
            %broadcast_in_dim3A_241 = vector.broadcast %jit3A_240 : i32 to vector<16xi32>
            %select_n3A_242 = arith.select %eq3A_237, %get3A_239, %broadcast_in_dim3A_241 : vector<16xi1>, vector<16xi32>
            %reduce_sum3A_243 = arith.constant true
            %reduce_sum3A_244 = vector.broadcast %reduce_sum3A_243 : i1 to vector<16xi1>
            %reduce_sum3A_245 = tpu.scan <sum>, %select_n3A_242 masked %reduce_sum3A_244 : vector<16xi32>, vector<16xi1> -> vector<16xi32>
            %reduce_sum3A_246 = vector.extract %reduce_sum3A_245[15] : i32 from vector<16xi32>
            %get3A_247 = arith.constant 0 : index
            %get3A_248 = tpu.vector_load %arg14[%get3A_247] {strides = array<i32>} : memref<16xi32, #tpu.memory_space<vmem>>, vector<16xi32>,
            %jit3A_249 = arith.constant 0 : i32
            %broadcast_in_dim3A_250 = vector.broadcast %jit3A_249 : i32 to vector<16xi32>
            %select_n3A_251 = arith.select %eq3A_237, %get3A_248, %broadcast_in_dim3A_250 : vector<16xi1>, vector<16xi32>
            %reduce_sum3A_252 = arith.constant true
            %reduce_sum3A_253 = vector.broadcast %reduce_sum3A_252 : i1 to vector<16xi1>
            %reduce_sum3A_254 = tpu.scan <sum>, %select_n3A_251 masked %reduce_sum3A_253 : vector<16xi32>, vector<16xi1> -> vector<16xi32>
            %reduce_sum3A_255 = vector.extract %reduce_sum3A_254[15] : i32 from vector<16xi32>
            %sub3A_256 = arith.subi %reduce_sum3A_246, %min3A_190 : i32
            %broadcast_in_dim3A_257 = vector.broadcast %sub3A_256 : i32 to vector<16xi32>
            %ge3A = arith.constant 16 : i32
            %ge3A_258 = arith.cmpi sge, %while3A_235, %ge3A : i32
            %convert_element_type3A_259 = arith.extui %ge3A_258 : i1 to i32
            %cond3A_260 = arith.constant 0 : i32
            %cond3A_261 = arith.cmpi ne, %convert_element_type3A_259, %cond3A_260 : i32
            scf.if %cond3A_261 {
              %dma_wait3A_327 = arith.constant 0 : i32
              %dma_wait3A_328 = arith.constant 0 : i32
              %dma_wait3A_329 = arith.constant 0 : i32
              %dma_wait3A_330 = tpu.memref_slice %arg12[%dma_wait3A_328, %dma_wait3A_329] : memref<16x64xf32, #tpu.memory_space<vmem>> -> memref<1x64xf32, #tpu.memory_space<vmem>>
              %dma_wait3A_331 = tpu.memref_squeeze %dma_wait3A_330 : memref<1x64xf32, #tpu.memory_space<vmem>> -> memref<64xf32, #tpu.memory_space<vmem>>
              %dma_wait3A_332 = arith.constant 0 : i32
              %dma_wait3A_333 = tpu.memref_slice %arg4[%dma_wait3A_327, %dma_wait3A_332] : memref<64x64xf32, #tpu.memory_space<hbm>> -> memref<1x64xf32, #tpu.memory_space<hbm>>
              %dma_wait3A_334 = tpu.memref_squeeze %dma_wait3A_333 : memref<1x64xf32, #tpu.memory_space<hbm>> -> memref<64xf32, #tpu.memory_space<hbm>>
              %dma_wait3A_335 = arith.constant 0 : i32
              %dma_wait3A_336 = tpu.memref_slice %arg12[%dma_wait3A_328, %dma_wait3A_335] : memref<16x64xf32, #tpu.memory_space<vmem>> -> memref<1x64xf32, #tpu.memory_space<vmem>>
              %dma_wait3A_337 = tpu.memref_squeeze %dma_wait3A_336 : memref<1x64xf32, #tpu.memory_space<vmem>> -> memref<64xf32, #tpu.memory_space<vmem>>
              %dma_wait3A_338 = arith.constant 0 : i32
              %dma_wait3A_339 = tpu.memref_slice %arg4[%dma_wait3A_327, %dma_wait3A_338] : memref<64x64xf32, #tpu.memory_space<hbm>> -> memref<1x64xf32, #tpu.memory_space<hbm>>
              %dma_wait3A_340 = tpu.memref_squeeze %dma_wait3A_339 : memref<1x64xf32, #tpu.memory_space<hbm>> -> memref<64xf32, #tpu.memory_space<hbm>>
              tpu.wait_dma2 semaphore(%arg17 : memref<!tpu.dma_semaphore, #tpu.memory_space<semaphore_mem>>) src(%dma_wait3A_340 : memref<64xf32, #tpu.memory_space<hbm>>) dst(%dma_wait3A_337 : memref<64xf32, #tpu.memory_space<vmem>>)
            } else {
            }
            %and3A_262 = arith.constant 15 : i32
            %and3A_263 = arith.andi %while3A_235, %and3A_262 : i32
            %add3A_264 = arith.constant 0 : i32
            %add3A_265 = vector.broadcast %add3A_264 : i32 to vector<16xi32>
            %add3A_266 = arith.addi %iota3A, %add3A_265 : vector<16xi32>
            %gather3A = arith.constant 1 : i32
            %gather3A_267 = arith.constant 0 : i32
            %gather3A_268 = arith.constant 0 : i32
            %gather3A_269 = tpu.memref_slice %arg10[%gather3A, %gather3A_267, %gather3A_268] : memref<2x64x512xf32, #tpu.memory_space<vmem>> -> memref<1x64x512xf32, #tpu.memory_space<vmem>>
            %gather3A_270 = tpu.memref_squeeze %gather3A_269 : memref<1x64x512xf32, #tpu.memory_space<vmem>> -> memref<64x512xf32, #tpu.memory_space<vmem>>
            %gather3A_271 = tpu.vector_load_idx %gather3A_270[%add3A_266, %broadcast_in_dim3A_257] : memref<64x512xf32, #tpu.memory_space<vmem>>[vector<16xi32>, vector<16xi32>], vector<16xf32>,
            %swap3A = arith.index_cast %and3A_263 : i32 to index
            %swap3A_272 = arith.constant 0 : index
            %swap3A_273 = tpu.vector_load %arg12[%swap3A, %swap3A_272] {strides = array<i32>} : memref<16x64xf32, #tpu.memory_space<vmem>>, vector<16xf32>,
            tpu.vector_store %arg12[%swap3A, %swap3A_272], %gather3A_271 {strides = array<i32>} : memref<16x64xf32, #tpu.memory_space<vmem>>, vector<16xf32>,
            %add3A_274 = arith.constant 16 : i32
            %add3A_275 = vector.broadcast %add3A_274 : i32 to vector<16xi32>
            %add3A_276 = arith.addi %iota3A, %add3A_275 : vector<16xi32>
            %gather3A_277 = arith.constant 1 : i32
            %gather3A_278 = arith.constant 0 : i32
            %gather3A_279 = arith.constant 0 : i32
            %gather3A_280 = tpu.memref_slice %arg10[%gather3A_277, %gather3A_278, %gather3A_279] : memref<2x64x512xf32, #tpu.memory_space<vmem>> -> memref<1x64x512xf32, #tpu.memory_space<vmem>>
            %gather3A_281 = tpu.memref_squeeze %gather3A_280 : memref<1x64x512xf32, #tpu.memory_space<vmem>> -> memref<64x512xf32, #tpu.memory_space<vmem>>
            %gather3A_282 = tpu.vector_load_idx %gather3A_281[%add3A_276, %broadcast_in_dim3A_257] : memref<64x512xf32, #tpu.memory_space<vmem>>[vector<16xi32>, vector<16xi32>], vector<16xf32>,
            %swap3A_283 = arith.index_cast %and3A_263 : i32 to index
            %swap3A_284 = arith.constant 16 : index
            %swap3A_285 = tpu.vector_load %arg12[%swap3A_283, %swap3A_284] {strides = array<i32>} : memref<16x64xf32, #tpu.memory_space<vmem>>, vector<16xf32>,
            tpu.vector_store %arg12[%swap3A_283, %swap3A_284], %gather3A_282 {strides = array<i32>} : memref<16x64xf32, #tpu.memory_space<vmem>>, vector<16xf32>,
            %add3A_286 = arith.constant 32 : i32
            %add3A_287 = vector.broadcast %add3A_286 : i32 to vector<16xi32>
            %add3A_288 = arith.addi %iota3A, %add3A_287 : vector<16xi32>
            %gather3A_289 = arith.constant 1 : i32
            %gather3A_290 = arith.constant 0 : i32
            %gather3A_291 = arith.constant 0 : i32
            %gather3A_292 = tpu.memref_slice %arg10[%gather3A_289, %gather3A_290, %gather3A_291] : memref<2x64x512xf32, #tpu.memory_space<vmem>> -> memref<1x64x512xf32, #tpu.memory_space<vmem>>
            %gather3A_293 = tpu.memref_squeeze %gather3A_292 : memref<1x64x512xf32, #tpu.memory_space<vmem>> -> memref<64x512xf32, #tpu.memory_space<vmem>>
            %gather3A_294 = tpu.vector_load_idx %gather3A_293[%add3A_288, %broadcast_in_dim3A_257] : memref<64x512xf32, #tpu.memory_space<vmem>>[vector<16xi32>, vector<16xi32>], vector<16xf32>,
            %swap3A_295 = arith.index_cast %and3A_263 : i32 to index
            %swap3A_296 = arith.constant 32 : index
            %swap3A_297 = tpu.vector_load %arg12[%swap3A_295, %swap3A_296] {strides = array<i32>} : memref<16x64xf32, #tpu.memory_space<vmem>>, vector<16xf32>,
            tpu.vector_store %arg12[%swap3A_295, %swap3A_296], %gather3A_294 {strides = array<i32>} : memref<16x64xf32, #tpu.memory_space<vmem>>, vector<16xf32>,
            %add3A_298 = arith.constant 48 : i32
            %add3A_299 = vector.broadcast %add3A_298 : i32 to vector<16xi32>
            %add3A_300 = arith.addi %iota3A, %add3A_299 : vector<16xi32>
            %gather3A_301 = arith.constant 1 : i32
            %gather3A_302 = arith.constant 0 : i32
            %gather3A_303 = arith.constant 0 : i32
            %gather3A_304 = tpu.memref_slice %arg10[%gather3A_301, %gather3A_302, %gather3A_303] : memref<2x64x512xf32, #tpu.memory_space<vmem>> -> memref<1x64x512xf32, #tpu.memory_space<vmem>>
            %gather3A_305 = tpu.memref_squeeze %gather3A_304 : memref<1x64x512xf32, #tpu.memory_space<vmem>> -> memref<64x512xf32, #tpu.memory_space<vmem>>
            %gather3A_306 = tpu.vector_load_idx %gather3A_305[%add3A_300, %broadcast_in_dim3A_257] : memref<64x512xf32, #tpu.memory_space<vmem>>[vector<16xi32>, vector<16xi32>], vector<16xf32>,
            %swap3A_307 = arith.index_cast %and3A_263 : i32 to index
            %swap3A_308 = arith.constant 48 : index
            %swap3A_309 = tpu.vector_load %arg12[%swap3A_307, %swap3A_308] {strides = array<i32>} : memref<16x64xf32, #tpu.memory_space<vmem>>, vector<16xf32>,
            tpu.vector_store %arg12[%swap3A_307, %swap3A_308], %gather3A_306 {strides = array<i32>} : memref<16x64xf32, #tpu.memory_space<vmem>>, vector<16xf32>,
            %shift_right_arithmetic3A = arith.constant 3 : i32
            %shift_right_arithmetic3A_310 = arith.shrsi %reduce_sum3A_255, %shift_right_arithmetic3A : i32
            %and3A_311 = arith.constant 7 : i32
            %and3A_312 = arith.andi %reduce_sum3A_255, %and3A_311 : i32
            %dma_start3A_313 = arith.constant 0 : i32
            %dma_start3A_314 = tpu.memref_slice %arg12[%and3A_263, %dma_start3A_313] : memref<16x64xf32, #tpu.memory_space<vmem>> -> memref<1x64xf32, #tpu.memory_space<vmem>>
            %dma_start3A_315 = tpu.memref_squeeze %dma_start3A_314 : memref<1x64xf32, #tpu.memory_space<vmem>> -> memref<64xf32, #tpu.memory_space<vmem>>
            %dma_start3A_316 = arith.constant 0 : i32
            %dma_start3A_317 = tpu.memref_slice %arg5[%shift_right_arithmetic3A_310, %and3A_312, %dma_start3A_316] : memref<2048x8x64xf32, #tpu.memory_space<hbm>> -> memref<1x1x64xf32, #tpu.memory_space<hbm>>
            %dma_start3A_318 = tpu.memref_squeeze %dma_start3A_317 : memref<1x1x64xf32, #tpu.memory_space<hbm>> -> memref<64xf32, #tpu.memory_space<hbm>>
            %dma_start3A_319 = arith.constant 0 : i32
            %dma_start3A_320 = tpu.memref_slice %arg5[%shift_right_arithmetic3A_310, %and3A_312, %dma_start3A_319] : memref<2048x8x64xf32, #tpu.memory_space<hbm>> -> memref<1x1x64xf32, #tpu.memory_space<hbm>>
            %dma_start3A_321 = tpu.memref_squeeze %dma_start3A_320 : memref<1x1x64xf32, #tpu.memory_space<hbm>> -> memref<64xf32, #tpu.memory_space<hbm>>
            %dma_start3A_322 = arith.constant 0 : i32
            %dma_start3A_323 = tpu.memref_slice %arg12[%and3A_263, %dma_start3A_322] : memref<16x64xf32, #tpu.memory_space<vmem>> -> memref<1x64xf32, #tpu.memory_space<vmem>>
            %dma_start3A_324 = tpu.memref_squeeze %dma_start3A_323 : memref<1x64xf32, #tpu.memory_space<vmem>> -> memref<64xf32, #tpu.memory_space<vmem>>
            tpu.enqueue_dma source(%dma_start3A_324 : memref<64xf32, #tpu.memory_space<vmem>>) target(%dma_start3A_321 : memref<64xf32, #tpu.memory_space<hbm>>) target_semaphore(%arg17 : memref<!tpu.dma_semaphore, #tpu.memory_space<semaphore_mem>>)
            %add3A_325 = arith.constant 1 : i32
            %add3A_326 = arith.addi %while3A_235, %add3A_325 : i32
            scf.yield %add3A_326 : i32
          }
          %while3A_232 = arith.constant 1 : i32
          %while3A_233 = scf.for %while3A_234 = %while3A_229 to %while3A_225 step %while3A_232 iter_args(%while3A_235 = %while3A_231) -> (i32)  : i32 {
            %eq3A_236 = vector.broadcast %while3A_234 : i32 to vector<16xi32>
            %eq3A_237 = arith.cmpi eq, %iota3A, %eq3A_236 : vector<16xi32>
            %get3A_238 = arith.constant 0 : index
            %get3A_239 = tpu.vector_load %arg13[%get3A_238] {strides = array<i32>} : memref<16xi32, #tpu.memory_space<vmem>>, vector<16xi32>,
            %jit3A_240 = arith.constant 0 : i32
            %broadcast_in_dim3A_241 = vector.broadcast %jit3A_240 : i32 to vector<16xi32>
            %select_n3A_242 = arith.select %eq3A_237, %get3A_239, %broadcast_in_dim3A_241 : vector<16xi1>, vector<16xi32>
            %reduce_sum3A_243 = arith.constant true
            %reduce_sum3A_244 = vector.broadcast %reduce_sum3A_243 : i1 to vector<16xi1>
            %reduce_sum3A_245 = tpu.scan <sum>, %select_n3A_242 masked %reduce_sum3A_244 : vector<16xi32>, vector<16xi1> -> vector<16xi32>
            %reduce_sum3A_246 = vector.extract %reduce_sum3A_245[15] : i32 from vector<16xi32>
            %get3A_247 = arith.constant 0 : index
            %get3A_248 = tpu.vector_load %arg14[%get3A_247] {strides = array<i32>} : memref<16xi32, #tpu.memory_space<vmem>>, vector<16xi32>,
            %jit3A_249 = arith.constant 0 : i32
            %broadcast_in_dim3A_250 = vector.broadcast %jit3A_249 : i32 to vector<16xi32>
            %select_n3A_251 = arith.select %eq3A_237, %get3A_248, %broadcast_in_dim3A_250 : vector<16xi1>, vector<16xi32>
            %reduce_sum3A_252 = arith.constant true
            %reduce_sum3A_253 = vector.broadcast %reduce_sum3A_252 : i1 to vector<16xi1>
            %reduce_sum3A_254 = tpu.scan <sum>, %select_n3A_251 masked %reduce_sum3A_253 : vector<16xi32>, vector<16xi1> -> vector<16xi32>
            %reduce_sum3A_255 = vector.extract %reduce_sum3A_254[15] : i32 from vector<16xi32>
            %sub3A_256 = arith.subi %reduce_sum3A_246, %min3A_190 : i32
            %broadcast_in_dim3A_257 = vector.broadcast %sub3A_256 : i32 to vector<16xi32>
            %ge3A = arith.constant 16 : i32
            %ge3A_258 = arith.cmpi sge, %while3A_235, %ge3A : i32
            %convert_element_type3A_259 = arith.extui %ge3A_258 : i1 to i32
            %cond3A_260 = arith.constant 0 : i32
            %cond3A_261 = arith.cmpi ne, %convert_element_type3A_259, %cond3A_260 : i32
            scf.if %cond3A_261 {
              %dma_wait3A_327 = arith.constant 0 : i32
              %dma_wait3A_328 = arith.constant 0 : i32
              %dma_wait3A_329 = arith.constant 0 : i32
              %dma_wait3A_330 = tpu.memref_slice %arg12[%dma_wait3A_328, %dma_wait3A_329] : memref<16x64xf32, #tpu.memory_space<vmem>> -> memref<1x64xf32, #tpu.memory_space<vmem>>
              %dma_wait3A_331 = tpu.memref_squeeze %dma_wait3A_330 : memref<1x64xf32, #tpu.memory_space<vmem>> -> memref<64xf32, #tpu.memory_space<vmem>>
              %dma_wait3A_332 = arith.constant 0 : i32
              %dma_wait3A_333 = tpu.memref_slice %arg4[%dma_wait3A_327, %dma_wait3A_332] : memref<64x64xf32, #tpu.memory_space<hbm>> -> memref<1x64xf32, #tpu.memory_space<hbm>>
              %dma_wait3A_334 = tpu.memref_squeeze %dma_wait3A_333 : memref<1x64xf32, #tpu.memory_space<hbm>> -> memref<64xf32, #tpu.memory_space<hbm>>
              %dma_wait3A_335 = arith.constant 0 : i32
              %dma_wait3A_336 = tpu.memref_slice %arg12[%dma_wait3A_328, %dma_wait3A_335] : memref<16x64xf32, #tpu.memory_space<vmem>> -> memref<1x64xf32, #tpu.memory_space<vmem>>
              %dma_wait3A_337 = tpu.memref_squeeze %dma_wait3A_336 : memref<1x64xf32, #tpu.memory_space<vmem>> -> memref<64xf32, #tpu.memory_space<vmem>>
              %dma_wait3A_338 = arith.constant 0 : i32
              %dma_wait3A_339 = tpu.memref_slice %arg4[%dma_wait3A_327, %dma_wait3A_338] : memref<64x64xf32, #tpu.memory_space<hbm>> -> memref<1x64xf32, #tpu.memory_space<hbm>>
              %dma_wait3A_340 = tpu.memref_squeeze %dma_wait3A_339 : memref<1x64xf32, #tpu.memory_space<hbm>> -> memref<64xf32, #tpu.memory_space<hbm>>
              tpu.wait_dma2 semaphore(%arg17 : memref<!tpu.dma_semaphore, #tpu.memory_space<semaphore_mem>>) src(%dma_wait3A_340 : memref<64xf32, #tpu.memory_space<hbm>>) dst(%dma_wait3A_337 : memref<64xf32, #tpu.memory_space<vmem>>)
            } else {
            }
            %and3A_262 = arith.constant 15 : i32
            %and3A_263 = arith.andi %while3A_235, %and3A_262 : i32
            %add3A_264 = arith.constant 0 : i32
            %add3A_265 = vector.broadcast %add3A_264 : i32 to vector<16xi32>
            %add3A_266 = arith.addi %iota3A, %add3A_265 : vector<16xi32>
            %gather3A = arith.constant 1 : i32
            %gather3A_267 = arith.constant 0 : i32
            %gather3A_268 = arith.constant 0 : i32
            %gather3A_269 = tpu.memref_slice %arg10[%gather3A, %gather3A_267, %gather3A_268] : memref<2x64x512xf32, #tpu.memory_space<vmem>> -> memref<1x64x512xf32, #tpu.memory_space<vmem>>
            %gather3A_270 = tpu.memref_squeeze %gather3A_269 : memref<1x64x512xf32, #tpu.memory_space<vmem>> -> memref<64x512xf32, #tpu.memory_space<vmem>>
            %gather3A_271 = tpu.vector_load_idx %gather3A_270[%add3A_266, %broadcast_in_dim3A_257] : memref<64x512xf32, #tpu.memory_space<vmem>>[vector<16xi32>, vector<16xi32>], vector<16xf32>,
            %swap3A = arith.index_cast %and3A_263 : i32 to index
            %swap3A_272 = arith.constant 0 : index
            %swap3A_273 = tpu.vector_load %arg12[%swap3A, %swap3A_272] {strides = array<i32>} : memref<16x64xf32, #tpu.memory_space<vmem>>, vector<16xf32>,
            tpu.vector_store %arg12[%swap3A, %swap3A_272], %gather3A_271 {strides = array<i32>} : memref<16x64xf32, #tpu.memory_space<vmem>>, vector<16xf32>,
            %add3A_274 = arith.constant 16 : i32
            %add3A_275 = vector.broadcast %add3A_274 : i32 to vector<16xi32>
            %add3A_276 = arith.addi %iota3A, %add3A_275 : vector<16xi32>
            %gather3A_277 = arith.constant 1 : i32
            %gather3A_278 = arith.constant 0 : i32
            %gather3A_279 = arith.constant 0 : i32
            %gather3A_280 = tpu.memref_slice %arg10[%gather3A_277, %gather3A_278, %gather3A_279] : memref<2x64x512xf32, #tpu.memory_space<vmem>> -> memref<1x64x512xf32, #tpu.memory_space<vmem>>
            %gather3A_281 = tpu.memref_squeeze %gather3A_280 : memref<1x64x512xf32, #tpu.memory_space<vmem>> -> memref<64x512xf32, #tpu.memory_space<vmem>>
            %gather3A_282 = tpu.vector_load_idx %gather3A_281[%add3A_276, %broadcast_in_dim3A_257] : memref<64x512xf32, #tpu.memory_space<vmem>>[vector<16xi32>, vector<16xi32>], vector<16xf32>,
            %swap3A_283 = arith.index_cast %and3A_263 : i32 to index
            %swap3A_284 = arith.constant 16 : index
            %swap3A_285 = tpu.vector_load %arg12[%swap3A_283, %swap3A_284] {strides = array<i32>} : memref<16x64xf32, #tpu.memory_space<vmem>>, vector<16xf32>,
            tpu.vector_store %arg12[%swap3A_283, %swap3A_284], %gather3A_282 {strides = array<i32>} : memref<16x64xf32, #tpu.memory_space<vmem>>, vector<16xf32>,
            %add3A_286 = arith.constant 32 : i32
            %add3A_287 = vector.broadcast %add3A_286 : i32 to vector<16xi32>
            %add3A_288 = arith.addi %iota3A, %add3A_287 : vector<16xi32>
            %gather3A_289 = arith.constant 1 : i32
            %gather3A_290 = arith.constant 0 : i32
            %gather3A_291 = arith.constant 0 : i32
            %gather3A_292 = tpu.memref_slice %arg10[%gather3A_289, %gather3A_290, %gather3A_291] : memref<2x64x512xf32, #tpu.memory_space<vmem>> -> memref<1x64x512xf32, #tpu.memory_space<vmem>>
            %gather3A_293 = tpu.memref_squeeze %gather3A_292 : memref<1x64x512xf32, #tpu.memory_space<vmem>> -> memref<64x512xf32, #tpu.memory_space<vmem>>
            %gather3A_294 = tpu.vector_load_idx %gather3A_293[%add3A_288, %broadcast_in_dim3A_257] : memref<64x512xf32, #tpu.memory_space<vmem>>[vector<16xi32>, vector<16xi32>], vector<16xf32>,
            %swap3A_295 = arith.index_cast %and3A_263 : i32 to index
            %swap3A_296 = arith.constant 32 : index
            %swap3A_297 = tpu.vector_load %arg12[%swap3A_295, %swap3A_296] {strides = array<i32>} : memref<16x64xf32, #tpu.memory_space<vmem>>, vector<16xf32>,
            tpu.vector_store %arg12[%swap3A_295, %swap3A_296], %gather3A_294 {strides = array<i32>} : memref<16x64xf32, #tpu.memory_space<vmem>>, vector<16xf32>,
            %add3A_298 = arith.constant 48 : i32
            %add3A_299 = vector.broadcast %add3A_298 : i32 to vector<16xi32>
            %add3A_300 = arith.addi %iota3A, %add3A_299 : vector<16xi32>
            %gather3A_301 = arith.constant 1 : i32
            %gather3A_302 = arith.constant 0 : i32
            %gather3A_303 = arith.constant 0 : i32
            %gather3A_304 = tpu.memref_slice %arg10[%gather3A_301, %gather3A_302, %gather3A_303] : memref<2x64x512xf32, #tpu.memory_space<vmem>> -> memref<1x64x512xf32, #tpu.memory_space<vmem>>
            %gather3A_305 = tpu.memref_squeeze %gather3A_304 : memref<1x64x512xf32, #tpu.memory_space<vmem>> -> memref<64x512xf32, #tpu.memory_space<vmem>>
            %gather3A_306 = tpu.vector_load_idx %gather3A_305[%add3A_300, %broadcast_in_dim3A_257] : memref<64x512xf32, #tpu.memory_space<vmem>>[vector<16xi32>, vector<16xi32>], vector<16xf32>,
            %swap3A_307 = arith.index_cast %and3A_263 : i32 to index
            %swap3A_308 = arith.constant 48 : index
            %swap3A_309 = tpu.vector_load %arg12[%swap3A_307, %swap3A_308] {strides = array<i32>} : memref<16x64xf32, #tpu.memory_space<vmem>>, vector<16xf32>,
            tpu.vector_store %arg12[%swap3A_307, %swap3A_308], %gather3A_306 {strides = array<i32>} : memref<16x64xf32, #tpu.memory_space<vmem>>, vector<16xf32>,
            %shift_right_arithmetic3A = arith.constant 3 : i32
            %shift_right_arithmetic3A_310 = arith.shrsi %reduce_sum3A_255, %shift_right_arithmetic3A : i32
            %and3A_311 = arith.constant 7 : i32
            %and3A_312 = arith.andi %reduce_sum3A_255, %and3A_311 : i32
            %dma_start3A_313 = arith.constant 0 : i32
            %dma_start3A_314 = tpu.memref_slice %arg12[%and3A_263, %dma_start3A_313] : memref<16x64xf32, #tpu.memory_space<vmem>> -> memref<1x64xf32, #tpu.memory_space<vmem>>
            %dma_start3A_315 = tpu.memref_squeeze %dma_start3A_314 : memref<1x64xf32, #tpu.memory_space<vmem>> -> memref<64xf32, #tpu.memory_space<vmem>>
            %dma_start3A_316 = arith.constant 0 : i32
            %dma_start3A_317 = tpu.memref_slice %arg5[%shift_right_arithmetic3A_310, %and3A_312, %dma_start3A_316] : memref<2048x8x64xf32, #tpu.memory_space<hbm>> -> memref<1x1x64xf32, #tpu.memory_space<hbm>>
            %dma_start3A_318 = tpu.memref_squeeze %dma_start3A_317 : memref<1x1x64xf32, #tpu.memory_space<hbm>> -> memref<64xf32, #tpu.memory_space<hbm>>
            %dma_start3A_319 = arith.constant 0 : i32
            %dma_start3A_320 = tpu.memref_slice %arg5[%shift_right_arithmetic3A_310, %and3A_312, %dma_start3A_319] : memref<2048x8x64xf32, #tpu.memory_space<hbm>> -> memref<1x1x64xf32, #tpu.memory_space<hbm>>
            %dma_start3A_321 = tpu.memref_squeeze %dma_start3A_320 : memref<1x1x64xf32, #tpu.memory_space<hbm>> -> memref<64xf32, #tpu.memory_space<hbm>>
            %dma_start3A_322 = arith.constant 0 : i32
            %dma_start3A_323 = tpu.memref_slice %arg12[%and3A_263, %dma_start3A_322] : memref<16x64xf32, #tpu.memory_space<vmem>> -> memref<1x64xf32, #tpu.memory_space<vmem>>
            %dma_start3A_324 = tpu.memref_squeeze %dma_start3A_323 : memref<1x64xf32, #tpu.memory_space<vmem>> -> memref<64xf32, #tpu.memory_space<vmem>>
            tpu.enqueue_dma source(%dma_start3A_324 : memref<64xf32, #tpu.memory_space<vmem>>) target(%dma_start3A_321 : memref<64xf32, #tpu.memory_space<hbm>>) target_semaphore(%arg17 : memref<!tpu.dma_semaphore, #tpu.memory_space<semaphore_mem>>)
            %add3A_325 = arith.constant 1 : i32
            %add3A_326 = arith.addi %while3A_235, %add3A_325 : i32
            scf.yield %add3A_326 : i32
          }
          scf.yield %while3A_233 : i32
        }
        %while3A_200 = arith.constant 1 : i32
        %while3A_201 = scf.for %while3A_202 = %while3A_197 to %while3A_193 step %while3A_200 iter_args(%while3A_203 = %while3A_199) -> (i32)  : i32 {
          %mul3A_204 = arith.constant 16 : i32
          %mul3A_205 = arith.muli %while3A_202, %mul3A_204 : i32
          %get3A = arith.index_cast %mul3A_205 : i32 to index
          %get3A_206 = tpu.vector_load %arg7[%get3A] {strides = array<i32>} : memref<16400xi32, #tpu.memory_space<vmem>>, vector<16xi32>,
          %mul3A_207 = arith.constant 16 : i32
          %mul3A_208 = arith.muli %while3A_202, %mul3A_207 : i32
          %get3A_209 = arith.index_cast %mul3A_208 : i32 to index
          %get3A_210 = tpu.vector_load %arg9[%get3A_209] {strides = array<i32>} : memref<16400xi32, #tpu.memory_space<vmem>>, vector<16xi32>,
          %eq3A = vector.broadcast %add3A_159 : i32 to vector<16xi32>
          %eq3A_211 = arith.cmpi eq, %get3A_210, %eq3A : vector<16xi32>
          %jit3A_212 = arith.constant 1 : i32
          %jit3A_213 = arith.constant 0 : i32
          %broadcast_in_dim3A = vector.broadcast %jit3A_212 : i32 to vector<16xi32>
          %broadcast_in_dim3A_214 = vector.broadcast %jit3A_213 : i32 to vector<16xi32>
          %select_n3A_215 = arith.select %eq3A_211, %broadcast_in_dim3A, %broadcast_in_dim3A_214 : vector<16xi1>, vector<16xi32>
          %reduce_sum3A = arith.constant true
          %reduce_sum3A_216 = vector.broadcast %reduce_sum3A : i1 to vector<16xi1>
          %reduce_sum3A_217 = tpu.scan <sum>, %select_n3A_215 masked %reduce_sum3A_216 : vector<16xi32>, vector<16xi1> -> vector<16xi32>
          %reduce_sum3A_218 = vector.extract %reduce_sum3A_217[15] : i32 from vector<16xi32>
          %gt3A = arith.constant 0 : i32
          %gt3A_219 = arith.cmpi sgt, %reduce_sum3A_218, %gt3A : i32
          %convert_element_type3A_220 = arith.extui %gt3A_219 : i1 to i32
          %cond3A_221 = arith.constant 0 : i32
          %cond3A_222 = arith.cmpi ne, %convert_element_type3A_220, %cond3A_221 : i32
          scf.if %cond3A_222 {
            %swap3A = arith.constant 0 : index
            %swap3A_234 = tpu.vector_load %arg13[%swap3A] masked %eq3A_211 {strides = array<i32>} : memref<16xi32, #tpu.memory_space<vmem>>, vector<16xi32>, vector<16xi1>
            tpu.vector_store %arg13[%swap3A], %get3A_206 masked %eq3A_211 {strides = array<i32>} : memref<16xi32, #tpu.memory_space<vmem>>, vector<16xi32>, vector<16xi1>
            %mul3A_235 = arith.constant 16 : i32
            %mul3A_236 = arith.muli %while3A_202, %mul3A_235 : i32
            %get3A_237 = arith.index_cast %mul3A_236 : i32 to index
            %get3A_238 = tpu.vector_load %arg8[%get3A_237] {strides = array<i32>} : memref<16400xi32, #tpu.memory_space<vmem>>, vector<16xi32>,
            %swap3A_239 = arith.constant 0 : index
            %swap3A_240 = tpu.vector_load %arg14[%swap3A_239] masked %eq3A_211 {strides = array<i32>} : memref<16xi32, #tpu.memory_space<vmem>>, vector<16xi32>, vector<16xi1>
            tpu.vector_store %arg14[%swap3A_239], %get3A_238 masked %eq3A_211 {strides = array<i32>} : memref<16xi32, #tpu.memory_space<vmem>>, vector<16xi32>, vector<16xi1>
          } else {
          }
          %while3A_223 = arith.constant 0 : i32
          %while3A_224 = arith.subi %reduce_sum3A_218, %while3A_223 : i32
          %while3A_225 = arith.addi %while3A_223, %while3A_224 : i32
          %while3A_226 = arith.constant 1 : i32
          %while3A_227 = arith.divsi %while3A_224, %while3A_226 : i32
          %while3A_228 = arith.muli %while3A_227, %while3A_226 : i32
          %while3A_229 = arith.addi %while3A_223, %while3A_228 : i32
          %while3A_230 = arith.constant 1 : i32
          %while3A_231 = scf.for %while3A_234 = %while3A_223 to %while3A_229 step %while3A_230 iter_args(%while3A_235 = %while3A_203) -> (i32)  : i32 {
            %eq3A_236 = vector.broadcast %while3A_234 : i32 to vector<16xi32>
            %eq3A_237 = arith.cmpi eq, %iota3A, %eq3A_236 : vector<16xi32>
            %get3A_238 = arith.constant 0 : index
            %get3A_239 = tpu.vector_load %arg13[%get3A_238] {strides = array<i32>} : memref<16xi32, #tpu.memory_space<vmem>>, vector<16xi32>,
            %jit3A_240 = arith.constant 0 : i32
            %broadcast_in_dim3A_241 = vector.broadcast %jit3A_240 : i32 to vector<16xi32>
            %select_n3A_242 = arith.select %eq3A_237, %get3A_239, %broadcast_in_dim3A_241 : vector<16xi1>, vector<16xi32>
            %reduce_sum3A_243 = arith.constant true
            %reduce_sum3A_244 = vector.broadcast %reduce_sum3A_243 : i1 to vector<16xi1>
            %reduce_sum3A_245 = tpu.scan <sum>, %select_n3A_242 masked %reduce_sum3A_244 : vector<16xi32>, vector<16xi1> -> vector<16xi32>
            %reduce_sum3A_246 = vector.extract %reduce_sum3A_245[15] : i32 from vector<16xi32>
            %get3A_247 = arith.constant 0 : index
            %get3A_248 = tpu.vector_load %arg14[%get3A_247] {strides = array<i32>} : memref<16xi32, #tpu.memory_space<vmem>>, vector<16xi32>,
            %jit3A_249 = arith.constant 0 : i32
            %broadcast_in_dim3A_250 = vector.broadcast %jit3A_249 : i32 to vector<16xi32>
            %select_n3A_251 = arith.select %eq3A_237, %get3A_248, %broadcast_in_dim3A_250 : vector<16xi1>, vector<16xi32>
            %reduce_sum3A_252 = arith.constant true
            %reduce_sum3A_253 = vector.broadcast %reduce_sum3A_252 : i1 to vector<16xi1>
            %reduce_sum3A_254 = tpu.scan <sum>, %select_n3A_251 masked %reduce_sum3A_253 : vector<16xi32>, vector<16xi1> -> vector<16xi32>
            %reduce_sum3A_255 = vector.extract %reduce_sum3A_254[15] : i32 from vector<16xi32>
            %sub3A_256 = arith.subi %reduce_sum3A_246, %min3A_190 : i32
            %broadcast_in_dim3A_257 = vector.broadcast %sub3A_256 : i32 to vector<16xi32>
            %ge3A = arith.constant 16 : i32
            %ge3A_258 = arith.cmpi sge, %while3A_235, %ge3A : i32
            %convert_element_type3A_259 = arith.extui %ge3A_258 : i1 to i32
            %cond3A_260 = arith.constant 0 : i32
            %cond3A_261 = arith.cmpi ne, %convert_element_type3A_259, %cond3A_260 : i32
            scf.if %cond3A_261 {
              %dma_wait3A_327 = arith.constant 0 : i32
              %dma_wait3A_328 = arith.constant 0 : i32
              %dma_wait3A_329 = arith.constant 0 : i32
              %dma_wait3A_330 = tpu.memref_slice %arg12[%dma_wait3A_328, %dma_wait3A_329] : memref<16x64xf32, #tpu.memory_space<vmem>> -> memref<1x64xf32, #tpu.memory_space<vmem>>
              %dma_wait3A_331 = tpu.memref_squeeze %dma_wait3A_330 : memref<1x64xf32, #tpu.memory_space<vmem>> -> memref<64xf32, #tpu.memory_space<vmem>>
              %dma_wait3A_332 = arith.constant 0 : i32
              %dma_wait3A_333 = tpu.memref_slice %arg4[%dma_wait3A_327, %dma_wait3A_332] : memref<64x64xf32, #tpu.memory_space<hbm>> -> memref<1x64xf32, #tpu.memory_space<hbm>>
              %dma_wait3A_334 = tpu.memref_squeeze %dma_wait3A_333 : memref<1x64xf32, #tpu.memory_space<hbm>> -> memref<64xf32, #tpu.memory_space<hbm>>
              %dma_wait3A_335 = arith.constant 0 : i32
              %dma_wait3A_336 = tpu.memref_slice %arg12[%dma_wait3A_328, %dma_wait3A_335] : memref<16x64xf32, #tpu.memory_space<vmem>> -> memref<1x64xf32, #tpu.memory_space<vmem>>
              %dma_wait3A_337 = tpu.memref_squeeze %dma_wait3A_336 : memref<1x64xf32, #tpu.memory_space<vmem>> -> memref<64xf32, #tpu.memory_space<vmem>>
              %dma_wait3A_338 = arith.constant 0 : i32
              %dma_wait3A_339 = tpu.memref_slice %arg4[%dma_wait3A_327, %dma_wait3A_338] : memref<64x64xf32, #tpu.memory_space<hbm>> -> memref<1x64xf32, #tpu.memory_space<hbm>>
              %dma_wait3A_340 = tpu.memref_squeeze %dma_wait3A_339 : memref<1x64xf32, #tpu.memory_space<hbm>> -> memref<64xf32, #tpu.memory_space<hbm>>
              tpu.wait_dma2 semaphore(%arg17 : memref<!tpu.dma_semaphore, #tpu.memory_space<semaphore_mem>>) src(%dma_wait3A_340 : memref<64xf32, #tpu.memory_space<hbm>>) dst(%dma_wait3A_337 : memref<64xf32, #tpu.memory_space<vmem>>)
            } else {
            }
            %and3A_262 = arith.constant 15 : i32
            %and3A_263 = arith.andi %while3A_235, %and3A_262 : i32
            %add3A_264 = arith.constant 0 : i32
            %add3A_265 = vector.broadcast %add3A_264 : i32 to vector<16xi32>
            %add3A_266 = arith.addi %iota3A, %add3A_265 : vector<16xi32>
            %gather3A = arith.constant 1 : i32
            %gather3A_267 = arith.constant 0 : i32
            %gather3A_268 = arith.constant 0 : i32
            %gather3A_269 = tpu.memref_slice %arg10[%gather3A, %gather3A_267, %gather3A_268] : memref<2x64x512xf32, #tpu.memory_space<vmem>> -> memref<1x64x512xf32, #tpu.memory_space<vmem>>
            %gather3A_270 = tpu.memref_squeeze %gather3A_269 : memref<1x64x512xf32, #tpu.memory_space<vmem>> -> memref<64x512xf32, #tpu.memory_space<vmem>>
            %gather3A_271 = tpu.vector_load_idx %gather3A_270[%add3A_266, %broadcast_in_dim3A_257] : memref<64x512xf32, #tpu.memory_space<vmem>>[vector<16xi32>, vector<16xi32>], vector<16xf32>,
            %swap3A = arith.index_cast %and3A_263 : i32 to index
            %swap3A_272 = arith.constant 0 : index
            %swap3A_273 = tpu.vector_load %arg12[%swap3A, %swap3A_272] {strides = array<i32>} : memref<16x64xf32, #tpu.memory_space<vmem>>, vector<16xf32>,
            tpu.vector_store %arg12[%swap3A, %swap3A_272], %gather3A_271 {strides = array<i32>} : memref<16x64xf32, #tpu.memory_space<vmem>>, vector<16xf32>,
            %add3A_274 = arith.constant 16 : i32
            %add3A_275 = vector.broadcast %add3A_274 : i32 to vector<16xi32>
            %add3A_276 = arith.addi %iota3A, %add3A_275 : vector<16xi32>
            %gather3A_277 = arith.constant 1 : i32
            %gather3A_278 = arith.constant 0 : i32
            %gather3A_279 = arith.constant 0 : i32
            %gather3A_280 = tpu.memref_slice %arg10[%gather3A_277, %gather3A_278, %gather3A_279] : memref<2x64x512xf32, #tpu.memory_space<vmem>> -> memref<1x64x512xf32, #tpu.memory_space<vmem>>
            %gather3A_281 = tpu.memref_squeeze %gather3A_280 : memref<1x64x512xf32, #tpu.memory_space<vmem>> -> memref<64x512xf32, #tpu.memory_space<vmem>>
            %gather3A_282 = tpu.vector_load_idx %gather3A_281[%add3A_276, %broadcast_in_dim3A_257] : memref<64x512xf32, #tpu.memory_space<vmem>>[vector<16xi32>, vector<16xi32>], vector<16xf32>,
            %swap3A_283 = arith.index_cast %and3A_263 : i32 to index
            %swap3A_284 = arith.constant 16 : index
            %swap3A_285 = tpu.vector_load %arg12[%swap3A_283, %swap3A_284] {strides = array<i32>} : memref<16x64xf32, #tpu.memory_space<vmem>>, vector<16xf32>,
            tpu.vector_store %arg12[%swap3A_283, %swap3A_284], %gather3A_282 {strides = array<i32>} : memref<16x64xf32, #tpu.memory_space<vmem>>, vector<16xf32>,
            %add3A_286 = arith.constant 32 : i32
            %add3A_287 = vector.broadcast %add3A_286 : i32 to vector<16xi32>
            %add3A_288 = arith.addi %iota3A, %add3A_287 : vector<16xi32>
            %gather3A_289 = arith.constant 1 : i32
            %gather3A_290 = arith.constant 0 : i32
            %gather3A_291 = arith.constant 0 : i32
            %gather3A_292 = tpu.memref_slice %arg10[%gather3A_289, %gather3A_290, %gather3A_291] : memref<2x64x512xf32, #tpu.memory_space<vmem>> -> memref<1x64x512xf32, #tpu.memory_space<vmem>>
            %gather3A_293 = tpu.memref_squeeze %gather3A_292 : memref<1x64x512xf32, #tpu.memory_space<vmem>> -> memref<64x512xf32, #tpu.memory_space<vmem>>
            %gather3A_294 = tpu.vector_load_idx %gather3A_293[%add3A_288, %broadcast_in_dim3A_257] : memref<64x512xf32, #tpu.memory_space<vmem>>[vector<16xi32>, vector<16xi32>], vector<16xf32>,
            %swap3A_295 = arith.index_cast %and3A_263 : i32 to index
            %swap3A_296 = arith.constant 32 : index
            %swap3A_297 = tpu.vector_load %arg12[%swap3A_295, %swap3A_296] {strides = array<i32>} : memref<16x64xf32, #tpu.memory_space<vmem>>, vector<16xf32>,
            tpu.vector_store %arg12[%swap3A_295, %swap3A_296], %gather3A_294 {strides = array<i32>} : memref<16x64xf32, #tpu.memory_space<vmem>>, vector<16xf32>,
            %add3A_298 = arith.constant 48 : i32
            %add3A_299 = vector.broadcast %add3A_298 : i32 to vector<16xi32>
            %add3A_300 = arith.addi %iota3A, %add3A_299 : vector<16xi32>
            %gather3A_301 = arith.constant 1 : i32
            %gather3A_302 = arith.constant 0 : i32
            %gather3A_303 = arith.constant 0 : i32
            %gather3A_304 = tpu.memref_slice %arg10[%gather3A_301, %gather3A_302, %gather3A_303] : memref<2x64x512xf32, #tpu.memory_space<vmem>> -> memref<1x64x512xf32, #tpu.memory_space<vmem>>
            %gather3A_305 = tpu.memref_squeeze %gather3A_304 : memref<1x64x512xf32, #tpu.memory_space<vmem>> -> memref<64x512xf32, #tpu.memory_space<vmem>>
            %gather3A_306 = tpu.vector_load_idx %gather3A_305[%add3A_300, %broadcast_in_dim3A_257] : memref<64x512xf32, #tpu.memory_space<vmem>>[vector<16xi32>, vector<16xi32>], vector<16xf32>,
            %swap3A_307 = arith.index_cast %and3A_263 : i32 to index
            %swap3A_308 = arith.constant 48 : index
            %swap3A_309 = tpu.vector_load %arg12[%swap3A_307, %swap3A_308] {strides = array<i32>} : memref<16x64xf32, #tpu.memory_space<vmem>>, vector<16xf32>,
            tpu.vector_store %arg12[%swap3A_307, %swap3A_308], %gather3A_306 {strides = array<i32>} : memref<16x64xf32, #tpu.memory_space<vmem>>, vector<16xf32>,
            %shift_right_arithmetic3A = arith.constant 3 : i32
            %shift_right_arithmetic3A_310 = arith.shrsi %reduce_sum3A_255, %shift_right_arithmetic3A : i32
            %and3A_311 = arith.constant 7 : i32
            %and3A_312 = arith.andi %reduce_sum3A_255, %and3A_311 : i32
            %dma_start3A_313 = arith.constant 0 : i32
            %dma_start3A_314 = tpu.memref_slice %arg12[%and3A_263, %dma_start3A_313] : memref<16x64xf32, #tpu.memory_space<vmem>> -> memref<1x64xf32, #tpu.memory_space<vmem>>
            %dma_start3A_315 = tpu.memref_squeeze %dma_start3A_314 : memref<1x64xf32, #tpu.memory_space<vmem>> -> memref<64xf32, #tpu.memory_space<vmem>>
            %dma_start3A_316 = arith.constant 0 : i32
            %dma_start3A_317 = tpu.memref_slice %arg5[%shift_right_arithmetic3A_310, %and3A_312, %dma_start3A_316] : memref<2048x8x64xf32, #tpu.memory_space<hbm>> -> memref<1x1x64xf32, #tpu.memory_space<hbm>>
            %dma_start3A_318 = tpu.memref_squeeze %dma_start3A_317 : memref<1x1x64xf32, #tpu.memory_space<hbm>> -> memref<64xf32, #tpu.memory_space<hbm>>
            %dma_start3A_319 = arith.constant 0 : i32
            %dma_start3A_320 = tpu.memref_slice %arg5[%shift_right_arithmetic3A_310, %and3A_312, %dma_start3A_319] : memref<2048x8x64xf32, #tpu.memory_space<hbm>> -> memref<1x1x64xf32, #tpu.memory_space<hbm>>
            %dma_start3A_321 = tpu.memref_squeeze %dma_start3A_320 : memref<1x1x64xf32, #tpu.memory_space<hbm>> -> memref<64xf32, #tpu.memory_space<hbm>>
            %dma_start3A_322 = arith.constant 0 : i32
            %dma_start3A_323 = tpu.memref_slice %arg12[%and3A_263, %dma_start3A_322] : memref<16x64xf32, #tpu.memory_space<vmem>> -> memref<1x64xf32, #tpu.memory_space<vmem>>
            %dma_start3A_324 = tpu.memref_squeeze %dma_start3A_323 : memref<1x64xf32, #tpu.memory_space<vmem>> -> memref<64xf32, #tpu.memory_space<vmem>>
            tpu.enqueue_dma source(%dma_start3A_324 : memref<64xf32, #tpu.memory_space<vmem>>) target(%dma_start3A_321 : memref<64xf32, #tpu.memory_space<hbm>>) target_semaphore(%arg17 : memref<!tpu.dma_semaphore, #tpu.memory_space<semaphore_mem>>)
            %add3A_325 = arith.constant 1 : i32
            %add3A_326 = arith.addi %while3A_235, %add3A_325 : i32
            scf.yield %add3A_326 : i32
          }
          %while3A_232 = arith.constant 1 : i32
          %while3A_233 = scf.for %while3A_234 = %while3A_229 to %while3A_225 step %while3A_232 iter_args(%while3A_235 = %while3A_231) -> (i32)  : i32 {
            %eq3A_236 = vector.broadcast %while3A_234 : i32 to vector<16xi32>
            %eq3A_237 = arith.cmpi eq, %iota3A, %eq3A_236 : vector<16xi32>
            %get3A_238 = arith.constant 0 : index
            %get3A_239 = tpu.vector_load %arg13[%get3A_238] {strides = array<i32>} : memref<16xi32, #tpu.memory_space<vmem>>, vector<16xi32>,
            %jit3A_240 = arith.constant 0 : i32
            %broadcast_in_dim3A_241 = vector.broadcast %jit3A_240 : i32 to vector<16xi32>
            %select_n3A_242 = arith.select %eq3A_237, %get3A_239, %broadcast_in_dim3A_241 : vector<16xi1>, vector<16xi32>
            %reduce_sum3A_243 = arith.constant true
            %reduce_sum3A_244 = vector.broadcast %reduce_sum3A_243 : i1 to vector<16xi1>
            %reduce_sum3A_245 = tpu.scan <sum>, %select_n3A_242 masked %reduce_sum3A_244 : vector<16xi32>, vector<16xi1> -> vector<16xi32>
            %reduce_sum3A_246 = vector.extract %reduce_sum3A_245[15] : i32 from vector<16xi32>
            %get3A_247 = arith.constant 0 : index
            %get3A_248 = tpu.vector_load %arg14[%get3A_247] {strides = array<i32>} : memref<16xi32, #tpu.memory_space<vmem>>, vector<16xi32>,
            %jit3A_249 = arith.constant 0 : i32
            %broadcast_in_dim3A_250 = vector.broadcast %jit3A_249 : i32 to vector<16xi32>
            %select_n3A_251 = arith.select %eq3A_237, %get3A_248, %broadcast_in_dim3A_250 : vector<16xi1>, vector<16xi32>
            %reduce_sum3A_252 = arith.constant true
            %reduce_sum3A_253 = vector.broadcast %reduce_sum3A_252 : i1 to vector<16xi1>
            %reduce_sum3A_254 = tpu.scan <sum>, %select_n3A_251 masked %reduce_sum3A_253 : vector<16xi32>, vector<16xi1> -> vector<16xi32>
            %reduce_sum3A_255 = vector.extract %reduce_sum3A_254[15] : i32 from vector<16xi32>
            %sub3A_256 = arith.subi %reduce_sum3A_246, %min3A_190 : i32
            %broadcast_in_dim3A_257 = vector.broadcast %sub3A_256 : i32 to vector<16xi32>
            %ge3A = arith.constant 16 : i32
            %ge3A_258 = arith.cmpi sge, %while3A_235, %ge3A : i32
            %convert_element_type3A_259 = arith.extui %ge3A_258 : i1 to i32
            %cond3A_260 = arith.constant 0 : i32
            %cond3A_261 = arith.cmpi ne, %convert_element_type3A_259, %cond3A_260 : i32
            scf.if %cond3A_261 {
              %dma_wait3A_327 = arith.constant 0 : i32
              %dma_wait3A_328 = arith.constant 0 : i32
              %dma_wait3A_329 = arith.constant 0 : i32
              %dma_wait3A_330 = tpu.memref_slice %arg12[%dma_wait3A_328, %dma_wait3A_329] : memref<16x64xf32, #tpu.memory_space<vmem>> -> memref<1x64xf32, #tpu.memory_space<vmem>>
              %dma_wait3A_331 = tpu.memref_squeeze %dma_wait3A_330 : memref<1x64xf32, #tpu.memory_space<vmem>> -> memref<64xf32, #tpu.memory_space<vmem>>
              %dma_wait3A_332 = arith.constant 0 : i32
              %dma_wait3A_333 = tpu.memref_slice %arg4[%dma_wait3A_327, %dma_wait3A_332] : memref<64x64xf32, #tpu.memory_space<hbm>> -> memref<1x64xf32, #tpu.memory_space<hbm>>
              %dma_wait3A_334 = tpu.memref_squeeze %dma_wait3A_333 : memref<1x64xf32, #tpu.memory_space<hbm>> -> memref<64xf32, #tpu.memory_space<hbm>>
              %dma_wait3A_335 = arith.constant 0 : i32
              %dma_wait3A_336 = tpu.memref_slice %arg12[%dma_wait3A_328, %dma_wait3A_335] : memref<16x64xf32, #tpu.memory_space<vmem>> -> memref<1x64xf32, #tpu.memory_space<vmem>>
              %dma_wait3A_337 = tpu.memref_squeeze %dma_wait3A_336 : memref<1x64xf32, #tpu.memory_space<vmem>> -> memref<64xf32, #tpu.memory_space<vmem>>
              %dma_wait3A_338 = arith.constant 0 : i32
              %dma_wait3A_339 = tpu.memref_slice %arg4[%dma_wait3A_327, %dma_wait3A_338] : memref<64x64xf32, #tpu.memory_space<hbm>> -> memref<1x64xf32, #tpu.memory_space<hbm>>
              %dma_wait3A_340 = tpu.memref_squeeze %dma_wait3A_339 : memref<1x64xf32, #tpu.memory_space<hbm>> -> memref<64xf32, #tpu.memory_space<hbm>>
              tpu.wait_dma2 semaphore(%arg17 : memref<!tpu.dma_semaphore, #tpu.memory_space<semaphore_mem>>) src(%dma_wait3A_340 : memref<64xf32, #tpu.memory_space<hbm>>) dst(%dma_wait3A_337 : memref<64xf32, #tpu.memory_space<vmem>>)
            } else {
            }
            %and3A_262 = arith.constant 15 : i32
            %and3A_263 = arith.andi %while3A_235, %and3A_262 : i32
            %add3A_264 = arith.constant 0 : i32
            %add3A_265 = vector.broadcast %add3A_264 : i32 to vector<16xi32>
            %add3A_266 = arith.addi %iota3A, %add3A_265 : vector<16xi32>
            %gather3A = arith.constant 1 : i32
            %gather3A_267 = arith.constant 0 : i32
            %gather3A_268 = arith.constant 0 : i32
            %gather3A_269 = tpu.memref_slice %arg10[%gather3A, %gather3A_267, %gather3A_268] : memref<2x64x512xf32, #tpu.memory_space<vmem>> -> memref<1x64x512xf32, #tpu.memory_space<vmem>>
            %gather3A_270 = tpu.memref_squeeze %gather3A_269 : memref<1x64x512xf32, #tpu.memory_space<vmem>> -> memref<64x512xf32, #tpu.memory_space<vmem>>
            %gather3A_271 = tpu.vector_load_idx %gather3A_270[%add3A_266, %broadcast_in_dim3A_257] : memref<64x512xf32, #tpu.memory_space<vmem>>[vector<16xi32>, vector<16xi32>], vector<16xf32>,
            %swap3A = arith.index_cast %and3A_263 : i32 to index
            %swap3A_272 = arith.constant 0 : index
            %swap3A_273 = tpu.vector_load %arg12[%swap3A, %swap3A_272] {strides = array<i32>} : memref<16x64xf32, #tpu.memory_space<vmem>>, vector<16xf32>,
            tpu.vector_store %arg12[%swap3A, %swap3A_272], %gather3A_271 {strides = array<i32>} : memref<16x64xf32, #tpu.memory_space<vmem>>, vector<16xf32>,
            %add3A_274 = arith.constant 16 : i32
            %add3A_275 = vector.broadcast %add3A_274 : i32 to vector<16xi32>
            %add3A_276 = arith.addi %iota3A, %add3A_275 : vector<16xi32>
            %gather3A_277 = arith.constant 1 : i32
            %gather3A_278 = arith.constant 0 : i32
            %gather3A_279 = arith.constant 0 : i32
            %gather3A_280 = tpu.memref_slice %arg10[%gather3A_277, %gather3A_278, %gather3A_279] : memref<2x64x512xf32, #tpu.memory_space<vmem>> -> memref<1x64x512xf32, #tpu.memory_space<vmem>>
            %gather3A_281 = tpu.memref_squeeze %gather3A_280 : memref<1x64x512xf32, #tpu.memory_space<vmem>> -> memref<64x512xf32, #tpu.memory_space<vmem>>
            %gather3A_282 = tpu.vector_load_idx %gather3A_281[%add3A_276, %broadcast_in_dim3A_257] : memref<64x512xf32, #tpu.memory_space<vmem>>[vector<16xi32>, vector<16xi32>], vector<16xf32>,
            %swap3A_283 = arith.index_cast %and3A_263 : i32 to index
            %swap3A_284 = arith.constant 16 : index
            %swap3A_285 = tpu.vector_load %arg12[%swap3A_283, %swap3A_284] {strides = array<i32>} : memref<16x64xf32, #tpu.memory_space<vmem>>, vector<16xf32>,
            tpu.vector_store %arg12[%swap3A_283, %swap3A_284], %gather3A_282 {strides = array<i32>} : memref<16x64xf32, #tpu.memory_space<vmem>>, vector<16xf32>,
            %add3A_286 = arith.constant 32 : i32
            %add3A_287 = vector.broadcast %add3A_286 : i32 to vector<16xi32>
            %add3A_288 = arith.addi %iota3A, %add3A_287 : vector<16xi32>
            %gather3A_289 = arith.constant 1 : i32
            %gather3A_290 = arith.constant 0 : i32
            %gather3A_291 = arith.constant 0 : i32
            %gather3A_292 = tpu.memref_slice %arg10[%gather3A_289, %gather3A_290, %gather3A_291] : memref<2x64x512xf32, #tpu.memory_space<vmem>> -> memref<1x64x512xf32, #tpu.memory_space<vmem>>
            %gather3A_293 = tpu.memref_squeeze %gather3A_292 : memref<1x64x512xf32, #tpu.memory_space<vmem>> -> memref<64x512xf32, #tpu.memory_space<vmem>>
            %gather3A_294 = tpu.vector_load_idx %gather3A_293[%add3A_288, %broadcast_in_dim3A_257] : memref<64x512xf32, #tpu.memory_space<vmem>>[vector<16xi32>, vector<16xi32>], vector<16xf32>,
            %swap3A_295 = arith.index_cast %and3A_263 : i32 to index
            %swap3A_296 = arith.constant 32 : index
            %swap3A_297 = tpu.vector_load %arg12[%swap3A_295, %swap3A_296] {strides = array<i32>} : memref<16x64xf32, #tpu.memory_space<vmem>>, vector<16xf32>,
            tpu.vector_store %arg12[%swap3A_295, %swap3A_296], %gather3A_294 {strides = array<i32>} : memref<16x64xf32, #tpu.memory_space<vmem>>, vector<16xf32>,
            %add3A_298 = arith.constant 48 : i32
            %add3A_299 = vector.broadcast %add3A_298 : i32 to vector<16xi32>
            %add3A_300 = arith.addi %iota3A, %add3A_299 : vector<16xi32>
            %gather3A_301 = arith.constant 1 : i32
            %gather3A_302 = arith.constant 0 : i32
            %gather3A_303 = arith.constant 0 : i32
            %gather3A_304 = tpu.memref_slice %arg10[%gather3A_301, %gather3A_302, %gather3A_303] : memref<2x64x512xf32, #tpu.memory_space<vmem>> -> memref<1x64x512xf32, #tpu.memory_space<vmem>>
            %gather3A_305 = tpu.memref_squeeze %gather3A_304 : memref<1x64x512xf32, #tpu.memory_space<vmem>> -> memref<64x512xf32, #tpu.memory_space<vmem>>
            %gather3A_306 = tpu.vector_load_idx %gather3A_305[%add3A_300, %broadcast_in_dim3A_257] : memref<64x512xf32, #tpu.memory_space<vmem>>[vector<16xi32>, vector<16xi32>], vector<16xf32>,
            %swap3A_307 = arith.index_cast %and3A_263 : i32 to index
            %swap3A_308 = arith.constant 48 : index
            %swap3A_309 = tpu.vector_load %arg12[%swap3A_307, %swap3A_308] {strides = array<i32>} : memref<16x64xf32, #tpu.memory_space<vmem>>, vector<16xf32>,
            tpu.vector_store %arg12[%swap3A_307, %swap3A_308], %gather3A_306 {strides = array<i32>} : memref<16x64xf32, #tpu.memory_space<vmem>>, vector<16xf32>,
            %shift_right_arithmetic3A = arith.constant 3 : i32
            %shift_right_arithmetic3A_310 = arith.shrsi %reduce_sum3A_255, %shift_right_arithmetic3A : i32
            %and3A_311 = arith.constant 7 : i32
            %and3A_312 = arith.andi %reduce_sum3A_255, %and3A_311 : i32
            %dma_start3A_313 = arith.constant 0 : i32
            %dma_start3A_314 = tpu.memref_slice %arg12[%and3A_263, %dma_start3A_313] : memref<16x64xf32, #tpu.memory_space<vmem>> -> memref<1x64xf32, #tpu.memory_space<vmem>>
            %dma_start3A_315 = tpu.memref_squeeze %dma_start3A_314 : memref<1x64xf32, #tpu.memory_space<vmem>> -> memref<64xf32, #tpu.memory_space<vmem>>
            %dma_start3A_316 = arith.constant 0 : i32
            %dma_start3A_317 = tpu.memref_slice %arg5[%shift_right_arithmetic3A_310, %and3A_312, %dma_start3A_316] : memref<2048x8x64xf32, #tpu.memory_space<hbm>> -> memref<1x1x64xf32, #tpu.memory_space<hbm>>
            %dma_start3A_318 = tpu.memref_squeeze %dma_start3A_317 : memref<1x1x64xf32, #tpu.memory_space<hbm>> -> memref<64xf32, #tpu.memory_space<hbm>>
            %dma_start3A_319 = arith.constant 0 : i32
            %dma_start3A_320 = tpu.memref_slice %arg5[%shift_right_arithmetic3A_310, %and3A_312, %dma_start3A_319] : memref<2048x8x64xf32, #tpu.memory_space<hbm>> -> memref<1x1x64xf32, #tpu.memory_space<hbm>>
            %dma_start3A_321 = tpu.memref_squeeze %dma_start3A_320 : memref<1x1x64xf32, #tpu.memory_space<hbm>> -> memref<64xf32, #tpu.memory_space<hbm>>
            %dma_start3A_322 = arith.constant 0 : i32
            %dma_start3A_323 = tpu.memref_slice %arg12[%and3A_263, %dma_start3A_322] : memref<16x64xf32, #tpu.memory_space<vmem>> -> memref<1x64xf32, #tpu.memory_space<vmem>>
            %dma_start3A_324 = tpu.memref_squeeze %dma_start3A_323 : memref<1x64xf32, #tpu.memory_space<vmem>> -> memref<64xf32, #tpu.memory_space<vmem>>
            tpu.enqueue_dma source(%dma_start3A_324 : memref<64xf32, #tpu.memory_space<vmem>>) target(%dma_start3A_321 : memref<64xf32, #tpu.memory_space<hbm>>) target_semaphore(%arg17 : memref<!tpu.dma_semaphore, #tpu.memory_space<semaphore_mem>>)
            %add3A_325 = arith.constant 1 : i32
            %add3A_326 = arith.addi %while3A_235, %add3A_325 : i32
            scf.yield %add3A_326 : i32
          }
          scf.yield %while3A_233 : i32
        }
        scf.yield %while3A_201 : i32
      } else {
        scf.yield %cond3A_155 : i32
      }
      scf.yield %cond3A_164 : i32
    }
    %while3A_123 = arith.constant 1 : i32
    %while3A_124 = scf.for %while3A_148 = %while3A_120 to %while3A_116 step %while3A_123 iter_args(%while3A_149 = %while3A_122) -> (i32)  : i32 {
      %mul3A_150 = arith.constant 2 : i32
      %mul3A_151 = arith.muli %while3A_148, %mul3A_150 : i32
      %add3A_152 = arith.constant 0 : i32
      %add3A_153 = arith.addi %mul3A_151, %add3A_152 : i32
      %lt3A = arith.cmpi slt, %add3A_153, %select_n3A : i32
      %convert_element_type3A = arith.extui %lt3A : i1 to i32
      %cond3A = arith.constant 0 : i32
      %cond3A_154 = arith.cmpi ne, %convert_element_type3A, %cond3A : i32
      %cond3A_155 = scf.if %cond3A_154 -> (i32) {
        %dma_wait3A = arith.constant 0 : i32
        %dma_wait3A_165 = arith.constant 0 : i32
        %dma_wait3A_166 = arith.constant 0 : i32
        %dma_wait3A_167 = tpu.memref_slice %arg10[%dma_wait3A, %dma_wait3A_165, %dma_wait3A_166] : memref<2x64x512xf32, #tpu.memory_space<vmem>> -> memref<1x64x512xf32, #tpu.memory_space<vmem>>
        %dma_wait3A_168 = tpu.memref_squeeze %dma_wait3A_167 : memref<1x64x512xf32, #tpu.memory_space<vmem>> -> memref<64x512xf32, #tpu.memory_space<vmem>>
        %dma_wait3A_169 = arith.constant 0 : i32
        %dma_wait3A_170 = arith.constant 0 : i32
        %dma_wait3A_171 = tpu.memref_slice %arg3[%dma_wait3A_169, %dma_wait3A_170] : memref<64x1000000xf32, #tpu.memory_space<hbm>> -> memref<64x512xf32, #tpu.memory_space<hbm>>
        %dma_wait3A_172 = arith.constant 0 : i32
        %dma_wait3A_173 = arith.constant 0 : i32
        %dma_wait3A_174 = tpu.memref_slice %arg10[%dma_wait3A, %dma_wait3A_172, %dma_wait3A_173] : memref<2x64x512xf32, #tpu.memory_space<vmem>> -> memref<1x64x512xf32, #tpu.memory_space<vmem>>
        %dma_wait3A_175 = tpu.memref_squeeze %dma_wait3A_174 : memref<1x64x512xf32, #tpu.memory_space<vmem>> -> memref<64x512xf32, #tpu.memory_space<vmem>>
        %dma_wait3A_176 = arith.constant 0 : i32
        %dma_wait3A_177 = arith.constant 0 : i32
        %dma_wait3A_178 = tpu.memref_slice %arg3[%dma_wait3A_176, %dma_wait3A_177] : memref<64x1000000xf32, #tpu.memory_space<hbm>> -> memref<64x512xf32, #tpu.memory_space<hbm>>
        tpu.wait_dma2 semaphore(%arg15 : memref<!tpu.dma_semaphore, #tpu.memory_space<semaphore_mem>>) src(%dma_wait3A_178 : memref<64x512xf32, #tpu.memory_space<hbm>>) dst(%dma_wait3A_175 : memref<64x512xf32, #tpu.memory_space<vmem>>)
        %add3A_179 = arith.constant 1 : i32
        %add3A_180 = arith.addi %add3A_153, %add3A_179 : i32
        %lt3A_181 = arith.cmpi slt, %add3A_180, %select_n3A : i32
        %convert_element_type3A_182 = arith.extui %lt3A_181 : i1 to i32
        %cond3A_183 = arith.constant 0 : i32
        %cond3A_184 = arith.cmpi ne, %convert_element_type3A_182, %cond3A_183 : i32
        scf.if %cond3A_184 {
          %add3A_202 = arith.constant 1 : i32
          %add3A_203 = arith.addi %add3A_153, %add3A_202 : i32
          %mul3A_204 = arith.constant 512 : i32
          %mul3A_205 = arith.muli %add3A_203, %mul3A_204 : i32
          %add3A_206 = arith.addi %mul3A_2, %mul3A_205 : i32
          %sub3A_207 = arith.constant 512 : i32
          %sub3A_208 = arith.subi %min3A_5, %sub3A_207 : i32
          %min3A_209 = arith.minsi %add3A_206, %sub3A_208 : i32
          %multiple_of3A_210 = tpu.assume_multiple %min3A_209, 128 : i32
          %dma_start3A_211 = arith.constant 1 : i32
          %dma_start3A_212 = arith.constant 0 : i32
          %dma_start3A_213 = arith.constant 0 : i32
          %dma_start3A_214 = tpu.memref_slice %arg10[%dma_start3A_211, %dma_start3A_212, %dma_start3A_213] : memref<2x64x512xf32, #tpu.memory_space<vmem>> -> memref<1x64x512xf32, #tpu.memory_space<vmem>>
          %dma_start3A_215 = tpu.memref_squeeze %dma_start3A_214 : memref<1x64x512xf32, #tpu.memory_space<vmem>> -> memref<64x512xf32, #tpu.memory_space<vmem>>
          %dma_start3A_216 = arith.constant 0 : i32
          %dma_start3A_217 = tpu.memref_slice %arg3[%dma_start3A_216, %multiple_of3A_210] : memref<64x1000000xf32, #tpu.memory_space<hbm>> -> memref<64x512xf32, #tpu.memory_space<hbm>>
          %dma_start3A_218 = arith.constant 0 : i32
          %dma_start3A_219 = arith.constant 0 : i32
          %dma_start3A_220 = tpu.memref_slice %arg10[%dma_start3A_211, %dma_start3A_218, %dma_start3A_219] : memref<2x64x512xf32, #tpu.memory_space<vmem>> -> memref<1x64x512xf32, #tpu.memory_space<vmem>>
          %dma_start3A_221 = tpu.memref_squeeze %dma_start3A_220 : memref<1x64x512xf32, #tpu.memory_space<vmem>> -> memref<64x512xf32, #tpu.memory_space<vmem>>
          %dma_start3A_222 = arith.constant 0 : i32
          %dma_start3A_223 = tpu.memref_slice %arg3[%dma_start3A_222, %multiple_of3A_210] : memref<64x1000000xf32, #tpu.memory_space<hbm>> -> memref<64x512xf32, #tpu.memory_space<hbm>>
          tpu.enqueue_dma source(%dma_start3A_223 : memref<64x512xf32, #tpu.memory_space<hbm>>) target(%dma_start3A_221 : memref<64x512xf32, #tpu.memory_space<vmem>>) target_semaphore(%arg16 : memref<!tpu.dma_semaphore, #tpu.memory_space<semaphore_mem>>)
        } else {
        }
        %mul3A_185 = arith.constant 512 : i32
        %mul3A_186 = arith.muli %add3A_153, %mul3A_185 : i32
        %add3A_187 = arith.addi %mul3A_2, %mul3A_186 : i32
        %sub3A_188 = arith.constant 512 : i32
        %sub3A_189 = arith.subi %min3A_5, %sub3A_188 : i32
        %min3A_190 = arith.minsi %add3A_187, %sub3A_189 : i32
        %while3A_191 = arith.constant 0 : i32
        %while3A_192 = arith.subi %select_n3A_60, %while3A_191 : i32
        %while3A_193 = arith.addi %while3A_191, %while3A_192 : i32
        %while3A_194 = arith.constant 1 : i32
        %while3A_195 = arith.divsi %while3A_192, %while3A_194 : i32
        %while3A_196 = arith.muli %while3A_195, %while3A_194 : i32
        %while3A_197 = arith.addi %while3A_191, %while3A_196 : i32
        %while3A_198 = arith.constant 1 : i32
        %while3A_199 = scf.for %while3A_202 = %while3A_191 to %while3A_197 step %while3A_198 iter_args(%while3A_203 = %while3A_149) -> (i32)  : i32 {
          %mul3A_204 = arith.constant 16 : i32
          %mul3A_205 = arith.muli %while3A_202, %mul3A_204 : i32
          %get3A = arith.index_cast %mul3A_205 : i32 to index
          %get3A_206 = tpu.vector_load %arg7[%get3A] {strides = array<i32>} : memref<16400xi32, #tpu.memory_space<vmem>>, vector<16xi32>,
          %mul3A_207 = arith.constant 16 : i32
          %mul3A_208 = arith.muli %while3A_202, %mul3A_207 : i32
          %get3A_209 = arith.index_cast %mul3A_208 : i32 to index
          %get3A_210 = tpu.vector_load %arg9[%get3A_209] {strides = array<i32>} : memref<16400xi32, #tpu.memory_space<vmem>>, vector<16xi32>,
          %eq3A = vector.broadcast %add3A_153 : i32 to vector<16xi32>
          %eq3A_211 = arith.cmpi eq, %get3A_210, %eq3A : vector<16xi32>
          %jit3A_212 = arith.constant 1 : i32
          %jit3A_213 = arith.constant 0 : i32
          %broadcast_in_dim3A = vector.broadcast %jit3A_212 : i32 to vector<16xi32>
          %broadcast_in_dim3A_214 = vector.broadcast %jit3A_213 : i32 to vector<16xi32>
          %select_n3A_215 = arith.select %eq3A_211, %broadcast_in_dim3A, %broadcast_in_dim3A_214 : vector<16xi1>, vector<16xi32>
          %reduce_sum3A = arith.constant true
          %reduce_sum3A_216 = vector.broadcast %reduce_sum3A : i1 to vector<16xi1>
          %reduce_sum3A_217 = tpu.scan <sum>, %select_n3A_215 masked %reduce_sum3A_216 : vector<16xi32>, vector<16xi1> -> vector<16xi32>
          %reduce_sum3A_218 = vector.extract %reduce_sum3A_217[15] : i32 from vector<16xi32>
          %gt3A = arith.constant 0 : i32
          %gt3A_219 = arith.cmpi sgt, %reduce_sum3A_218, %gt3A : i32
          %convert_element_type3A_220 = arith.extui %gt3A_219 : i1 to i32
          %cond3A_221 = arith.constant 0 : i32
          %cond3A_222 = arith.cmpi ne, %convert_element_type3A_220, %cond3A_221 : i32
          scf.if %cond3A_222 {
            %swap3A = arith.constant 0 : index
            %swap3A_234 = tpu.vector_load %arg13[%swap3A] masked %eq3A_211 {strides = array<i32>} : memref<16xi32, #tpu.memory_space<vmem>>, vector<16xi32>, vector<16xi1>
            tpu.vector_store %arg13[%swap3A], %get3A_206 masked %eq3A_211 {strides = array<i32>} : memref<16xi32, #tpu.memory_space<vmem>>, vector<16xi32>, vector<16xi1>
            %mul3A_235 = arith.constant 16 : i32
            %mul3A_236 = arith.muli %while3A_202, %mul3A_235 : i32
            %get3A_237 = arith.index_cast %mul3A_236 : i32 to index
            %get3A_238 = tpu.vector_load %arg8[%get3A_237] {strides = array<i32>} : memref<16400xi32, #tpu.memory_space<vmem>>, vector<16xi32>,
            %swap3A_239 = arith.constant 0 : index
            %swap3A_240 = tpu.vector_load %arg14[%swap3A_239] masked %eq3A_211 {strides = array<i32>} : memref<16xi32, #tpu.memory_space<vmem>>, vector<16xi32>, vector<16xi1>
            tpu.vector_store %arg14[%swap3A_239], %get3A_238 masked %eq3A_211 {strides = array<i32>} : memref<16xi32, #tpu.memory_space<vmem>>, vector<16xi32>, vector<16xi1>
          } else {
          }
          %while3A_223 = arith.constant 0 : i32
          %while3A_224 = arith.subi %reduce_sum3A_218, %while3A_223 : i32
          %while3A_225 = arith.addi %while3A_223, %while3A_224 : i32
          %while3A_226 = arith.constant 1 : i32
          %while3A_227 = arith.divsi %while3A_224, %while3A_226 : i32
          %while3A_228 = arith.muli %while3A_227, %while3A_226 : i32
          %while3A_229 = arith.addi %while3A_223, %while3A_228 : i32
          %while3A_230 = arith.constant 1 : i32
          %while3A_231 = scf.for %while3A_234 = %while3A_223 to %while3A_229 step %while3A_230 iter_args(%while3A_235 = %while3A_203) -> (i32)  : i32 {
            %eq3A_236 = vector.broadcast %while3A_234 : i32 to vector<16xi32>
            %eq3A_237 = arith.cmpi eq, %iota3A, %eq3A_236 : vector<16xi32>
            %get3A_238 = arith.constant 0 : index
            %get3A_239 = tpu.vector_load %arg13[%get3A_238] {strides = array<i32>} : memref<16xi32, #tpu.memory_space<vmem>>, vector<16xi32>,
            %jit3A_240 = arith.constant 0 : i32
            %broadcast_in_dim3A_241 = vector.broadcast %jit3A_240 : i32 to vector<16xi32>
            %select_n3A_242 = arith.select %eq3A_237, %get3A_239, %broadcast_in_dim3A_241 : vector<16xi1>, vector<16xi32>
            %reduce_sum3A_243 = arith.constant true
            %reduce_sum3A_244 = vector.broadcast %reduce_sum3A_243 : i1 to vector<16xi1>
            %reduce_sum3A_245 = tpu.scan <sum>, %select_n3A_242 masked %reduce_sum3A_244 : vector<16xi32>, vector<16xi1> -> vector<16xi32>
            %reduce_sum3A_246 = vector.extract %reduce_sum3A_245[15] : i32 from vector<16xi32>
            %get3A_247 = arith.constant 0 : index
            %get3A_248 = tpu.vector_load %arg14[%get3A_247] {strides = array<i32>} : memref<16xi32, #tpu.memory_space<vmem>>, vector<16xi32>,
            %jit3A_249 = arith.constant 0 : i32
            %broadcast_in_dim3A_250 = vector.broadcast %jit3A_249 : i32 to vector<16xi32>
            %select_n3A_251 = arith.select %eq3A_237, %get3A_248, %broadcast_in_dim3A_250 : vector<16xi1>, vector<16xi32>
            %reduce_sum3A_252 = arith.constant true
            %reduce_sum3A_253 = vector.broadcast %reduce_sum3A_252 : i1 to vector<16xi1>
            %reduce_sum3A_254 = tpu.scan <sum>, %select_n3A_251 masked %reduce_sum3A_253 : vector<16xi32>, vector<16xi1> -> vector<16xi32>
            %reduce_sum3A_255 = vector.extract %reduce_sum3A_254[15] : i32 from vector<16xi32>
            %sub3A_256 = arith.subi %reduce_sum3A_246, %min3A_190 : i32
            %broadcast_in_dim3A_257 = vector.broadcast %sub3A_256 : i32 to vector<16xi32>
            %ge3A = arith.constant 16 : i32
            %ge3A_258 = arith.cmpi sge, %while3A_235, %ge3A : i32
            %convert_element_type3A_259 = arith.extui %ge3A_258 : i1 to i32
            %cond3A_260 = arith.constant 0 : i32
            %cond3A_261 = arith.cmpi ne, %convert_element_type3A_259, %cond3A_260 : i32
            scf.if %cond3A_261 {
              %dma_wait3A_327 = arith.constant 0 : i32
              %dma_wait3A_328 = arith.constant 0 : i32
              %dma_wait3A_329 = arith.constant 0 : i32
              %dma_wait3A_330 = tpu.memref_slice %arg12[%dma_wait3A_328, %dma_wait3A_329] : memref<16x64xf32, #tpu.memory_space<vmem>> -> memref<1x64xf32, #tpu.memory_space<vmem>>
              %dma_wait3A_331 = tpu.memref_squeeze %dma_wait3A_330 : memref<1x64xf32, #tpu.memory_space<vmem>> -> memref<64xf32, #tpu.memory_space<vmem>>
              %dma_wait3A_332 = arith.constant 0 : i32
              %dma_wait3A_333 = tpu.memref_slice %arg4[%dma_wait3A_327, %dma_wait3A_332] : memref<64x64xf32, #tpu.memory_space<hbm>> -> memref<1x64xf32, #tpu.memory_space<hbm>>
              %dma_wait3A_334 = tpu.memref_squeeze %dma_wait3A_333 : memref<1x64xf32, #tpu.memory_space<hbm>> -> memref<64xf32, #tpu.memory_space<hbm>>
              %dma_wait3A_335 = arith.constant 0 : i32
              %dma_wait3A_336 = tpu.memref_slice %arg12[%dma_wait3A_328, %dma_wait3A_335] : memref<16x64xf32, #tpu.memory_space<vmem>> -> memref<1x64xf32, #tpu.memory_space<vmem>>
              %dma_wait3A_337 = tpu.memref_squeeze %dma_wait3A_336 : memref<1x64xf32, #tpu.memory_space<vmem>> -> memref<64xf32, #tpu.memory_space<vmem>>
              %dma_wait3A_338 = arith.constant 0 : i32
              %dma_wait3A_339 = tpu.memref_slice %arg4[%dma_wait3A_327, %dma_wait3A_338] : memref<64x64xf32, #tpu.memory_space<hbm>> -> memref<1x64xf32, #tpu.memory_space<hbm>>
              %dma_wait3A_340 = tpu.memref_squeeze %dma_wait3A_339 : memref<1x64xf32, #tpu.memory_space<hbm>> -> memref<64xf32, #tpu.memory_space<hbm>>
              tpu.wait_dma2 semaphore(%arg17 : memref<!tpu.dma_semaphore, #tpu.memory_space<semaphore_mem>>) src(%dma_wait3A_340 : memref<64xf32, #tpu.memory_space<hbm>>) dst(%dma_wait3A_337 : memref<64xf32, #tpu.memory_space<vmem>>)
            } else {
            }
            %and3A_262 = arith.constant 15 : i32
            %and3A_263 = arith.andi %while3A_235, %and3A_262 : i32
            %add3A_264 = arith.constant 0 : i32
            %add3A_265 = vector.broadcast %add3A_264 : i32 to vector<16xi32>
            %add3A_266 = arith.addi %iota3A, %add3A_265 : vector<16xi32>
            %gather3A = arith.constant 0 : i32
            %gather3A_267 = arith.constant 0 : i32
            %gather3A_268 = arith.constant 0 : i32
            %gather3A_269 = tpu.memref_slice %arg10[%gather3A, %gather3A_267, %gather3A_268] : memref<2x64x512xf32, #tpu.memory_space<vmem>> -> memref<1x64x512xf32, #tpu.memory_space<vmem>>
            %gather3A_270 = tpu.memref_squeeze %gather3A_269 : memref<1x64x512xf32, #tpu.memory_space<vmem>> -> memref<64x512xf32, #tpu.memory_space<vmem>>
            %gather3A_271 = tpu.vector_load_idx %gather3A_270[%add3A_266, %broadcast_in_dim3A_257] : memref<64x512xf32, #tpu.memory_space<vmem>>[vector<16xi32>, vector<16xi32>], vector<16xf32>,
            %swap3A = arith.index_cast %and3A_263 : i32 to index
            %swap3A_272 = arith.constant 0 : index
            %swap3A_273 = tpu.vector_load %arg12[%swap3A, %swap3A_272] {strides = array<i32>} : memref<16x64xf32, #tpu.memory_space<vmem>>, vector<16xf32>,
            tpu.vector_store %arg12[%swap3A, %swap3A_272], %gather3A_271 {strides = array<i32>} : memref<16x64xf32, #tpu.memory_space<vmem>>, vector<16xf32>,
            %add3A_274 = arith.constant 16 : i32
            %add3A_275 = vector.broadcast %add3A_274 : i32 to vector<16xi32>
            %add3A_276 = arith.addi %iota3A, %add3A_275 : vector<16xi32>
            %gather3A_277 = arith.constant 0 : i32
            %gather3A_278 = arith.constant 0 : i32
            %gather3A_279 = arith.constant 0 : i32
            %gather3A_280 = tpu.memref_slice %arg10[%gather3A_277, %gather3A_278, %gather3A_279] : memref<2x64x512xf32, #tpu.memory_space<vmem>> -> memref<1x64x512xf32, #tpu.memory_space<vmem>>
            %gather3A_281 = tpu.memref_squeeze %gather3A_280 : memref<1x64x512xf32, #tpu.memory_space<vmem>> -> memref<64x512xf32, #tpu.memory_space<vmem>>
            %gather3A_282 = tpu.vector_load_idx %gather3A_281[%add3A_276, %broadcast_in_dim3A_257] : memref<64x512xf32, #tpu.memory_space<vmem>>[vector<16xi32>, vector<16xi32>], vector<16xf32>,
            %swap3A_283 = arith.index_cast %and3A_263 : i32 to index
            %swap3A_284 = arith.constant 16 : index
            %swap3A_285 = tpu.vector_load %arg12[%swap3A_283, %swap3A_284] {strides = array<i32>} : memref<16x64xf32, #tpu.memory_space<vmem>>, vector<16xf32>,
            tpu.vector_store %arg12[%swap3A_283, %swap3A_284], %gather3A_282 {strides = array<i32>} : memref<16x64xf32, #tpu.memory_space<vmem>>, vector<16xf32>,
            %add3A_286 = arith.constant 32 : i32
            %add3A_287 = vector.broadcast %add3A_286 : i32 to vector<16xi32>
            %add3A_288 = arith.addi %iota3A, %add3A_287 : vector<16xi32>
            %gather3A_289 = arith.constant 0 : i32
            %gather3A_290 = arith.constant 0 : i32
            %gather3A_291 = arith.constant 0 : i32
            %gather3A_292 = tpu.memref_slice %arg10[%gather3A_289, %gather3A_290, %gather3A_291] : memref<2x64x512xf32, #tpu.memory_space<vmem>> -> memref<1x64x512xf32, #tpu.memory_space<vmem>>
            %gather3A_293 = tpu.memref_squeeze %gather3A_292 : memref<1x64x512xf32, #tpu.memory_space<vmem>> -> memref<64x512xf32, #tpu.memory_space<vmem>>
            %gather3A_294 = tpu.vector_load_idx %gather3A_293[%add3A_288, %broadcast_in_dim3A_257] : memref<64x512xf32, #tpu.memory_space<vmem>>[vector<16xi32>, vector<16xi32>], vector<16xf32>,
            %swap3A_295 = arith.index_cast %and3A_263 : i32 to index
            %swap3A_296 = arith.constant 32 : index
            %swap3A_297 = tpu.vector_load %arg12[%swap3A_295, %swap3A_296] {strides = array<i32>} : memref<16x64xf32, #tpu.memory_space<vmem>>, vector<16xf32>,
            tpu.vector_store %arg12[%swap3A_295, %swap3A_296], %gather3A_294 {strides = array<i32>} : memref<16x64xf32, #tpu.memory_space<vmem>>, vector<16xf32>,
            %add3A_298 = arith.constant 48 : i32
            %add3A_299 = vector.broadcast %add3A_298 : i32 to vector<16xi32>
            %add3A_300 = arith.addi %iota3A, %add3A_299 : vector<16xi32>
            %gather3A_301 = arith.constant 0 : i32
            %gather3A_302 = arith.constant 0 : i32
            %gather3A_303 = arith.constant 0 : i32
            %gather3A_304 = tpu.memref_slice %arg10[%gather3A_301, %gather3A_302, %gather3A_303] : memref<2x64x512xf32, #tpu.memory_space<vmem>> -> memref<1x64x512xf32, #tpu.memory_space<vmem>>
            %gather3A_305 = tpu.memref_squeeze %gather3A_304 : memref<1x64x512xf32, #tpu.memory_space<vmem>> -> memref<64x512xf32, #tpu.memory_space<vmem>>
            %gather3A_306 = tpu.vector_load_idx %gather3A_305[%add3A_300, %broadcast_in_dim3A_257] : memref<64x512xf32, #tpu.memory_space<vmem>>[vector<16xi32>, vector<16xi32>], vector<16xf32>,
            %swap3A_307 = arith.index_cast %and3A_263 : i32 to index
            %swap3A_308 = arith.constant 48 : index
            %swap3A_309 = tpu.vector_load %arg12[%swap3A_307, %swap3A_308] {strides = array<i32>} : memref<16x64xf32, #tpu.memory_space<vmem>>, vector<16xf32>,
            tpu.vector_store %arg12[%swap3A_307, %swap3A_308], %gather3A_306 {strides = array<i32>} : memref<16x64xf32, #tpu.memory_space<vmem>>, vector<16xf32>,
            %shift_right_arithmetic3A = arith.constant 3 : i32
            %shift_right_arithmetic3A_310 = arith.shrsi %reduce_sum3A_255, %shift_right_arithmetic3A : i32
            %and3A_311 = arith.constant 7 : i32
            %and3A_312 = arith.andi %reduce_sum3A_255, %and3A_311 : i32
            %dma_start3A_313 = arith.constant 0 : i32
            %dma_start3A_314 = tpu.memref_slice %arg12[%and3A_263, %dma_start3A_313] : memref<16x64xf32, #tpu.memory_space<vmem>> -> memref<1x64xf32, #tpu.memory_space<vmem>>
            %dma_start3A_315 = tpu.memref_squeeze %dma_start3A_314 : memref<1x64xf32, #tpu.memory_space<vmem>> -> memref<64xf32, #tpu.memory_space<vmem>>
            %dma_start3A_316 = arith.constant 0 : i32
            %dma_start3A_317 = tpu.memref_slice %arg5[%shift_right_arithmetic3A_310, %and3A_312, %dma_start3A_316] : memref<2048x8x64xf32, #tpu.memory_space<hbm>> -> memref<1x1x64xf32, #tpu.memory_space<hbm>>
            %dma_start3A_318 = tpu.memref_squeeze %dma_start3A_317 : memref<1x1x64xf32, #tpu.memory_space<hbm>> -> memref<64xf32, #tpu.memory_space<hbm>>
            %dma_start3A_319 = arith.constant 0 : i32
            %dma_start3A_320 = tpu.memref_slice %arg5[%shift_right_arithmetic3A_310, %and3A_312, %dma_start3A_319] : memref<2048x8x64xf32, #tpu.memory_space<hbm>> -> memref<1x1x64xf32, #tpu.memory_space<hbm>>
            %dma_start3A_321 = tpu.memref_squeeze %dma_start3A_320 : memref<1x1x64xf32, #tpu.memory_space<hbm>> -> memref<64xf32, #tpu.memory_space<hbm>>
            %dma_start3A_322 = arith.constant 0 : i32
            %dma_start3A_323 = tpu.memref_slice %arg12[%and3A_263, %dma_start3A_322] : memref<16x64xf32, #tpu.memory_space<vmem>> -> memref<1x64xf32, #tpu.memory_space<vmem>>
            %dma_start3A_324 = tpu.memref_squeeze %dma_start3A_323 : memref<1x64xf32, #tpu.memory_space<vmem>> -> memref<64xf32, #tpu.memory_space<vmem>>
            tpu.enqueue_dma source(%dma_start3A_324 : memref<64xf32, #tpu.memory_space<vmem>>) target(%dma_start3A_321 : memref<64xf32, #tpu.memory_space<hbm>>) target_semaphore(%arg17 : memref<!tpu.dma_semaphore, #tpu.memory_space<semaphore_mem>>)
            %add3A_325 = arith.constant 1 : i32
            %add3A_326 = arith.addi %while3A_235, %add3A_325 : i32
            scf.yield %add3A_326 : i32
          }
          %while3A_232 = arith.constant 1 : i32
          %while3A_233 = scf.for %while3A_234 = %while3A_229 to %while3A_225 step %while3A_232 iter_args(%while3A_235 = %while3A_231) -> (i32)  : i32 {
            %eq3A_236 = vector.broadcast %while3A_234 : i32 to vector<16xi32>
            %eq3A_237 = arith.cmpi eq, %iota3A, %eq3A_236 : vector<16xi32>
            %get3A_238 = arith.constant 0 : index
            %get3A_239 = tpu.vector_load %arg13[%get3A_238] {strides = array<i32>} : memref<16xi32, #tpu.memory_space<vmem>>, vector<16xi32>,
            %jit3A_240 = arith.constant 0 : i32
            %broadcast_in_dim3A_241 = vector.broadcast %jit3A_240 : i32 to vector<16xi32>
            %select_n3A_242 = arith.select %eq3A_237, %get3A_239, %broadcast_in_dim3A_241 : vector<16xi1>, vector<16xi32>
            %reduce_sum3A_243 = arith.constant true
            %reduce_sum3A_244 = vector.broadcast %reduce_sum3A_243 : i1 to vector<16xi1>
            %reduce_sum3A_245 = tpu.scan <sum>, %select_n3A_242 masked %reduce_sum3A_244 : vector<16xi32>, vector<16xi1> -> vector<16xi32>
            %reduce_sum3A_246 = vector.extract %reduce_sum3A_245[15] : i32 from vector<16xi32>
            %get3A_247 = arith.constant 0 : index
            %get3A_248 = tpu.vector_load %arg14[%get3A_247] {strides = array<i32>} : memref<16xi32, #tpu.memory_space<vmem>>, vector<16xi32>,
            %jit3A_249 = arith.constant 0 : i32
            %broadcast_in_dim3A_250 = vector.broadcast %jit3A_249 : i32 to vector<16xi32>
            %select_n3A_251 = arith.select %eq3A_237, %get3A_248, %broadcast_in_dim3A_250 : vector<16xi1>, vector<16xi32>
            %reduce_sum3A_252 = arith.constant true
            %reduce_sum3A_253 = vector.broadcast %reduce_sum3A_252 : i1 to vector<16xi1>
            %reduce_sum3A_254 = tpu.scan <sum>, %select_n3A_251 masked %reduce_sum3A_253 : vector<16xi32>, vector<16xi1> -> vector<16xi32>
            %reduce_sum3A_255 = vector.extract %reduce_sum3A_254[15] : i32 from vector<16xi32>
            %sub3A_256 = arith.subi %reduce_sum3A_246, %min3A_190 : i32
            %broadcast_in_dim3A_257 = vector.broadcast %sub3A_256 : i32 to vector<16xi32>
            %ge3A = arith.constant 16 : i32
            %ge3A_258 = arith.cmpi sge, %while3A_235, %ge3A : i32
            %convert_element_type3A_259 = arith.extui %ge3A_258 : i1 to i32
            %cond3A_260 = arith.constant 0 : i32
            %cond3A_261 = arith.cmpi ne, %convert_element_type3A_259, %cond3A_260 : i32
            scf.if %cond3A_261 {
              %dma_wait3A_327 = arith.constant 0 : i32
              %dma_wait3A_328 = arith.constant 0 : i32
              %dma_wait3A_329 = arith.constant 0 : i32
              %dma_wait3A_330 = tpu.memref_slice %arg12[%dma_wait3A_328, %dma_wait3A_329] : memref<16x64xf32, #tpu.memory_space<vmem>> -> memref<1x64xf32, #tpu.memory_space<vmem>>
              %dma_wait3A_331 = tpu.memref_squeeze %dma_wait3A_330 : memref<1x64xf32, #tpu.memory_space<vmem>> -> memref<64xf32, #tpu.memory_space<vmem>>
              %dma_wait3A_332 = arith.constant 0 : i32
              %dma_wait3A_333 = tpu.memref_slice %arg4[%dma_wait3A_327, %dma_wait3A_332] : memref<64x64xf32, #tpu.memory_space<hbm>> -> memref<1x64xf32, #tpu.memory_space<hbm>>
              %dma_wait3A_334 = tpu.memref_squeeze %dma_wait3A_333 : memref<1x64xf32, #tpu.memory_space<hbm>> -> memref<64xf32, #tpu.memory_space<hbm>>
              %dma_wait3A_335 = arith.constant 0 : i32
              %dma_wait3A_336 = tpu.memref_slice %arg12[%dma_wait3A_328, %dma_wait3A_335] : memref<16x64xf32, #tpu.memory_space<vmem>> -> memref<1x64xf32, #tpu.memory_space<vmem>>
              %dma_wait3A_337 = tpu.memref_squeeze %dma_wait3A_336 : memref<1x64xf32, #tpu.memory_space<vmem>> -> memref<64xf32, #tpu.memory_space<vmem>>
              %dma_wait3A_338 = arith.constant 0 : i32
              %dma_wait3A_339 = tpu.memref_slice %arg4[%dma_wait3A_327, %dma_wait3A_338] : memref<64x64xf32, #tpu.memory_space<hbm>> -> memref<1x64xf32, #tpu.memory_space<hbm>>
              %dma_wait3A_340 = tpu.memref_squeeze %dma_wait3A_339 : memref<1x64xf32, #tpu.memory_space<hbm>> -> memref<64xf32, #tpu.memory_space<hbm>>
              tpu.wait_dma2 semaphore(%arg17 : memref<!tpu.dma_semaphore, #tpu.memory_space<semaphore_mem>>) src(%dma_wait3A_340 : memref<64xf32, #tpu.memory_space<hbm>>) dst(%dma_wait3A_337 : memref<64xf32, #tpu.memory_space<vmem>>)
            } else {
            }
            %and3A_262 = arith.constant 15 : i32
            %and3A_263 = arith.andi %while3A_235, %and3A_262 : i32
            %add3A_264 = arith.constant 0 : i32
            %add3A_265 = vector.broadcast %add3A_264 : i32 to vector<16xi32>
            %add3A_266 = arith.addi %iota3A, %add3A_265 : vector<16xi32>
            %gather3A = arith.constant 0 : i32
            %gather3A_267 = arith.constant 0 : i32
            %gather3A_268 = arith.constant 0 : i32
            %gather3A_269 = tpu.memref_slice %arg10[%gather3A, %gather3A_267, %gather3A_268] : memref<2x64x512xf32, #tpu.memory_space<vmem>> -> memref<1x64x512xf32, #tpu.memory_space<vmem>>
            %gather3A_270 = tpu.memref_squeeze %gather3A_269 : memref<1x64x512xf32, #tpu.memory_space<vmem>> -> memref<64x512xf32, #tpu.memory_space<vmem>>
            %gather3A_271 = tpu.vector_load_idx %gather3A_270[%add3A_266, %broadcast_in_dim3A_257] : memref<64x512xf32, #tpu.memory_space<vmem>>[vector<16xi32>, vector<16xi32>], vector<16xf32>,
            %swap3A = arith.index_cast %and3A_263 : i32 to index
            %swap3A_272 = arith.constant 0 : index
            %swap3A_273 = tpu.vector_load %arg12[%swap3A, %swap3A_272] {strides = array<i32>} : memref<16x64xf32, #tpu.memory_space<vmem>>, vector<16xf32>,
            tpu.vector_store %arg12[%swap3A, %swap3A_272], %gather3A_271 {strides = array<i32>} : memref<16x64xf32, #tpu.memory_space<vmem>>, vector<16xf32>,
            %add3A_274 = arith.constant 16 : i32
            %add3A_275 = vector.broadcast %add3A_274 : i32 to vector<16xi32>
            %add3A_276 = arith.addi %iota3A, %add3A_275 : vector<16xi32>
            %gather3A_277 = arith.constant 0 : i32
            %gather3A_278 = arith.constant 0 : i32
            %gather3A_279 = arith.constant 0 : i32
            %gather3A_280 = tpu.memref_slice %arg10[%gather3A_277, %gather3A_278, %gather3A_279] : memref<2x64x512xf32, #tpu.memory_space<vmem>> -> memref<1x64x512xf32, #tpu.memory_space<vmem>>
            %gather3A_281 = tpu.memref_squeeze %gather3A_280 : memref<1x64x512xf32, #tpu.memory_space<vmem>> -> memref<64x512xf32, #tpu.memory_space<vmem>>
            %gather3A_282 = tpu.vector_load_idx %gather3A_281[%add3A_276, %broadcast_in_dim3A_257] : memref<64x512xf32, #tpu.memory_space<vmem>>[vector<16xi32>, vector<16xi32>], vector<16xf32>,
            %swap3A_283 = arith.index_cast %and3A_263 : i32 to index
            %swap3A_284 = arith.constant 16 : index
            %swap3A_285 = tpu.vector_load %arg12[%swap3A_283, %swap3A_284] {strides = array<i32>} : memref<16x64xf32, #tpu.memory_space<vmem>>, vector<16xf32>,
            tpu.vector_store %arg12[%swap3A_283, %swap3A_284], %gather3A_282 {strides = array<i32>} : memref<16x64xf32, #tpu.memory_space<vmem>>, vector<16xf32>,
            %add3A_286 = arith.constant 32 : i32
            %add3A_287 = vector.broadcast %add3A_286 : i32 to vector<16xi32>
            %add3A_288 = arith.addi %iota3A, %add3A_287 : vector<16xi32>
            %gather3A_289 = arith.constant 0 : i32
            %gather3A_290 = arith.constant 0 : i32
            %gather3A_291 = arith.constant 0 : i32
            %gather3A_292 = tpu.memref_slice %arg10[%gather3A_289, %gather3A_290, %gather3A_291] : memref<2x64x512xf32, #tpu.memory_space<vmem>> -> memref<1x64x512xf32, #tpu.memory_space<vmem>>
            %gather3A_293 = tpu.memref_squeeze %gather3A_292 : memref<1x64x512xf32, #tpu.memory_space<vmem>> -> memref<64x512xf32, #tpu.memory_space<vmem>>
            %gather3A_294 = tpu.vector_load_idx %gather3A_293[%add3A_288, %broadcast_in_dim3A_257] : memref<64x512xf32, #tpu.memory_space<vmem>>[vector<16xi32>, vector<16xi32>], vector<16xf32>,
            %swap3A_295 = arith.index_cast %and3A_263 : i32 to index
            %swap3A_296 = arith.constant 32 : index
            %swap3A_297 = tpu.vector_load %arg12[%swap3A_295, %swap3A_296] {strides = array<i32>} : memref<16x64xf32, #tpu.memory_space<vmem>>, vector<16xf32>,
            tpu.vector_store %arg12[%swap3A_295, %swap3A_296], %gather3A_294 {strides = array<i32>} : memref<16x64xf32, #tpu.memory_space<vmem>>, vector<16xf32>,
            %add3A_298 = arith.constant 48 : i32
            %add3A_299 = vector.broadcast %add3A_298 : i32 to vector<16xi32>
            %add3A_300 = arith.addi %iota3A, %add3A_299 : vector<16xi32>
            %gather3A_301 = arith.constant 0 : i32
            %gather3A_302 = arith.constant 0 : i32
            %gather3A_303 = arith.constant 0 : i32
            %gather3A_304 = tpu.memref_slice %arg10[%gather3A_301, %gather3A_302, %gather3A_303] : memref<2x64x512xf32, #tpu.memory_space<vmem>> -> memref<1x64x512xf32, #tpu.memory_space<vmem>>
            %gather3A_305 = tpu.memref_squeeze %gather3A_304 : memref<1x64x512xf32, #tpu.memory_space<vmem>> -> memref<64x512xf32, #tpu.memory_space<vmem>>
            %gather3A_306 = tpu.vector_load_idx %gather3A_305[%add3A_300, %broadcast_in_dim3A_257] : memref<64x512xf32, #tpu.memory_space<vmem>>[vector<16xi32>, vector<16xi32>], vector<16xf32>,
            %swap3A_307 = arith.index_cast %and3A_263 : i32 to index
            %swap3A_308 = arith.constant 48 : index
            %swap3A_309 = tpu.vector_load %arg12[%swap3A_307, %swap3A_308] {strides = array<i32>} : memref<16x64xf32, #tpu.memory_space<vmem>>, vector<16xf32>,
            tpu.vector_store %arg12[%swap3A_307, %swap3A_308], %gather3A_306 {strides = array<i32>} : memref<16x64xf32, #tpu.memory_space<vmem>>, vector<16xf32>,
            %shift_right_arithmetic3A = arith.constant 3 : i32
            %shift_right_arithmetic3A_310 = arith.shrsi %reduce_sum3A_255, %shift_right_arithmetic3A : i32
            %and3A_311 = arith.constant 7 : i32
            %and3A_312 = arith.andi %reduce_sum3A_255, %and3A_311 : i32
            %dma_start3A_313 = arith.constant 0 : i32
            %dma_start3A_314 = tpu.memref_slice %arg12[%and3A_263, %dma_start3A_313] : memref<16x64xf32, #tpu.memory_space<vmem>> -> memref<1x64xf32, #tpu.memory_space<vmem>>
            %dma_start3A_315 = tpu.memref_squeeze %dma_start3A_314 : memref<1x64xf32, #tpu.memory_space<vmem>> -> memref<64xf32, #tpu.memory_space<vmem>>
            %dma_start3A_316 = arith.constant 0 : i32
            %dma_start3A_317 = tpu.memref_slice %arg5[%shift_right_arithmetic3A_310, %and3A_312, %dma_start3A_316] : memref<2048x8x64xf32, #tpu.memory_space<hbm>> -> memref<1x1x64xf32, #tpu.memory_space<hbm>>
            %dma_start3A_318 = tpu.memref_squeeze %dma_start3A_317 : memref<1x1x64xf32, #tpu.memory_space<hbm>> -> memref<64xf32, #tpu.memory_space<hbm>>
            %dma_start3A_319 = arith.constant 0 : i32
            %dma_start3A_320 = tpu.memref_slice %arg5[%shift_right_arithmetic3A_310, %and3A_312, %dma_start3A_319] : memref<2048x8x64xf32, #tpu.memory_space<hbm>> -> memref<1x1x64xf32, #tpu.memory_space<hbm>>
            %dma_start3A_321 = tpu.memref_squeeze %dma_start3A_320 : memref<1x1x64xf32, #tpu.memory_space<hbm>> -> memref<64xf32, #tpu.memory_space<hbm>>
            %dma_start3A_322 = arith.constant 0 : i32
            %dma_start3A_323 = tpu.memref_slice %arg12[%and3A_263, %dma_start3A_322] : memref<16x64xf32, #tpu.memory_space<vmem>> -> memref<1x64xf32, #tpu.memory_space<vmem>>
            %dma_start3A_324 = tpu.memref_squeeze %dma_start3A_323 : memref<1x64xf32, #tpu.memory_space<vmem>> -> memref<64xf32, #tpu.memory_space<vmem>>
            tpu.enqueue_dma source(%dma_start3A_324 : memref<64xf32, #tpu.memory_space<vmem>>) target(%dma_start3A_321 : memref<64xf32, #tpu.memory_space<hbm>>) target_semaphore(%arg17 : memref<!tpu.dma_semaphore, #tpu.memory_space<semaphore_mem>>)
            %add3A_325 = arith.constant 1 : i32
            %add3A_326 = arith.addi %while3A_235, %add3A_325 : i32
            scf.yield %add3A_326 : i32
          }
          scf.yield %while3A_233 : i32
        }
        %while3A_200 = arith.constant 1 : i32
        %while3A_201 = scf.for %while3A_202 = %while3A_197 to %while3A_193 step %while3A_200 iter_args(%while3A_203 = %while3A_199) -> (i32)  : i32 {
          %mul3A_204 = arith.constant 16 : i32
          %mul3A_205 = arith.muli %while3A_202, %mul3A_204 : i32
          %get3A = arith.index_cast %mul3A_205 : i32 to index
          %get3A_206 = tpu.vector_load %arg7[%get3A] {strides = array<i32>} : memref<16400xi32, #tpu.memory_space<vmem>>, vector<16xi32>,
          %mul3A_207 = arith.constant 16 : i32
          %mul3A_208 = arith.muli %while3A_202, %mul3A_207 : i32
          %get3A_209 = arith.index_cast %mul3A_208 : i32 to index
          %get3A_210 = tpu.vector_load %arg9[%get3A_209] {strides = array<i32>} : memref<16400xi32, #tpu.memory_space<vmem>>, vector<16xi32>,
          %eq3A = vector.broadcast %add3A_153 : i32 to vector<16xi32>
          %eq3A_211 = arith.cmpi eq, %get3A_210, %eq3A : vector<16xi32>
          %jit3A_212 = arith.constant 1 : i32
          %jit3A_213 = arith.constant 0 : i32
          %broadcast_in_dim3A = vector.broadcast %jit3A_212 : i32 to vector<16xi32>
          %broadcast_in_dim3A_214 = vector.broadcast %jit3A_213 : i32 to vector<16xi32>
          %select_n3A_215 = arith.select %eq3A_211, %broadcast_in_dim3A, %broadcast_in_dim3A_214 : vector<16xi1>, vector<16xi32>
          %reduce_sum3A = arith.constant true
          %reduce_sum3A_216 = vector.broadcast %reduce_sum3A : i1 to vector<16xi1>
          %reduce_sum3A_217 = tpu.scan <sum>, %select_n3A_215 masked %reduce_sum3A_216 : vector<16xi32>, vector<16xi1> -> vector<16xi32>
          %reduce_sum3A_218 = vector.extract %reduce_sum3A_217[15] : i32 from vector<16xi32>
          %gt3A = arith.constant 0 : i32
          %gt3A_219 = arith.cmpi sgt, %reduce_sum3A_218, %gt3A : i32
          %convert_element_type3A_220 = arith.extui %gt3A_219 : i1 to i32
          %cond3A_221 = arith.constant 0 : i32
          %cond3A_222 = arith.cmpi ne, %convert_element_type3A_220, %cond3A_221 : i32
          scf.if %cond3A_222 {
            %swap3A = arith.constant 0 : index
            %swap3A_234 = tpu.vector_load %arg13[%swap3A] masked %eq3A_211 {strides = array<i32>} : memref<16xi32, #tpu.memory_space<vmem>>, vector<16xi32>, vector<16xi1>
            tpu.vector_store %arg13[%swap3A], %get3A_206 masked %eq3A_211 {strides = array<i32>} : memref<16xi32, #tpu.memory_space<vmem>>, vector<16xi32>, vector<16xi1>
            %mul3A_235 = arith.constant 16 : i32
            %mul3A_236 = arith.muli %while3A_202, %mul3A_235 : i32
            %get3A_237 = arith.index_cast %mul3A_236 : i32 to index
            %get3A_238 = tpu.vector_load %arg8[%get3A_237] {strides = array<i32>} : memref<16400xi32, #tpu.memory_space<vmem>>, vector<16xi32>,
            %swap3A_239 = arith.constant 0 : index
            %swap3A_240 = tpu.vector_load %arg14[%swap3A_239] masked %eq3A_211 {strides = array<i32>} : memref<16xi32, #tpu.memory_space<vmem>>, vector<16xi32>, vector<16xi1>
            tpu.vector_store %arg14[%swap3A_239], %get3A_238 masked %eq3A_211 {strides = array<i32>} : memref<16xi32, #tpu.memory_space<vmem>>, vector<16xi32>, vector<16xi1>
          } else {
          }
          %while3A_223 = arith.constant 0 : i32
          %while3A_224 = arith.subi %reduce_sum3A_218, %while3A_223 : i32
          %while3A_225 = arith.addi %while3A_223, %while3A_224 : i32
          %while3A_226 = arith.constant 1 : i32
          %while3A_227 = arith.divsi %while3A_224, %while3A_226 : i32
          %while3A_228 = arith.muli %while3A_227, %while3A_226 : i32
          %while3A_229 = arith.addi %while3A_223, %while3A_228 : i32
          %while3A_230 = arith.constant 1 : i32
          %while3A_231 = scf.for %while3A_234 = %while3A_223 to %while3A_229 step %while3A_230 iter_args(%while3A_235 = %while3A_203) -> (i32)  : i32 {
            %eq3A_236 = vector.broadcast %while3A_234 : i32 to vector<16xi32>
            %eq3A_237 = arith.cmpi eq, %iota3A, %eq3A_236 : vector<16xi32>
            %get3A_238 = arith.constant 0 : index
            %get3A_239 = tpu.vector_load %arg13[%get3A_238] {strides = array<i32>} : memref<16xi32, #tpu.memory_space<vmem>>, vector<16xi32>,
            %jit3A_240 = arith.constant 0 : i32
            %broadcast_in_dim3A_241 = vector.broadcast %jit3A_240 : i32 to vector<16xi32>
            %select_n3A_242 = arith.select %eq3A_237, %get3A_239, %broadcast_in_dim3A_241 : vector<16xi1>, vector<16xi32>
            %reduce_sum3A_243 = arith.constant true
            %reduce_sum3A_244 = vector.broadcast %reduce_sum3A_243 : i1 to vector<16xi1>
            %reduce_sum3A_245 = tpu.scan <sum>, %select_n3A_242 masked %reduce_sum3A_244 : vector<16xi32>, vector<16xi1> -> vector<16xi32>
            %reduce_sum3A_246 = vector.extract %reduce_sum3A_245[15] : i32 from vector<16xi32>
            %get3A_247 = arith.constant 0 : index
            %get3A_248 = tpu.vector_load %arg14[%get3A_247] {strides = array<i32>} : memref<16xi32, #tpu.memory_space<vmem>>, vector<16xi32>,
            %jit3A_249 = arith.constant 0 : i32
            %broadcast_in_dim3A_250 = vector.broadcast %jit3A_249 : i32 to vector<16xi32>
            %select_n3A_251 = arith.select %eq3A_237, %get3A_248, %broadcast_in_dim3A_250 : vector<16xi1>, vector<16xi32>
            %reduce_sum3A_252 = arith.constant true
            %reduce_sum3A_253 = vector.broadcast %reduce_sum3A_252 : i1 to vector<16xi1>
            %reduce_sum3A_254 = tpu.scan <sum>, %select_n3A_251 masked %reduce_sum3A_253 : vector<16xi32>, vector<16xi1> -> vector<16xi32>
            %reduce_sum3A_255 = vector.extract %reduce_sum3A_254[15] : i32 from vector<16xi32>
            %sub3A_256 = arith.subi %reduce_sum3A_246, %min3A_190 : i32
            %broadcast_in_dim3A_257 = vector.broadcast %sub3A_256 : i32 to vector<16xi32>
            %ge3A = arith.constant 16 : i32
            %ge3A_258 = arith.cmpi sge, %while3A_235, %ge3A : i32
            %convert_element_type3A_259 = arith.extui %ge3A_258 : i1 to i32
            %cond3A_260 = arith.constant 0 : i32
            %cond3A_261 = arith.cmpi ne, %convert_element_type3A_259, %cond3A_260 : i32
            scf.if %cond3A_261 {
              %dma_wait3A_327 = arith.constant 0 : i32
              %dma_wait3A_328 = arith.constant 0 : i32
              %dma_wait3A_329 = arith.constant 0 : i32
              %dma_wait3A_330 = tpu.memref_slice %arg12[%dma_wait3A_328, %dma_wait3A_329] : memref<16x64xf32, #tpu.memory_space<vmem>> -> memref<1x64xf32, #tpu.memory_space<vmem>>
              %dma_wait3A_331 = tpu.memref_squeeze %dma_wait3A_330 : memref<1x64xf32, #tpu.memory_space<vmem>> -> memref<64xf32, #tpu.memory_space<vmem>>
              %dma_wait3A_332 = arith.constant 0 : i32
              %dma_wait3A_333 = tpu.memref_slice %arg4[%dma_wait3A_327, %dma_wait3A_332] : memref<64x64xf32, #tpu.memory_space<hbm>> -> memref<1x64xf32, #tpu.memory_space<hbm>>
              %dma_wait3A_334 = tpu.memref_squeeze %dma_wait3A_333 : memref<1x64xf32, #tpu.memory_space<hbm>> -> memref<64xf32, #tpu.memory_space<hbm>>
              %dma_wait3A_335 = arith.constant 0 : i32
              %dma_wait3A_336 = tpu.memref_slice %arg12[%dma_wait3A_328, %dma_wait3A_335] : memref<16x64xf32, #tpu.memory_space<vmem>> -> memref<1x64xf32, #tpu.memory_space<vmem>>
              %dma_wait3A_337 = tpu.memref_squeeze %dma_wait3A_336 : memref<1x64xf32, #tpu.memory_space<vmem>> -> memref<64xf32, #tpu.memory_space<vmem>>
              %dma_wait3A_338 = arith.constant 0 : i32
              %dma_wait3A_339 = tpu.memref_slice %arg4[%dma_wait3A_327, %dma_wait3A_338] : memref<64x64xf32, #tpu.memory_space<hbm>> -> memref<1x64xf32, #tpu.memory_space<hbm>>
              %dma_wait3A_340 = tpu.memref_squeeze %dma_wait3A_339 : memref<1x64xf32, #tpu.memory_space<hbm>> -> memref<64xf32, #tpu.memory_space<hbm>>
              tpu.wait_dma2 semaphore(%arg17 : memref<!tpu.dma_semaphore, #tpu.memory_space<semaphore_mem>>) src(%dma_wait3A_340 : memref<64xf32, #tpu.memory_space<hbm>>) dst(%dma_wait3A_337 : memref<64xf32, #tpu.memory_space<vmem>>)
            } else {
            }
            %and3A_262 = arith.constant 15 : i32
            %and3A_263 = arith.andi %while3A_235, %and3A_262 : i32
            %add3A_264 = arith.constant 0 : i32
            %add3A_265 = vector.broadcast %add3A_264 : i32 to vector<16xi32>
            %add3A_266 = arith.addi %iota3A, %add3A_265 : vector<16xi32>
            %gather3A = arith.constant 0 : i32
            %gather3A_267 = arith.constant 0 : i32
            %gather3A_268 = arith.constant 0 : i32
            %gather3A_269 = tpu.memref_slice %arg10[%gather3A, %gather3A_267, %gather3A_268] : memref<2x64x512xf32, #tpu.memory_space<vmem>> -> memref<1x64x512xf32, #tpu.memory_space<vmem>>
            %gather3A_270 = tpu.memref_squeeze %gather3A_269 : memref<1x64x512xf32, #tpu.memory_space<vmem>> -> memref<64x512xf32, #tpu.memory_space<vmem>>
            %gather3A_271 = tpu.vector_load_idx %gather3A_270[%add3A_266, %broadcast_in_dim3A_257] : memref<64x512xf32, #tpu.memory_space<vmem>>[vector<16xi32>, vector<16xi32>], vector<16xf32>,
            %swap3A = arith.index_cast %and3A_263 : i32 to index
            %swap3A_272 = arith.constant 0 : index
            %swap3A_273 = tpu.vector_load %arg12[%swap3A, %swap3A_272] {strides = array<i32>} : memref<16x64xf32, #tpu.memory_space<vmem>>, vector<16xf32>,
            tpu.vector_store %arg12[%swap3A, %swap3A_272], %gather3A_271 {strides = array<i32>} : memref<16x64xf32, #tpu.memory_space<vmem>>, vector<16xf32>,
            %add3A_274 = arith.constant 16 : i32
            %add3A_275 = vector.broadcast %add3A_274 : i32 to vector<16xi32>
            %add3A_276 = arith.addi %iota3A, %add3A_275 : vector<16xi32>
            %gather3A_277 = arith.constant 0 : i32
            %gather3A_278 = arith.constant 0 : i32
            %gather3A_279 = arith.constant 0 : i32
            %gather3A_280 = tpu.memref_slice %arg10[%gather3A_277, %gather3A_278, %gather3A_279] : memref<2x64x512xf32, #tpu.memory_space<vmem>> -> memref<1x64x512xf32, #tpu.memory_space<vmem>>
            %gather3A_281 = tpu.memref_squeeze %gather3A_280 : memref<1x64x512xf32, #tpu.memory_space<vmem>> -> memref<64x512xf32, #tpu.memory_space<vmem>>
            %gather3A_282 = tpu.vector_load_idx %gather3A_281[%add3A_276, %broadcast_in_dim3A_257] : memref<64x512xf32, #tpu.memory_space<vmem>>[vector<16xi32>, vector<16xi32>], vector<16xf32>,
            %swap3A_283 = arith.index_cast %and3A_263 : i32 to index
            %swap3A_284 = arith.constant 16 : index
            %swap3A_285 = tpu.vector_load %arg12[%swap3A_283, %swap3A_284] {strides = array<i32>} : memref<16x64xf32, #tpu.memory_space<vmem>>, vector<16xf32>,
            tpu.vector_store %arg12[%swap3A_283, %swap3A_284], %gather3A_282 {strides = array<i32>} : memref<16x64xf32, #tpu.memory_space<vmem>>, vector<16xf32>,
            %add3A_286 = arith.constant 32 : i32
            %add3A_287 = vector.broadcast %add3A_286 : i32 to vector<16xi32>
            %add3A_288 = arith.addi %iota3A, %add3A_287 : vector<16xi32>
            %gather3A_289 = arith.constant 0 : i32
            %gather3A_290 = arith.constant 0 : i32
            %gather3A_291 = arith.constant 0 : i32
            %gather3A_292 = tpu.memref_slice %arg10[%gather3A_289, %gather3A_290, %gather3A_291] : memref<2x64x512xf32, #tpu.memory_space<vmem>> -> memref<1x64x512xf32, #tpu.memory_space<vmem>>
            %gather3A_293 = tpu.memref_squeeze %gather3A_292 : memref<1x64x512xf32, #tpu.memory_space<vmem>> -> memref<64x512xf32, #tpu.memory_space<vmem>>
            %gather3A_294 = tpu.vector_load_idx %gather3A_293[%add3A_288, %broadcast_in_dim3A_257] : memref<64x512xf32, #tpu.memory_space<vmem>>[vector<16xi32>, vector<16xi32>], vector<16xf32>,
            %swap3A_295 = arith.index_cast %and3A_263 : i32 to index
            %swap3A_296 = arith.constant 32 : index
            %swap3A_297 = tpu.vector_load %arg12[%swap3A_295, %swap3A_296] {strides = array<i32>} : memref<16x64xf32, #tpu.memory_space<vmem>>, vector<16xf32>,
            tpu.vector_store %arg12[%swap3A_295, %swap3A_296], %gather3A_294 {strides = array<i32>} : memref<16x64xf32, #tpu.memory_space<vmem>>, vector<16xf32>,
            %add3A_298 = arith.constant 48 : i32
            %add3A_299 = vector.broadcast %add3A_298 : i32 to vector<16xi32>
            %add3A_300 = arith.addi %iota3A, %add3A_299 : vector<16xi32>
            %gather3A_301 = arith.constant 0 : i32
            %gather3A_302 = arith.constant 0 : i32
            %gather3A_303 = arith.constant 0 : i32
            %gather3A_304 = tpu.memref_slice %arg10[%gather3A_301, %gather3A_302, %gather3A_303] : memref<2x64x512xf32, #tpu.memory_space<vmem>> -> memref<1x64x512xf32, #tpu.memory_space<vmem>>
            %gather3A_305 = tpu.memref_squeeze %gather3A_304 : memref<1x64x512xf32, #tpu.memory_space<vmem>> -> memref<64x512xf32, #tpu.memory_space<vmem>>
            %gather3A_306 = tpu.vector_load_idx %gather3A_305[%add3A_300, %broadcast_in_dim3A_257] : memref<64x512xf32, #tpu.memory_space<vmem>>[vector<16xi32>, vector<16xi32>], vector<16xf32>,
            %swap3A_307 = arith.index_cast %and3A_263 : i32 to index
            %swap3A_308 = arith.constant 48 : index
            %swap3A_309 = tpu.vector_load %arg12[%swap3A_307, %swap3A_308] {strides = array<i32>} : memref<16x64xf32, #tpu.memory_space<vmem>>, vector<16xf32>,
            tpu.vector_store %arg12[%swap3A_307, %swap3A_308], %gather3A_306 {strides = array<i32>} : memref<16x64xf32, #tpu.memory_space<vmem>>, vector<16xf32>,
            %shift_right_arithmetic3A = arith.constant 3 : i32
            %shift_right_arithmetic3A_310 = arith.shrsi %reduce_sum3A_255, %shift_right_arithmetic3A : i32
            %and3A_311 = arith.constant 7 : i32
            %and3A_312 = arith.andi %reduce_sum3A_255, %and3A_311 : i32
            %dma_start3A_313 = arith.constant 0 : i32
            %dma_start3A_314 = tpu.memref_slice %arg12[%and3A_263, %dma_start3A_313] : memref<16x64xf32, #tpu.memory_space<vmem>> -> memref<1x64xf32, #tpu.memory_space<vmem>>
            %dma_start3A_315 = tpu.memref_squeeze %dma_start3A_314 : memref<1x64xf32, #tpu.memory_space<vmem>> -> memref<64xf32, #tpu.memory_space<vmem>>
            %dma_start3A_316 = arith.constant 0 : i32
            %dma_start3A_317 = tpu.memref_slice %arg5[%shift_right_arithmetic3A_310, %and3A_312, %dma_start3A_316] : memref<2048x8x64xf32, #tpu.memory_space<hbm>> -> memref<1x1x64xf32, #tpu.memory_space<hbm>>
            %dma_start3A_318 = tpu.memref_squeeze %dma_start3A_317 : memref<1x1x64xf32, #tpu.memory_space<hbm>> -> memref<64xf32, #tpu.memory_space<hbm>>
            %dma_start3A_319 = arith.constant 0 : i32
            %dma_start3A_320 = tpu.memref_slice %arg5[%shift_right_arithmetic3A_310, %and3A_312, %dma_start3A_319] : memref<2048x8x64xf32, #tpu.memory_space<hbm>> -> memref<1x1x64xf32, #tpu.memory_space<hbm>>
            %dma_start3A_321 = tpu.memref_squeeze %dma_start3A_320 : memref<1x1x64xf32, #tpu.memory_space<hbm>> -> memref<64xf32, #tpu.memory_space<hbm>>
            %dma_start3A_322 = arith.constant 0 : i32
            %dma_start3A_323 = tpu.memref_slice %arg12[%and3A_263, %dma_start3A_322] : memref<16x64xf32, #tpu.memory_space<vmem>> -> memref<1x64xf32, #tpu.memory_space<vmem>>
            %dma_start3A_324 = tpu.memref_squeeze %dma_start3A_323 : memref<1x64xf32, #tpu.memory_space<vmem>> -> memref<64xf32, #tpu.memory_space<vmem>>
            tpu.enqueue_dma source(%dma_start3A_324 : memref<64xf32, #tpu.memory_space<vmem>>) target(%dma_start3A_321 : memref<64xf32, #tpu.memory_space<hbm>>) target_semaphore(%arg17 : memref<!tpu.dma_semaphore, #tpu.memory_space<semaphore_mem>>)
            %add3A_325 = arith.constant 1 : i32
            %add3A_326 = arith.addi %while3A_235, %add3A_325 : i32
            scf.yield %add3A_326 : i32
          }
          %while3A_232 = arith.constant 1 : i32
          %while3A_233 = scf.for %while3A_234 = %while3A_229 to %while3A_225 step %while3A_232 iter_args(%while3A_235 = %while3A_231) -> (i32)  : i32 {
            %eq3A_236 = vector.broadcast %while3A_234 : i32 to vector<16xi32>
            %eq3A_237 = arith.cmpi eq, %iota3A, %eq3A_236 : vector<16xi32>
            %get3A_238 = arith.constant 0 : index
            %get3A_239 = tpu.vector_load %arg13[%get3A_238] {strides = array<i32>} : memref<16xi32, #tpu.memory_space<vmem>>, vector<16xi32>,
            %jit3A_240 = arith.constant 0 : i32
            %broadcast_in_dim3A_241 = vector.broadcast %jit3A_240 : i32 to vector<16xi32>
            %select_n3A_242 = arith.select %eq3A_237, %get3A_239, %broadcast_in_dim3A_241 : vector<16xi1>, vector<16xi32>
            %reduce_sum3A_243 = arith.constant true
            %reduce_sum3A_244 = vector.broadcast %reduce_sum3A_243 : i1 to vector<16xi1>
            %reduce_sum3A_245 = tpu.scan <sum>, %select_n3A_242 masked %reduce_sum3A_244 : vector<16xi32>, vector<16xi1> -> vector<16xi32>
            %reduce_sum3A_246 = vector.extract %reduce_sum3A_245[15] : i32 from vector<16xi32>
            %get3A_247 = arith.constant 0 : index
            %get3A_248 = tpu.vector_load %arg14[%get3A_247] {strides = array<i32>} : memref<16xi32, #tpu.memory_space<vmem>>, vector<16xi32>,
            %jit3A_249 = arith.constant 0 : i32
            %broadcast_in_dim3A_250 = vector.broadcast %jit3A_249 : i32 to vector<16xi32>
            %select_n3A_251 = arith.select %eq3A_237, %get3A_248, %broadcast_in_dim3A_250 : vector<16xi1>, vector<16xi32>
            %reduce_sum3A_252 = arith.constant true
            %reduce_sum3A_253 = vector.broadcast %reduce_sum3A_252 : i1 to vector<16xi1>
            %reduce_sum3A_254 = tpu.scan <sum>, %select_n3A_251 masked %reduce_sum3A_253 : vector<16xi32>, vector<16xi1> -> vector<16xi32>
            %reduce_sum3A_255 = vector.extract %reduce_sum3A_254[15] : i32 from vector<16xi32>
            %sub3A_256 = arith.subi %reduce_sum3A_246, %min3A_190 : i32
            %broadcast_in_dim3A_257 = vector.broadcast %sub3A_256 : i32 to vector<16xi32>
            %ge3A = arith.constant 16 : i32
            %ge3A_258 = arith.cmpi sge, %while3A_235, %ge3A : i32
            %convert_element_type3A_259 = arith.extui %ge3A_258 : i1 to i32
            %cond3A_260 = arith.constant 0 : i32
            %cond3A_261 = arith.cmpi ne, %convert_element_type3A_259, %cond3A_260 : i32
            scf.if %cond3A_261 {
              %dma_wait3A_327 = arith.constant 0 : i32
              %dma_wait3A_328 = arith.constant 0 : i32
              %dma_wait3A_329 = arith.constant 0 : i32
              %dma_wait3A_330 = tpu.memref_slice %arg12[%dma_wait3A_328, %dma_wait3A_329] : memref<16x64xf32, #tpu.memory_space<vmem>> -> memref<1x64xf32, #tpu.memory_space<vmem>>
              %dma_wait3A_331 = tpu.memref_squeeze %dma_wait3A_330 : memref<1x64xf32, #tpu.memory_space<vmem>> -> memref<64xf32, #tpu.memory_space<vmem>>
              %dma_wait3A_332 = arith.constant 0 : i32
              %dma_wait3A_333 = tpu.memref_slice %arg4[%dma_wait3A_327, %dma_wait3A_332] : memref<64x64xf32, #tpu.memory_space<hbm>> -> memref<1x64xf32, #tpu.memory_space<hbm>>
              %dma_wait3A_334 = tpu.memref_squeeze %dma_wait3A_333 : memref<1x64xf32, #tpu.memory_space<hbm>> -> memref<64xf32, #tpu.memory_space<hbm>>
              %dma_wait3A_335 = arith.constant 0 : i32
              %dma_wait3A_336 = tpu.memref_slice %arg12[%dma_wait3A_328, %dma_wait3A_335] : memref<16x64xf32, #tpu.memory_space<vmem>> -> memref<1x64xf32, #tpu.memory_space<vmem>>
              %dma_wait3A_337 = tpu.memref_squeeze %dma_wait3A_336 : memref<1x64xf32, #tpu.memory_space<vmem>> -> memref<64xf32, #tpu.memory_space<vmem>>
              %dma_wait3A_338 = arith.constant 0 : i32
              %dma_wait3A_339 = tpu.memref_slice %arg4[%dma_wait3A_327, %dma_wait3A_338] : memref<64x64xf32, #tpu.memory_space<hbm>> -> memref<1x64xf32, #tpu.memory_space<hbm>>
              %dma_wait3A_340 = tpu.memref_squeeze %dma_wait3A_339 : memref<1x64xf32, #tpu.memory_space<hbm>> -> memref<64xf32, #tpu.memory_space<hbm>>
              tpu.wait_dma2 semaphore(%arg17 : memref<!tpu.dma_semaphore, #tpu.memory_space<semaphore_mem>>) src(%dma_wait3A_340 : memref<64xf32, #tpu.memory_space<hbm>>) dst(%dma_wait3A_337 : memref<64xf32, #tpu.memory_space<vmem>>)
            } else {
            }
            %and3A_262 = arith.constant 15 : i32
            %and3A_263 = arith.andi %while3A_235, %and3A_262 : i32
            %add3A_264 = arith.constant 0 : i32
            %add3A_265 = vector.broadcast %add3A_264 : i32 to vector<16xi32>
            %add3A_266 = arith.addi %iota3A, %add3A_265 : vector<16xi32>
            %gather3A = arith.constant 0 : i32
            %gather3A_267 = arith.constant 0 : i32
            %gather3A_268 = arith.constant 0 : i32
            %gather3A_269 = tpu.memref_slice %arg10[%gather3A, %gather3A_267, %gather3A_268] : memref<2x64x512xf32, #tpu.memory_space<vmem>> -> memref<1x64x512xf32, #tpu.memory_space<vmem>>
            %gather3A_270 = tpu.memref_squeeze %gather3A_269 : memref<1x64x512xf32, #tpu.memory_space<vmem>> -> memref<64x512xf32, #tpu.memory_space<vmem>>
            %gather3A_271 = tpu.vector_load_idx %gather3A_270[%add3A_266, %broadcast_in_dim3A_257] : memref<64x512xf32, #tpu.memory_space<vmem>>[vector<16xi32>, vector<16xi32>], vector<16xf32>,
            %swap3A = arith.index_cast %and3A_263 : i32 to index
            %swap3A_272 = arith.constant 0 : index
            %swap3A_273 = tpu.vector_load %arg12[%swap3A, %swap3A_272] {strides = array<i32>} : memref<16x64xf32, #tpu.memory_space<vmem>>, vector<16xf32>,
            tpu.vector_store %arg12[%swap3A, %swap3A_272], %gather3A_271 {strides = array<i32>} : memref<16x64xf32, #tpu.memory_space<vmem>>, vector<16xf32>,
            %add3A_274 = arith.constant 16 : i32
            %add3A_275 = vector.broadcast %add3A_274 : i32 to vector<16xi32>
            %add3A_276 = arith.addi %iota3A, %add3A_275 : vector<16xi32>
            %gather3A_277 = arith.constant 0 : i32
            %gather3A_278 = arith.constant 0 : i32
            %gather3A_279 = arith.constant 0 : i32
            %gather3A_280 = tpu.memref_slice %arg10[%gather3A_277, %gather3A_278, %gather3A_279] : memref<2x64x512xf32, #tpu.memory_space<vmem>> -> memref<1x64x512xf32, #tpu.memory_space<vmem>>
            %gather3A_281 = tpu.memref_squeeze %gather3A_280 : memref<1x64x512xf32, #tpu.memory_space<vmem>> -> memref<64x512xf32, #tpu.memory_space<vmem>>
            %gather3A_282 = tpu.vector_load_idx %gather3A_281[%add3A_276, %broadcast_in_dim3A_257] : memref<64x512xf32, #tpu.memory_space<vmem>>[vector<16xi32>, vector<16xi32>], vector<16xf32>,
            %swap3A_283 = arith.index_cast %and3A_263 : i32 to index
            %swap3A_284 = arith.constant 16 : index
            %swap3A_285 = tpu.vector_load %arg12[%swap3A_283, %swap3A_284] {strides = array<i32>} : memref<16x64xf32, #tpu.memory_space<vmem>>, vector<16xf32>,
            tpu.vector_store %arg12[%swap3A_283, %swap3A_284], %gather3A_282 {strides = array<i32>} : memref<16x64xf32, #tpu.memory_space<vmem>>, vector<16xf32>,
            %add3A_286 = arith.constant 32 : i32
            %add3A_287 = vector.broadcast %add3A_286 : i32 to vector<16xi32>
            %add3A_288 = arith.addi %iota3A, %add3A_287 : vector<16xi32>
            %gather3A_289 = arith.constant 0 : i32
            %gather3A_290 = arith.constant 0 : i32
            %gather3A_291 = arith.constant 0 : i32
            %gather3A_292 = tpu.memref_slice %arg10[%gather3A_289, %gather3A_290, %gather3A_291] : memref<2x64x512xf32, #tpu.memory_space<vmem>> -> memref<1x64x512xf32, #tpu.memory_space<vmem>>
            %gather3A_293 = tpu.memref_squeeze %gather3A_292 : memref<1x64x512xf32, #tpu.memory_space<vmem>> -> memref<64x512xf32, #tpu.memory_space<vmem>>
            %gather3A_294 = tpu.vector_load_idx %gather3A_293[%add3A_288, %broadcast_in_dim3A_257] : memref<64x512xf32, #tpu.memory_space<vmem>>[vector<16xi32>, vector<16xi32>], vector<16xf32>,
            %swap3A_295 = arith.index_cast %and3A_263 : i32 to index
            %swap3A_296 = arith.constant 32 : index
            %swap3A_297 = tpu.vector_load %arg12[%swap3A_295, %swap3A_296] {strides = array<i32>} : memref<16x64xf32, #tpu.memory_space<vmem>>, vector<16xf32>,
            tpu.vector_store %arg12[%swap3A_295, %swap3A_296], %gather3A_294 {strides = array<i32>} : memref<16x64xf32, #tpu.memory_space<vmem>>, vector<16xf32>,
            %add3A_298 = arith.constant 48 : i32
            %add3A_299 = vector.broadcast %add3A_298 : i32 to vector<16xi32>
            %add3A_300 = arith.addi %iota3A, %add3A_299 : vector<16xi32>
            %gather3A_301 = arith.constant 0 : i32
            %gather3A_302 = arith.constant 0 : i32
            %gather3A_303 = arith.constant 0 : i32
            %gather3A_304 = tpu.memref_slice %arg10[%gather3A_301, %gather3A_302, %gather3A_303] : memref<2x64x512xf32, #tpu.memory_space<vmem>> -> memref<1x64x512xf32, #tpu.memory_space<vmem>>
            %gather3A_305 = tpu.memref_squeeze %gather3A_304 : memref<1x64x512xf32, #tpu.memory_space<vmem>> -> memref<64x512xf32, #tpu.memory_space<vmem>>
            %gather3A_306 = tpu.vector_load_idx %gather3A_305[%add3A_300, %broadcast_in_dim3A_257] : memref<64x512xf32, #tpu.memory_space<vmem>>[vector<16xi32>, vector<16xi32>], vector<16xf32>,
            %swap3A_307 = arith.index_cast %and3A_263 : i32 to index
            %swap3A_308 = arith.constant 48 : index
            %swap3A_309 = tpu.vector_load %arg12[%swap3A_307, %swap3A_308] {strides = array<i32>} : memref<16x64xf32, #tpu.memory_space<vmem>>, vector<16xf32>,
            tpu.vector_store %arg12[%swap3A_307, %swap3A_308], %gather3A_306 {strides = array<i32>} : memref<16x64xf32, #tpu.memory_space<vmem>>, vector<16xf32>,
            %shift_right_arithmetic3A = arith.constant 3 : i32
            %shift_right_arithmetic3A_310 = arith.shrsi %reduce_sum3A_255, %shift_right_arithmetic3A : i32
            %and3A_311 = arith.constant 7 : i32
            %and3A_312 = arith.andi %reduce_sum3A_255, %and3A_311 : i32
            %dma_start3A_313 = arith.constant 0 : i32
            %dma_start3A_314 = tpu.memref_slice %arg12[%and3A_263, %dma_start3A_313] : memref<16x64xf32, #tpu.memory_space<vmem>> -> memref<1x64xf32, #tpu.memory_space<vmem>>
            %dma_start3A_315 = tpu.memref_squeeze %dma_start3A_314 : memref<1x64xf32, #tpu.memory_space<vmem>> -> memref<64xf32, #tpu.memory_space<vmem>>
            %dma_start3A_316 = arith.constant 0 : i32
            %dma_start3A_317 = tpu.memref_slice %arg5[%shift_right_arithmetic3A_310, %and3A_312, %dma_start3A_316] : memref<2048x8x64xf32, #tpu.memory_space<hbm>> -> memref<1x1x64xf32, #tpu.memory_space<hbm>>
            %dma_start3A_318 = tpu.memref_squeeze %dma_start3A_317 : memref<1x1x64xf32, #tpu.memory_space<hbm>> -> memref<64xf32, #tpu.memory_space<hbm>>
            %dma_start3A_319 = arith.constant 0 : i32
            %dma_start3A_320 = tpu.memref_slice %arg5[%shift_right_arithmetic3A_310, %and3A_312, %dma_start3A_319] : memref<2048x8x64xf32, #tpu.memory_space<hbm>> -> memref<1x1x64xf32, #tpu.memory_space<hbm>>
            %dma_start3A_321 = tpu.memref_squeeze %dma_start3A_320 : memref<1x1x64xf32, #tpu.memory_space<hbm>> -> memref<64xf32, #tpu.memory_space<hbm>>
            %dma_start3A_322 = arith.constant 0 : i32
            %dma_start3A_323 = tpu.memref_slice %arg12[%and3A_263, %dma_start3A_322] : memref<16x64xf32, #tpu.memory_space<vmem>> -> memref<1x64xf32, #tpu.memory_space<vmem>>
            %dma_start3A_324 = tpu.memref_squeeze %dma_start3A_323 : memref<1x64xf32, #tpu.memory_space<vmem>> -> memref<64xf32, #tpu.memory_space<vmem>>
            tpu.enqueue_dma source(%dma_start3A_324 : memref<64xf32, #tpu.memory_space<vmem>>) target(%dma_start3A_321 : memref<64xf32, #tpu.memory_space<hbm>>) target_semaphore(%arg17 : memref<!tpu.dma_semaphore, #tpu.memory_space<semaphore_mem>>)
            %add3A_325 = arith.constant 1 : i32
            %add3A_326 = arith.addi %while3A_235, %add3A_325 : i32
            scf.yield %add3A_326 : i32
          }
          scf.yield %while3A_233 : i32
        }
        scf.yield %while3A_201 : i32
      } else {
        scf.yield %while3A_149 : i32
      }
      %mul3A_156 = arith.constant 2 : i32
      %mul3A_157 = arith.muli %while3A_148, %mul3A_156 : i32
      %add3A_158 = arith.constant 1 : i32
      %add3A_159 = arith.addi %mul3A_157, %add3A_158 : i32
      %lt3A_160 = arith.cmpi slt, %add3A_159, %select_n3A : i32
      %convert_element_type3A_161 = arith.extui %lt3A_160 : i1 to i32
      %cond3A_162 = arith.constant 0 : i32
      %cond3A_163 = arith.cmpi ne, %convert_element_type3A_161, %cond3A_162 : i32
      %cond3A_164 = scf.if %cond3A_163 -> (i32) {
        %dma_wait3A = arith.constant 1 : i32
        %dma_wait3A_165 = arith.constant 0 : i32
        %dma_wait3A_166 = arith.constant 0 : i32
        %dma_wait3A_167 = tpu.memref_slice %arg10[%dma_wait3A, %dma_wait3A_165, %dma_wait3A_166] : memref<2x64x512xf32, #tpu.memory_space<vmem>> -> memref<1x64x512xf32, #tpu.memory_space<vmem>>
        %dma_wait3A_168 = tpu.memref_squeeze %dma_wait3A_167 : memref<1x64x512xf32, #tpu.memory_space<vmem>> -> memref<64x512xf32, #tpu.memory_space<vmem>>
        %dma_wait3A_169 = arith.constant 0 : i32
        %dma_wait3A_170 = arith.constant 0 : i32
        %dma_wait3A_171 = tpu.memref_slice %arg3[%dma_wait3A_169, %dma_wait3A_170] : memref<64x1000000xf32, #tpu.memory_space<hbm>> -> memref<64x512xf32, #tpu.memory_space<hbm>>
        %dma_wait3A_172 = arith.constant 0 : i32
        %dma_wait3A_173 = arith.constant 0 : i32
        %dma_wait3A_174 = tpu.memref_slice %arg10[%dma_wait3A, %dma_wait3A_172, %dma_wait3A_173] : memref<2x64x512xf32, #tpu.memory_space<vmem>> -> memref<1x64x512xf32, #tpu.memory_space<vmem>>
        %dma_wait3A_175 = tpu.memref_squeeze %dma_wait3A_174 : memref<1x64x512xf32, #tpu.memory_space<vmem>> -> memref<64x512xf32, #tpu.memory_space<vmem>>
        %dma_wait3A_176 = arith.constant 0 : i32
        %dma_wait3A_177 = arith.constant 0 : i32
        %dma_wait3A_178 = tpu.memref_slice %arg3[%dma_wait3A_176, %dma_wait3A_177] : memref<64x1000000xf32, #tpu.memory_space<hbm>> -> memref<64x512xf32, #tpu.memory_space<hbm>>
        tpu.wait_dma2 semaphore(%arg16 : memref<!tpu.dma_semaphore, #tpu.memory_space<semaphore_mem>>) src(%dma_wait3A_178 : memref<64x512xf32, #tpu.memory_space<hbm>>) dst(%dma_wait3A_175 : memref<64x512xf32, #tpu.memory_space<vmem>>)
        %add3A_179 = arith.constant 1 : i32
        %add3A_180 = arith.addi %add3A_159, %add3A_179 : i32
        %lt3A_181 = arith.cmpi slt, %add3A_180, %select_n3A : i32
        %convert_element_type3A_182 = arith.extui %lt3A_181 : i1 to i32
        %cond3A_183 = arith.constant 0 : i32
        %cond3A_184 = arith.cmpi ne, %convert_element_type3A_182, %cond3A_183 : i32
        scf.if %cond3A_184 {
          %add3A_202 = arith.constant 1 : i32
          %add3A_203 = arith.addi %add3A_159, %add3A_202 : i32
          %mul3A_204 = arith.constant 512 : i32
          %mul3A_205 = arith.muli %add3A_203, %mul3A_204 : i32
          %add3A_206 = arith.addi %mul3A_2, %mul3A_205 : i32
          %sub3A_207 = arith.constant 512 : i32
          %sub3A_208 = arith.subi %min3A_5, %sub3A_207 : i32
          %min3A_209 = arith.minsi %add3A_206, %sub3A_208 : i32
          %multiple_of3A_210 = tpu.assume_multiple %min3A_209, 128 : i32
          %dma_start3A_211 = arith.constant 0 : i32
          %dma_start3A_212 = arith.constant 0 : i32
          %dma_start3A_213 = arith.constant 0 : i32
          %dma_start3A_214 = tpu.memref_slice %arg10[%dma_start3A_211, %dma_start3A_212, %dma_start3A_213] : memref<2x64x512xf32, #tpu.memory_space<vmem>> -> memref<1x64x512xf32, #tpu.memory_space<vmem>>
          %dma_start3A_215 = tpu.memref_squeeze %dma_start3A_214 : memref<1x64x512xf32, #tpu.memory_space<vmem>> -> memref<64x512xf32, #tpu.memory_space<vmem>>
          %dma_start3A_216 = arith.constant 0 : i32
          %dma_start3A_217 = tpu.memref_slice %arg3[%dma_start3A_216, %multiple_of3A_210] : memref<64x1000000xf32, #tpu.memory_space<hbm>> -> memref<64x512xf32, #tpu.memory_space<hbm>>
          %dma_start3A_218 = arith.constant 0 : i32
          %dma_start3A_219 = arith.constant 0 : i32
          %dma_start3A_220 = tpu.memref_slice %arg10[%dma_start3A_211, %dma_start3A_218, %dma_start3A_219] : memref<2x64x512xf32, #tpu.memory_space<vmem>> -> memref<1x64x512xf32, #tpu.memory_space<vmem>>
          %dma_start3A_221 = tpu.memref_squeeze %dma_start3A_220 : memref<1x64x512xf32, #tpu.memory_space<vmem>> -> memref<64x512xf32, #tpu.memory_space<vmem>>
          %dma_start3A_222 = arith.constant 0 : i32
          %dma_start3A_223 = tpu.memref_slice %arg3[%dma_start3A_222, %multiple_of3A_210] : memref<64x1000000xf32, #tpu.memory_space<hbm>> -> memref<64x512xf32, #tpu.memory_space<hbm>>
          tpu.enqueue_dma source(%dma_start3A_223 : memref<64x512xf32, #tpu.memory_space<hbm>>) target(%dma_start3A_221 : memref<64x512xf32, #tpu.memory_space<vmem>>) target_semaphore(%arg15 : memref<!tpu.dma_semaphore, #tpu.memory_space<semaphore_mem>>)
        } else {
        }
        %mul3A_185 = arith.constant 512 : i32
        %mul3A_186 = arith.muli %add3A_159, %mul3A_185 : i32
        %add3A_187 = arith.addi %mul3A_2, %mul3A_186 : i32
        %sub3A_188 = arith.constant 512 : i32
        %sub3A_189 = arith.subi %min3A_5, %sub3A_188 : i32
        %min3A_190 = arith.minsi %add3A_187, %sub3A_189 : i32
        %while3A_191 = arith.constant 0 : i32
        %while3A_192 = arith.subi %select_n3A_60, %while3A_191 : i32
        %while3A_193 = arith.addi %while3A_191, %while3A_192 : i32
        %while3A_194 = arith.constant 1 : i32
        %while3A_195 = arith.divsi %while3A_192, %while3A_194 : i32
        %while3A_196 = arith.muli %while3A_195, %while3A_194 : i32
        %while3A_197 = arith.addi %while3A_191, %while3A_196 : i32
        %while3A_198 = arith.constant 1 : i32
        %while3A_199 = scf.for %while3A_202 = %while3A_191 to %while3A_197 step %while3A_198 iter_args(%while3A_203 = %cond3A_155) -> (i32)  : i32 {
          %mul3A_204 = arith.constant 16 : i32
          %mul3A_205 = arith.muli %while3A_202, %mul3A_204 : i32
          %get3A = arith.index_cast %mul3A_205 : i32 to index
          %get3A_206 = tpu.vector_load %arg7[%get3A] {strides = array<i32>} : memref<16400xi32, #tpu.memory_space<vmem>>, vector<16xi32>,
          %mul3A_207 = arith.constant 16 : i32
          %mul3A_208 = arith.muli %while3A_202, %mul3A_207 : i32
          %get3A_209 = arith.index_cast %mul3A_208 : i32 to index
          %get3A_210 = tpu.vector_load %arg9[%get3A_209] {strides = array<i32>} : memref<16400xi32, #tpu.memory_space<vmem>>, vector<16xi32>,
          %eq3A = vector.broadcast %add3A_159 : i32 to vector<16xi32>
          %eq3A_211 = arith.cmpi eq, %get3A_210, %eq3A : vector<16xi32>
          %jit3A_212 = arith.constant 1 : i32
          %jit3A_213 = arith.constant 0 : i32
          %broadcast_in_dim3A = vector.broadcast %jit3A_212 : i32 to vector<16xi32>
          %broadcast_in_dim3A_214 = vector.broadcast %jit3A_213 : i32 to vector<16xi32>
          %select_n3A_215 = arith.select %eq3A_211, %broadcast_in_dim3A, %broadcast_in_dim3A_214 : vector<16xi1>, vector<16xi32>
          %reduce_sum3A = arith.constant true
          %reduce_sum3A_216 = vector.broadcast %reduce_sum3A : i1 to vector<16xi1>
          %reduce_sum3A_217 = tpu.scan <sum>, %select_n3A_215 masked %reduce_sum3A_216 : vector<16xi32>, vector<16xi1> -> vector<16xi32>
          %reduce_sum3A_218 = vector.extract %reduce_sum3A_217[15] : i32 from vector<16xi32>
          %gt3A = arith.constant 0 : i32
          %gt3A_219 = arith.cmpi sgt, %reduce_sum3A_218, %gt3A : i32
          %convert_element_type3A_220 = arith.extui %gt3A_219 : i1 to i32
          %cond3A_221 = arith.constant 0 : i32
          %cond3A_222 = arith.cmpi ne, %convert_element_type3A_220, %cond3A_221 : i32
          scf.if %cond3A_222 {
            %swap3A = arith.constant 0 : index
            %swap3A_234 = tpu.vector_load %arg13[%swap3A] masked %eq3A_211 {strides = array<i32>} : memref<16xi32, #tpu.memory_space<vmem>>, vector<16xi32>, vector<16xi1>
            tpu.vector_store %arg13[%swap3A], %get3A_206 masked %eq3A_211 {strides = array<i32>} : memref<16xi32, #tpu.memory_space<vmem>>, vector<16xi32>, vector<16xi1>
            %mul3A_235 = arith.constant 16 : i32
            %mul3A_236 = arith.muli %while3A_202, %mul3A_235 : i32
            %get3A_237 = arith.index_cast %mul3A_236 : i32 to index
            %get3A_238 = tpu.vector_load %arg8[%get3A_237] {strides = array<i32>} : memref<16400xi32, #tpu.memory_space<vmem>>, vector<16xi32>,
            %swap3A_239 = arith.constant 0 : index
            %swap3A_240 = tpu.vector_load %arg14[%swap3A_239] masked %eq3A_211 {strides = array<i32>} : memref<16xi32, #tpu.memory_space<vmem>>, vector<16xi32>, vector<16xi1>
            tpu.vector_store %arg14[%swap3A_239], %get3A_238 masked %eq3A_211 {strides = array<i32>} : memref<16xi32, #tpu.memory_space<vmem>>, vector<16xi32>, vector<16xi1>
          } else {
          }
          %while3A_223 = arith.constant 0 : i32
          %while3A_224 = arith.subi %reduce_sum3A_218, %while3A_223 : i32
          %while3A_225 = arith.addi %while3A_223, %while3A_224 : i32
          %while3A_226 = arith.constant 1 : i32
          %while3A_227 = arith.divsi %while3A_224, %while3A_226 : i32
          %while3A_228 = arith.muli %while3A_227, %while3A_226 : i32
          %while3A_229 = arith.addi %while3A_223, %while3A_228 : i32
          %while3A_230 = arith.constant 1 : i32
          %while3A_231 = scf.for %while3A_234 = %while3A_223 to %while3A_229 step %while3A_230 iter_args(%while3A_235 = %while3A_203) -> (i32)  : i32 {
            %eq3A_236 = vector.broadcast %while3A_234 : i32 to vector<16xi32>
            %eq3A_237 = arith.cmpi eq, %iota3A, %eq3A_236 : vector<16xi32>
            %get3A_238 = arith.constant 0 : index
            %get3A_239 = tpu.vector_load %arg13[%get3A_238] {strides = array<i32>} : memref<16xi32, #tpu.memory_space<vmem>>, vector<16xi32>,
            %jit3A_240 = arith.constant 0 : i32
            %broadcast_in_dim3A_241 = vector.broadcast %jit3A_240 : i32 to vector<16xi32>
            %select_n3A_242 = arith.select %eq3A_237, %get3A_239, %broadcast_in_dim3A_241 : vector<16xi1>, vector<16xi32>
            %reduce_sum3A_243 = arith.constant true
            %reduce_sum3A_244 = vector.broadcast %reduce_sum3A_243 : i1 to vector<16xi1>
            %reduce_sum3A_245 = tpu.scan <sum>, %select_n3A_242 masked %reduce_sum3A_244 : vector<16xi32>, vector<16xi1> -> vector<16xi32>
            %reduce_sum3A_246 = vector.extract %reduce_sum3A_245[15] : i32 from vector<16xi32>
            %get3A_247 = arith.constant 0 : index
            %get3A_248 = tpu.vector_load %arg14[%get3A_247] {strides = array<i32>} : memref<16xi32, #tpu.memory_space<vmem>>, vector<16xi32>,
            %jit3A_249 = arith.constant 0 : i32
            %broadcast_in_dim3A_250 = vector.broadcast %jit3A_249 : i32 to vector<16xi32>
            %select_n3A_251 = arith.select %eq3A_237, %get3A_248, %broadcast_in_dim3A_250 : vector<16xi1>, vector<16xi32>
            %reduce_sum3A_252 = arith.constant true
            %reduce_sum3A_253 = vector.broadcast %reduce_sum3A_252 : i1 to vector<16xi1>
            %reduce_sum3A_254 = tpu.scan <sum>, %select_n3A_251 masked %reduce_sum3A_253 : vector<16xi32>, vector<16xi1> -> vector<16xi32>
            %reduce_sum3A_255 = vector.extract %reduce_sum3A_254[15] : i32 from vector<16xi32>
            %sub3A_256 = arith.subi %reduce_sum3A_246, %min3A_190 : i32
            %broadcast_in_dim3A_257 = vector.broadcast %sub3A_256 : i32 to vector<16xi32>
            %ge3A = arith.constant 16 : i32
            %ge3A_258 = arith.cmpi sge, %while3A_235, %ge3A : i32
            %convert_element_type3A_259 = arith.extui %ge3A_258 : i1 to i32
            %cond3A_260 = arith.constant 0 : i32
            %cond3A_261 = arith.cmpi ne, %convert_element_type3A_259, %cond3A_260 : i32
            scf.if %cond3A_261 {
              %dma_wait3A_327 = arith.constant 0 : i32
              %dma_wait3A_328 = arith.constant 0 : i32
              %dma_wait3A_329 = arith.constant 0 : i32
              %dma_wait3A_330 = tpu.memref_slice %arg12[%dma_wait3A_328, %dma_wait3A_329] : memref<16x64xf32, #tpu.memory_space<vmem>> -> memref<1x64xf32, #tpu.memory_space<vmem>>
              %dma_wait3A_331 = tpu.memref_squeeze %dma_wait3A_330 : memref<1x64xf32, #tpu.memory_space<vmem>> -> memref<64xf32, #tpu.memory_space<vmem>>
              %dma_wait3A_332 = arith.constant 0 : i32
              %dma_wait3A_333 = tpu.memref_slice %arg4[%dma_wait3A_327, %dma_wait3A_332] : memref<64x64xf32, #tpu.memory_space<hbm>> -> memref<1x64xf32, #tpu.memory_space<hbm>>
              %dma_wait3A_334 = tpu.memref_squeeze %dma_wait3A_333 : memref<1x64xf32, #tpu.memory_space<hbm>> -> memref<64xf32, #tpu.memory_space<hbm>>
              %dma_wait3A_335 = arith.constant 0 : i32
              %dma_wait3A_336 = tpu.memref_slice %arg12[%dma_wait3A_328, %dma_wait3A_335] : memref<16x64xf32, #tpu.memory_space<vmem>> -> memref<1x64xf32, #tpu.memory_space<vmem>>
              %dma_wait3A_337 = tpu.memref_squeeze %dma_wait3A_336 : memref<1x64xf32, #tpu.memory_space<vmem>> -> memref<64xf32, #tpu.memory_space<vmem>>
              %dma_wait3A_338 = arith.constant 0 : i32
              %dma_wait3A_339 = tpu.memref_slice %arg4[%dma_wait3A_327, %dma_wait3A_338] : memref<64x64xf32, #tpu.memory_space<hbm>> -> memref<1x64xf32, #tpu.memory_space<hbm>>
              %dma_wait3A_340 = tpu.memref_squeeze %dma_wait3A_339 : memref<1x64xf32, #tpu.memory_space<hbm>> -> memref<64xf32, #tpu.memory_space<hbm>>
              tpu.wait_dma2 semaphore(%arg17 : memref<!tpu.dma_semaphore, #tpu.memory_space<semaphore_mem>>) src(%dma_wait3A_340 : memref<64xf32, #tpu.memory_space<hbm>>) dst(%dma_wait3A_337 : memref<64xf32, #tpu.memory_space<vmem>>)
            } else {
            }
            %and3A_262 = arith.constant 15 : i32
            %and3A_263 = arith.andi %while3A_235, %and3A_262 : i32
            %add3A_264 = arith.constant 0 : i32
            %add3A_265 = vector.broadcast %add3A_264 : i32 to vector<16xi32>
            %add3A_266 = arith.addi %iota3A, %add3A_265 : vector<16xi32>
            %gather3A = arith.constant 1 : i32
            %gather3A_267 = arith.constant 0 : i32
            %gather3A_268 = arith.constant 0 : i32
            %gather3A_269 = tpu.memref_slice %arg10[%gather3A, %gather3A_267, %gather3A_268] : memref<2x64x512xf32, #tpu.memory_space<vmem>> -> memref<1x64x512xf32, #tpu.memory_space<vmem>>
            %gather3A_270 = tpu.memref_squeeze %gather3A_269 : memref<1x64x512xf32, #tpu.memory_space<vmem>> -> memref<64x512xf32, #tpu.memory_space<vmem>>
            %gather3A_271 = tpu.vector_load_idx %gather3A_270[%add3A_266, %broadcast_in_dim3A_257] : memref<64x512xf32, #tpu.memory_space<vmem>>[vector<16xi32>, vector<16xi32>], vector<16xf32>,
            %swap3A = arith.index_cast %and3A_263 : i32 to index
            %swap3A_272 = arith.constant 0 : index
            %swap3A_273 = tpu.vector_load %arg12[%swap3A, %swap3A_272] {strides = array<i32>} : memref<16x64xf32, #tpu.memory_space<vmem>>, vector<16xf32>,
            tpu.vector_store %arg12[%swap3A, %swap3A_272], %gather3A_271 {strides = array<i32>} : memref<16x64xf32, #tpu.memory_space<vmem>>, vector<16xf32>,
            %add3A_274 = arith.constant 16 : i32
            %add3A_275 = vector.broadcast %add3A_274 : i32 to vector<16xi32>
            %add3A_276 = arith.addi %iota3A, %add3A_275 : vector<16xi32>
            %gather3A_277 = arith.constant 1 : i32
            %gather3A_278 = arith.constant 0 : i32
            %gather3A_279 = arith.constant 0 : i32
            %gather3A_280 = tpu.memref_slice %arg10[%gather3A_277, %gather3A_278, %gather3A_279] : memref<2x64x512xf32, #tpu.memory_space<vmem>> -> memref<1x64x512xf32, #tpu.memory_space<vmem>>
            %gather3A_281 = tpu.memref_squeeze %gather3A_280 : memref<1x64x512xf32, #tpu.memory_space<vmem>> -> memref<64x512xf32, #tpu.memory_space<vmem>>
            %gather3A_282 = tpu.vector_load_idx %gather3A_281[%add3A_276, %broadcast_in_dim3A_257] : memref<64x512xf32, #tpu.memory_space<vmem>>[vector<16xi32>, vector<16xi32>], vector<16xf32>,
            %swap3A_283 = arith.index_cast %and3A_263 : i32 to index
            %swap3A_284 = arith.constant 16 : index
            %swap3A_285 = tpu.vector_load %arg12[%swap3A_283, %swap3A_284] {strides = array<i32>} : memref<16x64xf32, #tpu.memory_space<vmem>>, vector<16xf32>,
            tpu.vector_store %arg12[%swap3A_283, %swap3A_284], %gather3A_282 {strides = array<i32>} : memref<16x64xf32, #tpu.memory_space<vmem>>, vector<16xf32>,
            %add3A_286 = arith.constant 32 : i32
            %add3A_287 = vector.broadcast %add3A_286 : i32 to vector<16xi32>
            %add3A_288 = arith.addi %iota3A, %add3A_287 : vector<16xi32>
            %gather3A_289 = arith.constant 1 : i32
            %gather3A_290 = arith.constant 0 : i32
            %gather3A_291 = arith.constant 0 : i32
            %gather3A_292 = tpu.memref_slice %arg10[%gather3A_289, %gather3A_290, %gather3A_291] : memref<2x64x512xf32, #tpu.memory_space<vmem>> -> memref<1x64x512xf32, #tpu.memory_space<vmem>>
            %gather3A_293 = tpu.memref_squeeze %gather3A_292 : memref<1x64x512xf32, #tpu.memory_space<vmem>> -> memref<64x512xf32, #tpu.memory_space<vmem>>
            %gather3A_294 = tpu.vector_load_idx %gather3A_293[%add3A_288, %broadcast_in_dim3A_257] : memref<64x512xf32, #tpu.memory_space<vmem>>[vector<16xi32>, vector<16xi32>], vector<16xf32>,
            %swap3A_295 = arith.index_cast %and3A_263 : i32 to index
            %swap3A_296 = arith.constant 32 : index
            %swap3A_297 = tpu.vector_load %arg12[%swap3A_295, %swap3A_296] {strides = array<i32>} : memref<16x64xf32, #tpu.memory_space<vmem>>, vector<16xf32>,
            tpu.vector_store %arg12[%swap3A_295, %swap3A_296], %gather3A_294 {strides = array<i32>} : memref<16x64xf32, #tpu.memory_space<vmem>>, vector<16xf32>,
            %add3A_298 = arith.constant 48 : i32
            %add3A_299 = vector.broadcast %add3A_298 : i32 to vector<16xi32>
            %add3A_300 = arith.addi %iota3A, %add3A_299 : vector<16xi32>
            %gather3A_301 = arith.constant 1 : i32
            %gather3A_302 = arith.constant 0 : i32
            %gather3A_303 = arith.constant 0 : i32
            %gather3A_304 = tpu.memref_slice %arg10[%gather3A_301, %gather3A_302, %gather3A_303] : memref<2x64x512xf32, #tpu.memory_space<vmem>> -> memref<1x64x512xf32, #tpu.memory_space<vmem>>
            %gather3A_305 = tpu.memref_squeeze %gather3A_304 : memref<1x64x512xf32, #tpu.memory_space<vmem>> -> memref<64x512xf32, #tpu.memory_space<vmem>>
            %gather3A_306 = tpu.vector_load_idx %gather3A_305[%add3A_300, %broadcast_in_dim3A_257] : memref<64x512xf32, #tpu.memory_space<vmem>>[vector<16xi32>, vector<16xi32>], vector<16xf32>,
            %swap3A_307 = arith.index_cast %and3A_263 : i32 to index
            %swap3A_308 = arith.constant 48 : index
            %swap3A_309 = tpu.vector_load %arg12[%swap3A_307, %swap3A_308] {strides = array<i32>} : memref<16x64xf32, #tpu.memory_space<vmem>>, vector<16xf32>,
            tpu.vector_store %arg12[%swap3A_307, %swap3A_308], %gather3A_306 {strides = array<i32>} : memref<16x64xf32, #tpu.memory_space<vmem>>, vector<16xf32>,
            %shift_right_arithmetic3A = arith.constant 3 : i32
            %shift_right_arithmetic3A_310 = arith.shrsi %reduce_sum3A_255, %shift_right_arithmetic3A : i32
            %and3A_311 = arith.constant 7 : i32
            %and3A_312 = arith.andi %reduce_sum3A_255, %and3A_311 : i32
            %dma_start3A_313 = arith.constant 0 : i32
            %dma_start3A_314 = tpu.memref_slice %arg12[%and3A_263, %dma_start3A_313] : memref<16x64xf32, #tpu.memory_space<vmem>> -> memref<1x64xf32, #tpu.memory_space<vmem>>
            %dma_start3A_315 = tpu.memref_squeeze %dma_start3A_314 : memref<1x64xf32, #tpu.memory_space<vmem>> -> memref<64xf32, #tpu.memory_space<vmem>>
            %dma_start3A_316 = arith.constant 0 : i32
            %dma_start3A_317 = tpu.memref_slice %arg5[%shift_right_arithmetic3A_310, %and3A_312, %dma_start3A_316] : memref<2048x8x64xf32, #tpu.memory_space<hbm>> -> memref<1x1x64xf32, #tpu.memory_space<hbm>>
            %dma_start3A_318 = tpu.memref_squeeze %dma_start3A_317 : memref<1x1x64xf32, #tpu.memory_space<hbm>> -> memref<64xf32, #tpu.memory_space<hbm>>
            %dma_start3A_319 = arith.constant 0 : i32
            %dma_start3A_320 = tpu.memref_slice %arg5[%shift_right_arithmetic3A_310, %and3A_312, %dma_start3A_319] : memref<2048x8x64xf32, #tpu.memory_space<hbm>> -> memref<1x1x64xf32, #tpu.memory_space<hbm>>
            %dma_start3A_321 = tpu.memref_squeeze %dma_start3A_320 : memref<1x1x64xf32, #tpu.memory_space<hbm>> -> memref<64xf32, #tpu.memory_space<hbm>>
            %dma_start3A_322 = arith.constant 0 : i32
            %dma_start3A_323 = tpu.memref_slice %arg12[%and3A_263, %dma_start3A_322] : memref<16x64xf32, #tpu.memory_space<vmem>> -> memref<1x64xf32, #tpu.memory_space<vmem>>
            %dma_start3A_324 = tpu.memref_squeeze %dma_start3A_323 : memref<1x64xf32, #tpu.memory_space<vmem>> -> memref<64xf32, #tpu.memory_space<vmem>>
            tpu.enqueue_dma source(%dma_start3A_324 : memref<64xf32, #tpu.memory_space<vmem>>) target(%dma_start3A_321 : memref<64xf32, #tpu.memory_space<hbm>>) target_semaphore(%arg17 : memref<!tpu.dma_semaphore, #tpu.memory_space<semaphore_mem>>)
            %add3A_325 = arith.constant 1 : i32
            %add3A_326 = arith.addi %while3A_235, %add3A_325 : i32
            scf.yield %add3A_326 : i32
          }
          %while3A_232 = arith.constant 1 : i32
          %while3A_233 = scf.for %while3A_234 = %while3A_229 to %while3A_225 step %while3A_232 iter_args(%while3A_235 = %while3A_231) -> (i32)  : i32 {
            %eq3A_236 = vector.broadcast %while3A_234 : i32 to vector<16xi32>
            %eq3A_237 = arith.cmpi eq, %iota3A, %eq3A_236 : vector<16xi32>
            %get3A_238 = arith.constant 0 : index
            %get3A_239 = tpu.vector_load %arg13[%get3A_238] {strides = array<i32>} : memref<16xi32, #tpu.memory_space<vmem>>, vector<16xi32>,
            %jit3A_240 = arith.constant 0 : i32
            %broadcast_in_dim3A_241 = vector.broadcast %jit3A_240 : i32 to vector<16xi32>
            %select_n3A_242 = arith.select %eq3A_237, %get3A_239, %broadcast_in_dim3A_241 : vector<16xi1>, vector<16xi32>
            %reduce_sum3A_243 = arith.constant true
            %reduce_sum3A_244 = vector.broadcast %reduce_sum3A_243 : i1 to vector<16xi1>
            %reduce_sum3A_245 = tpu.scan <sum>, %select_n3A_242 masked %reduce_sum3A_244 : vector<16xi32>, vector<16xi1> -> vector<16xi32>
            %reduce_sum3A_246 = vector.extract %reduce_sum3A_245[15] : i32 from vector<16xi32>
            %get3A_247 = arith.constant 0 : index
            %get3A_248 = tpu.vector_load %arg14[%get3A_247] {strides = array<i32>} : memref<16xi32, #tpu.memory_space<vmem>>, vector<16xi32>,
            %jit3A_249 = arith.constant 0 : i32
            %broadcast_in_dim3A_250 = vector.broadcast %jit3A_249 : i32 to vector<16xi32>
            %select_n3A_251 = arith.select %eq3A_237, %get3A_248, %broadcast_in_dim3A_250 : vector<16xi1>, vector<16xi32>
            %reduce_sum3A_252 = arith.constant true
            %reduce_sum3A_253 = vector.broadcast %reduce_sum3A_252 : i1 to vector<16xi1>
            %reduce_sum3A_254 = tpu.scan <sum>, %select_n3A_251 masked %reduce_sum3A_253 : vector<16xi32>, vector<16xi1> -> vector<16xi32>
            %reduce_sum3A_255 = vector.extract %reduce_sum3A_254[15] : i32 from vector<16xi32>
            %sub3A_256 = arith.subi %reduce_sum3A_246, %min3A_190 : i32
            %broadcast_in_dim3A_257 = vector.broadcast %sub3A_256 : i32 to vector<16xi32>
            %ge3A = arith.constant 16 : i32
            %ge3A_258 = arith.cmpi sge, %while3A_235, %ge3A : i32
            %convert_element_type3A_259 = arith.extui %ge3A_258 : i1 to i32
            %cond3A_260 = arith.constant 0 : i32
            %cond3A_261 = arith.cmpi ne, %convert_element_type3A_259, %cond3A_260 : i32
            scf.if %cond3A_261 {
              %dma_wait3A_327 = arith.constant 0 : i32
              %dma_wait3A_328 = arith.constant 0 : i32
              %dma_wait3A_329 = arith.constant 0 : i32
              %dma_wait3A_330 = tpu.memref_slice %arg12[%dma_wait3A_328, %dma_wait3A_329] : memref<16x64xf32, #tpu.memory_space<vmem>> -> memref<1x64xf32, #tpu.memory_space<vmem>>
              %dma_wait3A_331 = tpu.memref_squeeze %dma_wait3A_330 : memref<1x64xf32, #tpu.memory_space<vmem>> -> memref<64xf32, #tpu.memory_space<vmem>>
              %dma_wait3A_332 = arith.constant 0 : i32
              %dma_wait3A_333 = tpu.memref_slice %arg4[%dma_wait3A_327, %dma_wait3A_332] : memref<64x64xf32, #tpu.memory_space<hbm>> -> memref<1x64xf32, #tpu.memory_space<hbm>>
              %dma_wait3A_334 = tpu.memref_squeeze %dma_wait3A_333 : memref<1x64xf32, #tpu.memory_space<hbm>> -> memref<64xf32, #tpu.memory_space<hbm>>
              %dma_wait3A_335 = arith.constant 0 : i32
              %dma_wait3A_336 = tpu.memref_slice %arg12[%dma_wait3A_328, %dma_wait3A_335] : memref<16x64xf32, #tpu.memory_space<vmem>> -> memref<1x64xf32, #tpu.memory_space<vmem>>
              %dma_wait3A_337 = tpu.memref_squeeze %dma_wait3A_336 : memref<1x64xf32, #tpu.memory_space<vmem>> -> memref<64xf32, #tpu.memory_space<vmem>>
              %dma_wait3A_338 = arith.constant 0 : i32
              %dma_wait3A_339 = tpu.memref_slice %arg4[%dma_wait3A_327, %dma_wait3A_338] : memref<64x64xf32, #tpu.memory_space<hbm>> -> memref<1x64xf32, #tpu.memory_space<hbm>>
              %dma_wait3A_340 = tpu.memref_squeeze %dma_wait3A_339 : memref<1x64xf32, #tpu.memory_space<hbm>> -> memref<64xf32, #tpu.memory_space<hbm>>
              tpu.wait_dma2 semaphore(%arg17 : memref<!tpu.dma_semaphore, #tpu.memory_space<semaphore_mem>>) src(%dma_wait3A_340 : memref<64xf32, #tpu.memory_space<hbm>>) dst(%dma_wait3A_337 : memref<64xf32, #tpu.memory_space<vmem>>)
            } else {
            }
            %and3A_262 = arith.constant 15 : i32
            %and3A_263 = arith.andi %while3A_235, %and3A_262 : i32
            %add3A_264 = arith.constant 0 : i32
            %add3A_265 = vector.broadcast %add3A_264 : i32 to vector<16xi32>
            %add3A_266 = arith.addi %iota3A, %add3A_265 : vector<16xi32>
            %gather3A = arith.constant 1 : i32
            %gather3A_267 = arith.constant 0 : i32
            %gather3A_268 = arith.constant 0 : i32
            %gather3A_269 = tpu.memref_slice %arg10[%gather3A, %gather3A_267, %gather3A_268] : memref<2x64x512xf32, #tpu.memory_space<vmem>> -> memref<1x64x512xf32, #tpu.memory_space<vmem>>
            %gather3A_270 = tpu.memref_squeeze %gather3A_269 : memref<1x64x512xf32, #tpu.memory_space<vmem>> -> memref<64x512xf32, #tpu.memory_space<vmem>>
            %gather3A_271 = tpu.vector_load_idx %gather3A_270[%add3A_266, %broadcast_in_dim3A_257] : memref<64x512xf32, #tpu.memory_space<vmem>>[vector<16xi32>, vector<16xi32>], vector<16xf32>,
            %swap3A = arith.index_cast %and3A_263 : i32 to index
            %swap3A_272 = arith.constant 0 : index
            %swap3A_273 = tpu.vector_load %arg12[%swap3A, %swap3A_272] {strides = array<i32>} : memref<16x64xf32, #tpu.memory_space<vmem>>, vector<16xf32>,
            tpu.vector_store %arg12[%swap3A, %swap3A_272], %gather3A_271 {strides = array<i32>} : memref<16x64xf32, #tpu.memory_space<vmem>>, vector<16xf32>,
            %add3A_274 = arith.constant 16 : i32
            %add3A_275 = vector.broadcast %add3A_274 : i32 to vector<16xi32>
            %add3A_276 = arith.addi %iota3A, %add3A_275 : vector<16xi32>
            %gather3A_277 = arith.constant 1 : i32
            %gather3A_278 = arith.constant 0 : i32
            %gather3A_279 = arith.constant 0 : i32
            %gather3A_280 = tpu.memref_slice %arg10[%gather3A_277, %gather3A_278, %gather3A_279] : memref<2x64x512xf32, #tpu.memory_space<vmem>> -> memref<1x64x512xf32, #tpu.memory_space<vmem>>
            %gather3A_281 = tpu.memref_squeeze %gather3A_280 : memref<1x64x512xf32, #tpu.memory_space<vmem>> -> memref<64x512xf32, #tpu.memory_space<vmem>>
            %gather3A_282 = tpu.vector_load_idx %gather3A_281[%add3A_276, %broadcast_in_dim3A_257] : memref<64x512xf32, #tpu.memory_space<vmem>>[vector<16xi32>, vector<16xi32>], vector<16xf32>,
            %swap3A_283 = arith.index_cast %and3A_263 : i32 to index
            %swap3A_284 = arith.constant 16 : index
            %swap3A_285 = tpu.vector_load %arg12[%swap3A_283, %swap3A_284] {strides = array<i32>} : memref<16x64xf32, #tpu.memory_space<vmem>>, vector<16xf32>,
            tpu.vector_store %arg12[%swap3A_283, %swap3A_284], %gather3A_282 {strides = array<i32>} : memref<16x64xf32, #tpu.memory_space<vmem>>, vector<16xf32>,
            %add3A_286 = arith.constant 32 : i32
            %add3A_287 = vector.broadcast %add3A_286 : i32 to vector<16xi32>
            %add3A_288 = arith.addi %iota3A, %add3A_287 : vector<16xi32>
            %gather3A_289 = arith.constant 1 : i32
            %gather3A_290 = arith.constant 0 : i32
            %gather3A_291 = arith.constant 0 : i32
            %gather3A_292 = tpu.memref_slice %arg10[%gather3A_289, %gather3A_290, %gather3A_291] : memref<2x64x512xf32, #tpu.memory_space<vmem>> -> memref<1x64x512xf32, #tpu.memory_space<vmem>>
            %gather3A_293 = tpu.memref_squeeze %gather3A_292 : memref<1x64x512xf32, #tpu.memory_space<vmem>> -> memref<64x512xf32, #tpu.memory_space<vmem>>
            %gather3A_294 = tpu.vector_load_idx %gather3A_293[%add3A_288, %broadcast_in_dim3A_257] : memref<64x512xf32, #tpu.memory_space<vmem>>[vector<16xi32>, vector<16xi32>], vector<16xf32>,
            %swap3A_295 = arith.index_cast %and3A_263 : i32 to index
            %swap3A_296 = arith.constant 32 : index
            %swap3A_297 = tpu.vector_load %arg12[%swap3A_295, %swap3A_296] {strides = array<i32>} : memref<16x64xf32, #tpu.memory_space<vmem>>, vector<16xf32>,
            tpu.vector_store %arg12[%swap3A_295, %swap3A_296], %gather3A_294 {strides = array<i32>} : memref<16x64xf32, #tpu.memory_space<vmem>>, vector<16xf32>,
            %add3A_298 = arith.constant 48 : i32
            %add3A_299 = vector.broadcast %add3A_298 : i32 to vector<16xi32>
            %add3A_300 = arith.addi %iota3A, %add3A_299 : vector<16xi32>
            %gather3A_301 = arith.constant 1 : i32
            %gather3A_302 = arith.constant 0 : i32
            %gather3A_303 = arith.constant 0 : i32
            %gather3A_304 = tpu.memref_slice %arg10[%gather3A_301, %gather3A_302, %gather3A_303] : memref<2x64x512xf32, #tpu.memory_space<vmem>> -> memref<1x64x512xf32, #tpu.memory_space<vmem>>
            %gather3A_305 = tpu.memref_squeeze %gather3A_304 : memref<1x64x512xf32, #tpu.memory_space<vmem>> -> memref<64x512xf32, #tpu.memory_space<vmem>>
            %gather3A_306 = tpu.vector_load_idx %gather3A_305[%add3A_300, %broadcast_in_dim3A_257] : memref<64x512xf32, #tpu.memory_space<vmem>>[vector<16xi32>, vector<16xi32>], vector<16xf32>,
            %swap3A_307 = arith.index_cast %and3A_263 : i32 to index
            %swap3A_308 = arith.constant 48 : index
            %swap3A_309 = tpu.vector_load %arg12[%swap3A_307, %swap3A_308] {strides = array<i32>} : memref<16x64xf32, #tpu.memory_space<vmem>>, vector<16xf32>,
            tpu.vector_store %arg12[%swap3A_307, %swap3A_308], %gather3A_306 {strides = array<i32>} : memref<16x64xf32, #tpu.memory_space<vmem>>, vector<16xf32>,
            %shift_right_arithmetic3A = arith.constant 3 : i32
            %shift_right_arithmetic3A_310 = arith.shrsi %reduce_sum3A_255, %shift_right_arithmetic3A : i32
            %and3A_311 = arith.constant 7 : i32
            %and3A_312 = arith.andi %reduce_sum3A_255, %and3A_311 : i32
            %dma_start3A_313 = arith.constant 0 : i32
            %dma_start3A_314 = tpu.memref_slice %arg12[%and3A_263, %dma_start3A_313] : memref<16x64xf32, #tpu.memory_space<vmem>> -> memref<1x64xf32, #tpu.memory_space<vmem>>
            %dma_start3A_315 = tpu.memref_squeeze %dma_start3A_314 : memref<1x64xf32, #tpu.memory_space<vmem>> -> memref<64xf32, #tpu.memory_space<vmem>>
            %dma_start3A_316 = arith.constant 0 : i32
            %dma_start3A_317 = tpu.memref_slice %arg5[%shift_right_arithmetic3A_310, %and3A_312, %dma_start3A_316] : memref<2048x8x64xf32, #tpu.memory_space<hbm>> -> memref<1x1x64xf32, #tpu.memory_space<hbm>>
            %dma_start3A_318 = tpu.memref_squeeze %dma_start3A_317 : memref<1x1x64xf32, #tpu.memory_space<hbm>> -> memref<64xf32, #tpu.memory_space<hbm>>
            %dma_start3A_319 = arith.constant 0 : i32
            %dma_start3A_320 = tpu.memref_slice %arg5[%shift_right_arithmetic3A_310, %and3A_312, %dma_start3A_319] : memref<2048x8x64xf32, #tpu.memory_space<hbm>> -> memref<1x1x64xf32, #tpu.memory_space<hbm>>
            %dma_start3A_321 = tpu.memref_squeeze %dma_start3A_320 : memref<1x1x64xf32, #tpu.memory_space<hbm>> -> memref<64xf32, #tpu.memory_space<hbm>>
            %dma_start3A_322 = arith.constant 0 : i32
            %dma_start3A_323 = tpu.memref_slice %arg12[%and3A_263, %dma_start3A_322] : memref<16x64xf32, #tpu.memory_space<vmem>> -> memref<1x64xf32, #tpu.memory_space<vmem>>
            %dma_start3A_324 = tpu.memref_squeeze %dma_start3A_323 : memref<1x64xf32, #tpu.memory_space<vmem>> -> memref<64xf32, #tpu.memory_space<vmem>>
            tpu.enqueue_dma source(%dma_start3A_324 : memref<64xf32, #tpu.memory_space<vmem>>) target(%dma_start3A_321 : memref<64xf32, #tpu.memory_space<hbm>>) target_semaphore(%arg17 : memref<!tpu.dma_semaphore, #tpu.memory_space<semaphore_mem>>)
            %add3A_325 = arith.constant 1 : i32
            %add3A_326 = arith.addi %while3A_235, %add3A_325 : i32
            scf.yield %add3A_326 : i32
          }
          scf.yield %while3A_233 : i32
        }
        %while3A_200 = arith.constant 1 : i32
        %while3A_201 = scf.for %while3A_202 = %while3A_197 to %while3A_193 step %while3A_200 iter_args(%while3A_203 = %while3A_199) -> (i32)  : i32 {
          %mul3A_204 = arith.constant 16 : i32
          %mul3A_205 = arith.muli %while3A_202, %mul3A_204 : i32
          %get3A = arith.index_cast %mul3A_205 : i32 to index
          %get3A_206 = tpu.vector_load %arg7[%get3A] {strides = array<i32>} : memref<16400xi32, #tpu.memory_space<vmem>>, vector<16xi32>,
          %mul3A_207 = arith.constant 16 : i32
          %mul3A_208 = arith.muli %while3A_202, %mul3A_207 : i32
          %get3A_209 = arith.index_cast %mul3A_208 : i32 to index
          %get3A_210 = tpu.vector_load %arg9[%get3A_209] {strides = array<i32>} : memref<16400xi32, #tpu.memory_space<vmem>>, vector<16xi32>,
          %eq3A = vector.broadcast %add3A_159 : i32 to vector<16xi32>
          %eq3A_211 = arith.cmpi eq, %get3A_210, %eq3A : vector<16xi32>
          %jit3A_212 = arith.constant 1 : i32
          %jit3A_213 = arith.constant 0 : i32
          %broadcast_in_dim3A = vector.broadcast %jit3A_212 : i32 to vector<16xi32>
          %broadcast_in_dim3A_214 = vector.broadcast %jit3A_213 : i32 to vector<16xi32>
          %select_n3A_215 = arith.select %eq3A_211, %broadcast_in_dim3A, %broadcast_in_dim3A_214 : vector<16xi1>, vector<16xi32>
          %reduce_sum3A = arith.constant true
          %reduce_sum3A_216 = vector.broadcast %reduce_sum3A : i1 to vector<16xi1>
          %reduce_sum3A_217 = tpu.scan <sum>, %select_n3A_215 masked %reduce_sum3A_216 : vector<16xi32>, vector<16xi1> -> vector<16xi32>
          %reduce_sum3A_218 = vector.extract %reduce_sum3A_217[15] : i32 from vector<16xi32>
          %gt3A = arith.constant 0 : i32
          %gt3A_219 = arith.cmpi sgt, %reduce_sum3A_218, %gt3A : i32
          %convert_element_type3A_220 = arith.extui %gt3A_219 : i1 to i32
          %cond3A_221 = arith.constant 0 : i32
          %cond3A_222 = arith.cmpi ne, %convert_element_type3A_220, %cond3A_221 : i32
          scf.if %cond3A_222 {
            %swap3A = arith.constant 0 : index
            %swap3A_234 = tpu.vector_load %arg13[%swap3A] masked %eq3A_211 {strides = array<i32>} : memref<16xi32, #tpu.memory_space<vmem>>, vector<16xi32>, vector<16xi1>
            tpu.vector_store %arg13[%swap3A], %get3A_206 masked %eq3A_211 {strides = array<i32>} : memref<16xi32, #tpu.memory_space<vmem>>, vector<16xi32>, vector<16xi1>
            %mul3A_235 = arith.constant 16 : i32
            %mul3A_236 = arith.muli %while3A_202, %mul3A_235 : i32
            %get3A_237 = arith.index_cast %mul3A_236 : i32 to index
            %get3A_238 = tpu.vector_load %arg8[%get3A_237] {strides = array<i32>} : memref<16400xi32, #tpu.memory_space<vmem>>, vector<16xi32>,
            %swap3A_239 = arith.constant 0 : index
            %swap3A_240 = tpu.vector_load %arg14[%swap3A_239] masked %eq3A_211 {strides = array<i32>} : memref<16xi32, #tpu.memory_space<vmem>>, vector<16xi32>, vector<16xi1>
            tpu.vector_store %arg14[%swap3A_239], %get3A_238 masked %eq3A_211 {strides = array<i32>} : memref<16xi32, #tpu.memory_space<vmem>>, vector<16xi32>, vector<16xi1>
          } else {
          }
          %while3A_223 = arith.constant 0 : i32
          %while3A_224 = arith.subi %reduce_sum3A_218, %while3A_223 : i32
          %while3A_225 = arith.addi %while3A_223, %while3A_224 : i32
          %while3A_226 = arith.constant 1 : i32
          %while3A_227 = arith.divsi %while3A_224, %while3A_226 : i32
          %while3A_228 = arith.muli %while3A_227, %while3A_226 : i32
          %while3A_229 = arith.addi %while3A_223, %while3A_228 : i32
          %while3A_230 = arith.constant 1 : i32
          %while3A_231 = scf.for %while3A_234 = %while3A_223 to %while3A_229 step %while3A_230 iter_args(%while3A_235 = %while3A_203) -> (i32)  : i32 {
            %eq3A_236 = vector.broadcast %while3A_234 : i32 to vector<16xi32>
            %eq3A_237 = arith.cmpi eq, %iota3A, %eq3A_236 : vector<16xi32>
            %get3A_238 = arith.constant 0 : index
            %get3A_239 = tpu.vector_load %arg13[%get3A_238] {strides = array<i32>} : memref<16xi32, #tpu.memory_space<vmem>>, vector<16xi32>,
            %jit3A_240 = arith.constant 0 : i32
            %broadcast_in_dim3A_241 = vector.broadcast %jit3A_240 : i32 to vector<16xi32>
            %select_n3A_242 = arith.select %eq3A_237, %get3A_239, %broadcast_in_dim3A_241 : vector<16xi1>, vector<16xi32>
            %reduce_sum3A_243 = arith.constant true
            %reduce_sum3A_244 = vector.broadcast %reduce_sum3A_243 : i1 to vector<16xi1>
            %reduce_sum3A_245 = tpu.scan <sum>, %select_n3A_242 masked %reduce_sum3A_244 : vector<16xi32>, vector<16xi1> -> vector<16xi32>
            %reduce_sum3A_246 = vector.extract %reduce_sum3A_245[15] : i32 from vector<16xi32>
            %get3A_247 = arith.constant 0 : index
            %get3A_248 = tpu.vector_load %arg14[%get3A_247] {strides = array<i32>} : memref<16xi32, #tpu.memory_space<vmem>>, vector<16xi32>,
            %jit3A_249 = arith.constant 0 : i32
            %broadcast_in_dim3A_250 = vector.broadcast %jit3A_249 : i32 to vector<16xi32>
            %select_n3A_251 = arith.select %eq3A_237, %get3A_248, %broadcast_in_dim3A_250 : vector<16xi1>, vector<16xi32>
            %reduce_sum3A_252 = arith.constant true
            %reduce_sum3A_253 = vector.broadcast %reduce_sum3A_252 : i1 to vector<16xi1>
            %reduce_sum3A_254 = tpu.scan <sum>, %select_n3A_251 masked %reduce_sum3A_253 : vector<16xi32>, vector<16xi1> -> vector<16xi32>
            %reduce_sum3A_255 = vector.extract %reduce_sum3A_254[15] : i32 from vector<16xi32>
            %sub3A_256 = arith.subi %reduce_sum3A_246, %min3A_190 : i32
            %broadcast_in_dim3A_257 = vector.broadcast %sub3A_256 : i32 to vector<16xi32>
            %ge3A = arith.constant 16 : i32
            %ge3A_258 = arith.cmpi sge, %while3A_235, %ge3A : i32
            %convert_element_type3A_259 = arith.extui %ge3A_258 : i1 to i32
            %cond3A_260 = arith.constant 0 : i32
            %cond3A_261 = arith.cmpi ne, %convert_element_type3A_259, %cond3A_260 : i32
            scf.if %cond3A_261 {
              %dma_wait3A_327 = arith.constant 0 : i32
              %dma_wait3A_328 = arith.constant 0 : i32
              %dma_wait3A_329 = arith.constant 0 : i32
              %dma_wait3A_330 = tpu.memref_slice %arg12[%dma_wait3A_328, %dma_wait3A_329] : memref<16x64xf32, #tpu.memory_space<vmem>> -> memref<1x64xf32, #tpu.memory_space<vmem>>
              %dma_wait3A_331 = tpu.memref_squeeze %dma_wait3A_330 : memref<1x64xf32, #tpu.memory_space<vmem>> -> memref<64xf32, #tpu.memory_space<vmem>>
              %dma_wait3A_332 = arith.constant 0 : i32
              %dma_wait3A_333 = tpu.memref_slice %arg4[%dma_wait3A_327, %dma_wait3A_332] : memref<64x64xf32, #tpu.memory_space<hbm>> -> memref<1x64xf32, #tpu.memory_space<hbm>>
              %dma_wait3A_334 = tpu.memref_squeeze %dma_wait3A_333 : memref<1x64xf32, #tpu.memory_space<hbm>> -> memref<64xf32, #tpu.memory_space<hbm>>
              %dma_wait3A_335 = arith.constant 0 : i32
              %dma_wait3A_336 = tpu.memref_slice %arg12[%dma_wait3A_328, %dma_wait3A_335] : memref<16x64xf32, #tpu.memory_space<vmem>> -> memref<1x64xf32, #tpu.memory_space<vmem>>
              %dma_wait3A_337 = tpu.memref_squeeze %dma_wait3A_336 : memref<1x64xf32, #tpu.memory_space<vmem>> -> memref<64xf32, #tpu.memory_space<vmem>>
              %dma_wait3A_338 = arith.constant 0 : i32
              %dma_wait3A_339 = tpu.memref_slice %arg4[%dma_wait3A_327, %dma_wait3A_338] : memref<64x64xf32, #tpu.memory_space<hbm>> -> memref<1x64xf32, #tpu.memory_space<hbm>>
              %dma_wait3A_340 = tpu.memref_squeeze %dma_wait3A_339 : memref<1x64xf32, #tpu.memory_space<hbm>> -> memref<64xf32, #tpu.memory_space<hbm>>
              tpu.wait_dma2 semaphore(%arg17 : memref<!tpu.dma_semaphore, #tpu.memory_space<semaphore_mem>>) src(%dma_wait3A_340 : memref<64xf32, #tpu.memory_space<hbm>>) dst(%dma_wait3A_337 : memref<64xf32, #tpu.memory_space<vmem>>)
            } else {
            }
            %and3A_262 = arith.constant 15 : i32
            %and3A_263 = arith.andi %while3A_235, %and3A_262 : i32
            %add3A_264 = arith.constant 0 : i32
            %add3A_265 = vector.broadcast %add3A_264 : i32 to vector<16xi32>
            %add3A_266 = arith.addi %iota3A, %add3A_265 : vector<16xi32>
            %gather3A = arith.constant 1 : i32
            %gather3A_267 = arith.constant 0 : i32
            %gather3A_268 = arith.constant 0 : i32
            %gather3A_269 = tpu.memref_slice %arg10[%gather3A, %gather3A_267, %gather3A_268] : memref<2x64x512xf32, #tpu.memory_space<vmem>> -> memref<1x64x512xf32, #tpu.memory_space<vmem>>
            %gather3A_270 = tpu.memref_squeeze %gather3A_269 : memref<1x64x512xf32, #tpu.memory_space<vmem>> -> memref<64x512xf32, #tpu.memory_space<vmem>>
            %gather3A_271 = tpu.vector_load_idx %gather3A_270[%add3A_266, %broadcast_in_dim3A_257] : memref<64x512xf32, #tpu.memory_space<vmem>>[vector<16xi32>, vector<16xi32>], vector<16xf32>,
            %swap3A = arith.index_cast %and3A_263 : i32 to index
            %swap3A_272 = arith.constant 0 : index
            %swap3A_273 = tpu.vector_load %arg12[%swap3A, %swap3A_272] {strides = array<i32>} : memref<16x64xf32, #tpu.memory_space<vmem>>, vector<16xf32>,
            tpu.vector_store %arg12[%swap3A, %swap3A_272], %gather3A_271 {strides = array<i32>} : memref<16x64xf32, #tpu.memory_space<vmem>>, vector<16xf32>,
            %add3A_274 = arith.constant 16 : i32
            %add3A_275 = vector.broadcast %add3A_274 : i32 to vector<16xi32>
            %add3A_276 = arith.addi %iota3A, %add3A_275 : vector<16xi32>
            %gather3A_277 = arith.constant 1 : i32
            %gather3A_278 = arith.constant 0 : i32
            %gather3A_279 = arith.constant 0 : i32
            %gather3A_280 = tpu.memref_slice %arg10[%gather3A_277, %gather3A_278, %gather3A_279] : memref<2x64x512xf32, #tpu.memory_space<vmem>> -> memref<1x64x512xf32, #tpu.memory_space<vmem>>
            %gather3A_281 = tpu.memref_squeeze %gather3A_280 : memref<1x64x512xf32, #tpu.memory_space<vmem>> -> memref<64x512xf32, #tpu.memory_space<vmem>>
            %gather3A_282 = tpu.vector_load_idx %gather3A_281[%add3A_276, %broadcast_in_dim3A_257] : memref<64x512xf32, #tpu.memory_space<vmem>>[vector<16xi32>, vector<16xi32>], vector<16xf32>,
            %swap3A_283 = arith.index_cast %and3A_263 : i32 to index
            %swap3A_284 = arith.constant 16 : index
            %swap3A_285 = tpu.vector_load %arg12[%swap3A_283, %swap3A_284] {strides = array<i32>} : memref<16x64xf32, #tpu.memory_space<vmem>>, vector<16xf32>,
            tpu.vector_store %arg12[%swap3A_283, %swap3A_284], %gather3A_282 {strides = array<i32>} : memref<16x64xf32, #tpu.memory_space<vmem>>, vector<16xf32>,
            %add3A_286 = arith.constant 32 : i32
            %add3A_287 = vector.broadcast %add3A_286 : i32 to vector<16xi32>
            %add3A_288 = arith.addi %iota3A, %add3A_287 : vector<16xi32>
            %gather3A_289 = arith.constant 1 : i32
            %gather3A_290 = arith.constant 0 : i32
            %gather3A_291 = arith.constant 0 : i32
            %gather3A_292 = tpu.memref_slice %arg10[%gather3A_289, %gather3A_290, %gather3A_291] : memref<2x64x512xf32, #tpu.memory_space<vmem>> -> memref<1x64x512xf32, #tpu.memory_space<vmem>>
            %gather3A_293 = tpu.memref_squeeze %gather3A_292 : memref<1x64x512xf32, #tpu.memory_space<vmem>> -> memref<64x512xf32, #tpu.memory_space<vmem>>
            %gather3A_294 = tpu.vector_load_idx %gather3A_293[%add3A_288, %broadcast_in_dim3A_257] : memref<64x512xf32, #tpu.memory_space<vmem>>[vector<16xi32>, vector<16xi32>], vector<16xf32>,
            %swap3A_295 = arith.index_cast %and3A_263 : i32 to index
            %swap3A_296 = arith.constant 32 : index
            %swap3A_297 = tpu.vector_load %arg12[%swap3A_295, %swap3A_296] {strides = array<i32>} : memref<16x64xf32, #tpu.memory_space<vmem>>, vector<16xf32>,
            tpu.vector_store %arg12[%swap3A_295, %swap3A_296], %gather3A_294 {strides = array<i32>} : memref<16x64xf32, #tpu.memory_space<vmem>>, vector<16xf32>,
            %add3A_298 = arith.constant 48 : i32
            %add3A_299 = vector.broadcast %add3A_298 : i32 to vector<16xi32>
            %add3A_300 = arith.addi %iota3A, %add3A_299 : vector<16xi32>
            %gather3A_301 = arith.constant 1 : i32
            %gather3A_302 = arith.constant 0 : i32
            %gather3A_303 = arith.constant 0 : i32
            %gather3A_304 = tpu.memref_slice %arg10[%gather3A_301, %gather3A_302, %gather3A_303] : memref<2x64x512xf32, #tpu.memory_space<vmem>> -> memref<1x64x512xf32, #tpu.memory_space<vmem>>
            %gather3A_305 = tpu.memref_squeeze %gather3A_304 : memref<1x64x512xf32, #tpu.memory_space<vmem>> -> memref<64x512xf32, #tpu.memory_space<vmem>>
            %gather3A_306 = tpu.vector_load_idx %gather3A_305[%add3A_300, %broadcast_in_dim3A_257] : memref<64x512xf32, #tpu.memory_space<vmem>>[vector<16xi32>, vector<16xi32>], vector<16xf32>,
            %swap3A_307 = arith.index_cast %and3A_263 : i32 to index
            %swap3A_308 = arith.constant 48 : index
            %swap3A_309 = tpu.vector_load %arg12[%swap3A_307, %swap3A_308] {strides = array<i32>} : memref<16x64xf32, #tpu.memory_space<vmem>>, vector<16xf32>,
            tpu.vector_store %arg12[%swap3A_307, %swap3A_308], %gather3A_306 {strides = array<i32>} : memref<16x64xf32, #tpu.memory_space<vmem>>, vector<16xf32>,
            %shift_right_arithmetic3A = arith.constant 3 : i32
            %shift_right_arithmetic3A_310 = arith.shrsi %reduce_sum3A_255, %shift_right_arithmetic3A : i32
            %and3A_311 = arith.constant 7 : i32
            %and3A_312 = arith.andi %reduce_sum3A_255, %and3A_311 : i32
            %dma_start3A_313 = arith.constant 0 : i32
            %dma_start3A_314 = tpu.memref_slice %arg12[%and3A_263, %dma_start3A_313] : memref<16x64xf32, #tpu.memory_space<vmem>> -> memref<1x64xf32, #tpu.memory_space<vmem>>
            %dma_start3A_315 = tpu.memref_squeeze %dma_start3A_314 : memref<1x64xf32, #tpu.memory_space<vmem>> -> memref<64xf32, #tpu.memory_space<vmem>>
            %dma_start3A_316 = arith.constant 0 : i32
            %dma_start3A_317 = tpu.memref_slice %arg5[%shift_right_arithmetic3A_310, %and3A_312, %dma_start3A_316] : memref<2048x8x64xf32, #tpu.memory_space<hbm>> -> memref<1x1x64xf32, #tpu.memory_space<hbm>>
            %dma_start3A_318 = tpu.memref_squeeze %dma_start3A_317 : memref<1x1x64xf32, #tpu.memory_space<hbm>> -> memref<64xf32, #tpu.memory_space<hbm>>
            %dma_start3A_319 = arith.constant 0 : i32
            %dma_start3A_320 = tpu.memref_slice %arg5[%shift_right_arithmetic3A_310, %and3A_312, %dma_start3A_319] : memref<2048x8x64xf32, #tpu.memory_space<hbm>> -> memref<1x1x64xf32, #tpu.memory_space<hbm>>
            %dma_start3A_321 = tpu.memref_squeeze %dma_start3A_320 : memref<1x1x64xf32, #tpu.memory_space<hbm>> -> memref<64xf32, #tpu.memory_space<hbm>>
            %dma_start3A_322 = arith.constant 0 : i32
            %dma_start3A_323 = tpu.memref_slice %arg12[%and3A_263, %dma_start3A_322] : memref<16x64xf32, #tpu.memory_space<vmem>> -> memref<1x64xf32, #tpu.memory_space<vmem>>
            %dma_start3A_324 = tpu.memref_squeeze %dma_start3A_323 : memref<1x64xf32, #tpu.memory_space<vmem>> -> memref<64xf32, #tpu.memory_space<vmem>>
            tpu.enqueue_dma source(%dma_start3A_324 : memref<64xf32, #tpu.memory_space<vmem>>) target(%dma_start3A_321 : memref<64xf32, #tpu.memory_space<hbm>>) target_semaphore(%arg17 : memref<!tpu.dma_semaphore, #tpu.memory_space<semaphore_mem>>)
            %add3A_325 = arith.constant 1 : i32
            %add3A_326 = arith.addi %while3A_235, %add3A_325 : i32
            scf.yield %add3A_326 : i32
          }
          %while3A_232 = arith.constant 1 : i32
          %while3A_233 = scf.for %while3A_234 = %while3A_229 to %while3A_225 step %while3A_232 iter_args(%while3A_235 = %while3A_231) -> (i32)  : i32 {
            %eq3A_236 = vector.broadcast %while3A_234 : i32 to vector<16xi32>
            %eq3A_237 = arith.cmpi eq, %iota3A, %eq3A_236 : vector<16xi32>
            %get3A_238 = arith.constant 0 : index
            %get3A_239 = tpu.vector_load %arg13[%get3A_238] {strides = array<i32>} : memref<16xi32, #tpu.memory_space<vmem>>, vector<16xi32>,
            %jit3A_240 = arith.constant 0 : i32
            %broadcast_in_dim3A_241 = vector.broadcast %jit3A_240 : i32 to vector<16xi32>
            %select_n3A_242 = arith.select %eq3A_237, %get3A_239, %broadcast_in_dim3A_241 : vector<16xi1>, vector<16xi32>
            %reduce_sum3A_243 = arith.constant true
            %reduce_sum3A_244 = vector.broadcast %reduce_sum3A_243 : i1 to vector<16xi1>
            %reduce_sum3A_245 = tpu.scan <sum>, %select_n3A_242 masked %reduce_sum3A_244 : vector<16xi32>, vector<16xi1> -> vector<16xi32>
            %reduce_sum3A_246 = vector.extract %reduce_sum3A_245[15] : i32 from vector<16xi32>
            %get3A_247 = arith.constant 0 : index
            %get3A_248 = tpu.vector_load %arg14[%get3A_247] {strides = array<i32>} : memref<16xi32, #tpu.memory_space<vmem>>, vector<16xi32>,
            %jit3A_249 = arith.constant 0 : i32
            %broadcast_in_dim3A_250 = vector.broadcast %jit3A_249 : i32 to vector<16xi32>
            %select_n3A_251 = arith.select %eq3A_237, %get3A_248, %broadcast_in_dim3A_250 : vector<16xi1>, vector<16xi32>
            %reduce_sum3A_252 = arith.constant true
            %reduce_sum3A_253 = vector.broadcast %reduce_sum3A_252 : i1 to vector<16xi1>
            %reduce_sum3A_254 = tpu.scan <sum>, %select_n3A_251 masked %reduce_sum3A_253 : vector<16xi32>, vector<16xi1> -> vector<16xi32>
            %reduce_sum3A_255 = vector.extract %reduce_sum3A_254[15] : i32 from vector<16xi32>
            %sub3A_256 = arith.subi %reduce_sum3A_246, %min3A_190 : i32
            %broadcast_in_dim3A_257 = vector.broadcast %sub3A_256 : i32 to vector<16xi32>
            %ge3A = arith.constant 16 : i32
            %ge3A_258 = arith.cmpi sge, %while3A_235, %ge3A : i32
            %convert_element_type3A_259 = arith.extui %ge3A_258 : i1 to i32
            %cond3A_260 = arith.constant 0 : i32
            %cond3A_261 = arith.cmpi ne, %convert_element_type3A_259, %cond3A_260 : i32
            scf.if %cond3A_261 {
              %dma_wait3A_327 = arith.constant 0 : i32
              %dma_wait3A_328 = arith.constant 0 : i32
              %dma_wait3A_329 = arith.constant 0 : i32
              %dma_wait3A_330 = tpu.memref_slice %arg12[%dma_wait3A_328, %dma_wait3A_329] : memref<16x64xf32, #tpu.memory_space<vmem>> -> memref<1x64xf32, #tpu.memory_space<vmem>>
              %dma_wait3A_331 = tpu.memref_squeeze %dma_wait3A_330 : memref<1x64xf32, #tpu.memory_space<vmem>> -> memref<64xf32, #tpu.memory_space<vmem>>
              %dma_wait3A_332 = arith.constant 0 : i32
              %dma_wait3A_333 = tpu.memref_slice %arg4[%dma_wait3A_327, %dma_wait3A_332] : memref<64x64xf32, #tpu.memory_space<hbm>> -> memref<1x64xf32, #tpu.memory_space<hbm>>
              %dma_wait3A_334 = tpu.memref_squeeze %dma_wait3A_333 : memref<1x64xf32, #tpu.memory_space<hbm>> -> memref<64xf32, #tpu.memory_space<hbm>>
              %dma_wait3A_335 = arith.constant 0 : i32
              %dma_wait3A_336 = tpu.memref_slice %arg12[%dma_wait3A_328, %dma_wait3A_335] : memref<16x64xf32, #tpu.memory_space<vmem>> -> memref<1x64xf32, #tpu.memory_space<vmem>>
              %dma_wait3A_337 = tpu.memref_squeeze %dma_wait3A_336 : memref<1x64xf32, #tpu.memory_space<vmem>> -> memref<64xf32, #tpu.memory_space<vmem>>
              %dma_wait3A_338 = arith.constant 0 : i32
              %dma_wait3A_339 = tpu.memref_slice %arg4[%dma_wait3A_327, %dma_wait3A_338] : memref<64x64xf32, #tpu.memory_space<hbm>> -> memref<1x64xf32, #tpu.memory_space<hbm>>
              %dma_wait3A_340 = tpu.memref_squeeze %dma_wait3A_339 : memref<1x64xf32, #tpu.memory_space<hbm>> -> memref<64xf32, #tpu.memory_space<hbm>>
              tpu.wait_dma2 semaphore(%arg17 : memref<!tpu.dma_semaphore, #tpu.memory_space<semaphore_mem>>) src(%dma_wait3A_340 : memref<64xf32, #tpu.memory_space<hbm>>) dst(%dma_wait3A_337 : memref<64xf32, #tpu.memory_space<vmem>>)
            } else {
            }
            %and3A_262 = arith.constant 15 : i32
            %and3A_263 = arith.andi %while3A_235, %and3A_262 : i32
            %add3A_264 = arith.constant 0 : i32
            %add3A_265 = vector.broadcast %add3A_264 : i32 to vector<16xi32>
            %add3A_266 = arith.addi %iota3A, %add3A_265 : vector<16xi32>
            %gather3A = arith.constant 1 : i32
            %gather3A_267 = arith.constant 0 : i32
            %gather3A_268 = arith.constant 0 : i32
            %gather3A_269 = tpu.memref_slice %arg10[%gather3A, %gather3A_267, %gather3A_268] : memref<2x64x512xf32, #tpu.memory_space<vmem>> -> memref<1x64x512xf32, #tpu.memory_space<vmem>>
            %gather3A_270 = tpu.memref_squeeze %gather3A_269 : memref<1x64x512xf32, #tpu.memory_space<vmem>> -> memref<64x512xf32, #tpu.memory_space<vmem>>
            %gather3A_271 = tpu.vector_load_idx %gather3A_270[%add3A_266, %broadcast_in_dim3A_257] : memref<64x512xf32, #tpu.memory_space<vmem>>[vector<16xi32>, vector<16xi32>], vector<16xf32>,
            %swap3A = arith.index_cast %and3A_263 : i32 to index
            %swap3A_272 = arith.constant 0 : index
            %swap3A_273 = tpu.vector_load %arg12[%swap3A, %swap3A_272] {strides = array<i32>} : memref<16x64xf32, #tpu.memory_space<vmem>>, vector<16xf32>,
            tpu.vector_store %arg12[%swap3A, %swap3A_272], %gather3A_271 {strides = array<i32>} : memref<16x64xf32, #tpu.memory_space<vmem>>, vector<16xf32>,
            %add3A_274 = arith.constant 16 : i32
            %add3A_275 = vector.broadcast %add3A_274 : i32 to vector<16xi32>
            %add3A_276 = arith.addi %iota3A, %add3A_275 : vector<16xi32>
            %gather3A_277 = arith.constant 1 : i32
            %gather3A_278 = arith.constant 0 : i32
            %gather3A_279 = arith.constant 0 : i32
            %gather3A_280 = tpu.memref_slice %arg10[%gather3A_277, %gather3A_278, %gather3A_279] : memref<2x64x512xf32, #tpu.memory_space<vmem>> -> memref<1x64x512xf32, #tpu.memory_space<vmem>>
            %gather3A_281 = tpu.memref_squeeze %gather3A_280 : memref<1x64x512xf32, #tpu.memory_space<vmem>> -> memref<64x512xf32, #tpu.memory_space<vmem>>
            %gather3A_282 = tpu.vector_load_idx %gather3A_281[%add3A_276, %broadcast_in_dim3A_257] : memref<64x512xf32, #tpu.memory_space<vmem>>[vector<16xi32>, vector<16xi32>], vector<16xf32>,
            %swap3A_283 = arith.index_cast %and3A_263 : i32 to index
            %swap3A_284 = arith.constant 16 : index
            %swap3A_285 = tpu.vector_load %arg12[%swap3A_283, %swap3A_284] {strides = array<i32>} : memref<16x64xf32, #tpu.memory_space<vmem>>, vector<16xf32>,
            tpu.vector_store %arg12[%swap3A_283, %swap3A_284], %gather3A_282 {strides = array<i32>} : memref<16x64xf32, #tpu.memory_space<vmem>>, vector<16xf32>,
            %add3A_286 = arith.constant 32 : i32
            %add3A_287 = vector.broadcast %add3A_286 : i32 to vector<16xi32>
            %add3A_288 = arith.addi %iota3A, %add3A_287 : vector<16xi32>
            %gather3A_289 = arith.constant 1 : i32
            %gather3A_290 = arith.constant 0 : i32
            %gather3A_291 = arith.constant 0 : i32
            %gather3A_292 = tpu.memref_slice %arg10[%gather3A_289, %gather3A_290, %gather3A_291] : memref<2x64x512xf32, #tpu.memory_space<vmem>> -> memref<1x64x512xf32, #tpu.memory_space<vmem>>
            %gather3A_293 = tpu.memref_squeeze %gather3A_292 : memref<1x64x512xf32, #tpu.memory_space<vmem>> -> memref<64x512xf32, #tpu.memory_space<vmem>>
            %gather3A_294 = tpu.vector_load_idx %gather3A_293[%add3A_288, %broadcast_in_dim3A_257] : memref<64x512xf32, #tpu.memory_space<vmem>>[vector<16xi32>, vector<16xi32>], vector<16xf32>,
            %swap3A_295 = arith.index_cast %and3A_263 : i32 to index
            %swap3A_296 = arith.constant 32 : index
            %swap3A_297 = tpu.vector_load %arg12[%swap3A_295, %swap3A_296] {strides = array<i32>} : memref<16x64xf32, #tpu.memory_space<vmem>>, vector<16xf32>,
            tpu.vector_store %arg12[%swap3A_295, %swap3A_296], %gather3A_294 {strides = array<i32>} : memref<16x64xf32, #tpu.memory_space<vmem>>, vector<16xf32>,
            %add3A_298 = arith.constant 48 : i32
            %add3A_299 = vector.broadcast %add3A_298 : i32 to vector<16xi32>
            %add3A_300 = arith.addi %iota3A, %add3A_299 : vector<16xi32>
            %gather3A_301 = arith.constant 1 : i32
            %gather3A_302 = arith.constant 0 : i32
            %gather3A_303 = arith.constant 0 : i32
            %gather3A_304 = tpu.memref_slice %arg10[%gather3A_301, %gather3A_302, %gather3A_303] : memref<2x64x512xf32, #tpu.memory_space<vmem>> -> memref<1x64x512xf32, #tpu.memory_space<vmem>>
            %gather3A_305 = tpu.memref_squeeze %gather3A_304 : memref<1x64x512xf32, #tpu.memory_space<vmem>> -> memref<64x512xf32, #tpu.memory_space<vmem>>
            %gather3A_306 = tpu.vector_load_idx %gather3A_305[%add3A_300, %broadcast_in_dim3A_257] : memref<64x512xf32, #tpu.memory_space<vmem>>[vector<16xi32>, vector<16xi32>], vector<16xf32>,
            %swap3A_307 = arith.index_cast %and3A_263 : i32 to index
            %swap3A_308 = arith.constant 48 : index
            %swap3A_309 = tpu.vector_load %arg12[%swap3A_307, %swap3A_308] {strides = array<i32>} : memref<16x64xf32, #tpu.memory_space<vmem>>, vector<16xf32>,
            tpu.vector_store %arg12[%swap3A_307, %swap3A_308], %gather3A_306 {strides = array<i32>} : memref<16x64xf32, #tpu.memory_space<vmem>>, vector<16xf32>,
            %shift_right_arithmetic3A = arith.constant 3 : i32
            %shift_right_arithmetic3A_310 = arith.shrsi %reduce_sum3A_255, %shift_right_arithmetic3A : i32
            %and3A_311 = arith.constant 7 : i32
            %and3A_312 = arith.andi %reduce_sum3A_255, %and3A_311 : i32
            %dma_start3A_313 = arith.constant 0 : i32
            %dma_start3A_314 = tpu.memref_slice %arg12[%and3A_263, %dma_start3A_313] : memref<16x64xf32, #tpu.memory_space<vmem>> -> memref<1x64xf32, #tpu.memory_space<vmem>>
            %dma_start3A_315 = tpu.memref_squeeze %dma_start3A_314 : memref<1x64xf32, #tpu.memory_space<vmem>> -> memref<64xf32, #tpu.memory_space<vmem>>
            %dma_start3A_316 = arith.constant 0 : i32
            %dma_start3A_317 = tpu.memref_slice %arg5[%shift_right_arithmetic3A_310, %and3A_312, %dma_start3A_316] : memref<2048x8x64xf32, #tpu.memory_space<hbm>> -> memref<1x1x64xf32, #tpu.memory_space<hbm>>
            %dma_start3A_318 = tpu.memref_squeeze %dma_start3A_317 : memref<1x1x64xf32, #tpu.memory_space<hbm>> -> memref<64xf32, #tpu.memory_space<hbm>>
            %dma_start3A_319 = arith.constant 0 : i32
            %dma_start3A_320 = tpu.memref_slice %arg5[%shift_right_arithmetic3A_310, %and3A_312, %dma_start3A_319] : memref<2048x8x64xf32, #tpu.memory_space<hbm>> -> memref<1x1x64xf32, #tpu.memory_space<hbm>>
            %dma_start3A_321 = tpu.memref_squeeze %dma_start3A_320 : memref<1x1x64xf32, #tpu.memory_space<hbm>> -> memref<64xf32, #tpu.memory_space<hbm>>
            %dma_start3A_322 = arith.constant 0 : i32
            %dma_start3A_323 = tpu.memref_slice %arg12[%and3A_263, %dma_start3A_322] : memref<16x64xf32, #tpu.memory_space<vmem>> -> memref<1x64xf32, #tpu.memory_space<vmem>>
            %dma_start3A_324 = tpu.memref_squeeze %dma_start3A_323 : memref<1x64xf32, #tpu.memory_space<vmem>> -> memref<64xf32, #tpu.memory_space<vmem>>
            tpu.enqueue_dma source(%dma_start3A_324 : memref<64xf32, #tpu.memory_space<vmem>>) target(%dma_start3A_321 : memref<64xf32, #tpu.memory_space<hbm>>) target_semaphore(%arg17 : memref<!tpu.dma_semaphore, #tpu.memory_space<semaphore_mem>>)
            %add3A_325 = arith.constant 1 : i32
            %add3A_326 = arith.addi %while3A_235, %add3A_325 : i32
            scf.yield %add3A_326 : i32
          }
          scf.yield %while3A_233 : i32
        }
        scf.yield %while3A_201 : i32
      } else {
        scf.yield %cond3A_155 : i32
      }
      scf.yield %cond3A_164 : i32
    }
    %while3A_125 = arith.constant 0 : i32
    %while3A_126 = arith.subi %select_n3A_60, %while3A_125 : i32
    %while3A_127 = arith.addi %while3A_125, %while3A_126 : i32
    %while3A_128 = arith.constant 1 : i32
    %while3A_129 = arith.divsi %while3A_126, %while3A_128 : i32
    %while3A_130 = arith.muli %while3A_129, %while3A_128 : i32
    %while3A_131 = arith.addi %while3A_125, %while3A_130 : i32
    %while3A_132 = arith.constant 1 : i32
    %while3A_133 = scf.for %while3A_148 = %while3A_125 to %while3A_131 step %while3A_132 iter_args(%while3A_149 = %while3A_124) -> (i32)  : i32 {
      %mul3A_150 = arith.constant 16 : i32
      %mul3A_151 = arith.muli %while3A_148, %mul3A_150 : i32
      %get3A = arith.index_cast %mul3A_151 : i32 to index
      %get3A_152 = tpu.vector_load %arg7[%get3A] {strides = array<i32>} : memref<16400xi32, #tpu.memory_space<vmem>>, vector<16xi32>,
      %mul3A_153 = arith.constant 16 : i32
      %mul3A_154 = arith.muli %while3A_148, %mul3A_153 : i32
      %get3A_155 = arith.index_cast %mul3A_154 : i32 to index
      %get3A_156 = tpu.vector_load %arg9[%get3A_155] {strides = array<i32>} : memref<16400xi32, #tpu.memory_space<vmem>>, vector<16xi32>,
      %eq3A = vector.broadcast %select_n3A : i32 to vector<16xi32>
      %eq3A_157 = arith.cmpi eq, %get3A_156, %eq3A : vector<16xi32>
      %jit3A_158 = arith.constant 1 : i32
      %jit3A_159 = arith.constant 0 : i32
      %broadcast_in_dim3A = vector.broadcast %jit3A_158 : i32 to vector<16xi32>
      %broadcast_in_dim3A_160 = vector.broadcast %jit3A_159 : i32 to vector<16xi32>
      %select_n3A_161 = arith.select %eq3A_157, %broadcast_in_dim3A, %broadcast_in_dim3A_160 : vector<16xi1>, vector<16xi32>
      %reduce_sum3A = arith.constant true
      %reduce_sum3A_162 = vector.broadcast %reduce_sum3A : i1 to vector<16xi1>
      %reduce_sum3A_163 = tpu.scan <sum>, %select_n3A_161 masked %reduce_sum3A_162 : vector<16xi32>, vector<16xi1> -> vector<16xi32>
      %reduce_sum3A_164 = vector.extract %reduce_sum3A_163[15] : i32 from vector<16xi32>
      %gt3A = arith.constant 0 : i32
      %gt3A_165 = arith.cmpi sgt, %reduce_sum3A_164, %gt3A : i32
      %convert_element_type3A = arith.extui %gt3A_165 : i1 to i32
      %cond3A = arith.constant 0 : i32
      %cond3A_166 = arith.cmpi ne, %convert_element_type3A, %cond3A : i32
      scf.if %cond3A_166 {
        %swap3A = arith.constant 0 : index
        %swap3A_178 = tpu.vector_load %arg13[%swap3A] masked %eq3A_157 {strides = array<i32>} : memref<16xi32, #tpu.memory_space<vmem>>, vector<16xi32>, vector<16xi1>
        tpu.vector_store %arg13[%swap3A], %get3A_152 masked %eq3A_157 {strides = array<i32>} : memref<16xi32, #tpu.memory_space<vmem>>, vector<16xi32>, vector<16xi1>
        %mul3A_179 = arith.constant 16 : i32
        %mul3A_180 = arith.muli %while3A_148, %mul3A_179 : i32
        %get3A_181 = arith.index_cast %mul3A_180 : i32 to index
        %get3A_182 = tpu.vector_load %arg8[%get3A_181] {strides = array<i32>} : memref<16400xi32, #tpu.memory_space<vmem>>, vector<16xi32>,
        %swap3A_183 = arith.constant 0 : index
        %swap3A_184 = tpu.vector_load %arg14[%swap3A_183] masked %eq3A_157 {strides = array<i32>} : memref<16xi32, #tpu.memory_space<vmem>>, vector<16xi32>, vector<16xi1>
        tpu.vector_store %arg14[%swap3A_183], %get3A_182 masked %eq3A_157 {strides = array<i32>} : memref<16xi32, #tpu.memory_space<vmem>>, vector<16xi32>, vector<16xi1>
      } else {
      }
      %while3A_167 = arith.constant 0 : i32
      %while3A_168 = arith.subi %reduce_sum3A_164, %while3A_167 : i32
      %while3A_169 = arith.addi %while3A_167, %while3A_168 : i32
      %while3A_170 = arith.constant 1 : i32
      %while3A_171 = arith.divsi %while3A_168, %while3A_170 : i32
      %while3A_172 = arith.muli %while3A_171, %while3A_170 : i32
      %while3A_173 = arith.addi %while3A_167, %while3A_172 : i32
      %while3A_174 = arith.constant 1 : i32
      %while3A_175 = scf.for %while3A_178 = %while3A_167 to %while3A_173 step %while3A_174 iter_args(%while3A_179 = %while3A_149) -> (i32)  : i32 {
        %eq3A_180 = vector.broadcast %while3A_178 : i32 to vector<16xi32>
        %eq3A_181 = arith.cmpi eq, %iota3A, %eq3A_180 : vector<16xi32>
        %get3A_182 = arith.constant 0 : index
        %get3A_183 = tpu.vector_load %arg13[%get3A_182] {strides = array<i32>} : memref<16xi32, #tpu.memory_space<vmem>>, vector<16xi32>,
        %jit3A_184 = arith.constant 0 : i32
        %broadcast_in_dim3A_185 = vector.broadcast %jit3A_184 : i32 to vector<16xi32>
        %select_n3A_186 = arith.select %eq3A_181, %get3A_183, %broadcast_in_dim3A_185 : vector<16xi1>, vector<16xi32>
        %reduce_sum3A_187 = arith.constant true
        %reduce_sum3A_188 = vector.broadcast %reduce_sum3A_187 : i1 to vector<16xi1>
        %reduce_sum3A_189 = tpu.scan <sum>, %select_n3A_186 masked %reduce_sum3A_188 : vector<16xi32>, vector<16xi1> -> vector<16xi32>
        %reduce_sum3A_190 = vector.extract %reduce_sum3A_189[15] : i32 from vector<16xi32>
        %get3A_191 = arith.constant 0 : index
        %get3A_192 = tpu.vector_load %arg14[%get3A_191] {strides = array<i32>} : memref<16xi32, #tpu.memory_space<vmem>>, vector<16xi32>,
        %jit3A_193 = arith.constant 0 : i32
        %broadcast_in_dim3A_194 = vector.broadcast %jit3A_193 : i32 to vector<16xi32>
        %select_n3A_195 = arith.select %eq3A_181, %get3A_192, %broadcast_in_dim3A_194 : vector<16xi1>, vector<16xi32>
        %reduce_sum3A_196 = arith.constant true
        %reduce_sum3A_197 = vector.broadcast %reduce_sum3A_196 : i1 to vector<16xi1>
        %reduce_sum3A_198 = tpu.scan <sum>, %select_n3A_195 masked %reduce_sum3A_197 : vector<16xi32>, vector<16xi1> -> vector<16xi32>
        %reduce_sum3A_199 = vector.extract %reduce_sum3A_198[15] : i32 from vector<16xi32>
        %ge3A = arith.constant 16 : i32
        %ge3A_200 = arith.cmpi sge, %while3A_179, %ge3A : i32
        %convert_element_type3A_201 = arith.extui %ge3A_200 : i1 to i32
        %cond3A_202 = arith.constant 0 : i32
        %cond3A_203 = arith.cmpi ne, %convert_element_type3A_201, %cond3A_202 : i32
        scf.if %cond3A_203 {
          %dma_wait3A = arith.constant 0 : i32
          %dma_wait3A_252 = arith.constant 0 : i32
          %dma_wait3A_253 = arith.constant 0 : i32
          %dma_wait3A_254 = tpu.memref_slice %arg12[%dma_wait3A_252, %dma_wait3A_253] : memref<16x64xf32, #tpu.memory_space<vmem>> -> memref<1x64xf32, #tpu.memory_space<vmem>>
          %dma_wait3A_255 = tpu.memref_squeeze %dma_wait3A_254 : memref<1x64xf32, #tpu.memory_space<vmem>> -> memref<64xf32, #tpu.memory_space<vmem>>
          %dma_wait3A_256 = arith.constant 0 : i32
          %dma_wait3A_257 = tpu.memref_slice %arg4[%dma_wait3A, %dma_wait3A_256] : memref<64x64xf32, #tpu.memory_space<hbm>> -> memref<1x64xf32, #tpu.memory_space<hbm>>
          %dma_wait3A_258 = tpu.memref_squeeze %dma_wait3A_257 : memref<1x64xf32, #tpu.memory_space<hbm>> -> memref<64xf32, #tpu.memory_space<hbm>>
          %dma_wait3A_259 = arith.constant 0 : i32
          %dma_wait3A_260 = tpu.memref_slice %arg12[%dma_wait3A_252, %dma_wait3A_259] : memref<16x64xf32, #tpu.memory_space<vmem>> -> memref<1x64xf32, #tpu.memory_space<vmem>>
          %dma_wait3A_261 = tpu.memref_squeeze %dma_wait3A_260 : memref<1x64xf32, #tpu.memory_space<vmem>> -> memref<64xf32, #tpu.memory_space<vmem>>
          %dma_wait3A_262 = arith.constant 0 : i32
          %dma_wait3A_263 = tpu.memref_slice %arg4[%dma_wait3A, %dma_wait3A_262] : memref<64x64xf32, #tpu.memory_space<hbm>> -> memref<1x64xf32, #tpu.memory_space<hbm>>
          %dma_wait3A_264 = tpu.memref_squeeze %dma_wait3A_263 : memref<1x64xf32, #tpu.memory_space<hbm>> -> memref<64xf32, #tpu.memory_space<hbm>>
          tpu.wait_dma2 semaphore(%arg17 : memref<!tpu.dma_semaphore, #tpu.memory_space<semaphore_mem>>) src(%dma_wait3A_264 : memref<64xf32, #tpu.memory_space<hbm>>) dst(%dma_wait3A_261 : memref<64xf32, #tpu.memory_space<vmem>>)
        } else {
        }
        %and3A_204 = arith.constant 15 : i32
        %and3A_205 = arith.andi %while3A_179, %and3A_204 : i32
        %sub3A_206 = arith.constant 999936 : i32
        %sub3A_207 = arith.subi %reduce_sum3A_190, %sub3A_206 : i32
        %broadcast_in_dim3A_208 = vector.broadcast %sub3A_207 : i32 to vector<16xi32>
        %add3A_209 = arith.constant 0 : i32
        %add3A_210 = vector.broadcast %add3A_209 : i32 to vector<16xi32>
        %add3A_211 = arith.addi %iota3A, %add3A_210 : vector<16xi32>
        %gather3A = tpu.vector_load_idx %arg11[%broadcast_in_dim3A_208, %add3A_211] : memref<64x64xf32, #tpu.memory_space<vmem>>[vector<16xi32>, vector<16xi32>], vector<16xf32>,
        %swap3A = arith.index_cast %and3A_205 : i32 to index
        %swap3A_212 = arith.constant 0 : index
        %swap3A_213 = tpu.vector_load %arg12[%swap3A, %swap3A_212] {strides = array<i32>} : memref<16x64xf32, #tpu.memory_space<vmem>>, vector<16xf32>,
        tpu.vector_store %arg12[%swap3A, %swap3A_212], %gather3A {strides = array<i32>} : memref<16x64xf32, #tpu.memory_space<vmem>>, vector<16xf32>,
        %add3A_214 = arith.constant 16 : i32
        %add3A_215 = vector.broadcast %add3A_214 : i32 to vector<16xi32>
        %add3A_216 = arith.addi %iota3A, %add3A_215 : vector<16xi32>
        %gather3A_217 = tpu.vector_load_idx %arg11[%broadcast_in_dim3A_208, %add3A_216] : memref<64x64xf32, #tpu.memory_space<vmem>>[vector<16xi32>, vector<16xi32>], vector<16xf32>,
        %swap3A_218 = arith.index_cast %and3A_205 : i32 to index
        %swap3A_219 = arith.constant 16 : index
        %swap3A_220 = tpu.vector_load %arg12[%swap3A_218, %swap3A_219] {strides = array<i32>} : memref<16x64xf32, #tpu.memory_space<vmem>>, vector<16xf32>,
        tpu.vector_store %arg12[%swap3A_218, %swap3A_219], %gather3A_217 {strides = array<i32>} : memref<16x64xf32, #tpu.memory_space<vmem>>, vector<16xf32>,
        %add3A_221 = arith.constant 32 : i32
        %add3A_222 = vector.broadcast %add3A_221 : i32 to vector<16xi32>
        %add3A_223 = arith.addi %iota3A, %add3A_222 : vector<16xi32>
        %gather3A_224 = tpu.vector_load_idx %arg11[%broadcast_in_dim3A_208, %add3A_223] : memref<64x64xf32, #tpu.memory_space<vmem>>[vector<16xi32>, vector<16xi32>], vector<16xf32>,
        %swap3A_225 = arith.index_cast %and3A_205 : i32 to index
        %swap3A_226 = arith.constant 32 : index
        %swap3A_227 = tpu.vector_load %arg12[%swap3A_225, %swap3A_226] {strides = array<i32>} : memref<16x64xf32, #tpu.memory_space<vmem>>, vector<16xf32>,
        tpu.vector_store %arg12[%swap3A_225, %swap3A_226], %gather3A_224 {strides = array<i32>} : memref<16x64xf32, #tpu.memory_space<vmem>>, vector<16xf32>,
        %add3A_228 = arith.constant 48 : i32
        %add3A_229 = vector.broadcast %add3A_228 : i32 to vector<16xi32>
        %add3A_230 = arith.addi %iota3A, %add3A_229 : vector<16xi32>
        %gather3A_231 = tpu.vector_load_idx %arg11[%broadcast_in_dim3A_208, %add3A_230] : memref<64x64xf32, #tpu.memory_space<vmem>>[vector<16xi32>, vector<16xi32>], vector<16xf32>,
        %swap3A_232 = arith.index_cast %and3A_205 : i32 to index
        %swap3A_233 = arith.constant 48 : index
        %swap3A_234 = tpu.vector_load %arg12[%swap3A_232, %swap3A_233] {strides = array<i32>} : memref<16x64xf32, #tpu.memory_space<vmem>>, vector<16xf32>,
        tpu.vector_store %arg12[%swap3A_232, %swap3A_233], %gather3A_231 {strides = array<i32>} : memref<16x64xf32, #tpu.memory_space<vmem>>, vector<16xf32>,
        %shift_right_arithmetic3A = arith.constant 3 : i32
        %shift_right_arithmetic3A_235 = arith.shrsi %reduce_sum3A_199, %shift_right_arithmetic3A : i32
        %and3A_236 = arith.constant 7 : i32
        %and3A_237 = arith.andi %reduce_sum3A_199, %and3A_236 : i32
        %dma_start3A_238 = arith.constant 0 : i32
        %dma_start3A_239 = tpu.memref_slice %arg12[%and3A_205, %dma_start3A_238] : memref<16x64xf32, #tpu.memory_space<vmem>> -> memref<1x64xf32, #tpu.memory_space<vmem>>
        %dma_start3A_240 = tpu.memref_squeeze %dma_start3A_239 : memref<1x64xf32, #tpu.memory_space<vmem>> -> memref<64xf32, #tpu.memory_space<vmem>>
        %dma_start3A_241 = arith.constant 0 : i32
        %dma_start3A_242 = tpu.memref_slice %arg5[%shift_right_arithmetic3A_235, %and3A_237, %dma_start3A_241] : memref<2048x8x64xf32, #tpu.memory_space<hbm>> -> memref<1x1x64xf32, #tpu.memory_space<hbm>>
        %dma_start3A_243 = tpu.memref_squeeze %dma_start3A_242 : memref<1x1x64xf32, #tpu.memory_space<hbm>> -> memref<64xf32, #tpu.memory_space<hbm>>
        %dma_start3A_244 = arith.constant 0 : i32
        %dma_start3A_245 = tpu.memref_slice %arg5[%shift_right_arithmetic3A_235, %and3A_237, %dma_start3A_244] : memref<2048x8x64xf32, #tpu.memory_space<hbm>> -> memref<1x1x64xf32, #tpu.memory_space<hbm>>
        %dma_start3A_246 = tpu.memref_squeeze %dma_start3A_245 : memref<1x1x64xf32, #tpu.memory_space<hbm>> -> memref<64xf32, #tpu.memory_space<hbm>>
        %dma_start3A_247 = arith.constant 0 : i32
        %dma_start3A_248 = tpu.memref_slice %arg12[%and3A_205, %dma_start3A_247] : memref<16x64xf32, #tpu.memory_space<vmem>> -> memref<1x64xf32, #tpu.memory_space<vmem>>
        %dma_start3A_249 = tpu.memref_squeeze %dma_start3A_248 : memref<1x64xf32, #tpu.memory_space<vmem>> -> memref<64xf32, #tpu.memory_space<vmem>>
        tpu.enqueue_dma source(%dma_start3A_249 : memref<64xf32, #tpu.memory_space<vmem>>) target(%dma_start3A_246 : memref<64xf32, #tpu.memory_space<hbm>>) target_semaphore(%arg17 : memref<!tpu.dma_semaphore, #tpu.memory_space<semaphore_mem>>)
        %add3A_250 = arith.constant 1 : i32
        %add3A_251 = arith.addi %while3A_179, %add3A_250 : i32
        scf.yield %add3A_251 : i32
      }
      %while3A_176 = arith.constant 1 : i32
      %while3A_177 = scf.for %while3A_178 = %while3A_173 to %while3A_169 step %while3A_176 iter_args(%while3A_179 = %while3A_175) -> (i32)  : i32 {
        %eq3A_180 = vector.broadcast %while3A_178 : i32 to vector<16xi32>
        %eq3A_181 = arith.cmpi eq, %iota3A, %eq3A_180 : vector<16xi32>
        %get3A_182 = arith.constant 0 : index
        %get3A_183 = tpu.vector_load %arg13[%get3A_182] {strides = array<i32>} : memref<16xi32, #tpu.memory_space<vmem>>, vector<16xi32>,
        %jit3A_184 = arith.constant 0 : i32
        %broadcast_in_dim3A_185 = vector.broadcast %jit3A_184 : i32 to vector<16xi32>
        %select_n3A_186 = arith.select %eq3A_181, %get3A_183, %broadcast_in_dim3A_185 : vector<16xi1>, vector<16xi32>
        %reduce_sum3A_187 = arith.constant true
        %reduce_sum3A_188 = vector.broadcast %reduce_sum3A_187 : i1 to vector<16xi1>
        %reduce_sum3A_189 = tpu.scan <sum>, %select_n3A_186 masked %reduce_sum3A_188 : vector<16xi32>, vector<16xi1> -> vector<16xi32>
        %reduce_sum3A_190 = vector.extract %reduce_sum3A_189[15] : i32 from vector<16xi32>
        %get3A_191 = arith.constant 0 : index
        %get3A_192 = tpu.vector_load %arg14[%get3A_191] {strides = array<i32>} : memref<16xi32, #tpu.memory_space<vmem>>, vector<16xi32>,
        %jit3A_193 = arith.constant 0 : i32
        %broadcast_in_dim3A_194 = vector.broadcast %jit3A_193 : i32 to vector<16xi32>
        %select_n3A_195 = arith.select %eq3A_181, %get3A_192, %broadcast_in_dim3A_194 : vector<16xi1>, vector<16xi32>
        %reduce_sum3A_196 = arith.constant true
        %reduce_sum3A_197 = vector.broadcast %reduce_sum3A_196 : i1 to vector<16xi1>
        %reduce_sum3A_198 = tpu.scan <sum>, %select_n3A_195 masked %reduce_sum3A_197 : vector<16xi32>, vector<16xi1> -> vector<16xi32>
        %reduce_sum3A_199 = vector.extract %reduce_sum3A_198[15] : i32 from vector<16xi32>
        %ge3A = arith.constant 16 : i32
        %ge3A_200 = arith.cmpi sge, %while3A_179, %ge3A : i32
        %convert_element_type3A_201 = arith.extui %ge3A_200 : i1 to i32
        %cond3A_202 = arith.constant 0 : i32
        %cond3A_203 = arith.cmpi ne, %convert_element_type3A_201, %cond3A_202 : i32
        scf.if %cond3A_203 {
          %dma_wait3A = arith.constant 0 : i32
          %dma_wait3A_252 = arith.constant 0 : i32
          %dma_wait3A_253 = arith.constant 0 : i32
          %dma_wait3A_254 = tpu.memref_slice %arg12[%dma_wait3A_252, %dma_wait3A_253] : memref<16x64xf32, #tpu.memory_space<vmem>> -> memref<1x64xf32, #tpu.memory_space<vmem>>
          %dma_wait3A_255 = tpu.memref_squeeze %dma_wait3A_254 : memref<1x64xf32, #tpu.memory_space<vmem>> -> memref<64xf32, #tpu.memory_space<vmem>>
          %dma_wait3A_256 = arith.constant 0 : i32
          %dma_wait3A_257 = tpu.memref_slice %arg4[%dma_wait3A, %dma_wait3A_256] : memref<64x64xf32, #tpu.memory_space<hbm>> -> memref<1x64xf32, #tpu.memory_space<hbm>>
          %dma_wait3A_258 = tpu.memref_squeeze %dma_wait3A_257 : memref<1x64xf32, #tpu.memory_space<hbm>> -> memref<64xf32, #tpu.memory_space<hbm>>
          %dma_wait3A_259 = arith.constant 0 : i32
          %dma_wait3A_260 = tpu.memref_slice %arg12[%dma_wait3A_252, %dma_wait3A_259] : memref<16x64xf32, #tpu.memory_space<vmem>> -> memref<1x64xf32, #tpu.memory_space<vmem>>
          %dma_wait3A_261 = tpu.memref_squeeze %dma_wait3A_260 : memref<1x64xf32, #tpu.memory_space<vmem>> -> memref<64xf32, #tpu.memory_space<vmem>>
          %dma_wait3A_262 = arith.constant 0 : i32
          %dma_wait3A_263 = tpu.memref_slice %arg4[%dma_wait3A, %dma_wait3A_262] : memref<64x64xf32, #tpu.memory_space<hbm>> -> memref<1x64xf32, #tpu.memory_space<hbm>>
          %dma_wait3A_264 = tpu.memref_squeeze %dma_wait3A_263 : memref<1x64xf32, #tpu.memory_space<hbm>> -> memref<64xf32, #tpu.memory_space<hbm>>
          tpu.wait_dma2 semaphore(%arg17 : memref<!tpu.dma_semaphore, #tpu.memory_space<semaphore_mem>>) src(%dma_wait3A_264 : memref<64xf32, #tpu.memory_space<hbm>>) dst(%dma_wait3A_261 : memref<64xf32, #tpu.memory_space<vmem>>)
        } else {
        }
        %and3A_204 = arith.constant 15 : i32
        %and3A_205 = arith.andi %while3A_179, %and3A_204 : i32
        %sub3A_206 = arith.constant 999936 : i32
        %sub3A_207 = arith.subi %reduce_sum3A_190, %sub3A_206 : i32
        %broadcast_in_dim3A_208 = vector.broadcast %sub3A_207 : i32 to vector<16xi32>
        %add3A_209 = arith.constant 0 : i32
        %add3A_210 = vector.broadcast %add3A_209 : i32 to vector<16xi32>
        %add3A_211 = arith.addi %iota3A, %add3A_210 : vector<16xi32>
        %gather3A = tpu.vector_load_idx %arg11[%broadcast_in_dim3A_208, %add3A_211] : memref<64x64xf32, #tpu.memory_space<vmem>>[vector<16xi32>, vector<16xi32>], vector<16xf32>,
        %swap3A = arith.index_cast %and3A_205 : i32 to index
        %swap3A_212 = arith.constant 0 : index
        %swap3A_213 = tpu.vector_load %arg12[%swap3A, %swap3A_212] {strides = array<i32>} : memref<16x64xf32, #tpu.memory_space<vmem>>, vector<16xf32>,
        tpu.vector_store %arg12[%swap3A, %swap3A_212], %gather3A {strides = array<i32>} : memref<16x64xf32, #tpu.memory_space<vmem>>, vector<16xf32>,
        %add3A_214 = arith.constant 16 : i32
        %add3A_215 = vector.broadcast %add3A_214 : i32 to vector<16xi32>
        %add3A_216 = arith.addi %iota3A, %add3A_215 : vector<16xi32>
        %gather3A_217 = tpu.vector_load_idx %arg11[%broadcast_in_dim3A_208, %add3A_216] : memref<64x64xf32, #tpu.memory_space<vmem>>[vector<16xi32>, vector<16xi32>], vector<16xf32>,
        %swap3A_218 = arith.index_cast %and3A_205 : i32 to index
        %swap3A_219 = arith.constant 16 : index
        %swap3A_220 = tpu.vector_load %arg12[%swap3A_218, %swap3A_219] {strides = array<i32>} : memref<16x64xf32, #tpu.memory_space<vmem>>, vector<16xf32>,
        tpu.vector_store %arg12[%swap3A_218, %swap3A_219], %gather3A_217 {strides = array<i32>} : memref<16x64xf32, #tpu.memory_space<vmem>>, vector<16xf32>,
        %add3A_221 = arith.constant 32 : i32
        %add3A_222 = vector.broadcast %add3A_221 : i32 to vector<16xi32>
        %add3A_223 = arith.addi %iota3A, %add3A_222 : vector<16xi32>
        %gather3A_224 = tpu.vector_load_idx %arg11[%broadcast_in_dim3A_208, %add3A_223] : memref<64x64xf32, #tpu.memory_space<vmem>>[vector<16xi32>, vector<16xi32>], vector<16xf32>,
        %swap3A_225 = arith.index_cast %and3A_205 : i32 to index
        %swap3A_226 = arith.constant 32 : index
        %swap3A_227 = tpu.vector_load %arg12[%swap3A_225, %swap3A_226] {strides = array<i32>} : memref<16x64xf32, #tpu.memory_space<vmem>>, vector<16xf32>,
        tpu.vector_store %arg12[%swap3A_225, %swap3A_226], %gather3A_224 {strides = array<i32>} : memref<16x64xf32, #tpu.memory_space<vmem>>, vector<16xf32>,
        %add3A_228 = arith.constant 48 : i32
        %add3A_229 = vector.broadcast %add3A_228 : i32 to vector<16xi32>
        %add3A_230 = arith.addi %iota3A, %add3A_229 : vector<16xi32>
        %gather3A_231 = tpu.vector_load_idx %arg11[%broadcast_in_dim3A_208, %add3A_230] : memref<64x64xf32, #tpu.memory_space<vmem>>[vector<16xi32>, vector<16xi32>], vector<16xf32>,
        %swap3A_232 = arith.index_cast %and3A_205 : i32 to index
        %swap3A_233 = arith.constant 48 : index
        %swap3A_234 = tpu.vector_load %arg12[%swap3A_232, %swap3A_233] {strides = array<i32>} : memref<16x64xf32, #tpu.memory_space<vmem>>, vector<16xf32>,
        tpu.vector_store %arg12[%swap3A_232, %swap3A_233], %gather3A_231 {strides = array<i32>} : memref<16x64xf32, #tpu.memory_space<vmem>>, vector<16xf32>,
        %shift_right_arithmetic3A = arith.constant 3 : i32
        %shift_right_arithmetic3A_235 = arith.shrsi %reduce_sum3A_199, %shift_right_arithmetic3A : i32
        %and3A_236 = arith.constant 7 : i32
        %and3A_237 = arith.andi %reduce_sum3A_199, %and3A_236 : i32
        %dma_start3A_238 = arith.constant 0 : i32
        %dma_start3A_239 = tpu.memref_slice %arg12[%and3A_205, %dma_start3A_238] : memref<16x64xf32, #tpu.memory_space<vmem>> -> memref<1x64xf32, #tpu.memory_space<vmem>>
        %dma_start3A_240 = tpu.memref_squeeze %dma_start3A_239 : memref<1x64xf32, #tpu.memory_space<vmem>> -> memref<64xf32, #tpu.memory_space<vmem>>
        %dma_start3A_241 = arith.constant 0 : i32
        %dma_start3A_242 = tpu.memref_slice %arg5[%shift_right_arithmetic3A_235, %and3A_237, %dma_start3A_241] : memref<2048x8x64xf32, #tpu.memory_space<hbm>> -> memref<1x1x64xf32, #tpu.memory_space<hbm>>
        %dma_start3A_243 = tpu.memref_squeeze %dma_start3A_242 : memref<1x1x64xf32, #tpu.memory_space<hbm>> -> memref<64xf32, #tpu.memory_space<hbm>>
        %dma_start3A_244 = arith.constant 0 : i32
        %dma_start3A_245 = tpu.memref_slice %arg5[%shift_right_arithmetic3A_235, %and3A_237, %dma_start3A_244] : memref<2048x8x64xf32, #tpu.memory_space<hbm>> -> memref<1x1x64xf32, #tpu.memory_space<hbm>>
        %dma_start3A_246 = tpu.memref_squeeze %dma_start3A_245 : memref<1x1x64xf32, #tpu.memory_space<hbm>> -> memref<64xf32, #tpu.memory_space<hbm>>
        %dma_start3A_247 = arith.constant 0 : i32
        %dma_start3A_248 = tpu.memref_slice %arg12[%and3A_205, %dma_start3A_247] : memref<16x64xf32, #tpu.memory_space<vmem>> -> memref<1x64xf32, #tpu.memory_space<vmem>>
        %dma_start3A_249 = tpu.memref_squeeze %dma_start3A_248 : memref<1x64xf32, #tpu.memory_space<vmem>> -> memref<64xf32, #tpu.memory_space<vmem>>
        tpu.enqueue_dma source(%dma_start3A_249 : memref<64xf32, #tpu.memory_space<vmem>>) target(%dma_start3A_246 : memref<64xf32, #tpu.memory_space<hbm>>) target_semaphore(%arg17 : memref<!tpu.dma_semaphore, #tpu.memory_space<semaphore_mem>>)
        %add3A_250 = arith.constant 1 : i32
        %add3A_251 = arith.addi %while3A_179, %add3A_250 : i32
        scf.yield %add3A_251 : i32
      }
      scf.yield %while3A_177 : i32
    }
    %while3A_134 = arith.constant 1 : i32
    %while3A_135 = scf.for %while3A_148 = %while3A_131 to %while3A_127 step %while3A_134 iter_args(%while3A_149 = %while3A_133) -> (i32)  : i32 {
      %mul3A_150 = arith.constant 16 : i32
      %mul3A_151 = arith.muli %while3A_148, %mul3A_150 : i32
      %get3A = arith.index_cast %mul3A_151 : i32 to index
      %get3A_152 = tpu.vector_load %arg7[%get3A] {strides = array<i32>} : memref<16400xi32, #tpu.memory_space<vmem>>, vector<16xi32>,
      %mul3A_153 = arith.constant 16 : i32
      %mul3A_154 = arith.muli %while3A_148, %mul3A_153 : i32
      %get3A_155 = arith.index_cast %mul3A_154 : i32 to index
      %get3A_156 = tpu.vector_load %arg9[%get3A_155] {strides = array<i32>} : memref<16400xi32, #tpu.memory_space<vmem>>, vector<16xi32>,
      %eq3A = vector.broadcast %select_n3A : i32 to vector<16xi32>
      %eq3A_157 = arith.cmpi eq, %get3A_156, %eq3A : vector<16xi32>
      %jit3A_158 = arith.constant 1 : i32
      %jit3A_159 = arith.constant 0 : i32
      %broadcast_in_dim3A = vector.broadcast %jit3A_158 : i32 to vector<16xi32>
      %broadcast_in_dim3A_160 = vector.broadcast %jit3A_159 : i32 to vector<16xi32>
      %select_n3A_161 = arith.select %eq3A_157, %broadcast_in_dim3A, %broadcast_in_dim3A_160 : vector<16xi1>, vector<16xi32>
      %reduce_sum3A = arith.constant true
      %reduce_sum3A_162 = vector.broadcast %reduce_sum3A : i1 to vector<16xi1>
      %reduce_sum3A_163 = tpu.scan <sum>, %select_n3A_161 masked %reduce_sum3A_162 : vector<16xi32>, vector<16xi1> -> vector<16xi32>
      %reduce_sum3A_164 = vector.extract %reduce_sum3A_163[15] : i32 from vector<16xi32>
      %gt3A = arith.constant 0 : i32
      %gt3A_165 = arith.cmpi sgt, %reduce_sum3A_164, %gt3A : i32
      %convert_element_type3A = arith.extui %gt3A_165 : i1 to i32
      %cond3A = arith.constant 0 : i32
      %cond3A_166 = arith.cmpi ne, %convert_element_type3A, %cond3A : i32
      scf.if %cond3A_166 {
        %swap3A = arith.constant 0 : index
        %swap3A_178 = tpu.vector_load %arg13[%swap3A] masked %eq3A_157 {strides = array<i32>} : memref<16xi32, #tpu.memory_space<vmem>>, vector<16xi32>, vector<16xi1>
        tpu.vector_store %arg13[%swap3A], %get3A_152 masked %eq3A_157 {strides = array<i32>} : memref<16xi32, #tpu.memory_space<vmem>>, vector<16xi32>, vector<16xi1>
        %mul3A_179 = arith.constant 16 : i32
        %mul3A_180 = arith.muli %while3A_148, %mul3A_179 : i32
        %get3A_181 = arith.index_cast %mul3A_180 : i32 to index
        %get3A_182 = tpu.vector_load %arg8[%get3A_181] {strides = array<i32>} : memref<16400xi32, #tpu.memory_space<vmem>>, vector<16xi32>,
        %swap3A_183 = arith.constant 0 : index
        %swap3A_184 = tpu.vector_load %arg14[%swap3A_183] masked %eq3A_157 {strides = array<i32>} : memref<16xi32, #tpu.memory_space<vmem>>, vector<16xi32>, vector<16xi1>
        tpu.vector_store %arg14[%swap3A_183], %get3A_182 masked %eq3A_157 {strides = array<i32>} : memref<16xi32, #tpu.memory_space<vmem>>, vector<16xi32>, vector<16xi1>
      } else {
      }
      %while3A_167 = arith.constant 0 : i32
      %while3A_168 = arith.subi %reduce_sum3A_164, %while3A_167 : i32
      %while3A_169 = arith.addi %while3A_167, %while3A_168 : i32
      %while3A_170 = arith.constant 1 : i32
      %while3A_171 = arith.divsi %while3A_168, %while3A_170 : i32
      %while3A_172 = arith.muli %while3A_171, %while3A_170 : i32
      %while3A_173 = arith.addi %while3A_167, %while3A_172 : i32
      %while3A_174 = arith.constant 1 : i32
      %while3A_175 = scf.for %while3A_178 = %while3A_167 to %while3A_173 step %while3A_174 iter_args(%while3A_179 = %while3A_149) -> (i32)  : i32 {
        %eq3A_180 = vector.broadcast %while3A_178 : i32 to vector<16xi32>
        %eq3A_181 = arith.cmpi eq, %iota3A, %eq3A_180 : vector<16xi32>
        %get3A_182 = arith.constant 0 : index
        %get3A_183 = tpu.vector_load %arg13[%get3A_182] {strides = array<i32>} : memref<16xi32, #tpu.memory_space<vmem>>, vector<16xi32>,
        %jit3A_184 = arith.constant 0 : i32
        %broadcast_in_dim3A_185 = vector.broadcast %jit3A_184 : i32 to vector<16xi32>
        %select_n3A_186 = arith.select %eq3A_181, %get3A_183, %broadcast_in_dim3A_185 : vector<16xi1>, vector<16xi32>
        %reduce_sum3A_187 = arith.constant true
        %reduce_sum3A_188 = vector.broadcast %reduce_sum3A_187 : i1 to vector<16xi1>
        %reduce_sum3A_189 = tpu.scan <sum>, %select_n3A_186 masked %reduce_sum3A_188 : vector<16xi32>, vector<16xi1> -> vector<16xi32>
        %reduce_sum3A_190 = vector.extract %reduce_sum3A_189[15] : i32 from vector<16xi32>
        %get3A_191 = arith.constant 0 : index
        %get3A_192 = tpu.vector_load %arg14[%get3A_191] {strides = array<i32>} : memref<16xi32, #tpu.memory_space<vmem>>, vector<16xi32>,
        %jit3A_193 = arith.constant 0 : i32
        %broadcast_in_dim3A_194 = vector.broadcast %jit3A_193 : i32 to vector<16xi32>
        %select_n3A_195 = arith.select %eq3A_181, %get3A_192, %broadcast_in_dim3A_194 : vector<16xi1>, vector<16xi32>
        %reduce_sum3A_196 = arith.constant true
        %reduce_sum3A_197 = vector.broadcast %reduce_sum3A_196 : i1 to vector<16xi1>
        %reduce_sum3A_198 = tpu.scan <sum>, %select_n3A_195 masked %reduce_sum3A_197 : vector<16xi32>, vector<16xi1> -> vector<16xi32>
        %reduce_sum3A_199 = vector.extract %reduce_sum3A_198[15] : i32 from vector<16xi32>
        %ge3A = arith.constant 16 : i32
        %ge3A_200 = arith.cmpi sge, %while3A_179, %ge3A : i32
        %convert_element_type3A_201 = arith.extui %ge3A_200 : i1 to i32
        %cond3A_202 = arith.constant 0 : i32
        %cond3A_203 = arith.cmpi ne, %convert_element_type3A_201, %cond3A_202 : i32
        scf.if %cond3A_203 {
          %dma_wait3A = arith.constant 0 : i32
          %dma_wait3A_252 = arith.constant 0 : i32
          %dma_wait3A_253 = arith.constant 0 : i32
          %dma_wait3A_254 = tpu.memref_slice %arg12[%dma_wait3A_252, %dma_wait3A_253] : memref<16x64xf32, #tpu.memory_space<vmem>> -> memref<1x64xf32, #tpu.memory_space<vmem>>
          %dma_wait3A_255 = tpu.memref_squeeze %dma_wait3A_254 : memref<1x64xf32, #tpu.memory_space<vmem>> -> memref<64xf32, #tpu.memory_space<vmem>>
          %dma_wait3A_256 = arith.constant 0 : i32
          %dma_wait3A_257 = tpu.memref_slice %arg4[%dma_wait3A, %dma_wait3A_256] : memref<64x64xf32, #tpu.memory_space<hbm>> -> memref<1x64xf32, #tpu.memory_space<hbm>>
          %dma_wait3A_258 = tpu.memref_squeeze %dma_wait3A_257 : memref<1x64xf32, #tpu.memory_space<hbm>> -> memref<64xf32, #tpu.memory_space<hbm>>
          %dma_wait3A_259 = arith.constant 0 : i32
          %dma_wait3A_260 = tpu.memref_slice %arg12[%dma_wait3A_252, %dma_wait3A_259] : memref<16x64xf32, #tpu.memory_space<vmem>> -> memref<1x64xf32, #tpu.memory_space<vmem>>
          %dma_wait3A_261 = tpu.memref_squeeze %dma_wait3A_260 : memref<1x64xf32, #tpu.memory_space<vmem>> -> memref<64xf32, #tpu.memory_space<vmem>>
          %dma_wait3A_262 = arith.constant 0 : i32
          %dma_wait3A_263 = tpu.memref_slice %arg4[%dma_wait3A, %dma_wait3A_262] : memref<64x64xf32, #tpu.memory_space<hbm>> -> memref<1x64xf32, #tpu.memory_space<hbm>>
          %dma_wait3A_264 = tpu.memref_squeeze %dma_wait3A_263 : memref<1x64xf32, #tpu.memory_space<hbm>> -> memref<64xf32, #tpu.memory_space<hbm>>
          tpu.wait_dma2 semaphore(%arg17 : memref<!tpu.dma_semaphore, #tpu.memory_space<semaphore_mem>>) src(%dma_wait3A_264 : memref<64xf32, #tpu.memory_space<hbm>>) dst(%dma_wait3A_261 : memref<64xf32, #tpu.memory_space<vmem>>)
        } else {
        }
        %and3A_204 = arith.constant 15 : i32
        %and3A_205 = arith.andi %while3A_179, %and3A_204 : i32
        %sub3A_206 = arith.constant 999936 : i32
        %sub3A_207 = arith.subi %reduce_sum3A_190, %sub3A_206 : i32
        %broadcast_in_dim3A_208 = vector.broadcast %sub3A_207 : i32 to vector<16xi32>
        %add3A_209 = arith.constant 0 : i32
        %add3A_210 = vector.broadcast %add3A_209 : i32 to vector<16xi32>
        %add3A_211 = arith.addi %iota3A, %add3A_210 : vector<16xi32>
        %gather3A = tpu.vector_load_idx %arg11[%broadcast_in_dim3A_208, %add3A_211] : memref<64x64xf32, #tpu.memory_space<vmem>>[vector<16xi32>, vector<16xi32>], vector<16xf32>,
        %swap3A = arith.index_cast %and3A_205 : i32 to index
        %swap3A_212 = arith.constant 0 : index
        %swap3A_213 = tpu.vector_load %arg12[%swap3A, %swap3A_212] {strides = array<i32>} : memref<16x64xf32, #tpu.memory_space<vmem>>, vector<16xf32>,
        tpu.vector_store %arg12[%swap3A, %swap3A_212], %gather3A {strides = array<i32>} : memref<16x64xf32, #tpu.memory_space<vmem>>, vector<16xf32>,
        %add3A_214 = arith.constant 16 : i32
        %add3A_215 = vector.broadcast %add3A_214 : i32 to vector<16xi32>
        %add3A_216 = arith.addi %iota3A, %add3A_215 : vector<16xi32>
        %gather3A_217 = tpu.vector_load_idx %arg11[%broadcast_in_dim3A_208, %add3A_216] : memref<64x64xf32, #tpu.memory_space<vmem>>[vector<16xi32>, vector<16xi32>], vector<16xf32>,
        %swap3A_218 = arith.index_cast %and3A_205 : i32 to index
        %swap3A_219 = arith.constant 16 : index
        %swap3A_220 = tpu.vector_load %arg12[%swap3A_218, %swap3A_219] {strides = array<i32>} : memref<16x64xf32, #tpu.memory_space<vmem>>, vector<16xf32>,
        tpu.vector_store %arg12[%swap3A_218, %swap3A_219], %gather3A_217 {strides = array<i32>} : memref<16x64xf32, #tpu.memory_space<vmem>>, vector<16xf32>,
        %add3A_221 = arith.constant 32 : i32
        %add3A_222 = vector.broadcast %add3A_221 : i32 to vector<16xi32>
        %add3A_223 = arith.addi %iota3A, %add3A_222 : vector<16xi32>
        %gather3A_224 = tpu.vector_load_idx %arg11[%broadcast_in_dim3A_208, %add3A_223] : memref<64x64xf32, #tpu.memory_space<vmem>>[vector<16xi32>, vector<16xi32>], vector<16xf32>,
        %swap3A_225 = arith.index_cast %and3A_205 : i32 to index
        %swap3A_226 = arith.constant 32 : index
        %swap3A_227 = tpu.vector_load %arg12[%swap3A_225, %swap3A_226] {strides = array<i32>} : memref<16x64xf32, #tpu.memory_space<vmem>>, vector<16xf32>,
        tpu.vector_store %arg12[%swap3A_225, %swap3A_226], %gather3A_224 {strides = array<i32>} : memref<16x64xf32, #tpu.memory_space<vmem>>, vector<16xf32>,
        %add3A_228 = arith.constant 48 : i32
        %add3A_229 = vector.broadcast %add3A_228 : i32 to vector<16xi32>
        %add3A_230 = arith.addi %iota3A, %add3A_229 : vector<16xi32>
        %gather3A_231 = tpu.vector_load_idx %arg11[%broadcast_in_dim3A_208, %add3A_230] : memref<64x64xf32, #tpu.memory_space<vmem>>[vector<16xi32>, vector<16xi32>], vector<16xf32>,
        %swap3A_232 = arith.index_cast %and3A_205 : i32 to index
        %swap3A_233 = arith.constant 48 : index
        %swap3A_234 = tpu.vector_load %arg12[%swap3A_232, %swap3A_233] {strides = array<i32>} : memref<16x64xf32, #tpu.memory_space<vmem>>, vector<16xf32>,
        tpu.vector_store %arg12[%swap3A_232, %swap3A_233], %gather3A_231 {strides = array<i32>} : memref<16x64xf32, #tpu.memory_space<vmem>>, vector<16xf32>,
        %shift_right_arithmetic3A = arith.constant 3 : i32
        %shift_right_arithmetic3A_235 = arith.shrsi %reduce_sum3A_199, %shift_right_arithmetic3A : i32
        %and3A_236 = arith.constant 7 : i32
        %and3A_237 = arith.andi %reduce_sum3A_199, %and3A_236 : i32
        %dma_start3A_238 = arith.constant 0 : i32
        %dma_start3A_239 = tpu.memref_slice %arg12[%and3A_205, %dma_start3A_238] : memref<16x64xf32, #tpu.memory_space<vmem>> -> memref<1x64xf32, #tpu.memory_space<vmem>>
        %dma_start3A_240 = tpu.memref_squeeze %dma_start3A_239 : memref<1x64xf32, #tpu.memory_space<vmem>> -> memref<64xf32, #tpu.memory_space<vmem>>
        %dma_start3A_241 = arith.constant 0 : i32
        %dma_start3A_242 = tpu.memref_slice %arg5[%shift_right_arithmetic3A_235, %and3A_237, %dma_start3A_241] : memref<2048x8x64xf32, #tpu.memory_space<hbm>> -> memref<1x1x64xf32, #tpu.memory_space<hbm>>
        %dma_start3A_243 = tpu.memref_squeeze %dma_start3A_242 : memref<1x1x64xf32, #tpu.memory_space<hbm>> -> memref<64xf32, #tpu.memory_space<hbm>>
        %dma_start3A_244 = arith.constant 0 : i32
        %dma_start3A_245 = tpu.memref_slice %arg5[%shift_right_arithmetic3A_235, %and3A_237, %dma_start3A_244] : memref<2048x8x64xf32, #tpu.memory_space<hbm>> -> memref<1x1x64xf32, #tpu.memory_space<hbm>>
        %dma_start3A_246 = tpu.memref_squeeze %dma_start3A_245 : memref<1x1x64xf32, #tpu.memory_space<hbm>> -> memref<64xf32, #tpu.memory_space<hbm>>
        %dma_start3A_247 = arith.constant 0 : i32
        %dma_start3A_248 = tpu.memref_slice %arg12[%and3A_205, %dma_start3A_247] : memref<16x64xf32, #tpu.memory_space<vmem>> -> memref<1x64xf32, #tpu.memory_space<vmem>>
        %dma_start3A_249 = tpu.memref_squeeze %dma_start3A_248 : memref<1x64xf32, #tpu.memory_space<vmem>> -> memref<64xf32, #tpu.memory_space<vmem>>
        tpu.enqueue_dma source(%dma_start3A_249 : memref<64xf32, #tpu.memory_space<vmem>>) target(%dma_start3A_246 : memref<64xf32, #tpu.memory_space<hbm>>) target_semaphore(%arg17 : memref<!tpu.dma_semaphore, #tpu.memory_space<semaphore_mem>>)
        %add3A_250 = arith.constant 1 : i32
        %add3A_251 = arith.addi %while3A_179, %add3A_250 : i32
        scf.yield %add3A_251 : i32
      }
      %while3A_176 = arith.constant 1 : i32
      %while3A_177 = scf.for %while3A_178 = %while3A_173 to %while3A_169 step %while3A_176 iter_args(%while3A_179 = %while3A_175) -> (i32)  : i32 {
        %eq3A_180 = vector.broadcast %while3A_178 : i32 to vector<16xi32>
        %eq3A_181 = arith.cmpi eq, %iota3A, %eq3A_180 : vector<16xi32>
        %get3A_182 = arith.constant 0 : index
        %get3A_183 = tpu.vector_load %arg13[%get3A_182] {strides = array<i32>} : memref<16xi32, #tpu.memory_space<vmem>>, vector<16xi32>,
        %jit3A_184 = arith.constant 0 : i32
        %broadcast_in_dim3A_185 = vector.broadcast %jit3A_184 : i32 to vector<16xi32>
        %select_n3A_186 = arith.select %eq3A_181, %get3A_183, %broadcast_in_dim3A_185 : vector<16xi1>, vector<16xi32>
        %reduce_sum3A_187 = arith.constant true
        %reduce_sum3A_188 = vector.broadcast %reduce_sum3A_187 : i1 to vector<16xi1>
        %reduce_sum3A_189 = tpu.scan <sum>, %select_n3A_186 masked %reduce_sum3A_188 : vector<16xi32>, vector<16xi1> -> vector<16xi32>
        %reduce_sum3A_190 = vector.extract %reduce_sum3A_189[15] : i32 from vector<16xi32>
        %get3A_191 = arith.constant 0 : index
        %get3A_192 = tpu.vector_load %arg14[%get3A_191] {strides = array<i32>} : memref<16xi32, #tpu.memory_space<vmem>>, vector<16xi32>,
        %jit3A_193 = arith.constant 0 : i32
        %broadcast_in_dim3A_194 = vector.broadcast %jit3A_193 : i32 to vector<16xi32>
        %select_n3A_195 = arith.select %eq3A_181, %get3A_192, %broadcast_in_dim3A_194 : vector<16xi1>, vector<16xi32>
        %reduce_sum3A_196 = arith.constant true
        %reduce_sum3A_197 = vector.broadcast %reduce_sum3A_196 : i1 to vector<16xi1>
        %reduce_sum3A_198 = tpu.scan <sum>, %select_n3A_195 masked %reduce_sum3A_197 : vector<16xi32>, vector<16xi1> -> vector<16xi32>
        %reduce_sum3A_199 = vector.extract %reduce_sum3A_198[15] : i32 from vector<16xi32>
        %ge3A = arith.constant 16 : i32
        %ge3A_200 = arith.cmpi sge, %while3A_179, %ge3A : i32
        %convert_element_type3A_201 = arith.extui %ge3A_200 : i1 to i32
        %cond3A_202 = arith.constant 0 : i32
        %cond3A_203 = arith.cmpi ne, %convert_element_type3A_201, %cond3A_202 : i32
        scf.if %cond3A_203 {
          %dma_wait3A = arith.constant 0 : i32
          %dma_wait3A_252 = arith.constant 0 : i32
          %dma_wait3A_253 = arith.constant 0 : i32
          %dma_wait3A_254 = tpu.memref_slice %arg12[%dma_wait3A_252, %dma_wait3A_253] : memref<16x64xf32, #tpu.memory_space<vmem>> -> memref<1x64xf32, #tpu.memory_space<vmem>>
          %dma_wait3A_255 = tpu.memref_squeeze %dma_wait3A_254 : memref<1x64xf32, #tpu.memory_space<vmem>> -> memref<64xf32, #tpu.memory_space<vmem>>
          %dma_wait3A_256 = arith.constant 0 : i32
          %dma_wait3A_257 = tpu.memref_slice %arg4[%dma_wait3A, %dma_wait3A_256] : memref<64x64xf32, #tpu.memory_space<hbm>> -> memref<1x64xf32, #tpu.memory_space<hbm>>
          %dma_wait3A_258 = tpu.memref_squeeze %dma_wait3A_257 : memref<1x64xf32, #tpu.memory_space<hbm>> -> memref<64xf32, #tpu.memory_space<hbm>>
          %dma_wait3A_259 = arith.constant 0 : i32
          %dma_wait3A_260 = tpu.memref_slice %arg12[%dma_wait3A_252, %dma_wait3A_259] : memref<16x64xf32, #tpu.memory_space<vmem>> -> memref<1x64xf32, #tpu.memory_space<vmem>>
          %dma_wait3A_261 = tpu.memref_squeeze %dma_wait3A_260 : memref<1x64xf32, #tpu.memory_space<vmem>> -> memref<64xf32, #tpu.memory_space<vmem>>
          %dma_wait3A_262 = arith.constant 0 : i32
          %dma_wait3A_263 = tpu.memref_slice %arg4[%dma_wait3A, %dma_wait3A_262] : memref<64x64xf32, #tpu.memory_space<hbm>> -> memref<1x64xf32, #tpu.memory_space<hbm>>
          %dma_wait3A_264 = tpu.memref_squeeze %dma_wait3A_263 : memref<1x64xf32, #tpu.memory_space<hbm>> -> memref<64xf32, #tpu.memory_space<hbm>>
          tpu.wait_dma2 semaphore(%arg17 : memref<!tpu.dma_semaphore, #tpu.memory_space<semaphore_mem>>) src(%dma_wait3A_264 : memref<64xf32, #tpu.memory_space<hbm>>) dst(%dma_wait3A_261 : memref<64xf32, #tpu.memory_space<vmem>>)
        } else {
        }
        %and3A_204 = arith.constant 15 : i32
        %and3A_205 = arith.andi %while3A_179, %and3A_204 : i32
        %sub3A_206 = arith.constant 999936 : i32
        %sub3A_207 = arith.subi %reduce_sum3A_190, %sub3A_206 : i32
        %broadcast_in_dim3A_208 = vector.broadcast %sub3A_207 : i32 to vector<16xi32>
        %add3A_209 = arith.constant 0 : i32
        %add3A_210 = vector.broadcast %add3A_209 : i32 to vector<16xi32>
        %add3A_211 = arith.addi %iota3A, %add3A_210 : vector<16xi32>
        %gather3A = tpu.vector_load_idx %arg11[%broadcast_in_dim3A_208, %add3A_211] : memref<64x64xf32, #tpu.memory_space<vmem>>[vector<16xi32>, vector<16xi32>], vector<16xf32>,
        %swap3A = arith.index_cast %and3A_205 : i32 to index
        %swap3A_212 = arith.constant 0 : index
        %swap3A_213 = tpu.vector_load %arg12[%swap3A, %swap3A_212] {strides = array<i32>} : memref<16x64xf32, #tpu.memory_space<vmem>>, vector<16xf32>,
        tpu.vector_store %arg12[%swap3A, %swap3A_212], %gather3A {strides = array<i32>} : memref<16x64xf32, #tpu.memory_space<vmem>>, vector<16xf32>,
        %add3A_214 = arith.constant 16 : i32
        %add3A_215 = vector.broadcast %add3A_214 : i32 to vector<16xi32>
        %add3A_216 = arith.addi %iota3A, %add3A_215 : vector<16xi32>
        %gather3A_217 = tpu.vector_load_idx %arg11[%broadcast_in_dim3A_208, %add3A_216] : memref<64x64xf32, #tpu.memory_space<vmem>>[vector<16xi32>, vector<16xi32>], vector<16xf32>,
        %swap3A_218 = arith.index_cast %and3A_205 : i32 to index
        %swap3A_219 = arith.constant 16 : index
        %swap3A_220 = tpu.vector_load %arg12[%swap3A_218, %swap3A_219] {strides = array<i32>} : memref<16x64xf32, #tpu.memory_space<vmem>>, vector<16xf32>,
        tpu.vector_store %arg12[%swap3A_218, %swap3A_219], %gather3A_217 {strides = array<i32>} : memref<16x64xf32, #tpu.memory_space<vmem>>, vector<16xf32>,
        %add3A_221 = arith.constant 32 : i32
        %add3A_222 = vector.broadcast %add3A_221 : i32 to vector<16xi32>
        %add3A_223 = arith.addi %iota3A, %add3A_222 : vector<16xi32>
        %gather3A_224 = tpu.vector_load_idx %arg11[%broadcast_in_dim3A_208, %add3A_223] : memref<64x64xf32, #tpu.memory_space<vmem>>[vector<16xi32>, vector<16xi32>], vector<16xf32>,
        %swap3A_225 = arith.index_cast %and3A_205 : i32 to index
        %swap3A_226 = arith.constant 32 : index
        %swap3A_227 = tpu.vector_load %arg12[%swap3A_225, %swap3A_226] {strides = array<i32>} : memref<16x64xf32, #tpu.memory_space<vmem>>, vector<16xf32>,
        tpu.vector_store %arg12[%swap3A_225, %swap3A_226], %gather3A_224 {strides = array<i32>} : memref<16x64xf32, #tpu.memory_space<vmem>>, vector<16xf32>,
        %add3A_228 = arith.constant 48 : i32
        %add3A_229 = vector.broadcast %add3A_228 : i32 to vector<16xi32>
        %add3A_230 = arith.addi %iota3A, %add3A_229 : vector<16xi32>
        %gather3A_231 = tpu.vector_load_idx %arg11[%broadcast_in_dim3A_208, %add3A_230] : memref<64x64xf32, #tpu.memory_space<vmem>>[vector<16xi32>, vector<16xi32>], vector<16xf32>,
        %swap3A_232 = arith.index_cast %and3A_205 : i32 to index
        %swap3A_233 = arith.constant 48 : index
        %swap3A_234 = tpu.vector_load %arg12[%swap3A_232, %swap3A_233] {strides = array<i32>} : memref<16x64xf32, #tpu.memory_space<vmem>>, vector<16xf32>,
        tpu.vector_store %arg12[%swap3A_232, %swap3A_233], %gather3A_231 {strides = array<i32>} : memref<16x64xf32, #tpu.memory_space<vmem>>, vector<16xf32>,
        %shift_right_arithmetic3A = arith.constant 3 : i32
        %shift_right_arithmetic3A_235 = arith.shrsi %reduce_sum3A_199, %shift_right_arithmetic3A : i32
        %and3A_236 = arith.constant 7 : i32
        %and3A_237 = arith.andi %reduce_sum3A_199, %and3A_236 : i32
        %dma_start3A_238 = arith.constant 0 : i32
        %dma_start3A_239 = tpu.memref_slice %arg12[%and3A_205, %dma_start3A_238] : memref<16x64xf32, #tpu.memory_space<vmem>> -> memref<1x64xf32, #tpu.memory_space<vmem>>
        %dma_start3A_240 = tpu.memref_squeeze %dma_start3A_239 : memref<1x64xf32, #tpu.memory_space<vmem>> -> memref<64xf32, #tpu.memory_space<vmem>>
        %dma_start3A_241 = arith.constant 0 : i32
        %dma_start3A_242 = tpu.memref_slice %arg5[%shift_right_arithmetic3A_235, %and3A_237, %dma_start3A_241] : memref<2048x8x64xf32, #tpu.memory_space<hbm>> -> memref<1x1x64xf32, #tpu.memory_space<hbm>>
        %dma_start3A_243 = tpu.memref_squeeze %dma_start3A_242 : memref<1x1x64xf32, #tpu.memory_space<hbm>> -> memref<64xf32, #tpu.memory_space<hbm>>
        %dma_start3A_244 = arith.constant 0 : i32
        %dma_start3A_245 = tpu.memref_slice %arg5[%shift_right_arithmetic3A_235, %and3A_237, %dma_start3A_244] : memref<2048x8x64xf32, #tpu.memory_space<hbm>> -> memref<1x1x64xf32, #tpu.memory_space<hbm>>
        %dma_start3A_246 = tpu.memref_squeeze %dma_start3A_245 : memref<1x1x64xf32, #tpu.memory_space<hbm>> -> memref<64xf32, #tpu.memory_space<hbm>>
        %dma_start3A_247 = arith.constant 0 : i32
        %dma_start3A_248 = tpu.memref_slice %arg12[%and3A_205, %dma_start3A_247] : memref<16x64xf32, #tpu.memory_space<vmem>> -> memref<1x64xf32, #tpu.memory_space<vmem>>
        %dma_start3A_249 = tpu.memref_squeeze %dma_start3A_248 : memref<1x64xf32, #tpu.memory_space<vmem>> -> memref<64xf32, #tpu.memory_space<vmem>>
        tpu.enqueue_dma source(%dma_start3A_249 : memref<64xf32, #tpu.memory_space<vmem>>) target(%dma_start3A_246 : memref<64xf32, #tpu.memory_space<hbm>>) target_semaphore(%arg17 : memref<!tpu.dma_semaphore, #tpu.memory_space<semaphore_mem>>)
        %add3A_250 = arith.constant 1 : i32
        %add3A_251 = arith.addi %while3A_179, %add3A_250 : i32
        scf.yield %add3A_251 : i32
      }
      scf.yield %while3A_177 : i32
    }
    %min3A_136 = arith.constant 16 : i32
    %min3A_137 = arith.minsi %while3A_135, %min3A_136 : i32
    %while3A_138 = arith.constant 0 : i32
    %while3A_139 = arith.constant 0 : i32
    %while3A_140 = arith.subi %min3A_137, %while3A_139 : i32
    %while3A_141 = arith.addi %while3A_139, %while3A_140 : i32
    %while3A_142 = arith.constant 1 : i32
    %while3A_143 = arith.divsi %while3A_140, %while3A_142 : i32
    %while3A_144 = arith.muli %while3A_143, %while3A_142 : i32
    %while3A_145 = arith.addi %while3A_139, %while3A_144 : i32
    %while3A_146 = arith.constant 1 : i32
    scf.for %while3A_148 = %while3A_139 to %while3A_145 step %while3A_146  : i32 {
      %dma_wait3A = arith.constant 0 : i32
      %dma_wait3A_149 = arith.constant 0 : i32
      %dma_wait3A_150 = arith.constant 0 : i32
      %dma_wait3A_151 = tpu.memref_slice %arg12[%dma_wait3A_149, %dma_wait3A_150] : memref<16x64xf32, #tpu.memory_space<vmem>> -> memref<1x64xf32, #tpu.memory_space<vmem>>
      %dma_wait3A_152 = tpu.memref_squeeze %dma_wait3A_151 : memref<1x64xf32, #tpu.memory_space<vmem>> -> memref<64xf32, #tpu.memory_space<vmem>>
      %dma_wait3A_153 = arith.constant 0 : i32
      %dma_wait3A_154 = tpu.memref_slice %arg4[%dma_wait3A, %dma_wait3A_153] : memref<64x64xf32, #tpu.memory_space<hbm>> -> memref<1x64xf32, #tpu.memory_space<hbm>>
      %dma_wait3A_155 = tpu.memref_squeeze %dma_wait3A_154 : memref<1x64xf32, #tpu.memory_space<hbm>> -> memref<64xf32, #tpu.memory_space<hbm>>
      %dma_wait3A_156 = arith.constant 0 : i32
      %dma_wait3A_157 = tpu.memref_slice %arg12[%dma_wait3A_149, %dma_wait3A_156] : memref<16x64xf32, #tpu.memory_space<vmem>> -> memref<1x64xf32, #tpu.memory_space<vmem>>
      %dma_wait3A_158 = tpu.memref_squeeze %dma_wait3A_157 : memref<1x64xf32, #tpu.memory_space<vmem>> -> memref<64xf32, #tpu.memory_space<vmem>>
      %dma_wait3A_159 = arith.constant 0 : i32
      %dma_wait3A_160 = tpu.memref_slice %arg4[%dma_wait3A, %dma_wait3A_159] : memref<64x64xf32, #tpu.memory_space<hbm>> -> memref<1x64xf32, #tpu.memory_space<hbm>>
      %dma_wait3A_161 = tpu.memref_squeeze %dma_wait3A_160 : memref<1x64xf32, #tpu.memory_space<hbm>> -> memref<64xf32, #tpu.memory_space<hbm>>
      tpu.wait_dma2 semaphore(%arg17 : memref<!tpu.dma_semaphore, #tpu.memory_space<semaphore_mem>>) src(%dma_wait3A_161 : memref<64xf32, #tpu.memory_space<hbm>>) dst(%dma_wait3A_158 : memref<64xf32, #tpu.memory_space<vmem>>)
    }
    %while3A_147 = arith.constant 1 : i32
    scf.for %while3A_148 = %while3A_145 to %while3A_141 step %while3A_147  : i32 {
      %dma_wait3A = arith.constant 0 : i32
      %dma_wait3A_149 = arith.constant 0 : i32
      %dma_wait3A_150 = arith.constant 0 : i32
      %dma_wait3A_151 = tpu.memref_slice %arg12[%dma_wait3A_149, %dma_wait3A_150] : memref<16x64xf32, #tpu.memory_space<vmem>> -> memref<1x64xf32, #tpu.memory_space<vmem>>
      %dma_wait3A_152 = tpu.memref_squeeze %dma_wait3A_151 : memref<1x64xf32, #tpu.memory_space<vmem>> -> memref<64xf32, #tpu.memory_space<vmem>>
      %dma_wait3A_153 = arith.constant 0 : i32
      %dma_wait3A_154 = tpu.memref_slice %arg4[%dma_wait3A, %dma_wait3A_153] : memref<64x64xf32, #tpu.memory_space<hbm>> -> memref<1x64xf32, #tpu.memory_space<hbm>>
      %dma_wait3A_155 = tpu.memref_squeeze %dma_wait3A_154 : memref<1x64xf32, #tpu.memory_space<hbm>> -> memref<64xf32, #tpu.memory_space<hbm>>
      %dma_wait3A_156 = arith.constant 0 : i32
      %dma_wait3A_157 = tpu.memref_slice %arg12[%dma_wait3A_149, %dma_wait3A_156] : memref<16x64xf32, #tpu.memory_space<vmem>> -> memref<1x64xf32, #tpu.memory_space<vmem>>
      %dma_wait3A_158 = tpu.memref_squeeze %dma_wait3A_157 : memref<1x64xf32, #tpu.memory_space<vmem>> -> memref<64xf32, #tpu.memory_space<vmem>>
      %dma_wait3A_159 = arith.constant 0 : i32
      %dma_wait3A_160 = tpu.memref_slice %arg4[%dma_wait3A, %dma_wait3A_159] : memref<64x64xf32, #tpu.memory_space<hbm>> -> memref<1x64xf32, #tpu.memory_space<hbm>>
      %dma_wait3A_161 = tpu.memref_squeeze %dma_wait3A_160 : memref<1x64xf32, #tpu.memory_space<hbm>> -> memref<64xf32, #tpu.memory_space<hbm>>
      tpu.wait_dma2 semaphore(%arg17 : memref<!tpu.dma_semaphore, #tpu.memory_space<semaphore_mem>>) src(%dma_wait3A_161 : memref<64xf32, #tpu.memory_space<hbm>>) dst(%dma_wait3A_158 : memref<64xf32, #tpu.memory_space<vmem>>)
    }
    return
  }
}

</mosaic_0001>

<sc_bundles>
// kernel: kernel.3.cloned.1.call-start
scs
__scs_entry_jumppad:
0x0: {  	(pc) =	sbr.rel $0x88, $3  }
0x1: {  	(tag) =	ssettag $0x0;
	lr =	simm.s32 $0x1  }
0x2: {  	[smem:$0x3F9F] =	sst lr;
	_ =	strace $0xD0000000  }
0x3: {  	_ = 	snop  }
0x4: {  	_ = 	snop  }
0x5: {  	_ = 	snop  }
0x6: {  	_ = 	snop  }
0x7: {  	_ = 	snop  }
__scs_overlays_trampoline_lowered:
0x8: {  	[smem:$0x3FAE] =	sst s0  }
0x9: {  	[smem:$0x3FAF] =	sst s1  }
0xa: {  	[smem:$0x3FB0] =	sst s2  }
0xb: {  	[smem:$0x3FB1] =	sst s3  }
0xc: {  	[smem:$0x3FB2] =	sst s4  }
0xd: {  	[smem:$0x3FB3] =	sst s5  }
0xe: {  	[smem:$0x3FB4] =	sst s6  }
0xf: {  	[smem:$0x3FB5] =	sst s7  }
0x10: {  	[smem:$0x3FB6] =	sst s8  }
0x11: {  	[smem:$0x3FB7] =	sst s9;
	s0 =	simm.s32 @!p0 $0x0  }
0x12: {  	s1 =	sld [smem:$0x3F9D];
	s0 =	simm.s32 @p0 $0x1  }
0x13: {  	[smem:$0x3FB8] =	sst s0;
	s0 =	simm.s32 @!p1 $0x0  }
0x14: {  	s2 =	sld [smem:$0x3F9C];
	s0 =	simm.s32 @p1 $0x1  }
0x15: {  	[smem:$0x3FB9] =	sst s0;
	s0 =	simm.s32 @!p2 $0x0  }
0x16: {  	s3 =	sld [smem:$0x3FDB];
	s0 =	simm.s32 @p2 $0x1  }
0x17: {  	s4 =	simm.s32 $0x1BF5;
	[smem:$0x3FBB] =	sst s0  }
0x18: {  	s0 =	sld [smem:$0x3F9E];
	_ =	swait.ge [sflag:s4], $0x0  }
0x19: {  	s7 =	sld [smem:$0x3F9F]  }
0x1a: {  	s8 =	sadd.s32 $0xFFFFE003, lr  }
0x1b: {  	s9 =	sadd.s32 $0xFFFFFEF7, lr;
	s5 =	simm.s32 $0xFFFFFFFF;
	p2 =	slt.u32 s8, $0xFFFFF086  }
0x1c: {  	p1 =	slt.u32 s9, $0xF7A;
	s5 =	simm.s32 @!p2 $0x0  }
0x1d: {  	s5 =	simm.s32 @p1 $0x1;
	p0 =	seq.s32 s7, s2  }
0x1e: {  	s7 =	smul.u32 @!p0 $0xF7A, s2;
	p2 =	seq.s32 @!p0 s5, $0x0  }
0x1f: {  	s9 =	smul.u32 $0xF7A, s1;
	s8 =	simm.s32 @!p0 $0x1BF5;
	p2 =	por !p2, p0  }
0x20: {  	[sflag:s8] =	ssyncset.s32 @!p0 $0xFFFFF086;
	s6 =	sadd.s32 @!p0 s3, s7;
	s7 =	simm.s32 @!p0 $0x108  }
0x21: {  	s3 =	sadd.s32 s3, s9;
	s6 =	sadd.s32 @!p0 $0x88, s6;
	s7 =	simm.s32 @p2 $0x1082  }
0x22: {  	[simem:s7], [sflag:s8] =	dma.local @!p0 [hbm:s6], $0xF7A  }
0x23: {  	s9 =	sor.u32 $0xD0000000, s2;
	s6 =	simm.s32 $0x108;
	_ =	swait.ge @!p0 [sflag:s8], $0x0  }
0x24: {  	s3 =	sadd.s32 $0x88, s3;
	s6 =	simm.s32 @!p1 $0x1082;
	[sflag:s4] =	ssyncset.s32 $0xFFFFF086  }
0x25: {  	[simem:s6], [sflag:s4] =	dma.local [hbm:s3], $0xF7A  }
0x26: {  	[smem:$0x3F9F] =	sst s1;
	(tag) =	ssettag s2;
	_ =	strace s9  }
0x27: {  	s1 =	sld [smem:$0x3FAF]  }
0x28: {  	s2 =	sld [smem:$0x3FB0]  }
0x29: {  	s4 =	sld [smem:$0x3FB2]  }
0x2a: {  	p0 =	seq.s32 s5, $0x0;
	s5 =	sld [smem:$0x3FB3]  }
0x2b: {  	s6 =	sld [smem:$0x3FB4]  }
0x2c: {  	s7 =	sld [smem:$0x3FB5]  }
0x2d: {  	s3 =	simm.s32 $0x108;
	s8 =	sld [smem:$0x3FB6]  }
0x2e: {  	s3 =	simm.s32 @!p0 $0x1082;
	s9 =	sld [smem:$0x3FB7]  }
0x2f: {  	lr =	sadd.s32 s0, s3;
	s0 =	sld [smem:$0x3FAE]  }
0x30: {  	s3 =	sld [smem:$0x3FB1]  }
0x31: {  	[smem:$0x3FBA] =	sst s10  }
0x32: {  	s10 =	sld [smem:$0x3FB8];
	_ =	sdelay $0x3  }
0x33: {  	p0 =	seq.s32 s10, $0x1;
	s10 =	sld [smem:$0x3FBA];
	_ =	sdelay $0x3  }
0x34: {  	[smem:$0x3FBA] =	sst s10  }
0x35: {  	s10 =	sld [smem:$0x3FB9];
	_ =	sdelay $0x3  }
0x36: {  	p1 =	seq.s32 s10, $0x1;
	s10 =	sld [smem:$0x3FBA];
	_ =	sdelay $0x3  }
0x37: {  	[smem:$0x3FBA] =	sst s10  }
0x38: {  	s10 =	sld [smem:$0x3FBB]  }
0x39: {  	_ = 	snop;
	(pc) =	sbr.ind lr, $3  }
0x3a: {  	_ = 	snop  }
0x3b: {  	_ = 	snop  }
0x3c: {  	p2 =	seq.s32 s10, $0x1;
	s10 =	sld [smem:$0x3FBA]  }
0x3d: {  	_ =	shalt  }
0x3e: {  	_ =	shalt  }
0x3f: {  	_ =	shalt  }
0x40: {  	_ =	shalt  }
0x41: {  	_ =	shalt  }
0x42: {  	_ =	shalt  }
0x43: {  	_ =	shalt  }
0x44: {  	_ =	shalt  }
0x45: {  	_ =	shalt  }
0x46: {  	_ =	shalt  }
0x47: {  	_ =	shalt  }
0x48: {  	_ =	shalt  }
0x49: {  	_ =	shalt  }
0x4a: {  	_ =	shalt  }
0x4b: {  	_ =	shalt  }
0x4c: {  	_ =	shalt  }
0x4d: {  	_ =	shalt  }
0x4e: {  	_ =	shalt  }
0x4f: {  	_ =	shalt  }
0x50: {  	_ =	shalt  }
0x51: {  	_ =	shalt  }
0x52: {  	_ =	shalt  }
0x53: {  	_ =	shalt  }
0x54: {  	_ =	shalt  }
0x55: {  	_ =	shalt  }
0x56: {  	_ =	shalt  }
0x57: {  	_ =	shalt  }
0x58: {  	_ =	shalt  }
0x59: {  	_ =	shalt  }
0x5a: {  	_ =	shalt  }
0x5b: {  	_ =	shalt  }
0x5c: {  	_ =	shalt  }
0x5d: {  	_ =	shalt  }
0x5e: {  	_ =	shalt  }
0x5f: {  	_ =	shalt  }
0x60: {  	_ =	shalt  }
0x61: {  	_ =	shalt  }
0x62: {  	_ =	shalt  }
0x63: {  	_ =	shalt  }
0x64: {  	_ =	shalt  }
0x65: {  	_ =	shalt  }
0x66: {  	_ =	shalt  }
0x67: {  	_ =	shalt  }
0x68: {  	_ =	shalt  }
0x69: {  	_ =	shalt  }
0x6a: {  	_ =	shalt  }
0x6b: {  	_ =	shalt  }
0x6c: {  	_ =	shalt  }
0x6d: {  	_ =	shalt  }
0x6e: {  	_ =	shalt  }
0x6f: {  	_ =	shalt  }
0x70: {  	_ =	shalt  }
0x71: {  	_ =	shalt  }
0x72: {  	_ =	shalt  }
0x73: {  	_ =	shalt  }
0x74: {  	_ =	shalt  }
0x75: {  	_ =	shalt  }
0x76: {  	_ =	shalt  }
0x77: {  	_ =	shalt  }
0x78: {  	_ =	shalt  }
0x79: {  	_ =	shalt  }
0x7a: {  	_ =	shalt  }
0x7b: {  	_ =	shalt  }
0x7c: {  	_ =	shalt  }
0x7d: {  	_ =	shalt  }
0x7e: {  	_ =	shalt  }
0x7f: {  	_ =	shalt  }
0x80: {  	_ =	shalt  }
0x81: {  	_ =	shalt  }
0x82: {  	_ =	shalt  }
0x83: {  	_ =	shalt  }
0x84: {  	_ =	shalt  }
0x85: {  	_ =	shalt  }
0x86: {  	_ =	shalt  }
0x87: {  	_ =	shalt  }
.Lfunc_end0:
.L_simem_size_0:
called_computation_lowered:
.L_overlay_start_0:
0x88: {  	s2 =	sld [smem:$0x3FD9]  }
0x89: {  	s3 =	sld [smem:$0x3FFE];
	_ =	sdelay $0x1  }
0x8a: {  	s1 =	srdreg.scid  }
0x8b: {  	s0 =	sand.u32 $0x1, s1  }
0x8c: {  	s17 =	sshll.u32 s0, $0xA;
	s2 =	sadd.s32 s3, s2  }
0x8d: {  	s2 =	sadd.s32 s2, s17  }
0x8e: {  	[smem:$0x3FC6] =	sst s2  }
0x8f: {  	_ = 	snop  }
0x90: {  	s2 =	sld [smem:$0x3FC9]  }
0x91: {  	s18 =	sld [smem:$0x3FC8]  }
0x92: {  	s4 =	sld [smem:$0x3FD0];
	(tm) =	ssettm $0x1  }
0x93: {  	s5 =	sld [smem:$0x3FFB];
	_ =	sdelay $0x3  }
0x94: {  	_ =	strace s5  }
0x95: {  	s5 =	sld [smem:$0x3FFC];
	_ =	sdelay $0x3  }
0x96: {  	_ =	strace s5  }
0x97: {  	s5 =	sld [smem:$0x3FFD];
	_ =	sdelay $0x3  }
0x98: {  	_ =	strace s5  }
0x99: {  	_ =	strace $0x8FFFFFFF  }
0x9a: {  	s19 =	sld [smem:$0x3FDB];
	_ =	sdelay $0x1  }
0x9b: {  	s6 =	simm.s32 $_scs_section_size  }
0x9c: {  	s7 =	simm.s32 $_size__tile_overlayer_lowered;
	s8 =	simm.s32 $_tile_overlayer_lowered  }
0x9d: {  	s22 =	simm.s32 $0x1BFF;
	s21 =	sshll.u32 s8, $0x1;
	s5 =	sadd.s32 s6, s19  }
0x9e: {  	s9 =	simm.s32 $0x0;
	s20 =	sshll.u32 s7, $0x1;
	s7 =	sadd.s32 s21, s5  }
0x9f: {  	[timem:s9], [sflag:s22] =	dma.local [hbm:s7], s20  }
0xa0: {  	_ =	swait.ge [sflag:s22], s20  }
0xa1: {  	s6 =	ssub.s32 $0x0, s20;
	[sflag:s22] =	ssyncset.done $0x0  }
0xa2: {  	[sflag:s22] =	ssyncadd.s32 s6;
	_ =	sdelay $0x1  }
0xa3: {  	s23 =	simm.s32 $0x1B8B  }
0xa4: {  	_ =	swait.ge [sflag:s23], $0x1  }
0xa5: {  	[sflag:s23] =	ssyncset.done $0x0  }
0xa6: {  	s25 =	simm.s32 $0x1B8E;
	s24 =	sld [smem:$0x3FFE];
	[sflag:s23] =	ssyncadd.s32 $0xFFFFFFFF  }
0xa7: {  	s26 =	simm.s32 $execute0_lowered;
	[smem:$0x3FD2] =	sst s25  }
0xa8: {  	s7 =	sshll.u32 s26, $0x1;
	_ =	strace $0x80000046;
	[dreg:$0x1] =	wrdreg $0xFFFFFFFF  }
0xa9: {  	s28 =	simm.s32 $_size_execute0_lowered;
	s5 =	sadd.s32 s5, s7;
	[dreg:$0x0] =	wrdreg $0x0  }
0xaa: {  	s7 =	sshll.u32 s28, $0x1;
	[dreg:$0x2] =	wrdreg s5  }
0xab: {  	[dreg:$0x3] =	wrdreg s7  }
0xac: {  	[dreg:$0x4] =	wrdreg $0xC0  }
0xad: {  	_ =	task [dreg:s9], $0x5FFFF  }
0xae: {  	[dreg:$0x1] =	wrdreg $0xFFFFFFFF  }
0xaf: {  	[dreg:$0x0] =	wrdreg $0x60  }
0xb0: {  	[dreg:$0x2] =	wrdreg s2  }
0xb1: {  	[dreg:$0x3] =	wrdreg s18  }
0xb2: {  	[dreg:$0x4] =	wrdreg s4  }
0xb3: {  	[dreg:$0x5] =	wrdreg s24  }
0xb4: {  	[dreg:$0x6] =	wrdreg $0x9  }
0xb5: {  	_ =	task.clear_ibuf [dreg:s9], $0x7FFFF;
	_ =	strace $0x90000046  }
0xb6: {  	s29 =	simm.s32 $0x9;
	_ =	strace $0x80000048  }
0xb7: {  	_ =	swait.ge [sflag:s29], $0x1  }
0xb8: {  	[sflag:s29] =	ssyncadd.s32 $0xFFFFFFFF  }
0xb9: {  	_ =	strace $0x90000048  }
0xba: {  	_ =	sfence  }
0xbb: {  	s30 =	sld [smem:$0x0];
	_ =	sdelay $0x2  }
0xbc: {  	s31 =	sshll.u32 s1, $0xD;
	s1 =	sshrl.u32 s1, $0x2  }
0xbd: {  	s3 =	sand.u32 $0x4000, s31;
	s1 =	sadd.s32 s1, s30  }
0xbe: {  	s0 =	sor.u32 s3, s0;
	s1 =	sshll.u32 s1, $0x11  }
0xbf: {  	s0 =	sor.u32 s1, s0  }
0xc0: {  	s0 =	sadd.s32 $0x8F2B, s0  }
0xc1: {  	[sflag:s0] =	ssyncadd.remote.s32 $0x1  }
0xc2: {  	_ =	sfence.sel $0xFFFF  }
0xc3: {  	[dreg:$0x0] =	wrdreg $0xFFFFFFFF;
	(pc) =	sbr.abs _section_cstart, $3  }
0xc4: {  	[dreg:$0x1] =	wrdreg $0xFFFFFFFF  }
0xc5: {  	_ =	task.clear_ibuf [dreg:s9], $0x2FFFF;
	_ =	strace $0x9FFFFFFF  }
0xc6: {  	(tm) =	ssettm $0x7FFFFFFF  }
0xc7: {  	_ =	shalt  }
tec
execute0_lowered:
.L_overlay_start_1:
0x0: {  	(tag) =	ssettag $0x1  }
0x1: {  	vm0 =	vcmask $0x300;
	v0 =	vimm.s32 $0x1380  }
0x2: {  	vm5 =	vcmask $0x704;
	vm2 =	vcmask $0xB08;
	vm7 =	vcmask $0xF0C  }
0x3: {  	vm4 =	vcmask $0x1310;
	vm9 =	vcmask $0x1714;
	vm6 =	vcmask $0x1B18  }
0x4: {  	vm11 =	vcmask $0x1F1C;
	vm8 =	vcmask $0x2320;
	v4 =	vimm.s32 $0xECA86420  }
0x5: {  	vm13 =	vcmask $0x2724;
	vm10 =	vcmask $0x2B28;
	vm1 =	vcmask $0x2F2C  }
0x6: {  	vm12 =	vcmask $0x3330;
	vm3 =	vcmask $0x3734;
	vm15 =	vcmask $0x3B38  }
0x7: {  	vm14 =	vmmov $0xff;
	v9 =	vimm.s32 $0x3380;
	v10 =	vimm.s32 $0x5380  }
0x8: {  	v11 =	vimm.s32 $0x7380;
	v15 =	vimm.s32 $0x0;
	v0 =	vsel vm0, $0x0, v0  }
0x9: {  	v4 =	vunpack.c.l.s4.s8 v4;
	v9 =	vsel vm0, $0x2000, v9;
	v10 =	vsel vm0, $0x4000, v10  }
0xa: {  	v11 =	vsel vm0, $0x6000, v11;
	v15 =	vsel vm14, $0xFFFFFFFF, v15;
	v0 =	vsel vm5, $0x80, v0  }
0xb: {  	v9 =	vsel vm5, $0x2080, v9;
	v10 =	vsel vm5, $0x4080, v10;
	v11 =	vsel vm5, $0x6080, v11  }
0xc: {  	s0 =	srdreg.scid;
	s1 =	stileid.u32;
	v0 =	vsel vm2, $0x100, v0;
	v4 =	vunpack.c.0.s8.s32 v4;
	v9 =	vsel vm2, $0x2100, v9  }
0xd: {  	s5 =	sand.u32 $0x1, s0;
	s18 =	sshll.u32 s1, $0x1;
	v10 =	vsel vm2, $0x4100, v10;
	v11 =	vsel vm2, $0x6100, v11;
	v0 =	vsel vm7, $0x180, v0  }
0xe: {  	s3 =	sor.u32 s5, s18;
	v9 =	vsel vm7, $0x2180, v9;
	v10 =	vsel vm7, $0x4180, v10;
	v11 =	vsel vm7, $0x6180, v11  }
0xf: {  	s7 =	smul.u32 $0x7A80, s3;
	v1 =	vsel vm4, $0x200, v0;
	v0 =	vmov s3;
	v9 =	vsel vm4, $0x2200, v9  }
0x10: {  	v10 =	vsel vm4, $0x4200, v10;
	v11 =	vsel vm4, $0x6200, v11;
	v2 =	vsel vm9, $0x280, v1  }
0x11: {  	s21 =	rddreg [dreg:$0x1];
	s19 =	smin.u32 s7, $0xEC780;
	v1 =	vmov s7;
	v9 =	vsel vm9, $0x2280, v9;
	v10 =	vsel vm9, $0x4280, v10  }
0x12: {  	s22 =	rddreg [dreg:$0x3];
	s10 =	simm.s32 $0x0;
	s2 =	ssub.s32 s19, s7;
	v11 =	vsel vm9, $0x6280, v11;
	v3 =	vsel vm6, $0x300, v2;
	v9 =	vsel vm6, $0x2300, v9  }
0x13: {  	[smem:$0x7FF] =	sst s10;
	s11 =	sadd.s32 $0x400, s22;
	s2 =	sadd.s32 $0x7C7F, s2;
	v10 =	vsel vm6, $0x4300, v10;
	v11 =	vsel vm6, $0x6300, v11;
	v3 =	vsel vm11, $0x380, v3  }
0x14: {  	_ =	strace $0x80000047;
	s23 =	ssub.s32 $0x2, s5;
	s4 =	sshra.s32 s2, $0x1F;
	v9 =	vsel vm11, $0x2380, v9;
	v10 =	vsel vm11, $0x4380, v10;
	v11 =	vsel vm11, $0x6380, v11  }
0x15: {  	[dreg:$0x9] =	wrdreg s11;
	s24 =	sshrl.u32 s23, $0x1;
	s6 =	sshrl.u32 s4, $0x17;
	v3 =	vsel vm8, $0x1000, v3;
	v9 =	vsel vm8, $0x3000, v9;
	v10 =	vsel vm8, $0x5000, v10  }
0x16: {  	s3 =	ssub.s32 s23, s24;
	[dreg:$0x7] =	wrdreg s7;
	v11 =	vsel vm8, $0x7000, v11;
	s2 =	sadd.s32 s6, s2;
	v5 =	vsel vm13, $0x1080, v3;
	v9 =	vsel vm13, $0x3080, v9  }
0x17: {  	s12 =	sadd.s32 $0x7880, s19;
	s31 =	smax.u32 s3, $0x1;
	v10 =	vsel vm13, $0x5080, v10;
	v11 =	vsel vm13, $0x7080, v11;
	s2 =	sshra.s32 s2, $0x9;
	v5 =	vsel vm10, $0x1100, v5  }
0x18: {  	s30 =	smin.u32 s7, s12;
	[dreg:$0xd] =	wrdreg s31;
	v9 =	vsel vm10, $0x3100, v9;
	v10 =	vsel vm10, $0x5100, v10;
	v11 =	vsel vm10, $0x7100, v11;
	s8 =	sadd.s32 s4, s2  }
0x19: {  	[dreg:$0xa] =	wrdreg s12;
	s1 =	sadd.s32 s21, s30;
	v6 =	vsel vm1, $0x1180, v5;
	v5 =	vlaneseq.u32;
	v9 =	vsel vm1, $0x3180, v9;
	s25 =	sadd.s32 $0x1, s8  }
0x1a: {  	v10 =	vsel vm1, $0x5180, v10;
	v11 =	vsel vm1, $0x7180, v11;
	s20 =	sadd.s32 $0xFFFFFFFF, s8;
	v3 =	vmov s8;
	s26 =	sand.u32 $0x8000, s25;
	s28 =	sand.u32 $0x1, s25  }
0x1b: {  	v7 =	vsel vm12, $0x1200, v6;
	v6 =	vmul.u32 $0x2, v5;
	p0 =	slt.s32 s8, $0x0;
	v9 =	vsel vm12, $0x3200, v9;
	s4 =	sshrl.u32 s26, $0xF;
	p1 =	seq.s32 s28, $0x1  }
.Ltmp0:
0x1c: {  	v10 =	vsel vm12, $0x5200, v10;
	v11 =	vsel vm12, $0x7200, v11;
	v12 =	vor.u32 $0x10, v5;
	s29 =	sadd.s32 s4, s25;
	p0 =	por !p0, !p1;
	(pc) =	sbr.rel .LBB2_1-.Ltmp0, $4  }
0x1d: {  	v13 =	vor.u32 $0x20, v5;
	v14 =	vor.u32 $0x30, v5;
	v2 =	vmov s20;
	s4 =	simm.s32 $0x1;
	s0 =	sshll.u32 s29, $0x10;
	p0 =	por !p0, !p0  }
0x1e: {  	[dreg:$0xb] =	wrdreg s1;
	v8 =	vsel vm3, $0x1280, v7;
	v7 =	vimm.s32 $0x0;
	v9 =	vsel vm3, $0x3280, v9;
	s0 =	sshra.s32 s0, $0x11;
	s4 =	simm.s32 @!p0 $0x0  }
0x1f: {  	s9 =	simm.s32 $0x1D180;
	[dreg:$0x8] =	wrdreg s8;
	v10 =	vsel vm3, $0x5280, v10;
	v11 =	vsel vm3, $0x7280, v11;
	v8 =	vsel vm15, $0x1300, v8;
	s14 =	ssub.s32 s0, s4  }
0x20: {  	[tilespmem:$0x1FFF0] =	vst v15;
	s2 =	simm.s32 $0x0;
	v9 =	vsel vm15, $0x3300, v9;
	v10 =	vsel vm15, $0x5300, v10;
	v11 =	vsel vm15, $0x7300, v11;
	p0 =	sgt.s32 s14, $0x0;
	[dreg:$0xc] =	wrdreg s14  }
.LBB2_22:
0x21: {  	[sflag:s1] =	ssyncadd.s32 $0xFFFFFF80  }
.LBB2_23:
0x22: {  	s2 =	sadd.s32 $0x1, s2;
	s0 =	rddreg [dreg:$0xd]  }
0x23: {  	p1 =	sne.s32 s2, s0  }
.Ltmp1:
0x24: {  	_ = 	snop;
	(pc) =	sbr.rel @!p1 .LBB2_24-.Ltmp1, $1  }
0x25: {  	_ =	sdelay $0x3  }
.LBB2_1:
0x26: {  	[dreg:$0xe] =	wrdreg s2  }
0x27: {  	s0 =	rddreg [dreg:$0x2];
	s31 =	simm.s32 $0x4  }
0x28: {  	[tilespmem:s9], [sflag:$0x4] =	stream.linear.gather [hbm4b:s0+s10], $0x2000, $0x38;
	[tilespmem:$0x1FA80] =	vst v63  }
0x29: {  	_ =	swait.ge [sflag:s31], $0x2000  }
0x2a: {  	s7 =	simm.s32 $0x0;
	[sflag:s31] =	ssyncset.done $0x0  }
0x2b: {  	s25 =	simm.s32 $0x0;
	s1 =	simm.s32 $0x0;
	vm1 =	vcmask $0x2F2C;
	[sflag:s31] =	ssyncadd.s32 $0xFFFFE000  }
.LBB2_2:
0x2c: {  	[dreg:$0x10] =	wrdreg s1  }
0x2d: {  	s0 =	sshll.u32 s1, $0x9;
	s12 =	rddreg [dreg:$0x0]  }
0x2e: {  	s3 =	simm.s32 $0x0;
	s13 =	simm.s32 $0x4;
	s0 =	sadd.s32 s12, s0  }
0x2f: {  	[tilespmem:s3], [sflag:$0x4] =	stream.linear.gather [hbm4b:s0+s3], $0x1000, $0x38;
	[tilespmem:$0x1FA80] =	vst v63  }
0x30: {  	_ =	swait.ge [sflag:s13], $0x1000  }
0x31: {  	[sflag:s13] =	ssyncset.done $0x0  }
0x32: {  	s14 =	simm.s32 $0x0;
	[sflag:s13] =	ssyncadd.s32 $0xFFFFF000  }
0x33: {  	v15 =	vld [tilespmem:s14+$0x0];
	_ =	sdelay $0x4  }
0x34: {  	(v2sf) =	vpush v15, $0xC;
	_ =	sdelay $0x1  }
0x35: {  	(v2sf) =	vpush v15, $0x4  }
0x36: {  	(v2sf) =	vpush v15, $0x3;
	_ =	sdelay $0x1  }
0x37: {  	(v2sf) =	vpush v15, $0x7;
	_ =	sdelay $0x2  }
0x38: {  	(v2sf) =	vpush v15, $0xD  }
0x39: {  	(v2sf) =	vpush v15, $0x0;
	_ =	sdelay $0x1  }
0x3a: {  	(v2sf) =	vpush v15, $0xE  }
0x3b: {  	(v2sf) =	vpush v15, $0xB  }
0x3c: {  	(v2sf) =	vpush v15, $0x1;
	_ =	sdelay $0x1  }
0x3d: {  	(v2sf) =	vpush v15, $0x8;
	s15 =	spop (v2sf)  }
0x3e: {  	s6 =	smulhi.u32 $0x42DF9BB1, s15;
	s0 =	sshra.s32 s15, $0x1F  }
0x3f: {  	(v2sf) =	vpush v15, $0x9;
	s18 =	spop (v2sf);
	s2 =	smul.u32 $0x42DF9BB1, s0  }
0x40: {  	(v2sf) =	vpush v15, $0xA;
	s5 =	spop (v2sf);
	s3 =	smulhi.u32 $0x42DF9BB1, s18  }
0x41: {  	(v2sf) =	vpush v15, $0xF;
	s11 =	sshra.s32 s18, $0x1F;
	s8 =	smulhi.u32 $0x42DF9BB1, s5  }
0x42: {  	s4 =	spop (v2sf);
	s17 =	smul.u32 $0x42DF9BB1, s11  }
0x43: {  	s1 =	sshra.s32 s5, $0x1F;
	s10 =	smulhi.u32 $0x42DF9BB1, s4  }
0x44: {  	s4 =	sshra.s32 s4, $0x1F;
	s20 =	smul.u32 $0x42DF9BB1, s1  }
0x45: {  	s16 =	spop (v2sf);
	s12 =	smul.u32 $0x42DF9BB1, s4  }
0x46: {  	(v2sf) =	vpush v15, $0x6;
	s23 =	spop (v2sf);
	s30 =	smulhi.u32 $0x42DF9BB1, s16  }
0x47: {  	s5 =	sshra.s32 s16, $0x1F;
	s28 =	smulhi.u32 $0x42DF9BB1, s23  }
0x48: {  	(v2sf) =	vpush v15, $0x5;
	s29 =	spop (v2sf);
	s22 =	smul.u32 $0x42DF9BB1, s5  }
0x49: {  	s11 =	spop (v2sf);
	s26 =	smulhi.u32 $0x42DF9BB1, s29  }
0x4a: {  	s13 =	smulhi.u32 $0x42DF9BB1, s11;
	s31 =	spop (v2sf)  }
0x4b: {  	(v2sf) =	vpush v15, $0x2;
	s11 =	sshra.s32 s11, $0x1F;
	s21 =	smulhi.u32 $0x42DF9BB1, s31  }
0x4c: {  	s15 =	spop (v2sf);
	s11 =	smul.u32 $0x42DF9BB1, s11  }
0x4d: {  	s31 =	sshra.s32 s31, $0x1F;
	s9 =	smulhi.u32 $0x42DF9BB1, s15  }
0x4e: {  	s19 =	spop (v2sf);
	s31 =	smul.u32 $0x42DF9BB1, s31  }
0x4f: {  	s14 =	spop (v2sf);
	s1 =	smulhi.u32 $0x42DF9BB1, s19  }
0x50: {  	s12 =	sadd.s32 s12, s10;
	s24 =	spop (v2sf);
	s10 =	smulhi.u32 $0x42DF9BB1, s14  }
0x51: {  	s6 =	sadd.s32 s2, s6;
	s18 =	sshra.s32 s14, $0x1F;
	s16 =	smulhi.u32 $0x42DF9BB1, s24  }
0x52: {  	s31 =	sadd.s32 s31, s21;
	s21 =	sshra.s32 s19, $0x1F;
	s2 =	smul.u32 $0x42DF9BB1, s18  }
0x53: {  	s17 =	sadd.s32 s17, s3;
	s24 =	sshra.s32 s24, $0x1F;
	s21 =	smul.u32 $0x42DF9BB1, s21  }
0x54: {  	s20 =	sadd.s32 s20, s8;
	s18 =	sshra.s32 s15, $0x1F;
	s14 =	smul.u32 $0x42DF9BB1, s24  }
0x55: {  	s0 =	spop (v2sf);
	s2 =	sadd.s32 s2, s10;
	s10 =	smul.u32 $0x42DF9BB1, s18  }
0x56: {  	s22 =	sadd.s32 s22, s30;
	s24 =	sshra.s32 s23, $0x1F;
	s5 =	smulhi.u32 $0x42DF9BB1, s0  }
0x57: {  	s30 =	spop (v2sf);
	s4 =	sadd.s32 s14, s16;
	s16 =	smul.u32 $0x42DF9BB1, s24  }
0x58: {  	s11 =	sadd.s32 s11, s13;
	s3 =	smulhi.u32 $0x42DF9BB1, s30;
	s14 =	sshra.s32 s30, $0x1F  }
0x59: {  	s13 =	sshra.s32 s17, $0xD;
	s18 =	sshra.s32 s29, $0x1F;
	s19 =	smul.u32 $0x42DF9BB1, s14  }
0x5a: {  	s9 =	sadd.s32 s10, s9;
	s10 =	spop (v2sf);
	s14 =	smul.u32 $0x42DF9BB1, s18  }
0x5b: {  	s1 =	sadd.s32 s21, s1;
	s21 =	sshra.s32 s10, $0x1F;
	s10 =	smulhi.u32 $0x42DF9BB1, s10  }
0x5c: {  	s23 =	sshra.s32 s12, $0x1F;
	s15 =	sadd.s32 s16, s28;
	s24 =	smul.u32 $0x42DF9BB1, s21  }
0x5d: {  	s18 =	sshrl.u32 s6, $0x1F;
	s6 =	sshra.s32 s6, $0xD;
	s8 =	sshrl.u32 s9, $0x1F  }
0x5e: {  	v16 =	vmov s23;
	s9 =	sshra.s32 s9, $0xD;
	s10 =	sadd.s32 s24, s10;
	s24 =	sshra.s32 s15, $0xD  }
0x5f: {  	s21 =	sshra.s32 s22, $0xD;
	s22 =	sshrl.u32 s22, $0x1F;
	v17 =	vmov s6;
	s28 =	sshra.s32 s15, $0x1F;
	v16 =	vsel vm0, s24, v16  }
0x60: {  	v18 =	vmov s18;
	v19 =	vmov s8;
	s16 =	sadd.s32 s19, s3;
	s3 =	sadd.s32 s14, s26;
	s14 =	sshra.s32 s31, $0xD;
	v16 =	vsel vm5, s28, v16  }
0x61: {  	s6 =	sshra.s32 s2, $0xD;
	s18 =	sshrl.u32 s1, $0x1F;
	v21 =	vmov s9;
	v17 =	vsel vm2, s21, v17;
	s21 =	sshra.s32 s31, $0x1F;
	v16 =	vsel vm2, s14, v16  }
0x62: {  	s2 =	sshrl.u32 s2, $0x1F;
	s1 =	sshra.s32 s1, $0xD;
	v18 =	vsel vm2, s22, v18;
	v19 =	vsel vm2, s18, v19;
	s23 =	sshra.s32 s10, $0xD;
	v16 =	vsel vm7, s21, v16  }
0x63: {  	v21 =	vsel vm2, s1, v21;
	s15 =	sshrl.u32 s15, $0x1F;
	v19 =	vsel vm4, s2, v19;
	s24 =	sshrl.u32 s10, $0x1F;
	s10 =	sshra.s32 s10, $0x1F;
	v16 =	vsel vm4, s23, v16  }
0x64: {  	s22 =	sshrl.u32 s31, $0x1F;
	s26 =	sshra.s32 s20, $0xD;
	s31 =	sshra.s32 s11, $0xD;
	v21 =	vsel vm4, s6, v21;
	v20 =	vmov s15;
	v16 =	vsel vm9, s10, v16  }
0x65: {  	s0 =	sshra.s32 s0, $0x1F;
	s8 =	sshra.s32 s20, $0x1F;
	s18 =	sshrl.u32 s3, $0x1F;
	v21 =	vsel vm6, s31, v21;
	v20 =	vnsel vm0, $0x0, v20;
	v16 =	vsel vm6, s26, v16  }
0x66: {  	s0 =	smul.u32 $0x42DF9BB1, s0;
	v18 =	vsel vm4, s18, v18;
	s28 =	sshrl.u32 s20, $0x1F;
	v20 =	vsel vm2, s22, v20;
	s14 =	sshra.s32 s3, $0xD;
	v16 =	vsel vm11, s8, v16  }
0x67: {  	s22 =	sshrl.u32 s4, $0x1F;
	v20 =	vsel vm4, s24, v20;
	v17 =	vsel vm4, s14, v17;
	s10 =	sshrl.u32 s17, $0x1F;
	s17 =	sshra.s32 s17, $0x1F;
	v16 =	vsel vm8, s13, v16  }
0x68: {  	s20 =	sshra.s32 s16, $0xD;
	s21 =	sshra.s32 s4, $0xD;
	v18 =	vsel vm6, s22, v18;
	s24 =	sshrl.u32 s11, $0x1F;
	v20 =	vsel vm6, s28, v20;
	v16 =	vsel vm13, s17, v16  }
0x69: {  	s0 =	sadd.s32 s0, s5;
	s23 =	sshra.s32 s16, $0x1F;
	v17 =	vsel vm6, s21, v17;
	v19 =	vsel vm6, s24, v19;
	v16 =	vsel vm10, s20, v16  }
0x6a: {  	s15 =	sshrl.u32 s16, $0x1F;
	v17 =	vcombine.low v21, v17;
	v20 =	vsel vm8, s10, v20;
	s26 =	sshra.s32 s0, $0xD;
	v16 =	vsel vm1, s23, v16  }
0x6b: {  	s19 =	sshrl.u32 s0, $0x1F;
	v18 =	vcombine.low v19, v18;
	s0 =	sshra.s32 s0, $0x1F;
	v20 =	vsel vm10, s15, v20;
	v16 =	vsel vm12, s26, v16  }
0x6c: {  	s31 =	sshra.s32 s12, $0xD;
	s28 =	sshrl.u32 s12, $0x1F;
	v17 =	vperm.xlane v17, v4;
	v20 =	vsel vm12, s19, v20;
	v16 =	vsel vm3, s0, v16  }
0x6d: {  	v18 =	vperm.xlane v18, v4;
	v19 =	vsel vm15, s28, v20;
	v16 =	vsel vm15, s31, v16  }
0x6e: {  	v19 =	vperm.xlane v19, v6;
	v16 =	vperm.xlane v16, v6;
	_ =	sdelay $0x1  }
0x6f: {  	v18 =	vsel vm14, v19, v18;
	v16 =	vsel vm14, v16, v17  }
0x70: {  	v17 =	vadd.s32 v18, v16  }
0x71: {  	[dreg:$0xf] =	wrdreg s7;
	s29 =	simm.s32 $0x40;
	s30 =	smov.u32 s7;
	v16 =	vsub.s32 $0x0, v15;
	v18 =	vmul.u32 $0xFFFF8580, v17  }
.LBB2_3:
0x72: {  	_ = 	snop  }
0x73: {  	vm1 =	vlt.s32 v15, $0x1;
	vm3 =	vne.s32 v18, v16  }
0x74: {  	vm1 =	vmand vm1, vm3  }
0x75: {  	v16 =	vsel vm1, $0xFFFFFFFF, v7  }
0x76: {  	v16 =	vadd.s32 v16, v17  }
0x77: {  	vm1 =	veq.s32 v16, v0  }
0x78: {  	s0 =	smov.u32 s29;
	[tilespmem:s25+$0x1000] =	vst.msk vm1, v15;
	v15 =	vor.u32 s7, v5  }
0x79: {  	s0 =	sshra.s32 s0, $0x2;
	[tilespmem:s25+$0x5080] =	vst.msk vm1, v15  }
0x7a: {  	v15 =	vld [tilespmem:s0+$0x0];
	_ =	sdelay $0x3  }
0x7b: {  	v16 =	vsel vm1, $0x1, v7  }
0x7c: {  	(xrf0) =	vadd.scan.msk.s32 $0xffff, v16;
	(v2sf) =	vpush v15, $0xC;
	_ =	sdelay $0x1  }
0x7d: {  	(v2sf) =	vpush v15, $0x4  }
0x7e: {  	(v2sf) =	vpush v15, $0x3;
	_ =	sdelay $0x1  }
0x7f: {  	(v2sf) =	vpush v15, $0x7  }
0x80: {  	v17, _, _ =	vpop (xrf0)  }
0x81: {  	(v2sf) =	vpush v17, $0xF  }
0x82: {  	(v2sf) =	vpush v15, $0xD  }
0x83: {  	(v2sf) =	vpush v15, $0x0;
	_ =	sdelay $0x1  }
0x84: {  	(v2sf) =	vpush v15, $0xE  }
0x85: {  	(v2sf) =	vpush v15, $0xB  }
0x86: {  	(v2sf) =	vpush v15, $0x1  }
0x87: {  	s30 =	sadd.s32 $0x10, s30;
	(v2sf) =	vpush v15, $0x8  }
0x88: {  	s1 =	smov.u32 s30;
	s18 =	spop (v2sf)  }
0x89: {  	[dreg:$0x5] =	wrdreg s1;
	(v2sf) =	vpush v15, $0x9;
	s2 =	smulhi.u32 $0x42DF9BB1, s18;
	s1 =	sshra.s32 s18, $0x1F  }
0x8a: {  	s11 =	spop (v2sf);
	s1 =	smul.u32 $0x42DF9BB1, s1  }
0x8b: {  	(v2sf) =	vpush v15, $0xA;
	s3 =	sshra.s32 s11, $0x1F;
	s4 =	spop (v2sf);
	s11 =	smulhi.u32 $0x42DF9BB1, s11  }
0x8c: {  	s19 =	smulhi.u32 $0x42DF9BB1, s4  }
0x8d: {  	(v2sf) =	vpush v15, $0xF;
	s20 =	spop (v2sf);
	s31 =	smul.u32 $0x42DF9BB1, s3  }
0x8e: {  	s9 =	sshra.s32 s4, $0x1F;
	s5 =	smulhi.u32 $0x42DF9BB1, s20  }
0x8f: {  	s4 =	sshra.s32 s20, $0x1F;
	s6 =	spop (v2sf);
	s23 =	smul.u32 $0x42DF9BB1, s9  }
0x90: {  	(v2sf) =	vpush v15, $0x6;
	s4 =	smul.u32 $0x42DF9BB1, s4;
	s10 =	spop (v2sf)  }
0x91: {  	s13 =	spop (v2sf);
	s16 =	smulhi.u32 $0x42DF9BB1, s10  }
0x92: {  	(v2sf) =	vpush v15, $0x5;
	[dreg:$0x6] =	wrdreg s19;
	s15 =	sshra.s32 s10, $0x1F;
	s17 =	smulhi.u32 $0x42DF9BB1, s13  }
0x93: {  	s21 =	spop (v2sf);
	s15 =	smul.u32 $0x42DF9BB1, s15  }
0x94: {  	s25 =	sadd.s32 s25, s6;
	s19 =	spop (v2sf);
	s3 =	smulhi.u32 $0x42DF9BB1, s21  }
0x95: {  	s6 =	sadd.s32 s4, s5;
	s5 =	smulhi.u32 $0x42DF9BB1, s19;
	s20 =	spop (v2sf)  }
0x96: {  	(v2sf) =	vpush v15, $0x2;
	s1 =	sadd.s32 s1, s2;
	s22 =	smulhi.u32 $0x42DF9BB1, s20;
	s12 =	spop (v2sf)  }
0x97: {  	s0 =	sshra.s32 s20, $0x1F;
	s24 =	sshra.s32 s12, $0x1F;
	s12 =	smulhi.u32 $0x42DF9BB1, s12  }
0x98: {  	s28 =	sshrl.u32 s1, $0x1F;
	s26 =	spop (v2sf);
	s9 =	smul.u32 $0x42DF9BB1, s0  }
0x99: {  	s1 =	sshra.s32 s1, $0xD;
	s14 =	sshra.s32 s26, $0x1F;
	s26 =	smulhi.u32 $0x42DF9BB1, s26  }
0x9a: {  	s31 =	sadd.s32 s31, s11;
	s7 =	spop (v2sf);
	s24 =	smul.u32 $0x42DF9BB1, s24  }
0x9b: {  	s10 =	sshra.s32 s6, $0x1F;
	s2 =	sshra.s32 s7, $0x1F;
	s7 =	smulhi.u32 $0x42DF9BB1, s7  }
0x9c: {  	s4 =	sshra.s32 s21, $0x1F;
	s18 =	spop (v2sf);
	s14 =	smul.u32 $0x42DF9BB1, s14  }
0x9d: {  	s15 =	sadd.s32 s15, s16;
	s20 =	sshra.s32 s18, $0x1F;
	s18 =	smulhi.u32 $0x42DF9BB1, s18  }
0x9e: {  	s21 =	sshra.s32 s15, $0xD;
	s15 =	sshrl.u32 s15, $0x1F;
	s2 =	smul.u32 $0x42DF9BB1, s2  }
0x9f: {  	v18 =	vmov s1;
	s9 =	sadd.s32 s9, s22;
	s22 =	smul.u32 $0x42DF9BB1, s20;
	s1 =	spop (v2sf)  }
0xa0: {  	s14 =	sadd.s32 s14, s26;
	s2 =	sadd.s32 s2, s7;
	s16 =	smulhi.u32 $0x42DF9BB1, s1  }
0xa1: {  	s8 =	spop (v2sf);
	s11 =	sshra.s32 s1, $0x1F;
	s1 =	sshra.s32 s19, $0x1F  }
0xa2: {  	s19 =	sshra.s32 s13, $0x1F;
	s13 =	sadd.s32 s22, s18;
	s22 =	smul.u32 $0x42DF9BB1, s4  }
0xa3: {  	v18 =	vsel vm2, s21, v18;
	s7 =	sadd.s32 s24, s12;
	s21 =	sshra.s32 s8, $0x1F;
	s8 =	smulhi.u32 $0x42DF9BB1, s8  }
0xa4: {  	s24 =	sshra.s32 s9, $0x1F;
	s18 =	sshra.s32 s2, $0xD;
	s19 =	smul.u32 $0x42DF9BB1, s19  }
0xa5: {  	v17 =	vmov s28;
	s26 =	sshrl.u32 s7, $0x1F;
	s28 =	spop (v2sf);
	s1 =	smul.u32 $0x42DF9BB1, s1  }
0xa6: {  	v17 =	vsel vm2, s15, v17;
	s2 =	sshrl.u32 s2, $0x1F;
	s0 =	sshra.s32 s28, $0x1F;
	s15 =	smul.u32 $0x42DF9BB1, s21  }
0xa7: {  	s21 =	sshrl.u32 s14, $0x1F;
	s28 =	smulhi.u32 $0x42DF9BB1, s28;
	s12 =	sadd.s32 s19, s17  }
0xa8: {  	v19 =	vmov s10;
	s3 =	sadd.s32 s22, s3;
	s4 =	sadd.s32 s15, s8;
	s15 =	sshra.s32 s12, $0xD  }
0xa9: {  	v20 =	vmov s26;
	s0 =	smul.u32 $0x42DF9BB1, s0;
	s1 =	sadd.s32 s1, s5;
	s26 =	sshra.s32 s12, $0x1F;
	v19 =	vsel vm0, s15, v19  }
0xaa: {  	v20 =	vsel vm2, s21, v20;
	s17 =	sshra.s32 s9, $0xD;
	s21 =	sshra.s32 s7, $0xD;
	s8 =	sshra.s32 s1, $0xD;
	v19 =	vsel vm5, s26, v19  }
0xab: {  	vm1 =	vcmask $0x2F2C;
	s1 =	sshrl.u32 s1, $0x1F;
	s0 =	sadd.s32 s0, s28;
	s15 =	rddreg [dreg:$0x6];
	v19 =	vsel vm2, s17, v19  }
0xac: {  	v20 =	vsel vm4, s2, v20;
	v22 =	vmov s21;
	s28 =	sshrl.u32 s12, $0x1F;
	s12 =	sadd.s32 s23, s15;
	v19 =	vsel vm7, s24, v19;
	s24 =	sshra.s32 s0, $0xD  }
0xad: {  	v20 =	vsel vm6, s1, v20;
	v21 =	vmov s28;
	s19 =	sshrl.u32 s0, $0x1F;
	s23 =	sshra.s32 s14, $0xD;
	s0 =	sshra.s32 s0, $0x1F;
	v19 =	vsel vm4, s24, v19  }
0xae: {  	s26 =	sshrl.u32 s3, $0x1F;
	s3 =	sshra.s32 s3, $0xD;
	v21 =	vnsel vm0, $0x0, v21;
	v22 =	vsel vm2, s23, v22;
	s10 =	sshra.s32 s12, $0xD;
	v19 =	vsel vm9, s0, v19  }
0xaf: {  	s20 =	sshrl.u32 s9, $0x1F;
	s14 =	sshra.s32 s12, $0x1F;
	v18 =	vsel vm4, s3, v18;
	v17 =	vsel vm4, s26, v17;
	v19 =	vsel vm6, s10, v19  }
0xb0: {  	s21 =	sshrl.u32 s13, $0x1F;
	s17 =	sshra.s32 s31, $0xD;
	v21 =	vsel vm2, s20, v21;
	v22 =	vsel vm4, s18, v22;
	v19 =	vsel vm11, s14, v19  }
0xb1: {  	s28 =	smul.u32 $0x42DF9BB1, s11;
	s22 =	sshrl.u32 s12, $0x1F;
	s20 =	sshra.s32 s31, $0x1F;
	v17 =	vsel vm6, s21, v17;
	v21 =	vsel vm4, s19, v21;
	v19 =	vsel vm8, s17, v19  }
0xb2: {  	v22 =	vsel vm6, s8, v22;
	s19 =	sshra.s32 s13, $0xD;
	v21 =	vsel vm6, s22, v21;
	s22 =	sshra.s32 s4, $0xD;
	v19 =	vsel vm13, s20, v19  }
0xb3: {  	s11 =	sshrl.u32 s31, $0x1F;
	s23 =	sshra.s32 s4, $0x1F;
	s2 =	sadd.s32 s28, s16;
	v17 =	vcombine.low v20, v17;
	v18 =	vsel vm6, s19, v18;
	v19 =	vsel vm10, s22, v19  }
0xb4: {  	s15 =	sshrl.u32 s4, $0x1F;
	s26 =	sshra.s32 s2, $0xD;
	v21 =	vsel vm8, s11, v21;
	v18 =	vcombine.low v22, v18;
	v19 =	vsel vm1, s23, v19  }
0xb5: {  	s18 =	sshrl.u32 s2, $0x1F;
	s28 =	sshra.s32 s2, $0x1F;
	v21 =	vsel vm10, s15, v21;
	vm1 =	vcmask $0x3734;
	v19 =	vsel vm12, s26, v19  }
0xb6: {  	s31 =	sshra.s32 s6, $0xD;
	s24 =	sshrl.u32 s6, $0x1F;
	v17 =	vperm.xlane v17, v4;
	v21 =	vsel vm12, s18, v21;
	v19 =	vsel vm1, s28, v19  }
0xb7: {  	p1 =	sne.s32 s29, $0x3FC0;
	v18 =	vperm.xlane v18, v4;
	v20 =	vsel vm15, s24, v21;
	v19 =	vsel vm15, s31, v19  }
.Ltmp2:
0xb8: {  	v20 =	vperm.xlane v20, v6;
	v19 =	vperm.xlane v19, v6;
	(pc) =	sbr.rel @p1 .LBB2_3-.Ltmp2, $4  }
0xb9: {  	_ = 	snop  }
0xba: {  	v17 =	vsel vm14, v20, v17;
	v18 =	vsel vm14, v19, v18  }
0xbb: {  	v17 =	vadd.s32 v17, v18  }
0xbc: {  	s29 =	sadd.s32 $0x40, s29;
	v16 =	vsub.s32 $0x0, v15;
	s7 =	rddreg [dreg:$0x5];
	v18 =	vmul.u32 $0xFFFF8580, v17  }
0xbd: {  	_ = 	snop  }
0xbe: {  	vm1 =	vlt.s32 v15, $0x1;
	vm3 =	vne.s32 v18, v16  }
0xbf: {  	vm1 =	vmand vm1, vm3  }
0xc0: {  	v63 =	vsel vm1, $0xFFFFFFFF, v7  }
0xc1: {  	v16 =	vadd.s32 v63, v17  }
0xc2: {  	vm1 =	veq.s32 v16, v0  }
0xc3: {  	v16 =	vsel vm1, $0x1, v7  }
0xc4: {  	(xrf0) =	vadd.scan.msk.s32 $0xffff, v16;
	_ =	sdelay $0x5  }
0xc5: {  	v16, _, _ =	vpop (xrf0)  }
0xc6: {  	(v2sf) =	vpush v16, $0xF;
	_ =	sdelay $0x8  }
0xc7: {  	s1 =	rddreg [dreg:$0x10]  }
0xc8: {  	s1 =	sadd.s32 $0x1, s1  }
0xc9: {  	p1 =	sne.s32 s1, $0x4  }
.Ltmp3:
0xca: {  	_ = 	snop;
	(pc) =	sbr.rel @p1 .LBB2_2-.Ltmp3, $3  }
0xcb: {  	_ =	sdelay $0x1  }
0xcc: {  	s31 =	rddreg [dreg:$0xf];
	[tilespmem:s25+$0x1000] =	vst.msk vm1, v15;
	v15 =	vor.u32 s7, v5;
	s0 =	spop (v2sf)  }
0xcd: {  	vm3 =	vcmask $0x3734;
	s7 =	sadd.s32 $0x1000, s31;
	[tilespmem:s25+$0x5080] =	vst.msk vm1, v15;
	vm1 =	vcmask $0x2F2C;
	s25 =	sadd.s32 s25, s0  }
0xce: {  	s0 =	sadd.s32 $0xF, s25  }
0xcf: {  	s1 =	sand.u32 $0xF, s0  }
0xd0: {  	s2 =	sshra.s32 s0, $0x1F;
	p1 =	slt.s32 s0, $0x1;
	p2 =	sne.s32 s1, $0x0  }
0xd1: {  	s31 =	sshrl.u32 s2, $0x1C;
	p1 =	por !p1, !p2  }
0xd2: {  	s1 =	simm.s32 $0x1;
	s0 =	sadd.s32 s31, s0;
	p1 =	por !p1, !p1  }
0xd3: {  	s0 =	sshra.s32 s0, $0x4;
	s1 =	simm.s32 @!p1 $0x0  }
0xd4: {  	s24 =	ssub.s32 s0, s1  }
0xd5: {  	p1 =	slt.s32 s24, $0x1  }
.Ltmp4:
0xd6: {  	_ = 	snop;
	(pc) =	sbr.rel @p1 .LBB2_12-.Ltmp4, $4  }
0xd7: {  	_ = 	snop  }
0xd8: {  	s7 =	rddreg [dreg:$0x7]  }
0xd9: {  	s8 =	rddreg [dreg:$0x8]  }
0xda: {  	s14 =	rddreg [dreg:$0xc];
	s15 =	simm.s32 $0xD180;
	s18 =	simm.s32 $0x1FA00  }
0xdb: {  	p3 =	sne.s32 s24, $0x1  }
.Ltmp5:
0xdc: {  	_ = 	snop;
	(pc) =	sbr.rel @!p3 .LBB2_7-.Ltmp5, $3  }
0xdd: {  	_ =	sdelay $0x1  }
0xde: {  	vm6 =	vmmov vm4;
	vm4 =	vmmov vm2;
	s1 =	simm.s32 $0x1000;
	s0 =	simm.s32 $0x9100  }
0xdf: {  	vm2 =	vmmov vm15;
	vm15 =	vmmov vm3;
	v15 =	vmov s25;
	s5 =	simm.s32 $0x0;
	s3 =	sadd.s32 $0xFFFFFFFF, s24;
	p2 =	por $0x0, $0x0;
	v16 =	vld [tilespmem:s1+$0x0]  }
0xe0: {  	_ =	sdelay $0x3  }
0xe1: {  	v17 =	vsub.s32 v16, v1;
	vm1 =	vne.s32 v16, v1  }
0xe2: {  	v18 =	vshra.s32 v17, $0x1F;
	v19 =	vsel vm1, $0x1, v7  }
0xe3: {  	v20 =	vand.u32 $0x1FF, v17;
	v19 =	vor.u32 v19, v18  }
0xe4: {  	v18 =	vshrl.u32 v18, $0x17;
	vm3 =	vne.s32 v20, $0x0;
	vm1 =	vne.s32 v19, $0x1  }
0xe5: {  	v17 =	vadd.s32 v18, v17;
	vm1 =	vmand vm3, vm1  }
0xe6: {  	v17 =	vshra.s32 v17, $0x9;
	v18 =	vsel vm1, $0xFFFFFFFF, v7  }
0xe7: {  	v17 =	vadd.s32 v18, v17  }
0xe8: {  	p3 =	sne.s32 s3, $0x1;
	vm1 =	vlt.s32 v17, v2  }
.Ltmp6:
0xe9: {  	v17 =	vsel vm1, v17, v2;
	vm1 =	vgt.s32 v16, $0xF41FF;
	v16 =	vor.u32 s5, v5;
	(pc) =	sbr.rel @!p3 .LBB2_9-.Ltmp6, $4  }
0xea: {  	v17 =	vsel vm1, v3, v17;
	vm1 =	vlt.s32 v16, v15  }
0xeb: {  	v16 =	vnsel vm1, $0xFFFFFFFF, v17  }
0xec: {  	s6 =	simm.s32 $0x1010;
	s10 =	sadd.s32 $0xFFFFFFFF, s3;
	[tilespmem:s0+$0x0] =	vst v16  }
0xed: {  	p2 =	por $0x1, $0x1;
	s3 =	simm.s32 $0x0;
	s4 =	simm.s32 $0x9100;
	v16 =	vld [tilespmem:s6+$0x0]  }
.LBB2_10:
0xee: {  	p3 =	sne.s32 s10, $0x1;
	_ =	sdelay $0x3  }
0xef: {  	v17 =	vsub.s32 v16, v1;
	vm1 =	vne.s32 v16, v1  }
0xf0: {  	v18 =	vshra.s32 v17, $0x1F;
	v19 =	vsel vm1, $0x1, v7  }
0xf1: {  	v20 =	vand.u32 $0x1FF, v17;
	v19 =	vor.u32 v19, v18  }
0xf2: {  	v18 =	vshrl.u32 v18, $0x17;
	vm3 =	vne.s32 v20, $0x0;
	vm1 =	vne.s32 v19, $0x1  }
0xf3: {  	v17 =	vadd.s32 v18, v17;
	vm1 =	vmand vm3, vm1  }
0xf4: {  	v17 =	vshra.s32 v17, $0x9;
	v18 =	vsel vm1, $0xFFFFFFFF, v7  }
0xf5: {  	v17 =	vadd.s32 v18, v17  }
0xf6: {  	s3 =	sadd.s32 $0x10, s3;
	vm1 =	vlt.s32 v17, v2  }
.Ltmp7:
0xf7: {  	v17 =	vsel vm1, v17, v2;
	vm1 =	vgt.s32 v16, $0xF41FF;
	v16 =	vor.u32 s3, v5;
	(pc) =	sbr.rel @p3 .LBB2_10-.Ltmp7, $4  }
0xf8: {  	v17 =	vsel vm1, v3, v17;
	vm1 =	vlt.s32 v16, v15  }
0xf9: {  	s4 =	sadd.s32 $0x10, s4;
	v16 =	vnsel vm1, $0xFFFFFFFF, v17  }
0xfa: {  	s6 =	sadd.s32 $0x10, s6;
	[tilespmem:s4+$0x0] =	vst v16  }
0xfb: {  	s10 =	sadd.s32 $0xFFFFFFFF, s10;
	v16 =	vld [tilespmem:s6+$0x0]  }
.LBB2_11:
0xfc: {  	_ =	sdelay $0x3  }
0xfd: {  	v17 =	vsub.s32 v16, v1;
	vm1 =	vne.s32 v16, v1  }
0xfe: {  	v18 =	vshra.s32 v17, $0x1F;
	v19 =	vsel vm1, $0x1, v7  }
0xff: {  	v20 =	vand.u32 $0x1FF, v17;
	v19 =	vor.u32 v19, v18  }
0x100: {  	v18 =	vshrl.u32 v18, $0x17;
	vm3 =	vne.s32 v20, $0x0;
	vm1 =	vne.s32 v19, $0x1  }
0x101: {  	v17 =	vadd.s32 v18, v17;
	vm1 =	vmand vm3, vm1  }
0x102: {  	v17 =	vshra.s32 v17, $0x9;
	v62 =	vsel vm1, $0xFFFFFFFF, v7  }
0x103: {  	s1 =	sadd.s32 @p2 $0x10, s3;
	v17 =	vadd.s32 v62, v17  }
0x104: {  	s5 =	smov.u32 @p2 s1;
	vm1 =	vlt.s32 v17, v2  }
0x105: {  	v63 =	vor.u32 s5, v5;
	v17 =	vsel vm1, v17, v2;
	vm1 =	vgt.s32 v16, $0xF41FF  }
0x106: {  	s1 =	sadd.s32 @p2 $0x10, s4;
	v17 =	vsel vm1, v3, v17;
	vm1 =	vlt.s32 v63, v15  }
0x107: {  	s0 =	smov.u32 @p2 s1;
	vm3 =	vmmov vm15;
	vm15 =	vmmov vm2;
	v15 =	vnsel vm1, $0xFFFFFFFF, v17  }
0x108: {  	vm2 =	vmmov vm4;
	vm4 =	vmmov vm6;
	vm6 =	vcmask $0x1B18;
	[tilespmem:s0+$0x0] =	vst v15  }
.LBB2_12:
0x109: {  	s0 =	rddreg [dreg:$0xb];
	s1 =	simm.s32 $0x1000  }
.Ltmp8:
0x10a: {  	s2 =	simm.s32 $0x7A1400;
	s9 =	rddreg [dreg:$0x1];
	(pc) =	sbr.rel @p0 .LBB2_25-.Ltmp8, $4  }
0x10b: {  	s26 =	simm.s32 $0x0;
	s25 =	simm.s32 $0x0;
	s11 =	rddreg [dreg:$0x9]  }
0x10c: {  	s28 =	simm.s32 $0x0;
	s10 =	simm.s32 $0x0;
	s12 =	rddreg [dreg:$0xa]  }
0x10d: {  	s13 =	simm.s32 $0x1;
	s17 =	simm.s32 $0x1F980;
	s19 =	simm.s32 $0x15180  }
0x10e: {  	[tilespmem:s15], [sflag:$0x1] =	stream.strided.gather [hbm4b:s0+s1], $0x8000, s2, s1, $0x38;
	[tilespmem:$0x1FA80] =	vst v63  }
.LBB2_13:
0x10f: {  	p1 =	sgt.s32 s24, $0x0  }
.Ltmp9:
0x110: {  	_ = 	snop;
	(pc) =	sbr.rel @p1 .LBB2_14-.Ltmp9, $2  }
0x111: {  	_ =	sdelay $0x2  }
0x112: {  	s9 =	simm.s32 $0x1D180  }
.LBB2_19:
0x113: {  	p1 =	slt.s32 s25, $0x1;
	v15 =	vld [tilespmem:$0x1FFF0]  }
.Ltmp10:
0x114: {  	_ = 	snop;
	(pc) =	sbr.rel @p1 .LBB2_23-.Ltmp10, $2  }
0x115: {  	_ =	sdelay $0x2  }
0x116: {  	s2 =	rddreg [dreg:$0xe];
	vm14 =	vnez.u8 v15  }
0x117: {  	p1 =	slt.s32 s25, $0x10  }
0x118: {  	s25 =	simm.s32 @!p1 $0x10  }
0x119: {  	p1 =	sne.s32 s25, $0x1  }
.Ltmp11:
0x11a: {  	_ = 	snop;
	(pc) =	sbr.rel @!p1 .LBB2_22-.Ltmp11, $4  }
0x11b: {  	_ = 	snop  }
0x11c: {  	s0 =	simm.s32 $0x3  }
0x11d: {  	s1 =	simm.s32 $0x3;
	_ =	swait.ge [sflag:s0], $0x80  }
0x11e: {  	s0 =	sadd.s32 $0xFFFFFFFF, s25;
	[sflag:s1] =	ssyncset.done $0x0  }
.LBB2_21:
0x11f: {  	p1 =	sne.s32 s0, $0x1;
	s0 =	sadd.s32 $0xFFFFFFFF, s0;
	[sflag:s1] =	ssyncadd.s32 $0xFFFFFF80  }
.Ltmp12:
0x120: {  	(pc) =	sbr.rel @p1 .LBB2_21-.Ltmp12, $3  }
0x121: {  	_ =	sdelay $0x1  }
0x122: {  	_ =	swait.ge [sflag:s1], $0x80  }
0x123: {  	[sflag:s1] =	ssyncset.done $0x0  }
.Ltmp13:
0x124: {  	_ = 	snop;
	(pc) =	sbr.rel .LBB2_22-.Ltmp13, $1  }
0x125: {  	_ =	sdelay $0x3  }
.LBB2_17:
0x126: {  	[hbm4b:s4+s10] =	stream.linear.scatter [tilespmem:s3], [sflag:$0x3], $0x80, $0x38;
	[tilespmem:$0x1FA80] =	vst v63  }
0x127: {  	s25 =	sadd.s32 s5, s25  }
.LBB2_18:
0x128: {  	s26 =	sadd.s32 $0x1, s26  }
0x129: {  	p1 =	sne.s32 s26, s24  }
.Ltmp14:
0x12a: {  	_ = 	snop;
	(pc) =	sbr.rel @!p1 .LBB2_19-.Ltmp14, $1  }
0x12b: {  	_ =	sdelay $0x3  }
.LBB2_14:
0x12c: {  	s3 =	sshll.u32 s26, $0x4  }
0x12d: {  	v15 =	vld [tilespmem:s3+$0x9100];
	_ =	sdelay $0x4  }
0x12e: {  	vm1 =	veq.s32 v15, v3  }
0x12f: {  	v15 =	vsel vm1, $0x1, v7  }
0x130: {  	(xrf0) =	vadd.scan.msk.s32 $0xffff, v15;
	_ =	sdelay $0x5  }
0x131: {  	v15, _, _ =	vpop (xrf0)  }
0x132: {  	(v2sf) =	vpush v15, $0xF;
	_ =	sdelay $0xe  }
0x133: {  	s0 =	spop (v2sf)  }
0x134: {  	p1 =	slt.s32 s0, $0x1  }
.Ltmp15:
0x135: {  	_ = 	snop;
	(pc) =	sbr.rel @p1 .LBB2_18-.Ltmp15, $1  }
0x136: {  	_ =	sdelay $0x3  }
0x137: {  	v15 =	vld [tilespmem:s3+$0x1000];
	_ =	sdelay $0x4  }
0x138: {  	[tilespmem:s17+$0x0] =	vst.msk vm1, v15  }
0x139: {  	v15 =	vld [tilespmem:s3+$0x5080];
	_ =	sdelay $0x4  }
0x13a: {  	[tilespmem:s18+$0x0] =	vst.msk vm1, v15  }
0x13b: {  	v15 =	vld [tilespmem:$0x1F980];
	_ =	sdelay $0x1  }
0x13c: {  	s1 =	simm.s32 $0x0  }
0x13d: {  	v16 =	vmov s1  }
0x13e: {  	vm1 =	veq.s32 v16, v5  }
0x13f: {  	v15 =	vnsel vm1, $0x0, v15  }
0x140: {  	(xrf0) =	vadd.scan.msk.s32 $0xffff, v15;
	_ =	sdelay $0x5  }
0x141: {  	v15, _, _ =	vpop (xrf0)  }
0x142: {  	(v2sf) =	vpush v15, $0xF;
	_ =	sdelay $0xe  }
0x143: {  	v15 =	vld [tilespmem:$0x1FA00];
	s29 =	spop (v2sf)  }
0x144: {  	s1 =	sshll.u32 s29, $0x7  }
0x145: {  	s2 =	sadd.s32 $0x0, s25;
	s1 =	sadd.s32 $0xF85F0000, s1  }
0x146: {  	p1 =	slt.s32 s2, $0x10;
	v60 =	vor.u32 s1, v5  }
0x147: {  	s2 =	simm.s32 @!p1 $0x3  }
0x148: {  	v15 =	vnsel vm1, $0x0, v15;
	_ =	swait.ge @!p1 [sflag:s2], $0x80  }
0x149: {  	[sflag:s2] =	ssyncset.done @!p1 $0x0;
	(xrf0) =	vadd.scan.msk.s32 $0xffff, v15  }
0x14a: {  	[sflag:s2] =	ssyncadd.s32 @!p1 $0xFFFFFF80  }
0x14b: {  	v15 =	vld.idx.msk [tilespmem:v60+s9+$0x0], $0xffff  }
0x14c: {  	v61 =	vor.u32 s1, v12;
	_ =	sdelay $0x1  }
0x14d: {  	s30 =	sshll.u32 s25, $0x7  }
0x14e: {  	s4 =	sand.u32 $0x780, s30;
	v17, _, _ =	vpop (xrf0)  }
0x14f: {  	(v2sf) =	vpush v17, $0xF;
	[tilespmem:s4+$0x1F180] =	vst v15  }
0x150: {  	v15 =	vld.idx.msk [tilespmem:v61+s9+$0x0], $0xffff  }
0x151: {  	v62 =	vor.u32 s1, v13;
	_ =	sdelay $0x3  }
0x152: {  	[tilespmem:s4+$0x1F190] =	vst v15  }
0x153: {  	v15 =	vld.idx.msk [tilespmem:v62+s9+$0x0], $0xffff  }
0x154: {  	v63 =	vor.u32 s1, v14;
	_ =	sdelay $0x3  }
0x155: {  	[tilespmem:s4+$0x1F1A0] =	vst v15  }
0x156: {  	p1 =	sne.s32 s0, $0x1;
	v15 =	vld.idx.msk [tilespmem:v63+s9+$0x0], $0xffff  }
.Ltmp16:
0x157: {  	_ = 	snop;
	(pc) =	sbr.rel @!p1 .LBB2_17-.Ltmp16, $4  }
0x158: {  	s31 =	spop (v2sf)  }
0x159: {  	s1 =	sshll.u32 s31, $0x4  }
0x15a: {  	s5 =	simm.s32 $0x1;
	s1 =	sand.u32 $0x1FFFFFF0, s1  }
0x15b: {  	s6 =	sadd.s32 $0x80, s30;
	s3 =	sadd.s32 $0x1F180, s4;
	[tilespmem:s4+$0x1F1B0] =	vst v15;
	s4 =	sadd.s32 s11, s1  }
.LBB2_16:
0x15c: {  	[hbm4b:s4+s10] =	stream.linear.scatter [tilespmem:s3], [sflag:$0x3], $0x80, $0x38;
	[tilespmem:$0x1FA80] =	vst v63  }
0x15d: {  	s1 =	smov.u32 s5;
	s5 =	sadd.s32 $0x1, s5;
	v15 =	vld [tilespmem:$0x1F980]  }
0x15e: {  	p1 =	sne.s32 s0, s5;
	_ =	sdelay $0x1  }
0x15f: {  	v16 =	vmov s1  }
0x160: {  	vm1 =	veq.s32 v16, v5  }
0x161: {  	v15 =	vnsel vm1, $0x0, v15  }
0x162: {  	(xrf0) =	vadd.scan.msk.s32 $0xffff, v15;
	_ =	sdelay $0x5  }
0x163: {  	v15, _, _ =	vpop (xrf0)  }
0x164: {  	(v2sf) =	vpush v15, $0xF;
	_ =	sdelay $0xe  }
0x165: {  	s2 =	spop (v2sf)  }
0x166: {  	s2 =	sshll.u32 s2, $0x7  }
0x167: {  	s1 =	sadd.s32 s1, s25;
	s2 =	sadd.s32 $0xF85F0000, s2  }
0x168: {  	p2 =	slt.s32 s1, $0x10;
	v15 =	vor.u32 s2, v5  }
0x169: {  	s1 =	simm.s32 @!p2 $0x3;
	v16 =	vld [tilespmem:$0x1FA00]  }
0x16a: {  	_ =	swait.ge @!p2 [sflag:s1], $0x80  }
0x16b: {  	[sflag:s1] =	ssyncset.done @!p2 $0x0  }
0x16c: {  	[sflag:s1] =	ssyncadd.s32 @!p2 $0xFFFFFF80  }
0x16d: {  	v15 =	vld.idx.msk [tilespmem:v15+s9+$0x0], $0xffff  }
0x16e: {  	v16 =	vnsel vm1, $0x0, v16  }
0x16f: {  	v17 =	vor.u32 s2, v12;
	(xrf0) =	vadd.scan.msk.s32 $0xffff, v16;
	_ =	sdelay $0x2  }
0x170: {  	s1 =	sand.u32 $0x780, s6  }
0x171: {  	[tilespmem:s1+$0x1F180] =	vst v15  }
0x172: {  	v15 =	vld.idx.msk [tilespmem:v17+s9+$0x0], $0xffff  }
0x173: {  	v16, _, _ =	vpop (xrf0)  }
0x174: {  	v17 =	vor.u32 s2, v13;
	(v2sf) =	vpush v16, $0xF;
	_ =	sdelay $0x3  }
0x175: {  	[tilespmem:s1+$0x1F190] =	vst v15  }
0x176: {  	v15 =	vld.idx.msk [tilespmem:v17+s9+$0x0], $0xffff;
	_ =	sdelay $0x1  }
0x177: {  	v16 =	vor.u32 s2, v14;
	_ =	sdelay $0x3  }
0x178: {  	[tilespmem:s1+$0x1F1A0] =	vst v15  }
0x179: {  	v15 =	vld.idx.msk [tilespmem:v16+s9+$0x0], $0xffff;
	_ =	sdelay $0x1  }
.Ltmp17:
0x17a: {  	(pc) =	sbr.rel @p1 .LBB2_16-.Ltmp17, $4  }
0x17b: {  	s2 =	spop (v2sf)  }
0x17c: {  	s2 =	sshll.u32 s2, $0x4  }
0x17d: {  	s2 =	sand.u32 $0x1FFFFFF0, s2  }
0x17e: {  	s6 =	sadd.s32 $0x80, s6;
	s3 =	sadd.s32 $0x1F180, s1;
	[tilespmem:s1+$0x1F1B0] =	vst v15;
	s4 =	sadd.s32 s11, s2  }
.Ltmp18:
0x17f: {  	_ = 	snop;
	(pc) =	sbr.rel .LBB2_17-.Ltmp18, $1  }
0x180: {  	_ =	sdelay $0x3  }
.LBB2_34:
0x181: {  	s25 =	smov.u32 @p2 s25  }
.LBB2_41:
0x182: {  	s28 =	sadd.s32 $0x1, s28  }
0x183: {  	p2 =	seq.s32 s28, s14  }
.Ltmp19:
0x184: {  	_ = 	snop;
	(pc) =	sbr.rel @p2 .LBB2_13-.Ltmp19, $1  }
0x185: {  	_ =	sdelay $0x3  }
.LBB2_25:
0x186: {  	s30 =	sshll.u32 s28, $0x1  }
0x187: {  	p2 =	slt.s32 s30, s8  }
.Ltmp20:
0x188: {  	_ = 	snop;
	(pc) =	sbr.rel @!p2 .LBB2_33-.Ltmp20, $2  }
0x189: {  	_ =	sdelay $0x2  }
0x18a: {  	s29 =	sor.u32 $0x1, s30  }
0x18b: {  	s29 =	sor.u32 $0x1, s30  }
0x18c: {  	p2 =	sge.s32 s29, s8  }
0x18d: {  	s0 =	sshll.u32 @!p2 s29, $0x9  }
0x18e: {  	s0 =	sadd.s32 @!p2 s7, s0  }
.Ltmp21:
0x18f: {  	_ =	swait.ge [sflag:s13], $0x8000;
	p3 =	slt.s32 @!p2 s0, s12;
	(pc) =	sbr.rel @p1 .LBB2_33-.Ltmp21, $4  }
0x190: {  	[sflag:s13] =	ssyncset.done $0x0;
	p3 =	por !p3, p2  }
0x191: {  	[sflag:s13] =	ssyncadd.s32 $0xFFFF8000;
	s1 =	simm.s32 @!p2 $0x1000;
	s0 =	smov.u32 @p3 s12  }
0x192: {  	s2 =	simm.s32 @!p2 $0x7A1400;
	s3 =	simm.s32 @!p2 $0x15180;
	s0 =	sadd.s32 @!p2 s9, s0  }
0x193: {  	[tilespmem:s3], [sflag:$0x2] =	stream.strided.gather @!p2 [hbm4b:s0+s1], $0x8000, s2, s1, $0x38;
	[tilespmem:$0x1FA80] =	vst v63  }
.Ltmp22:
0x194: {  	(pc) =	sbr.rel .LBB2_28-.Ltmp22, $4  }
0x195: {  	s0 =	sshll.u32 s28, $0xA  }
0x196: {  	s0 =	sadd.s32 s7, s0  }
0x197: {  	s31 =	smov.u32 s12;
	p2 =	slt.s32 s0, s12  }
0x198: {  	v15 =	vmov s30;
	s6 =	simm.s32 $0x0;
	s31 =	smov.u32 @p2 s0  }
.LBB2_31:
0x199: {  	[hbm4b:s4+s10] =	stream.linear.scatter [tilespmem:s3], [sflag:$0x3], $0x80, $0x38;
	[tilespmem:$0x1FA80] =	vst v63  }
0x19a: {  	s25 =	sadd.s32 s5, s25  }
.LBB2_32:
0x19b: {  	s6 =	sadd.s32 $0x1, s6  }
0x19c: {  	p2 =	sne.s32 s6, s24  }
.Ltmp23:
0x19d: {  	_ = 	snop;
	(pc) =	sbr.rel @!p2 .LBB2_33-.Ltmp23, $1  }
0x19e: {  	_ =	sdelay $0x3  }
.LBB2_28:
0x19f: {  	s3 =	sshll.u32 s6, $0x4  }
0x1a0: {  	v16 =	vld [tilespmem:s3+$0x9100];
	_ =	sdelay $0x4  }
0x1a1: {  	vm1 =	veq.s32 v16, v15  }
0x1a2: {  	v16 =	vsel vm1, $0x1, v7  }
0x1a3: {  	(xrf0) =	vadd.scan.msk.s32 $0xffff, v16;
	_ =	sdelay $0x5  }
0x1a4: {  	v16, _, _ =	vpop (xrf0)  }
0x1a5: {  	(v2sf) =	vpush v16, $0xF;
	_ =	sdelay $0xe  }
0x1a6: {  	s0 =	spop (v2sf)  }
0x1a7: {  	p2 =	slt.s32 s0, $0x1  }
.Ltmp24:
0x1a8: {  	_ = 	snop;
	(pc) =	sbr.rel @p2 .LBB2_32-.Ltmp24, $1  }
0x1a9: {  	_ =	sdelay $0x3  }
0x1aa: {  	v16 =	vld [tilespmem:s3+$0x1000];
	_ =	sdelay $0x4  }
0x1ab: {  	[tilespmem:s17+$0x0] =	vst.msk vm1, v16  }
0x1ac: {  	v16 =	vld [tilespmem:s3+$0x5080];
	_ =	sdelay $0x4  }
0x1ad: {  	[tilespmem:s18+$0x0] =	vst.msk vm1, v16  }
0x1ae: {  	v16 =	vld [tilespmem:$0x1F980];
	_ =	sdelay $0x1  }
0x1af: {  	s1 =	simm.s32 $0x0  }
0x1b0: {  	v17 =	vmov s1  }
0x1b1: {  	vm1 =	veq.s32 v17, v5  }
0x1b2: {  	v16 =	vnsel vm1, $0x0, v16  }
0x1b3: {  	(xrf0) =	vadd.scan.msk.s32 $0xffff, v16;
	_ =	sdelay $0x5  }
0x1b4: {  	v16, _, _ =	vpop (xrf0)  }
0x1b5: {  	(v2sf) =	vpush v16, $0xF;
	_ =	sdelay $0xe  }
0x1b6: {  	s20 =	spop (v2sf)  }
0x1b7: {  	s1 =	ssub.s32 s20, s31  }
0x1b8: {  	v16 =	vmov s1  }
0x1b9: {  	v18 =	vld [tilespmem:$0x1FA00];
	v17 =	vshll.u32 v16, $0x3  }
0x1ba: {  	v16 =	vand.u32 $0x7F, v16;
	v17 =	vand.u32 $0xFFFFFC00, v17  }
0x1bb: {  	s21 =	sadd.s32 $0x0, s25;
	v16 =	vor.u32 v16, v17  }
0x1bc: {  	p2 =	slt.s32 s21, $0x10;
	v17 =	vadd.s32 v8, v16  }
0x1bd: {  	s1 =	simm.s32 @!p2 $0x3  }
0x1be: {  	v18 =	vnsel vm1, $0x0, v18;
	_ =	swait.ge @!p2 [sflag:s1], $0x80  }
0x1bf: {  	[sflag:s1] =	ssyncset.done @!p2 $0x0;
	(xrf0) =	vadd.scan.msk.s32 $0xffff, v18  }
0x1c0: {  	[sflag:s1] =	ssyncadd.s32 @!p2 $0xFFFFFF80  }
0x1c1: {  	v17 =	vld.idx.msk [tilespmem:v17+s15+$0x0], $0xffff  }
0x1c2: {  	v62 =	vadd.s32 v9, v16;
	_ =	sdelay $0x1  }
0x1c3: {  	s22 =	sshll.u32 s25, $0x7  }
0x1c4: {  	s2 =	sand.u32 $0x780, s22;
	v19, _, _ =	vpop (xrf0)  }
0x1c5: {  	(v2sf) =	vpush v19, $0xF;
	[tilespmem:s2+$0x1F180] =	vst v17  }
0x1c6: {  	v17 =	vld.idx.msk [tilespmem:v62+s15+$0x0], $0xffff  }
0x1c7: {  	v63 =	vadd.s32 v10, v16;
	_ =	sdelay $0x3  }
0x1c8: {  	[tilespmem:s2+$0x1F190] =	vst v17  }
0x1c9: {  	v17 =	vld.idx.msk [tilespmem:v63+s15+$0x0], $0xffff  }
0x1ca: {  	v16 =	vadd.s32 v11, v16;
	_ =	sdelay $0x3  }
0x1cb: {  	[tilespmem:s2+$0x1F1A0] =	vst v17  }
0x1cc: {  	p2 =	sne.s32 s0, $0x1;
	v16 =	vld.idx.msk [tilespmem:v16+s15+$0x0], $0xffff  }
.Ltmp25:
0x1cd: {  	_ = 	snop;
	(pc) =	sbr.rel @!p2 .LBB2_31-.Ltmp25, $4  }
0x1ce: {  	s23 =	spop (v2sf)  }
0x1cf: {  	s3 =	sshll.u32 s23, $0x4  }
0x1d0: {  	s5 =	simm.s32 $0x1;
	s4 =	sand.u32 $0x1FFFFFF0, s3  }
0x1d1: {  	s16 =	sadd.s32 $0x80, s22;
	s3 =	sadd.s32 $0x1F180, s2;
	s4 =	sadd.s32 s11, s4;
	[tilespmem:s2+$0x1F1B0] =	vst v16  }
.LBB2_30:
0x1d2: {  	[hbm4b:s4+s10] =	stream.linear.scatter [tilespmem:s3], [sflag:$0x3], $0x80, $0x38;
	[tilespmem:$0x1FA80] =	vst v63  }
0x1d3: {  	s1 =	smov.u32 s5;
	s5 =	sadd.s32 $0x1, s5;
	v16 =	vld [tilespmem:$0x1F980]  }
0x1d4: {  	p2 =	sne.s32 s0, s5;
	_ =	sdelay $0x1  }
0x1d5: {  	v17 =	vmov s1  }
0x1d6: {  	vm1 =	veq.s32 v17, v5  }
0x1d7: {  	v16 =	vnsel vm1, $0x0, v16  }
0x1d8: {  	(xrf0) =	vadd.scan.msk.s32 $0xffff, v16;
	_ =	sdelay $0x5  }
0x1d9: {  	v16, _, _ =	vpop (xrf0)  }
0x1da: {  	(v2sf) =	vpush v16, $0xF;
	_ =	sdelay $0xe  }
0x1db: {  	s2 =	spop (v2sf)  }
0x1dc: {  	s2 =	ssub.s32 s2, s31  }
0x1dd: {  	v16 =	vmov s2  }
0x1de: {  	v17 =	vshll.u32 v16, $0x3  }
0x1df: {  	v16 =	vand.u32 $0x7F, v16;
	v17 =	vand.u32 $0xFFFFFC00, v17  }
0x1e0: {  	s1 =	sadd.s32 s1, s25;
	v16 =	vor.u32 v16, v17  }
0x1e1: {  	p3 =	slt.s32 s1, $0x10;
	v17 =	vadd.s32 v8, v16  }
0x1e2: {  	s1 =	simm.s32 @!p3 $0x3;
	v18 =	vld [tilespmem:$0x1FA00]  }
0x1e3: {  	_ =	swait.ge @!p3 [sflag:s1], $0x80  }
0x1e4: {  	[sflag:s1] =	ssyncset.done @!p3 $0x0  }
0x1e5: {  	[sflag:s1] =	ssyncadd.s32 @!p3 $0xFFFFFF80  }
0x1e6: {  	v17 =	vld.idx.msk [tilespmem:v17+s15+$0x0], $0xffff  }
0x1e7: {  	v18 =	vnsel vm1, $0x0, v18  }
0x1e8: {  	v19 =	vadd.s32 v9, v16;
	(xrf0) =	vadd.scan.msk.s32 $0xffff, v18;
	_ =	sdelay $0x2  }
0x1e9: {  	s1 =	sand.u32 $0x780, s16  }
0x1ea: {  	[tilespmem:s1+$0x1F180] =	vst v17  }
0x1eb: {  	v17 =	vld.idx.msk [tilespmem:v19+s15+$0x0], $0xffff  }
0x1ec: {  	v18, _, _ =	vpop (xrf0)  }
0x1ed: {  	v19 =	vadd.s32 v10, v16;
	(v2sf) =	vpush v18, $0xF;
	_ =	sdelay $0x3  }
0x1ee: {  	[tilespmem:s1+$0x1F190] =	vst v17  }
0x1ef: {  	v17 =	vld.idx.msk [tilespmem:v19+s15+$0x0], $0xffff;
	_ =	sdelay $0x1  }
0x1f0: {  	v16 =	vadd.s32 v11, v16;
	_ =	sdelay $0x3  }
0x1f1: {  	[tilespmem:s1+$0x1F1A0] =	vst v17  }
0x1f2: {  	v16 =	vld.idx.msk [tilespmem:v16+s15+$0x0], $0xffff;
	_ =	sdelay $0x1  }
.Ltmp26:
0x1f3: {  	(pc) =	sbr.rel @p2 .LBB2_30-.Ltmp26, $4  }
0x1f4: {  	s2 =	spop (v2sf)  }
0x1f5: {  	s2 =	sshll.u32 s2, $0x4  }
0x1f6: {  	s2 =	sand.u32 $0x1FFFFFF0, s2  }
0x1f7: {  	s16 =	sadd.s32 $0x80, s16;
	s3 =	sadd.s32 $0x1F180, s1;
	[tilespmem:s1+$0x1F1B0] =	vst v16;
	s4 =	sadd.s32 s11, s2  }
.Ltmp27:
0x1f8: {  	_ = 	snop;
	(pc) =	sbr.rel .LBB2_31-.Ltmp27, $1  }
0x1f9: {  	_ =	sdelay $0x3  }
.LBB2_33:
0x1fa: {  	p2 =	sge.s32 s29, s8  }
0x1fb: {  	s0 =	sadd.s32 @!p2 $0x2, s30  }
0x1fc: {  	p4 =	sge.s32 @!p2 s0, s8  }
0x1fd: {  	p3 =	por p4, p2  }
0x1fe: {  	s0 =	sshll.u32 @!p3 s0, $0x9  }
0x1ff: {  	s0 =	sadd.s32 @!p3 s7, s0  }
0x200: {  	s1 =	simm.s32 @!p2 $0x2;
	p5 =	slt.s32 @!p3 s0, s12  }
0x201: {  	_ =	swait.ge @!p2 [sflag:s1], $0x8000;
	p4 =	por @!p2 !p5, p4  }
0x202: {  	s2 =	smov.u32 s12;
	[sflag:s1] =	ssyncset.done @!p2 $0x0;
	p4 =	por !p4, p2  }
0x203: {  	[sflag:s1] =	ssyncadd.s32 @!p2 $0xFFFF8000;
	s1 =	simm.s32 @!p3 $0x1000;
	s2 =	smov.u32 @p4 s0  }
0x204: {  	s3 =	simm.s32 @!p3 $0xD180;
	s0 =	sadd.s32 @!p3 s9, s2;
	s2 =	simm.s32 @!p3 $0x7A1400  }
0x205: {  	[tilespmem:s3], [sflag:$0x1] =	stream.strided.gather @!p3 [hbm4b:s0+s1], $0x8000, s2, s1, $0x38;
	[tilespmem:$0x1FA80] =	vst v63  }
0x206: {  	p3 =	slt.s32 @!p2 s24, $0x1  }
0x207: {  	p3 =	por p2, p3  }
.Ltmp28:
0x208: {  	_ = 	snop;
	(pc) =	sbr.rel @p3 .LBB2_34-.Ltmp28, $1  }
0x209: {  	_ =	sdelay $0x3  }
.Ltmp29:
0x20a: {  	s0 =	sshll.u32 @!p2 s29, $0x9;
	(pc) =	sbr.rel .LBB2_36-.Ltmp29, $4  }
0x20b: {  	s30 =	sadd.s32 @!p2 s7, s0  }
0x20c: {  	p3 =	slt.s32 @!p2 s30, s12  }
0x20d: {  	p2 =	por !p3, p2  }
0x20e: {  	v15 =	vmov s29;
	s29 =	simm.s32 $0x0;
	s30 =	smov.u32 @p2 s12  }
.LBB2_39:
0x20f: {  	[hbm4b:s4+s10] =	stream.linear.scatter [tilespmem:s3], [sflag:$0x3], $0x80, $0x38;
	[tilespmem:$0x1FA80] =	vst v63  }
0x210: {  	s25 =	sadd.s32 s5, s25  }
.LBB2_40:
0x211: {  	s29 =	sadd.s32 $0x1, s29  }
0x212: {  	p2 =	sne.s32 s29, s24  }
.Ltmp30:
0x213: {  	_ = 	snop;
	(pc) =	sbr.rel @!p2 .LBB2_41-.Ltmp30, $1  }
0x214: {  	_ =	sdelay $0x3  }
.LBB2_36:
0x215: {  	s3 =	sshll.u32 s29, $0x4  }
0x216: {  	v16 =	vld [tilespmem:s3+$0x9100];
	_ =	sdelay $0x4  }
0x217: {  	vm1 =	veq.s32 v16, v15  }
0x218: {  	v16 =	vsel vm1, $0x1, v7  }
0x219: {  	(xrf0) =	vadd.scan.msk.s32 $0xffff, v16;
	_ =	sdelay $0x5  }
0x21a: {  	v16, _, _ =	vpop (xrf0)  }
0x21b: {  	(v2sf) =	vpush v16, $0xF;
	_ =	sdelay $0xe  }
0x21c: {  	s0 =	spop (v2sf)  }
0x21d: {  	p2 =	slt.s32 s0, $0x1  }
.Ltmp31:
0x21e: {  	_ = 	snop;
	(pc) =	sbr.rel @p2 .LBB2_40-.Ltmp31, $1  }
0x21f: {  	_ =	sdelay $0x3  }
0x220: {  	v16 =	vld [tilespmem:s3+$0x1000];
	_ =	sdelay $0x4  }
0x221: {  	[tilespmem:s17+$0x0] =	vst.msk vm1, v16  }
0x222: {  	v16 =	vld [tilespmem:s3+$0x5080];
	_ =	sdelay $0x4  }
0x223: {  	[tilespmem:s18+$0x0] =	vst.msk vm1, v16  }
0x224: {  	v16 =	vld [tilespmem:$0x1F980];
	_ =	sdelay $0x1  }
0x225: {  	s1 =	simm.s32 $0x0  }
0x226: {  	v17 =	vmov s1  }
0x227: {  	vm1 =	veq.s32 v17, v5  }
0x228: {  	v16 =	vnsel vm1, $0x0, v16  }
0x229: {  	(xrf0) =	vadd.scan.msk.s32 $0xffff, v16;
	_ =	sdelay $0x5  }
0x22a: {  	v16, _, _ =	vpop (xrf0)  }
0x22b: {  	(v2sf) =	vpush v16, $0xF;
	_ =	sdelay $0xe  }
0x22c: {  	s21 =	spop (v2sf)  }
0x22d: {  	s1 =	ssub.s32 s21, s30  }
0x22e: {  	v16 =	vmov s1  }
0x22f: {  	v18 =	vld [tilespmem:$0x1FA00];
	v17 =	vshll.u32 v16, $0x3  }
0x230: {  	v16 =	vand.u32 $0x7F, v16;
	v17 =	vand.u32 $0xFFFFFC00, v17  }
0x231: {  	s22 =	sadd.s32 $0x0, s25;
	v16 =	vor.u32 v16, v17  }
0x232: {  	p2 =	slt.s32 s22, $0x10;
	v17 =	vadd.s32 v8, v16  }
0x233: {  	s1 =	simm.s32 @!p2 $0x3  }
0x234: {  	v18 =	vnsel vm1, $0x0, v18;
	_ =	swait.ge @!p2 [sflag:s1], $0x80  }
0x235: {  	[sflag:s1] =	ssyncset.done @!p2 $0x0;
	(xrf0) =	vadd.scan.msk.s32 $0xffff, v18  }
0x236: {  	[sflag:s1] =	ssyncadd.s32 @!p2 $0xFFFFFF80  }
0x237: {  	v17 =	vld.idx.msk [tilespmem:v17+s19+$0x0], $0xffff  }
0x238: {  	v62 =	vadd.s32 v9, v16;
	_ =	sdelay $0x1  }
0x239: {  	s23 =	sshll.u32 s25, $0x7  }
0x23a: {  	s2 =	sand.u32 $0x780, s23;
	v19, _, _ =	vpop (xrf0)  }
0x23b: {  	(v2sf) =	vpush v19, $0xF;
	[tilespmem:s2+$0x1F180] =	vst v17  }
0x23c: {  	v17 =	vld.idx.msk [tilespmem:v62+s19+$0x0], $0xffff  }
0x23d: {  	v63 =	vadd.s32 v10, v16;
	_ =	sdelay $0x3  }
0x23e: {  	[tilespmem:s2+$0x1F190] =	vst v17  }
0x23f: {  	v17 =	vld.idx.msk [tilespmem:v63+s19+$0x0], $0xffff  }
0x240: {  	v16 =	vadd.s32 v11, v16;
	_ =	sdelay $0x3  }
0x241: {  	[tilespmem:s2+$0x1F1A0] =	vst v17  }
0x242: {  	p2 =	sne.s32 s0, $0x1;
	v16 =	vld.idx.msk [tilespmem:v16+s19+$0x0], $0xffff  }
.Ltmp32:
0x243: {  	_ = 	snop;
	(pc) =	sbr.rel @!p2 .LBB2_39-.Ltmp32, $4  }
0x244: {  	s31 =	spop (v2sf)  }
0x245: {  	s3 =	sshll.u32 s31, $0x4  }
0x246: {  	s5 =	simm.s32 $0x1;
	s4 =	sand.u32 $0x1FFFFFF0, s3  }
0x247: {  	s6 =	sadd.s32 $0x80, s23;
	s3 =	sadd.s32 $0x1F180, s2;
	s4 =	sadd.s32 s11, s4;
	[tilespmem:s2+$0x1F1B0] =	vst v16  }
.LBB2_38:
0x248: {  	[hbm4b:s4+s10] =	stream.linear.scatter [tilespmem:s3], [sflag:$0x3], $0x80, $0x38;
	[tilespmem:$0x1FA80] =	vst v63  }
0x249: {  	s1 =	smov.u32 s5;
	s5 =	sadd.s32 $0x1, s5;
	v16 =	vld [tilespmem:$0x1F980]  }
0x24a: {  	p2 =	sne.s32 s0, s5;
	_ =	sdelay $0x1  }
0x24b: {  	v17 =	vmov s1  }
0x24c: {  	vm1 =	veq.s32 v17, v5  }
0x24d: {  	v16 =	vnsel vm1, $0x0, v16  }
0x24e: {  	(xrf0) =	vadd.scan.msk.s32 $0xffff, v16;
	_ =	sdelay $0x5  }
0x24f: {  	v16, _, _ =	vpop (xrf0)  }
0x250: {  	(v2sf) =	vpush v16, $0xF;
	_ =	sdelay $0xe  }
0x251: {  	s2 =	spop (v2sf)  }
0x252: {  	s2 =	ssub.s32 s2, s30  }
0x253: {  	v16 =	vmov s2  }
0x254: {  	v17 =	vshll.u32 v16, $0x3  }
0x255: {  	v16 =	vand.u32 $0x7F, v16;
	v17 =	vand.u32 $0xFFFFFC00, v17  }
0x256: {  	s1 =	sadd.s32 s1, s25;
	v16 =	vor.u32 v16, v17  }
0x257: {  	p3 =	slt.s32 s1, $0x10;
	v17 =	vadd.s32 v8, v16  }
0x258: {  	s1 =	simm.s32 @!p3 $0x3;
	v18 =	vld [tilespmem:$0x1FA00]  }
0x259: {  	_ =	swait.ge @!p3 [sflag:s1], $0x80  }
0x25a: {  	[sflag:s1] =	ssyncset.done @!p3 $0x0  }
0x25b: {  	[sflag:s1] =	ssyncadd.s32 @!p3 $0xFFFFFF80  }
0x25c: {  	v17 =	vld.idx.msk [tilespmem:v17+s19+$0x0], $0xffff  }
0x25d: {  	v18 =	vnsel vm1, $0x0, v18  }
0x25e: {  	v19 =	vadd.s32 v9, v16;
	(xrf0) =	vadd.scan.msk.s32 $0xffff, v18;
	_ =	sdelay $0x2  }
0x25f: {  	s1 =	sand.u32 $0x780, s6  }
0x260: {  	[tilespmem:s1+$0x1F180] =	vst v17  }
0x261: {  	v17 =	vld.idx.msk [tilespmem:v19+s19+$0x0], $0xffff  }
0x262: {  	v18, _, _ =	vpop (xrf0)  }
0x263: {  	v19 =	vadd.s32 v10, v16;
	(v2sf) =	vpush v18, $0xF;
	_ =	sdelay $0x3  }
0x264: {  	[tilespmem:s1+$0x1F190] =	vst v17  }
0x265: {  	v17 =	vld.idx.msk [tilespmem:v19+s19+$0x0], $0xffff;
	_ =	sdelay $0x1  }
0x266: {  	v16 =	vadd.s32 v11, v16;
	_ =	sdelay $0x3  }
0x267: {  	[tilespmem:s1+$0x1F1A0] =	vst v17  }
0x268: {  	v16 =	vld.idx.msk [tilespmem:v16+s19+$0x0], $0xffff;
	_ =	sdelay $0x1  }
.Ltmp33:
0x269: {  	(pc) =	sbr.rel @p2 .LBB2_38-.Ltmp33, $4  }
0x26a: {  	s2 =	spop (v2sf)  }
0x26b: {  	s2 =	sshll.u32 s2, $0x4  }
0x26c: {  	s2 =	sand.u32 $0x1FFFFFF0, s2  }
0x26d: {  	s6 =	sadd.s32 $0x80, s6;
	s3 =	sadd.s32 $0x1F180, s1;
	[tilespmem:s1+$0x1F1B0] =	vst v16;
	s4 =	sadd.s32 s11, s2  }
.Ltmp34:
0x26e: {  	_ = 	snop;
	(pc) =	sbr.rel .LBB2_39-.Ltmp34, $1  }
0x26f: {  	_ =	sdelay $0x3  }
.LBB2_7:
.Ltmp35:
0x270: {  	(pc) =	sbr.rel .LBB2_11-.Ltmp35, $2  }
0x271: {  	_ =	sdelay $0x2  }
0x272: {  	s3 =	simm.s32 $0x0;
	s4 =	simm.s32 $0x9100  }
.LBB2_9:
.Ltmp36:
0x273: {  	(pc) =	sbr.rel .LBB2_11-.Ltmp36, $2  }
0x274: {  	_ =	sdelay $0x2  }
0x275: {  	s3 =	simm.s32 $0x0;
	s4 =	simm.s32 $0x9100  }
.LBB2_24:
0x276: {  	_ =	sfence.sel $0x180000  }
0x277: {  	[bflag:$0x0] =	sbarrier.arrive $0xFFFF  }
0x278: {  	_ =	strace $0x90000047  }
0x279: {  	s0 =	stileid.u32;
	[bflag:$0x2] =	sbarrier.arrive $0xFFFF  }
0x27a: {  	p0 =	sne.s32 s0, $0x0;
	s0 =	rddreg [dreg:$0x4]  }
0x27b: {  	s0 =	sadd.s32 @!p0 $0x100000, s0  }
0x27c: {  	[sflag:s0] =	ssyncadd.tile.s32 @!p0 $0x1;
	_ =	shalt  }
.Lfunc_end2:
_tile_overlayer_lowered:
.L_overlay_start_2:
0x27d: {  	(tag) =	ssettag $0x2  }
0x27e: {  	s0 =	rddreg [dreg:$0x0];
	s2 =	stileid.u32  }
0x27f: {  	s1 =	rddreg [dreg:$0x1];
	p0 =	sne.s32 s2, $0x0  }
0x280: {  	s3 =	rddreg [dreg:$0x2];
	[bflag:$0x3] =	sbarrier.arrive $0xFFFF;
	s2 =	simm.s32 @!p0 $0x1C04  }
0x281: {  	[timem:s3], [sflag:s2] =	dma.local @!p0 [hbm:s0], s1  }
0x282: {  	s0 =	simm.s32 @!p0 $0x4  }
0x283: {  	_ =	swait.ge @!p0 [sflag:s0], s1  }
0x284: {  	s1 =	ssub.s32 @!p0 $0x0, s1;
	[sflag:s0] =	ssyncset.done @!p0 $0x0  }
0x285: {  	[sflag:s0] =	ssyncadd.s32 @!p0 s1  }
0x286: {  	[bflag:$0x3] =	sbarrier.arrive $0xFFFF  }
0x287: {  	_ =	shalt  }

</sc_bundles>
